<compile_context>
chip_gen: v7x
topology: tpu7x:2x2x1
jax: 0.10.2.dev20260603
libtpu: 0.0.44.dev20260713+nightly
codegen_flags: <defaults>
</compile_context>

<pallas_src>
import functools

import jax
import jax.numpy as jnp
from jax import lax
from jax.experimental import pallas as pl
from jax.experimental.pallas import tpu as pltpu
from jax.experimental.pallas import tpu_sc as plsc

BATCH = 16384
EMBED = 64


@functools.lru_cache(maxsize=None)
def _make_gather(num_users, num_items):
    info = plsc.get_sparse_core_info()
    nc, ns = info.num_cores, info.num_subcores
    nw = nc * ns
    bpw = BATCH // nw

    mesh = plsc.VectorSubcoreMesh(core_axis_name="c", subcore_axis_name="s")

    @functools.partial(
        pl.kernel,
        mesh=mesh,
        out_type=[
            jax.ShapeDtypeStruct((BATCH, EMBED), jnp.float32),
            jax.ShapeDtypeStruct((BATCH, EMBED), jnp.float32),
        ],
        scratch_types=[
            pltpu.VMEM((bpw,), jnp.int32),
            pltpu.VMEM((bpw,), jnp.int32),
            pltpu.VMEM((bpw // 2, EMBED), jnp.float32),
            pltpu.VMEM((bpw // 2, EMBED), jnp.float32),
            pltpu.SemaphoreType.DMA,
        ],
    )
    def gather_k(uid_hbm, iid_hbm, utab_hbm, itab_hbm, uout_hbm, iout_hbm,
                 uids_v, iids_v, urows, irows, sem):
        wid = lax.axis_index("s") * nc + lax.axis_index("c")
        base = wid * bpw
        half = bpw // 2
        pltpu.sync_copy(uid_hbm.at[wid], uids_v)
        pltpu.sync_copy(iid_hbm.at[wid], iids_v)

        def scalar(v, l):
            return lax.squeeze(lax.slice(v, (l,), (l + 1,)), (0,))

        for p in range(2):
            def batch(g, _):
                loc = g * 16
                vu = uids_v[pl.ds(p * half + loc, 16)]
                vi = iids_v[pl.ds(p * half + loc, 16)]
                copies = []
                for l in range(16):
                    copies.append(pltpu.async_copy(
                        utab_hbm.at[scalar(vu, l)], urows.at[loc + l], sem))
                    copies.append(pltpu.async_copy(
                        itab_hbm.at[scalar(vi, l)], irows.at[loc + l], sem))
                for c in copies:
                    c.wait()
                return ()

            lax.fori_loop(0, half // 16, batch, (), unroll=False)
            pltpu.sync_copy(urows, uout_hbm.at[pl.ds(base + p * half, half)])
            pltpu.sync_copy(irows, iout_hbm.at[pl.ds(base + p * half, half)])

    return gather_k, nw, bpw


def _mlp_body(u_ref, i_ref, w0u_ref, w0i_ref, b0_ref, w1_ref, b1_ref,
              w2_ref, b2_ref, wo_ref, bo_ref, o_ref):
    h = jnp.dot(u_ref[...], w0u_ref[...], preferred_element_type=jnp.float32)
    h = h + jnp.dot(i_ref[...], w0i_ref[...], preferred_element_type=jnp.float32)
    h = jnp.maximum(h + b0_ref[...], 0.0)
    h = jnp.dot(h, w1_ref[...], preferred_element_type=jnp.float32) + b1_ref[...]
    h = jnp.maximum(h, 0.0)
    h = jnp.dot(h, w2_ref[...], preferred_element_type=jnp.float32) + b2_ref[...]
    h = jnp.maximum(h, 0.0)
    z = jnp.dot(h, wo_ref[...], preferred_element_type=jnp.float32) + bo_ref[...]
    o_ref[...] = 1.0 / (1.0 + jnp.exp(-z))


def _mlp(u, i, W0, b0, W1, b1, W2, b2, Wo, bo, block_m=2048, interpret=False):
    w0u = W0.T[:EMBED]
    w0i = W0.T[EMBED:]
    w1t, w2t, wot = W1.T, W2.T, Wo.T
    b0r, b1r, b2r, bor = b0[None, :], b1[None, :], b2[None, :], bo[None, :]
    grid = (BATCH // block_m,)
    full = lambda m: (0, 0)
    return pl.pallas_call(
        _mlp_body,
        grid=grid,
        in_specs=[
            pl.BlockSpec((block_m, EMBED), lambda m: (m, 0)),
            pl.BlockSpec((block_m, EMBED), lambda m: (m, 0)),
            pl.BlockSpec(w0u.shape, full),
            pl.BlockSpec(w0i.shape, full),
            pl.BlockSpec(b0r.shape, full),
            pl.BlockSpec(w1t.shape, full),
            pl.BlockSpec(b1r.shape, full),
            pl.BlockSpec(w2t.shape, full),
            pl.BlockSpec(b2r.shape, full),
            pl.BlockSpec(wot.shape, full),
            pl.BlockSpec(bor.shape, full),
        ],
        out_specs=pl.BlockSpec((block_m, 1), lambda m: (m, 0)),
        out_shape=jax.ShapeDtypeStruct((BATCH, 1), jnp.float32),
        compiler_params=pltpu.CompilerParams(
            dimension_semantics=("arbitrary",)),
        interpret=interpret,
    )(u, i, w0u, w0i, b0r, w1t, b1r, w2t, b2r, wot, bor)


def kernel(user_ids, item_ids, user_table, item_table,
           W0, b0, W1, b1, W2, b2, Wo, bo):
    gather_k, nw, bpw = _make_gather(user_table.shape[0], item_table.shape[0])
    uid2 = user_ids.astype(jnp.int32).reshape(nw, bpw)
    iid2 = item_ids.astype(jnp.int32).reshape(nw, bpw)
    u_rows, i_rows = gather_k(uid2, iid2, user_table, item_table)
    return _mlp(u_rows, i_rows, W0, b0, W1, b1, W2, b2, Wo, bo)

# --- scband reference (transcript-rebuilt; emitter-appended) ---
"""Pipeline reference for scband-ncf-18021682774917 (READ-ONLY COPY).

The authoritative reference and input builder live on the scoring server;
editing this copy changes nothing except your own understanding.
"""

import jax, jax.numpy as jnp
import numpy as np

NUM_USERS = 1000000
NUM_ITEMS = 1000000
EMBED_DIM = 64
BATCH = 16384
LAYERS = [128, 64, 32]


def setup_inputs(seed: int = 0) -> dict:
    key = jax.random.key(seed)
    ks = jax.random.split(key, 14)
    user_ids = jax.random.randint(ks[0], (BATCH,), 0, NUM_USERS, dtype=jnp.int64) if jax.config.jax_enable_x64 else jax.random.randint(ks[0], (BATCH,), 0, NUM_USERS, dtype=jnp.int32)
    item_ids = jax.random.randint(ks[1], (BATCH,), 0, NUM_ITEMS, dtype=jnp.int64) if jax.config.jax_enable_x64 else jax.random.randint(ks[1], (BATCH,), 0, NUM_ITEMS, dtype=jnp.int32)
    user_table = jax.random.normal(ks[2], (NUM_USERS, EMBED_DIM), dtype=jnp.float32) * 0.02
    item_table = jax.random.normal(ks[3], (NUM_ITEMS, EMBED_DIM), dtype=jnp.float32) * 0.02
    # fc layers: in sizes 128 -> 128, 128 -> 64, 64 -> 32; output 32 -> 1 (torch Linear: W[out,in])
    W0 = jax.random.normal(ks[4], (128, 128), dtype=jnp.float32) * (1.0 / np.sqrt(128))
    b0 = jnp.zeros((128,), dtype=jnp.float32)
    W1 = jax.random.normal(ks[5], (64, 128), dtype=jnp.float32) * (1.0 / np.sqrt(128))
    b1 = jnp.zeros((64,), dtype=jnp.float32)
    W2 = jax.random.normal(ks[6], (32, 64), dtype=jnp.float32) * (1.0 / np.sqrt(64))
    b2 = jnp.zeros((32,), dtype=jnp.float32)
    Wo = jax.random.normal(ks[7], (1, 32), dtype=jnp.float32) * (1.0 / np.sqrt(32))
    bo = jnp.zeros((1,), dtype=jnp.float32)
    return {
        "user_ids": user_ids,
        "item_ids": item_ids,
        "user_table": user_table,
        "item_table": item_table,
        "W0": W0, "b0": b0,
        "W1": W1, "b1": b1,
        "W2": W2, "b2": b2,
        "Wo": Wo, "bo": bo,
    }


def reference(user_ids, item_ids, user_table, item_table, W0, b0, W1, b1, W2, b2, Wo, bo):
    user_embeds = jnp.take(user_table, user_ids, axis=0)
    item_embeds = jnp.take(item_table, item_ids, axis=0)
    x = jnp.concatenate([user_embeds, item_embeds], axis=-1)
    x = jax.nn.relu(x @ W0.T + b0)
    x = jax.nn.relu(x @ W1.T + b1)
    x = jax.nn.relu(x @ W2.T + b2)
    x = x @ Wo.T + bo
    return jax.nn.sigmoid(x)

if __name__ == "__main__":
    import jax
    _d = setup_inputs()
    print(jax.jit(kernel)(*tuple(_d.values())))

</pallas_src>

<mosaic_0001>
#map = affine_map<(d0, d1) -> (0, 0)>
module attributes {stable_mosaic.version = 14 : i64} {
  func.func @gather_k(%arg0: i32, %arg1: i32, %arg2: memref<32x512xi32, #tpu.memory_space<hbm>>, %arg3: memref<32x512xi32, #tpu.memory_space<hbm>>, %arg4: memref<1000000x64xf32, #tpu.memory_space<hbm>>, %arg5: memref<1000000x64xf32, #tpu.memory_space<hbm>>, %arg6: memref<16384x64xf32, #tpu.memory_space<hbm>>, %arg7: memref<16384x64xf32, #tpu.memory_space<hbm>>, %arg8: memref<512xi32, #tpu.memory_space<vmem>>, %arg9: memref<512xi32, #tpu.memory_space<vmem>>, %arg10: memref<256x64xf32, #tpu.memory_space<vmem>>, %arg11: memref<256x64xf32, #tpu.memory_space<vmem>>, %arg12: memref<!tpu.dma_semaphore, #tpu.memory_space<semaphore_mem>>) attributes {dimension_semantics = [#tpu.dimension_semantics<core_parallel>, #tpu.dimension_semantics<subcore_parallel>], iteration_bounds = array<i64: 2, 16>, scalar_prefetch = 0 : i64, scratch_operands = 5 : i64, tpu.core_type = #tpu.core_type<sc_vector_subcore>, window_params = [{transform_indices = #map}, {transform_indices = #map}, {transform_indices = #map}, {transform_indices = #map}, {transform_indices = #map}, {transform_indices = #map}]} {
    %mul3A = arith.constant 2 : i32
    %mul3A_0 = arith.muli %arg1, %mul3A : i32
    %add3A = arith.addi %mul3A_0, %arg0 : i32
    %mul3A_1 = arith.constant 512 : i32
    %mul3A_2 = arith.muli %add3A, %mul3A_1 : i32
    "tpu.region"() ({
      %run_scoped3A = tpu.sem_alloc : memref<!tpu.dma_semaphore, #tpu.memory_space<semaphore_mem>>
      %dma_start3A = arith.constant 0 : i32
      %dma_start3A_20 = tpu.memref_slice %arg2[%add3A, %dma_start3A] : memref<32x512xi32, #tpu.memory_space<hbm>> -> memref<1x512xi32, #tpu.memory_space<hbm>>
      %dma_start3A_21 = tpu.memref_squeeze %dma_start3A_20 : memref<1x512xi32, #tpu.memory_space<hbm>> -> memref<512xi32, #tpu.memory_space<hbm>>
      %dma_start3A_22 = arith.constant 0 : i32
      %dma_start3A_23 = tpu.memref_slice %arg2[%add3A, %dma_start3A_22] : memref<32x512xi32, #tpu.memory_space<hbm>> -> memref<1x512xi32, #tpu.memory_space<hbm>>
      %dma_start3A_24 = tpu.memref_squeeze %dma_start3A_23 : memref<1x512xi32, #tpu.memory_space<hbm>> -> memref<512xi32, #tpu.memory_space<hbm>>
      tpu.enqueue_dma source(%dma_start3A_24 : memref<512xi32, #tpu.memory_space<hbm>>) target(%arg8 : memref<512xi32, #tpu.memory_space<vmem>>) target_semaphore(%run_scoped3A : memref<!tpu.dma_semaphore, #tpu.memory_space<semaphore_mem>>)
      %dma_wait3A = arith.constant 0 : i32
      %dma_wait3A_25 = tpu.memref_slice %arg2[%add3A, %dma_wait3A] : memref<32x512xi32, #tpu.memory_space<hbm>> -> memref<1x512xi32, #tpu.memory_space<hbm>>
      %dma_wait3A_26 = tpu.memref_squeeze %dma_wait3A_25 : memref<1x512xi32, #tpu.memory_space<hbm>> -> memref<512xi32, #tpu.memory_space<hbm>>
      %dma_wait3A_27 = arith.constant 0 : i32
      %dma_wait3A_28 = tpu.memref_slice %arg2[%add3A, %dma_wait3A_27] : memref<32x512xi32, #tpu.memory_space<hbm>> -> memref<1x512xi32, #tpu.memory_space<hbm>>
      %dma_wait3A_29 = tpu.memref_squeeze %dma_wait3A_28 : memref<1x512xi32, #tpu.memory_space<hbm>> -> memref<512xi32, #tpu.memory_space<hbm>>
      tpu.wait_dma2 semaphore(%run_scoped3A : memref<!tpu.dma_semaphore, #tpu.memory_space<semaphore_mem>>) src(%dma_wait3A_29 : memref<512xi32, #tpu.memory_space<hbm>>) dst(%arg8 : memref<512xi32, #tpu.memory_space<vmem>>)
      tpu.yield
    }) : () -> ()
    "tpu.region"() ({
      %run_scoped3A = tpu.sem_alloc : memref<!tpu.dma_semaphore, #tpu.memory_space<semaphore_mem>>
      %dma_start3A = arith.constant 0 : i32
      %dma_start3A_20 = tpu.memref_slice %arg3[%add3A, %dma_start3A] : memref<32x512xi32, #tpu.memory_space<hbm>> -> memref<1x512xi32, #tpu.memory_space<hbm>>
      %dma_start3A_21 = tpu.memref_squeeze %dma_start3A_20 : memref<1x512xi32, #tpu.memory_space<hbm>> -> memref<512xi32, #tpu.memory_space<hbm>>
      %dma_start3A_22 = arith.constant 0 : i32
      %dma_start3A_23 = tpu.memref_slice %arg3[%add3A, %dma_start3A_22] : memref<32x512xi32, #tpu.memory_space<hbm>> -> memref<1x512xi32, #tpu.memory_space<hbm>>
      %dma_start3A_24 = tpu.memref_squeeze %dma_start3A_23 : memref<1x512xi32, #tpu.memory_space<hbm>> -> memref<512xi32, #tpu.memory_space<hbm>>
      tpu.enqueue_dma source(%dma_start3A_24 : memref<512xi32, #tpu.memory_space<hbm>>) target(%arg9 : memref<512xi32, #tpu.memory_space<vmem>>) target_semaphore(%run_scoped3A : memref<!tpu.dma_semaphore, #tpu.memory_space<semaphore_mem>>)
      %dma_wait3A = arith.constant 0 : i32
      %dma_wait3A_25 = tpu.memref_slice %arg3[%add3A, %dma_wait3A] : memref<32x512xi32, #tpu.memory_space<hbm>> -> memref<1x512xi32, #tpu.memory_space<hbm>>
      %dma_wait3A_26 = tpu.memref_squeeze %dma_wait3A_25 : memref<1x512xi32, #tpu.memory_space<hbm>> -> memref<512xi32, #tpu.memory_space<hbm>>
      %dma_wait3A_27 = arith.constant 0 : i32
      %dma_wait3A_28 = tpu.memref_slice %arg3[%add3A, %dma_wait3A_27] : memref<32x512xi32, #tpu.memory_space<hbm>> -> memref<1x512xi32, #tpu.memory_space<hbm>>
      %dma_wait3A_29 = tpu.memref_squeeze %dma_wait3A_28 : memref<1x512xi32, #tpu.memory_space<hbm>> -> memref<512xi32, #tpu.memory_space<hbm>>
      tpu.wait_dma2 semaphore(%run_scoped3A : memref<!tpu.dma_semaphore, #tpu.memory_space<semaphore_mem>>) src(%dma_wait3A_29 : memref<512xi32, #tpu.memory_space<hbm>>) dst(%arg9 : memref<512xi32, #tpu.memory_space<vmem>>)
      tpu.yield
    }) : () -> ()
    %scan3A = arith.constant 0 : i32
    %scan3A_3 = arith.constant 16 : i32
    %scan3A_4 = arith.addi %scan3A, %scan3A_3 : i32
    %scan3A_5 = arith.constant 1 : i32
    scf.for %scan3A_20 = %scan3A to %scan3A_4 step %scan3A_5  : i32 {
      %mul3A_21 = arith.constant 16 : i32
      %mul3A_22 = arith.muli %scan3A_20, %mul3A_21 : i32
      %add3A_23 = arith.constant 0 : i32
      %add3A_24 = arith.addi %add3A_23, %mul3A_22 : i32
      %get3A = arith.index_cast %add3A_24 : i32 to index
      %get3A_25 = tpu.vector_load %arg8[%get3A] {strides = array<i32>} : memref<512xi32, #tpu.memory_space<vmem>>, vector<16xi32>,
      %get3A_26 = vector.shape_cast %get3A_25 : vector<16xi32> to vector<16xi32>
      %add3A_27 = arith.constant 0 : i32
      %add3A_28 = arith.addi %add3A_27, %mul3A_22 : i32
      %get3A_29 = arith.index_cast %add3A_28 : i32 to index
      %get3A_30 = tpu.vector_load %arg9[%get3A_29] {strides = array<i32>} : memref<512xi32, #tpu.memory_space<vmem>>, vector<16xi32>,
      %get3A_31 = vector.shape_cast %get3A_30 : vector<16xi32> to vector<16xi32>
      %slice3A = vector.extract_strided_slice %get3A_26 {offsets = [0], sizes = [1], strides = [1]} : vector<16xi32> to vector<1xi32>
      %squeeze3A = vector.extract %slice3A[0] : i32 from vector<1xi32>
      %add3A_32 = arith.constant 0 : i32
      %add3A_33 = arith.addi %mul3A_22, %add3A_32 : i32
      %dma_start3A = arith.constant 0 : i32
      %dma_start3A_34 = tpu.memref_slice %arg10[%add3A_33, %dma_start3A] : memref<256x64xf32, #tpu.memory_space<vmem>> -> memref<1x64xf32, #tpu.memory_space<vmem>>
      %dma_start3A_35 = tpu.memref_squeeze %dma_start3A_34 : memref<1x64xf32, #tpu.memory_space<vmem>> -> memref<64xf32, #tpu.memory_space<vmem>>
      %dma_start3A_36 = arith.constant 0 : i32
      %dma_start3A_37 = tpu.memref_slice %arg4[%squeeze3A, %dma_start3A_36] : memref<1000000x64xf32, #tpu.memory_space<hbm>> -> memref<1x64xf32, #tpu.memory_space<hbm>>
      %dma_start3A_38 = tpu.memref_squeeze %dma_start3A_37 : memref<1x64xf32, #tpu.memory_space<hbm>> -> memref<64xf32, #tpu.memory_space<hbm>>
      %dma_start3A_39 = arith.constant 0 : i32
      %dma_start3A_40 = tpu.memref_slice %arg10[%add3A_33, %dma_start3A_39] : memref<256x64xf32, #tpu.memory_space<vmem>> -> memref<1x64xf32, #tpu.memory_space<vmem>>
      %dma_start3A_41 = tpu.memref_squeeze %dma_start3A_40 : memref<1x64xf32, #tpu.memory_space<vmem>> -> memref<64xf32, #tpu.memory_space<vmem>>
      %dma_start3A_42 = arith.constant 0 : i32
      %dma_start3A_43 = tpu.memref_slice %arg4[%squeeze3A, %dma_start3A_42] : memref<1000000x64xf32, #tpu.memory_space<hbm>> -> memref<1x64xf32, #tpu.memory_space<hbm>>
      %dma_start3A_44 = tpu.memref_squeeze %dma_start3A_43 : memref<1x64xf32, #tpu.memory_space<hbm>> -> memref<64xf32, #tpu.memory_space<hbm>>
      tpu.enqueue_dma source(%dma_start3A_44 : memref<64xf32, #tpu.memory_space<hbm>>) target(%dma_start3A_41 : memref<64xf32, #tpu.memory_space<vmem>>) target_semaphore(%arg12 : memref<!tpu.dma_semaphore, #tpu.memory_space<semaphore_mem>>)
      %slice3A_45 = vector.extract_strided_slice %get3A_31 {offsets = [0], sizes = [1], strides = [1]} : vector<16xi32> to vector<1xi32>
      %squeeze3A_46 = vector.extract %slice3A_45[0] : i32 from vector<1xi32>
      %add3A_47 = arith.constant 0 : i32
      %add3A_48 = arith.addi %mul3A_22, %add3A_47 : i32
      %dma_start3A_49 = arith.constant 0 : i32
      %dma_start3A_50 = tpu.memref_slice %arg11[%add3A_48, %dma_start3A_49] : memref<256x64xf32, #tpu.memory_space<vmem>> -> memref<1x64xf32, #tpu.memory_space<vmem>>
      %dma_start3A_51 = tpu.memref_squeeze %dma_start3A_50 : memref<1x64xf32, #tpu.memory_space<vmem>> -> memref<64xf32, #tpu.memory_space<vmem>>
      %dma_start3A_52 = arith.constant 0 : i32
      %dma_start3A_53 = tpu.memref_slice %arg5[%squeeze3A_46, %dma_start3A_52] : memref<1000000x64xf32, #tpu.memory_space<hbm>> -> memref<1x64xf32, #tpu.memory_space<hbm>>
      %dma_start3A_54 = tpu.memref_squeeze %dma_start3A_53 : memref<1x64xf32, #tpu.memory_space<hbm>> -> memref<64xf32, #tpu.memory_space<hbm>>
      %dma_start3A_55 = arith.constant 0 : i32
      %dma_start3A_56 = tpu.memref_slice %arg11[%add3A_48, %dma_start3A_55] : memref<256x64xf32, #tpu.memory_space<vmem>> -> memref<1x64xf32, #tpu.memory_space<vmem>>
      %dma_start3A_57 = tpu.memref_squeeze %dma_start3A_56 : memref<1x64xf32, #tpu.memory_space<vmem>> -> memref<64xf32, #tpu.memory_space<vmem>>
      %dma_start3A_58 = arith.constant 0 : i32
      %dma_start3A_59 = tpu.memref_slice %arg5[%squeeze3A_46, %dma_start3A_58] : memref<1000000x64xf32, #tpu.memory_space<hbm>> -> memref<1x64xf32, #tpu.memory_space<hbm>>
      %dma_start3A_60 = tpu.memref_squeeze %dma_start3A_59 : memref<1x64xf32, #tpu.memory_space<hbm>> -> memref<64xf32, #tpu.memory_space<hbm>>
      tpu.enqueue_dma source(%dma_start3A_60 : memref<64xf32, #tpu.memory_space<hbm>>) target(%dma_start3A_57 : memref<64xf32, #tpu.memory_space<vmem>>) target_semaphore(%arg12 : memref<!tpu.dma_semaphore, #tpu.memory_space<semaphore_mem>>)
      %slice3A_61 = vector.extract_strided_slice %get3A_26 {offsets = [1], sizes = [1], strides = [1]} : vector<16xi32> to vector<1xi32>
      %squeeze3A_62 = vector.extract %slice3A_61[0] : i32 from vector<1xi32>
      %add3A_63 = arith.constant 1 : i32
      %add3A_64 = arith.addi %mul3A_22, %add3A_63 : i32
      %dma_start3A_65 = arith.constant 0 : i32
      %dma_start3A_66 = tpu.memref_slice %arg10[%add3A_64, %dma_start3A_65] : memref<256x64xf32, #tpu.memory_space<vmem>> -> memref<1x64xf32, #tpu.memory_space<vmem>>
      %dma_start3A_67 = tpu.memref_squeeze %dma_start3A_66 : memref<1x64xf32, #tpu.memory_space<vmem>> -> memref<64xf32, #tpu.memory_space<vmem>>
      %dma_start3A_68 = arith.constant 0 : i32
      %dma_start3A_69 = tpu.memref_slice %arg4[%squeeze3A_62, %dma_start3A_68] : memref<1000000x64xf32, #tpu.memory_space<hbm>> -> memref<1x64xf32, #tpu.memory_space<hbm>>
      %dma_start3A_70 = tpu.memref_squeeze %dma_start3A_69 : memref<1x64xf32, #tpu.memory_space<hbm>> -> memref<64xf32, #tpu.memory_space<hbm>>
      %dma_start3A_71 = arith.constant 0 : i32
      %dma_start3A_72 = tpu.memref_slice %arg10[%add3A_64, %dma_start3A_71] : memref<256x64xf32, #tpu.memory_space<vmem>> -> memref<1x64xf32, #tpu.memory_space<vmem>>
      %dma_start3A_73 = tpu.memref_squeeze %dma_start3A_72 : memref<1x64xf32, #tpu.memory_space<vmem>> -> memref<64xf32, #tpu.memory_space<vmem>>
      %dma_start3A_74 = arith.constant 0 : i32
      %dma_start3A_75 = tpu.memref_slice %arg4[%squeeze3A_62, %dma_start3A_74] : memref<1000000x64xf32, #tpu.memory_space<hbm>> -> memref<1x64xf32, #tpu.memory_space<hbm>>
      %dma_start3A_76 = tpu.memref_squeeze %dma_start3A_75 : memref<1x64xf32, #tpu.memory_space<hbm>> -> memref<64xf32, #tpu.memory_space<hbm>>
      tpu.enqueue_dma source(%dma_start3A_76 : memref<64xf32, #tpu.memory_space<hbm>>) target(%dma_start3A_73 : memref<64xf32, #tpu.memory_space<vmem>>) target_semaphore(%arg12 : memref<!tpu.dma_semaphore, #tpu.memory_space<semaphore_mem>>)
      %slice3A_77 = vector.extract_strided_slice %get3A_31 {offsets = [1], sizes = [1], strides = [1]} : vector<16xi32> to vector<1xi32>
      %squeeze3A_78 = vector.extract %slice3A_77[0] : i32 from vector<1xi32>
      %add3A_79 = arith.constant 1 : i32
      %add3A_80 = arith.addi %mul3A_22, %add3A_79 : i32
      %dma_start3A_81 = arith.constant 0 : i32
      %dma_start3A_82 = tpu.memref_slice %arg11[%add3A_80, %dma_start3A_81] : memref<256x64xf32, #tpu.memory_space<vmem>> -> memref<1x64xf32, #tpu.memory_space<vmem>>
      %dma_start3A_83 = tpu.memref_squeeze %dma_start3A_82 : memref<1x64xf32, #tpu.memory_space<vmem>> -> memref<64xf32, #tpu.memory_space<vmem>>
      %dma_start3A_84 = arith.constant 0 : i32
      %dma_start3A_85 = tpu.memref_slice %arg5[%squeeze3A_78, %dma_start3A_84] : memref<1000000x64xf32, #tpu.memory_space<hbm>> -> memref<1x64xf32, #tpu.memory_space<hbm>>
      %dma_start3A_86 = tpu.memref_squeeze %dma_start3A_85 : memref<1x64xf32, #tpu.memory_space<hbm>> -> memref<64xf32, #tpu.memory_space<hbm>>
      %dma_start3A_87 = arith.constant 0 : i32
      %dma_start3A_88 = tpu.memref_slice %arg11[%add3A_80, %dma_start3A_87] : memref<256x64xf32, #tpu.memory_space<vmem>> -> memref<1x64xf32, #tpu.memory_space<vmem>>
      %dma_start3A_89 = tpu.memref_squeeze %dma_start3A_88 : memref<1x64xf32, #tpu.memory_space<vmem>> -> memref<64xf32, #tpu.memory_space<vmem>>
      %dma_start3A_90 = arith.constant 0 : i32
      %dma_start3A_91 = tpu.memref_slice %arg5[%squeeze3A_78, %dma_start3A_90] : memref<1000000x64xf32, #tpu.memory_space<hbm>> -> memref<1x64xf32, #tpu.memory_space<hbm>>
      %dma_start3A_92 = tpu.memref_squeeze %dma_start3A_91 : memref<1x64xf32, #tpu.memory_space<hbm>> -> memref<64xf32, #tpu.memory_space<hbm>>
      tpu.enqueue_dma source(%dma_start3A_92 : memref<64xf32, #tpu.memory_space<hbm>>) target(%dma_start3A_89 : memref<64xf32, #tpu.memory_space<vmem>>) target_semaphore(%arg12 : memref<!tpu.dma_semaphore, #tpu.memory_space<semaphore_mem>>)
      %slice3A_93 = vector.extract_strided_slice %get3A_26 {offsets = [2], sizes = [1], strides = [1]} : vector<16xi32> to vector<1xi32>
      %squeeze3A_94 = vector.extract %slice3A_93[0] : i32 from vector<1xi32>
      %add3A_95 = arith.constant 2 : i32
      %add3A_96 = arith.addi %mul3A_22, %add3A_95 : i32
      %dma_start3A_97 = arith.constant 0 : i32
      %dma_start3A_98 = tpu.memref_slice %arg10[%add3A_96, %dma_start3A_97] : memref<256x64xf32, #tpu.memory_space<vmem>> -> memref<1x64xf32, #tpu.memory_space<vmem>>
      %dma_start3A_99 = tpu.memref_squeeze %dma_start3A_98 : memref<1x64xf32, #tpu.memory_space<vmem>> -> memref<64xf32, #tpu.memory_space<vmem>>
      %dma_start3A_100 = arith.constant 0 : i32
      %dma_start3A_101 = tpu.memref_slice %arg4[%squeeze3A_94, %dma_start3A_100] : memref<1000000x64xf32, #tpu.memory_space<hbm>> -> memref<1x64xf32, #tpu.memory_space<hbm>>
      %dma_start3A_102 = tpu.memref_squeeze %dma_start3A_101 : memref<1x64xf32, #tpu.memory_space<hbm>> -> memref<64xf32, #tpu.memory_space<hbm>>
      %dma_start3A_103 = arith.constant 0 : i32
      %dma_start3A_104 = tpu.memref_slice %arg10[%add3A_96, %dma_start3A_103] : memref<256x64xf32, #tpu.memory_space<vmem>> -> memref<1x64xf32, #tpu.memory_space<vmem>>
      %dma_start3A_105 = tpu.memref_squeeze %dma_start3A_104 : memref<1x64xf32, #tpu.memory_space<vmem>> -> memref<64xf32, #tpu.memory_space<vmem>>
      %dma_start3A_106 = arith.constant 0 : i32
      %dma_start3A_107 = tpu.memref_slice %arg4[%squeeze3A_94, %dma_start3A_106] : memref<1000000x64xf32, #tpu.memory_space<hbm>> -> memref<1x64xf32, #tpu.memory_space<hbm>>
      %dma_start3A_108 = tpu.memref_squeeze %dma_start3A_107 : memref<1x64xf32, #tpu.memory_space<hbm>> -> memref<64xf32, #tpu.memory_space<hbm>>
      tpu.enqueue_dma source(%dma_start3A_108 : memref<64xf32, #tpu.memory_space<hbm>>) target(%dma_start3A_105 : memref<64xf32, #tpu.memory_space<vmem>>) target_semaphore(%arg12 : memref<!tpu.dma_semaphore, #tpu.memory_space<semaphore_mem>>)
      %slice3A_109 = vector.extract_strided_slice %get3A_31 {offsets = [2], sizes = [1], strides = [1]} : vector<16xi32> to vector<1xi32>
      %squeeze3A_110 = vector.extract %slice3A_109[0] : i32 from vector<1xi32>
      %add3A_111 = arith.constant 2 : i32
      %add3A_112 = arith.addi %mul3A_22, %add3A_111 : i32
      %dma_start3A_113 = arith.constant 0 : i32
      %dma_start3A_114 = tpu.memref_slice %arg11[%add3A_112, %dma_start3A_113] : memref<256x64xf32, #tpu.memory_space<vmem>> -> memref<1x64xf32, #tpu.memory_space<vmem>>
      %dma_start3A_115 = tpu.memref_squeeze %dma_start3A_114 : memref<1x64xf32, #tpu.memory_space<vmem>> -> memref<64xf32, #tpu.memory_space<vmem>>
      %dma_start3A_116 = arith.constant 0 : i32
      %dma_start3A_117 = tpu.memref_slice %arg5[%squeeze3A_110, %dma_start3A_116] : memref<1000000x64xf32, #tpu.memory_space<hbm>> -> memref<1x64xf32, #tpu.memory_space<hbm>>
      %dma_start3A_118 = tpu.memref_squeeze %dma_start3A_117 : memref<1x64xf32, #tpu.memory_space<hbm>> -> memref<64xf32, #tpu.memory_space<hbm>>
      %dma_start3A_119 = arith.constant 0 : i32
      %dma_start3A_120 = tpu.memref_slice %arg11[%add3A_112, %dma_start3A_119] : memref<256x64xf32, #tpu.memory_space<vmem>> -> memref<1x64xf32, #tpu.memory_space<vmem>>
      %dma_start3A_121 = tpu.memref_squeeze %dma_start3A_120 : memref<1x64xf32, #tpu.memory_space<vmem>> -> memref<64xf32, #tpu.memory_space<vmem>>
      %dma_start3A_122 = arith.constant 0 : i32
      %dma_start3A_123 = tpu.memref_slice %arg5[%squeeze3A_110, %dma_start3A_122] : memref<1000000x64xf32, #tpu.memory_space<hbm>> -> memref<1x64xf32, #tpu.memory_space<hbm>>
      %dma_start3A_124 = tpu.memref_squeeze %dma_start3A_123 : memref<1x64xf32, #tpu.memory_space<hbm>> -> memref<64xf32, #tpu.memory_space<hbm>>
      tpu.enqueue_dma source(%dma_start3A_124 : memref<64xf32, #tpu.memory_space<hbm>>) target(%dma_start3A_121 : memref<64xf32, #tpu.memory_space<vmem>>) target_semaphore(%arg12 : memref<!tpu.dma_semaphore, #tpu.memory_space<semaphore_mem>>)
      %slice3A_125 = vector.extract_strided_slice %get3A_26 {offsets = [3], sizes = [1], strides = [1]} : vector<16xi32> to vector<1xi32>
      %squeeze3A_126 = vector.extract %slice3A_125[0] : i32 from vector<1xi32>
      %add3A_127 = arith.constant 3 : i32
      %add3A_128 = arith.addi %mul3A_22, %add3A_127 : i32
      %dma_start3A_129 = arith.constant 0 : i32
      %dma_start3A_130 = tpu.memref_slice %arg10[%add3A_128, %dma_start3A_129] : memref<256x64xf32, #tpu.memory_space<vmem>> -> memref<1x64xf32, #tpu.memory_space<vmem>>
      %dma_start3A_131 = tpu.memref_squeeze %dma_start3A_130 : memref<1x64xf32, #tpu.memory_space<vmem>> -> memref<64xf32, #tpu.memory_space<vmem>>
      %dma_start3A_132 = arith.constant 0 : i32
      %dma_start3A_133 = tpu.memref_slice %arg4[%squeeze3A_126, %dma_start3A_132] : memref<1000000x64xf32, #tpu.memory_space<hbm>> -> memref<1x64xf32, #tpu.memory_space<hbm>>
      %dma_start3A_134 = tpu.memref_squeeze %dma_start3A_133 : memref<1x64xf32, #tpu.memory_space<hbm>> -> memref<64xf32, #tpu.memory_space<hbm>>
      %dma_start3A_135 = arith.constant 0 : i32
      %dma_start3A_136 = tpu.memref_slice %arg10[%add3A_128, %dma_start3A_135] : memref<256x64xf32, #tpu.memory_space<vmem>> -> memref<1x64xf32, #tpu.memory_space<vmem>>
      %dma_start3A_137 = tpu.memref_squeeze %dma_start3A_136 : memref<1x64xf32, #tpu.memory_space<vmem>> -> memref<64xf32, #tpu.memory_space<vmem>>
      %dma_start3A_138 = arith.constant 0 : i32
      %dma_start3A_139 = tpu.memref_slice %arg4[%squeeze3A_126, %dma_start3A_138] : memref<1000000x64xf32, #tpu.memory_space<hbm>> -> memref<1x64xf32, #tpu.memory_space<hbm>>
      %dma_start3A_140 = tpu.memref_squeeze %dma_start3A_139 : memref<1x64xf32, #tpu.memory_space<hbm>> -> memref<64xf32, #tpu.memory_space<hbm>>
      tpu.enqueue_dma source(%dma_start3A_140 : memref<64xf32, #tpu.memory_space<hbm>>) target(%dma_start3A_137 : memref<64xf32, #tpu.memory_space<vmem>>) target_semaphore(%arg12 : memref<!tpu.dma_semaphore, #tpu.memory_space<semaphore_mem>>)
      %slice3A_141 = vector.extract_strided_slice %get3A_31 {offsets = [3], sizes = [1], strides = [1]} : vector<16xi32> to vector<1xi32>
      %squeeze3A_142 = vector.extract %slice3A_141[0] : i32 from vector<1xi32>
      %add3A_143 = arith.constant 3 : i32
      %add3A_144 = arith.addi %mul3A_22, %add3A_143 : i32
      %dma_start3A_145 = arith.constant 0 : i32
      %dma_start3A_146 = tpu.memref_slice %arg11[%add3A_144, %dma_start3A_145] : memref<256x64xf32, #tpu.memory_space<vmem>> -> memref<1x64xf32, #tpu.memory_space<vmem>>
      %dma_start3A_147 = tpu.memref_squeeze %dma_start3A_146 : memref<1x64xf32, #tpu.memory_space<vmem>> -> memref<64xf32, #tpu.memory_space<vmem>>
      %dma_start3A_148 = arith.constant 0 : i32
      %dma_start3A_149 = tpu.memref_slice %arg5[%squeeze3A_142, %dma_start3A_148] : memref<1000000x64xf32, #tpu.memory_space<hbm>> -> memref<1x64xf32, #tpu.memory_space<hbm>>
      %dma_start3A_150 = tpu.memref_squeeze %dma_start3A_149 : memref<1x64xf32, #tpu.memory_space<hbm>> -> memref<64xf32, #tpu.memory_space<hbm>>
      %dma_start3A_151 = arith.constant 0 : i32
      %dma_start3A_152 = tpu.memref_slice %arg11[%add3A_144, %dma_start3A_151] : memref<256x64xf32, #tpu.memory_space<vmem>> -> memref<1x64xf32, #tpu.memory_space<vmem>>
      %dma_start3A_153 = tpu.memref_squeeze %dma_start3A_152 : memref<1x64xf32, #tpu.memory_space<vmem>> -> memref<64xf32, #tpu.memory_space<vmem>>
      %dma_start3A_154 = arith.constant 0 : i32
      %dma_start3A_155 = tpu.memref_slice %arg5[%squeeze3A_142, %dma_start3A_154] : memref<1000000x64xf32, #tpu.memory_space<hbm>> -> memref<1x64xf32, #tpu.memory_space<hbm>>
      %dma_start3A_156 = tpu.memref_squeeze %dma_start3A_155 : memref<1x64xf32, #tpu.memory_space<hbm>> -> memref<64xf32, #tpu.memory_space<hbm>>
      tpu.enqueue_dma source(%dma_start3A_156 : memref<64xf32, #tpu.memory_space<hbm>>) target(%dma_start3A_153 : memref<64xf32, #tpu.memory_space<vmem>>) target_semaphore(%arg12 : memref<!tpu.dma_semaphore, #tpu.memory_space<semaphore_mem>>)
      %slice3A_157 = vector.extract_strided_slice %get3A_26 {offsets = [4], sizes = [1], strides = [1]} : vector<16xi32> to vector<1xi32>
      %squeeze3A_158 = vector.extract %slice3A_157[0] : i32 from vector<1xi32>
      %add3A_159 = arith.constant 4 : i32
      %add3A_160 = arith.addi %mul3A_22, %add3A_159 : i32
      %dma_start3A_161 = arith.constant 0 : i32
      %dma_start3A_162 = tpu.memref_slice %arg10[%add3A_160, %dma_start3A_161] : memref<256x64xf32, #tpu.memory_space<vmem>> -> memref<1x64xf32, #tpu.memory_space<vmem>>
      %dma_start3A_163 = tpu.memref_squeeze %dma_start3A_162 : memref<1x64xf32, #tpu.memory_space<vmem>> -> memref<64xf32, #tpu.memory_space<vmem>>
      %dma_start3A_164 = arith.constant 0 : i32
      %dma_start3A_165 = tpu.memref_slice %arg4[%squeeze3A_158, %dma_start3A_164] : memref<1000000x64xf32, #tpu.memory_space<hbm>> -> memref<1x64xf32, #tpu.memory_space<hbm>>
      %dma_start3A_166 = tpu.memref_squeeze %dma_start3A_165 : memref<1x64xf32, #tpu.memory_space<hbm>> -> memref<64xf32, #tpu.memory_space<hbm>>
      %dma_start3A_167 = arith.constant 0 : i32
      %dma_start3A_168 = tpu.memref_slice %arg10[%add3A_160, %dma_start3A_167] : memref<256x64xf32, #tpu.memory_space<vmem>> -> memref<1x64xf32, #tpu.memory_space<vmem>>
      %dma_start3A_169 = tpu.memref_squeeze %dma_start3A_168 : memref<1x64xf32, #tpu.memory_space<vmem>> -> memref<64xf32, #tpu.memory_space<vmem>>
      %dma_start3A_170 = arith.constant 0 : i32
      %dma_start3A_171 = tpu.memref_slice %arg4[%squeeze3A_158, %dma_start3A_170] : memref<1000000x64xf32, #tpu.memory_space<hbm>> -> memref<1x64xf32, #tpu.memory_space<hbm>>
      %dma_start3A_172 = tpu.memref_squeeze %dma_start3A_171 : memref<1x64xf32, #tpu.memory_space<hbm>> -> memref<64xf32, #tpu.memory_space<hbm>>
      tpu.enqueue_dma source(%dma_start3A_172 : memref<64xf32, #tpu.memory_space<hbm>>) target(%dma_start3A_169 : memref<64xf32, #tpu.memory_space<vmem>>) target_semaphore(%arg12 : memref<!tpu.dma_semaphore, #tpu.memory_space<semaphore_mem>>)
      %slice3A_173 = vector.extract_strided_slice %get3A_31 {offsets = [4], sizes = [1], strides = [1]} : vector<16xi32> to vector<1xi32>
      %squeeze3A_174 = vector.extract %slice3A_173[0] : i32 from vector<1xi32>
      %add3A_175 = arith.constant 4 : i32
      %add3A_176 = arith.addi %mul3A_22, %add3A_175 : i32
      %dma_start3A_177 = arith.constant 0 : i32
      %dma_start3A_178 = tpu.memref_slice %arg11[%add3A_176, %dma_start3A_177] : memref<256x64xf32, #tpu.memory_space<vmem>> -> memref<1x64xf32, #tpu.memory_space<vmem>>
      %dma_start3A_179 = tpu.memref_squeeze %dma_start3A_178 : memref<1x64xf32, #tpu.memory_space<vmem>> -> memref<64xf32, #tpu.memory_space<vmem>>
      %dma_start3A_180 = arith.constant 0 : i32
      %dma_start3A_181 = tpu.memref_slice %arg5[%squeeze3A_174, %dma_start3A_180] : memref<1000000x64xf32, #tpu.memory_space<hbm>> -> memref<1x64xf32, #tpu.memory_space<hbm>>
      %dma_start3A_182 = tpu.memref_squeeze %dma_start3A_181 : memref<1x64xf32, #tpu.memory_space<hbm>> -> memref<64xf32, #tpu.memory_space<hbm>>
      %dma_start3A_183 = arith.constant 0 : i32
      %dma_start3A_184 = tpu.memref_slice %arg11[%add3A_176, %dma_start3A_183] : memref<256x64xf32, #tpu.memory_space<vmem>> -> memref<1x64xf32, #tpu.memory_space<vmem>>
      %dma_start3A_185 = tpu.memref_squeeze %dma_start3A_184 : memref<1x64xf32, #tpu.memory_space<vmem>> -> memref<64xf32, #tpu.memory_space<vmem>>
      %dma_start3A_186 = arith.constant 0 : i32
      %dma_start3A_187 = tpu.memref_slice %arg5[%squeeze3A_174, %dma_start3A_186] : memref<1000000x64xf32, #tpu.memory_space<hbm>> -> memref<1x64xf32, #tpu.memory_space<hbm>>
      %dma_start3A_188 = tpu.memref_squeeze %dma_start3A_187 : memref<1x64xf32, #tpu.memory_space<hbm>> -> memref<64xf32, #tpu.memory_space<hbm>>
      tpu.enqueue_dma source(%dma_start3A_188 : memref<64xf32, #tpu.memory_space<hbm>>) target(%dma_start3A_185 : memref<64xf32, #tpu.memory_space<vmem>>) target_semaphore(%arg12 : memref<!tpu.dma_semaphore, #tpu.memory_space<semaphore_mem>>)
      %slice3A_189 = vector.extract_strided_slice %get3A_26 {offsets = [5], sizes = [1], strides = [1]} : vector<16xi32> to vector<1xi32>
      %squeeze3A_190 = vector.extract %slice3A_189[0] : i32 from vector<1xi32>
      %add3A_191 = arith.constant 5 : i32
      %add3A_192 = arith.addi %mul3A_22, %add3A_191 : i32
      %dma_start3A_193 = arith.constant 0 : i32
      %dma_start3A_194 = tpu.memref_slice %arg10[%add3A_192, %dma_start3A_193] : memref<256x64xf32, #tpu.memory_space<vmem>> -> memref<1x64xf32, #tpu.memory_space<vmem>>
      %dma_start3A_195 = tpu.memref_squeeze %dma_start3A_194 : memref<1x64xf32, #tpu.memory_space<vmem>> -> memref<64xf32, #tpu.memory_space<vmem>>
      %dma_start3A_196 = arith.constant 0 : i32
      %dma_start3A_197 = tpu.memref_slice %arg4[%squeeze3A_190, %dma_start3A_196] : memref<1000000x64xf32, #tpu.memory_space<hbm>> -> memref<1x64xf32, #tpu.memory_space<hbm>>
      %dma_start3A_198 = tpu.memref_squeeze %dma_start3A_197 : memref<1x64xf32, #tpu.memory_space<hbm>> -> memref<64xf32, #tpu.memory_space<hbm>>
      %dma_start3A_199 = arith.constant 0 : i32
      %dma_start3A_200 = tpu.memref_slice %arg10[%add3A_192, %dma_start3A_199] : memref<256x64xf32, #tpu.memory_space<vmem>> -> memref<1x64xf32, #tpu.memory_space<vmem>>
      %dma_start3A_201 = tpu.memref_squeeze %dma_start3A_200 : memref<1x64xf32, #tpu.memory_space<vmem>> -> memref<64xf32, #tpu.memory_space<vmem>>
      %dma_start3A_202 = arith.constant 0 : i32
      %dma_start3A_203 = tpu.memref_slice %arg4[%squeeze3A_190, %dma_start3A_202] : memref<1000000x64xf32, #tpu.memory_space<hbm>> -> memref<1x64xf32, #tpu.memory_space<hbm>>
      %dma_start3A_204 = tpu.memref_squeeze %dma_start3A_203 : memref<1x64xf32, #tpu.memory_space<hbm>> -> memref<64xf32, #tpu.memory_space<hbm>>
      tpu.enqueue_dma source(%dma_start3A_204 : memref<64xf32, #tpu.memory_space<hbm>>) target(%dma_start3A_201 : memref<64xf32, #tpu.memory_space<vmem>>) target_semaphore(%arg12 : memref<!tpu.dma_semaphore, #tpu.memory_space<semaphore_mem>>)
      %slice3A_205 = vector.extract_strided_slice %get3A_31 {offsets = [5], sizes = [1], strides = [1]} : vector<16xi32> to vector<1xi32>
      %squeeze3A_206 = vector.extract %slice3A_205[0] : i32 from vector<1xi32>
      %add3A_207 = arith.constant 5 : i32
      %add3A_208 = arith.addi %mul3A_22, %add3A_207 : i32
      %dma_start3A_209 = arith.constant 0 : i32
      %dma_start3A_210 = tpu.memref_slice %arg11[%add3A_208, %dma_start3A_209] : memref<256x64xf32, #tpu.memory_space<vmem>> -> memref<1x64xf32, #tpu.memory_space<vmem>>
      %dma_start3A_211 = tpu.memref_squeeze %dma_start3A_210 : memref<1x64xf32, #tpu.memory_space<vmem>> -> memref<64xf32, #tpu.memory_space<vmem>>
      %dma_start3A_212 = arith.constant 0 : i32
      %dma_start3A_213 = tpu.memref_slice %arg5[%squeeze3A_206, %dma_start3A_212] : memref<1000000x64xf32, #tpu.memory_space<hbm>> -> memref<1x64xf32, #tpu.memory_space<hbm>>
      %dma_start3A_214 = tpu.memref_squeeze %dma_start3A_213 : memref<1x64xf32, #tpu.memory_space<hbm>> -> memref<64xf32, #tpu.memory_space<hbm>>
      %dma_start3A_215 = arith.constant 0 : i32
      %dma_start3A_216 = tpu.memref_slice %arg11[%add3A_208, %dma_start3A_215] : memref<256x64xf32, #tpu.memory_space<vmem>> -> memref<1x64xf32, #tpu.memory_space<vmem>>
      %dma_start3A_217 = tpu.memref_squeeze %dma_start3A_216 : memref<1x64xf32, #tpu.memory_space<vmem>> -> memref<64xf32, #tpu.memory_space<vmem>>
      %dma_start3A_218 = arith.constant 0 : i32
      %dma_start3A_219 = tpu.memref_slice %arg5[%squeeze3A_206, %dma_start3A_218] : memref<1000000x64xf32, #tpu.memory_space<hbm>> -> memref<1x64xf32, #tpu.memory_space<hbm>>
      %dma_start3A_220 = tpu.memref_squeeze %dma_start3A_219 : memref<1x64xf32, #tpu.memory_space<hbm>> -> memref<64xf32, #tpu.memory_space<hbm>>
      tpu.enqueue_dma source(%dma_start3A_220 : memref<64xf32, #tpu.memory_space<hbm>>) target(%dma_start3A_217 : memref<64xf32, #tpu.memory_space<vmem>>) target_semaphore(%arg12 : memref<!tpu.dma_semaphore, #tpu.memory_space<semaphore_mem>>)
      %slice3A_221 = vector.extract_strided_slice %get3A_26 {offsets = [6], sizes = [1], strides = [1]} : vector<16xi32> to vector<1xi32>
      %squeeze3A_222 = vector.extract %slice3A_221[0] : i32 from vector<1xi32>
      %add3A_223 = arith.constant 6 : i32
      %add3A_224 = arith.addi %mul3A_22, %add3A_223 : i32
      %dma_start3A_225 = arith.constant 0 : i32
      %dma_start3A_226 = tpu.memref_slice %arg10[%add3A_224, %dma_start3A_225] : memref<256x64xf32, #tpu.memory_space<vmem>> -> memref<1x64xf32, #tpu.memory_space<vmem>>
      %dma_start3A_227 = tpu.memref_squeeze %dma_start3A_226 : memref<1x64xf32, #tpu.memory_space<vmem>> -> memref<64xf32, #tpu.memory_space<vmem>>
      %dma_start3A_228 = arith.constant 0 : i32
      %dma_start3A_229 = tpu.memref_slice %arg4[%squeeze3A_222, %dma_start3A_228] : memref<1000000x64xf32, #tpu.memory_space<hbm>> -> memref<1x64xf32, #tpu.memory_space<hbm>>
      %dma_start3A_230 = tpu.memref_squeeze %dma_start3A_229 : memref<1x64xf32, #tpu.memory_space<hbm>> -> memref<64xf32, #tpu.memory_space<hbm>>
      %dma_start3A_231 = arith.constant 0 : i32
      %dma_start3A_232 = tpu.memref_slice %arg10[%add3A_224, %dma_start3A_231] : memref<256x64xf32, #tpu.memory_space<vmem>> -> memref<1x64xf32, #tpu.memory_space<vmem>>
      %dma_start3A_233 = tpu.memref_squeeze %dma_start3A_232 : memref<1x64xf32, #tpu.memory_space<vmem>> -> memref<64xf32, #tpu.memory_space<vmem>>
      %dma_start3A_234 = arith.constant 0 : i32
      %dma_start3A_235 = tpu.memref_slice %arg4[%squeeze3A_222, %dma_start3A_234] : memref<1000000x64xf32, #tpu.memory_space<hbm>> -> memref<1x64xf32, #tpu.memory_space<hbm>>
      %dma_start3A_236 = tpu.memref_squeeze %dma_start3A_235 : memref<1x64xf32, #tpu.memory_space<hbm>> -> memref<64xf32, #tpu.memory_space<hbm>>
      tpu.enqueue_dma source(%dma_start3A_236 : memref<64xf32, #tpu.memory_space<hbm>>) target(%dma_start3A_233 : memref<64xf32, #tpu.memory_space<vmem>>) target_semaphore(%arg12 : memref<!tpu.dma_semaphore, #tpu.memory_space<semaphore_mem>>)
      %slice3A_237 = vector.extract_strided_slice %get3A_31 {offsets = [6], sizes = [1], strides = [1]} : vector<16xi32> to vector<1xi32>
      %squeeze3A_238 = vector.extract %slice3A_237[0] : i32 from vector<1xi32>
      %add3A_239 = arith.constant 6 : i32
      %add3A_240 = arith.addi %mul3A_22, %add3A_239 : i32
      %dma_start3A_241 = arith.constant 0 : i32
      %dma_start3A_242 = tpu.memref_slice %arg11[%add3A_240, %dma_start3A_241] : memref<256x64xf32, #tpu.memory_space<vmem>> -> memref<1x64xf32, #tpu.memory_space<vmem>>
      %dma_start3A_243 = tpu.memref_squeeze %dma_start3A_242 : memref<1x64xf32, #tpu.memory_space<vmem>> -> memref<64xf32, #tpu.memory_space<vmem>>
      %dma_start3A_244 = arith.constant 0 : i32
      %dma_start3A_245 = tpu.memref_slice %arg5[%squeeze3A_238, %dma_start3A_244] : memref<1000000x64xf32, #tpu.memory_space<hbm>> -> memref<1x64xf32, #tpu.memory_space<hbm>>
      %dma_start3A_246 = tpu.memref_squeeze %dma_start3A_245 : memref<1x64xf32, #tpu.memory_space<hbm>> -> memref<64xf32, #tpu.memory_space<hbm>>
      %dma_start3A_247 = arith.constant 0 : i32
      %dma_start3A_248 = tpu.memref_slice %arg11[%add3A_240, %dma_start3A_247] : memref<256x64xf32, #tpu.memory_space<vmem>> -> memref<1x64xf32, #tpu.memory_space<vmem>>
      %dma_start3A_249 = tpu.memref_squeeze %dma_start3A_248 : memref<1x64xf32, #tpu.memory_space<vmem>> -> memref<64xf32, #tpu.memory_space<vmem>>
      %dma_start3A_250 = arith.constant 0 : i32
      %dma_start3A_251 = tpu.memref_slice %arg5[%squeeze3A_238, %dma_start3A_250] : memref<1000000x64xf32, #tpu.memory_space<hbm>> -> memref<1x64xf32, #tpu.memory_space<hbm>>
      %dma_start3A_252 = tpu.memref_squeeze %dma_start3A_251 : memref<1x64xf32, #tpu.memory_space<hbm>> -> memref<64xf32, #tpu.memory_space<hbm>>
      tpu.enqueue_dma source(%dma_start3A_252 : memref<64xf32, #tpu.memory_space<hbm>>) target(%dma_start3A_249 : memref<64xf32, #tpu.memory_space<vmem>>) target_semaphore(%arg12 : memref<!tpu.dma_semaphore, #tpu.memory_space<semaphore_mem>>)
      %slice3A_253 = vector.extract_strided_slice %get3A_26 {offsets = [7], sizes = [1], strides = [1]} : vector<16xi32> to vector<1xi32>
      %squeeze3A_254 = vector.extract %slice3A_253[0] : i32 from vector<1xi32>
      %add3A_255 = arith.constant 7 : i32
      %add3A_256 = arith.addi %mul3A_22, %add3A_255 : i32
      %dma_start3A_257 = arith.constant 0 : i32
      %dma_start3A_258 = tpu.memref_slice %arg10[%add3A_256, %dma_start3A_257] : memref<256x64xf32, #tpu.memory_space<vmem>> -> memref<1x64xf32, #tpu.memory_space<vmem>>
      %dma_start3A_259 = tpu.memref_squeeze %dma_start3A_258 : memref<1x64xf32, #tpu.memory_space<vmem>> -> memref<64xf32, #tpu.memory_space<vmem>>
      %dma_start3A_260 = arith.constant 0 : i32
      %dma_start3A_261 = tpu.memref_slice %arg4[%squeeze3A_254, %dma_start3A_260] : memref<1000000x64xf32, #tpu.memory_space<hbm>> -> memref<1x64xf32, #tpu.memory_space<hbm>>
      %dma_start3A_262 = tpu.memref_squeeze %dma_start3A_261 : memref<1x64xf32, #tpu.memory_space<hbm>> -> memref<64xf32, #tpu.memory_space<hbm>>
      %dma_start3A_263 = arith.constant 0 : i32
      %dma_start3A_264 = tpu.memref_slice %arg10[%add3A_256, %dma_start3A_263] : memref<256x64xf32, #tpu.memory_space<vmem>> -> memref<1x64xf32, #tpu.memory_space<vmem>>
      %dma_start3A_265 = tpu.memref_squeeze %dma_start3A_264 : memref<1x64xf32, #tpu.memory_space<vmem>> -> memref<64xf32, #tpu.memory_space<vmem>>
      %dma_start3A_266 = arith.constant 0 : i32
      %dma_start3A_267 = tpu.memref_slice %arg4[%squeeze3A_254, %dma_start3A_266] : memref<1000000x64xf32, #tpu.memory_space<hbm>> -> memref<1x64xf32, #tpu.memory_space<hbm>>
      %dma_start3A_268 = tpu.memref_squeeze %dma_start3A_267 : memref<1x64xf32, #tpu.memory_space<hbm>> -> memref<64xf32, #tpu.memory_space<hbm>>
      tpu.enqueue_dma source(%dma_start3A_268 : memref<64xf32, #tpu.memory_space<hbm>>) target(%dma_start3A_265 : memref<64xf32, #tpu.memory_space<vmem>>) target_semaphore(%arg12 : memref<!tpu.dma_semaphore, #tpu.memory_space<semaphore_mem>>)
      %slice3A_269 = vector.extract_strided_slice %get3A_31 {offsets = [7], sizes = [1], strides = [1]} : vector<16xi32> to vector<1xi32>
      %squeeze3A_270 = vector.extract %slice3A_269[0] : i32 from vector<1xi32>
      %add3A_271 = arith.constant 7 : i32
      %add3A_272 = arith.addi %mul3A_22, %add3A_271 : i32
      %dma_start3A_273 = arith.constant 0 : i32
      %dma_start3A_274 = tpu.memref_slice %arg11[%add3A_272, %dma_start3A_273] : memref<256x64xf32, #tpu.memory_space<vmem>> -> memref<1x64xf32, #tpu.memory_space<vmem>>
      %dma_start3A_275 = tpu.memref_squeeze %dma_start3A_274 : memref<1x64xf32, #tpu.memory_space<vmem>> -> memref<64xf32, #tpu.memory_space<vmem>>
      %dma_start3A_276 = arith.constant 0 : i32
      %dma_start3A_277 = tpu.memref_slice %arg5[%squeeze3A_270, %dma_start3A_276] : memref<1000000x64xf32, #tpu.memory_space<hbm>> -> memref<1x64xf32, #tpu.memory_space<hbm>>
      %dma_start3A_278 = tpu.memref_squeeze %dma_start3A_277 : memref<1x64xf32, #tpu.memory_space<hbm>> -> memref<64xf32, #tpu.memory_space<hbm>>
      %dma_start3A_279 = arith.constant 0 : i32
      %dma_start3A_280 = tpu.memref_slice %arg11[%add3A_272, %dma_start3A_279] : memref<256x64xf32, #tpu.memory_space<vmem>> -> memref<1x64xf32, #tpu.memory_space<vmem>>
      %dma_start3A_281 = tpu.memref_squeeze %dma_start3A_280 : memref<1x64xf32, #tpu.memory_space<vmem>> -> memref<64xf32, #tpu.memory_space<vmem>>
      %dma_start3A_282 = arith.constant 0 : i32
      %dma_start3A_283 = tpu.memref_slice %arg5[%squeeze3A_270, %dma_start3A_282] : memref<1000000x64xf32, #tpu.memory_space<hbm>> -> memref<1x64xf32, #tpu.memory_space<hbm>>
      %dma_start3A_284 = tpu.memref_squeeze %dma_start3A_283 : memref<1x64xf32, #tpu.memory_space<hbm>> -> memref<64xf32, #tpu.memory_space<hbm>>
      tpu.enqueue_dma source(%dma_start3A_284 : memref<64xf32, #tpu.memory_space<hbm>>) target(%dma_start3A_281 : memref<64xf32, #tpu.memory_space<vmem>>) target_semaphore(%arg12 : memref<!tpu.dma_semaphore, #tpu.memory_space<semaphore_mem>>)
      %slice3A_285 = vector.extract_strided_slice %get3A_26 {offsets = [8], sizes = [1], strides = [1]} : vector<16xi32> to vector<1xi32>
      %squeeze3A_286 = vector.extract %slice3A_285[0] : i32 from vector<1xi32>
      %add3A_287 = arith.constant 8 : i32
      %add3A_288 = arith.addi %mul3A_22, %add3A_287 : i32
      %dma_start3A_289 = arith.constant 0 : i32
      %dma_start3A_290 = tpu.memref_slice %arg10[%add3A_288, %dma_start3A_289] : memref<256x64xf32, #tpu.memory_space<vmem>> -> memref<1x64xf32, #tpu.memory_space<vmem>>
      %dma_start3A_291 = tpu.memref_squeeze %dma_start3A_290 : memref<1x64xf32, #tpu.memory_space<vmem>> -> memref<64xf32, #tpu.memory_space<vmem>>
      %dma_start3A_292 = arith.constant 0 : i32
      %dma_start3A_293 = tpu.memref_slice %arg4[%squeeze3A_286, %dma_start3A_292] : memref<1000000x64xf32, #tpu.memory_space<hbm>> -> memref<1x64xf32, #tpu.memory_space<hbm>>
      %dma_start3A_294 = tpu.memref_squeeze %dma_start3A_293 : memref<1x64xf32, #tpu.memory_space<hbm>> -> memref<64xf32, #tpu.memory_space<hbm>>
      %dma_start3A_295 = arith.constant 0 : i32
      %dma_start3A_296 = tpu.memref_slice %arg10[%add3A_288, %dma_start3A_295] : memref<256x64xf32, #tpu.memory_space<vmem>> -> memref<1x64xf32, #tpu.memory_space<vmem>>
      %dma_start3A_297 = tpu.memref_squeeze %dma_start3A_296 : memref<1x64xf32, #tpu.memory_space<vmem>> -> memref<64xf32, #tpu.memory_space<vmem>>
      %dma_start3A_298 = arith.constant 0 : i32
      %dma_start3A_299 = tpu.memref_slice %arg4[%squeeze3A_286, %dma_start3A_298] : memref<1000000x64xf32, #tpu.memory_space<hbm>> -> memref<1x64xf32, #tpu.memory_space<hbm>>
      %dma_start3A_300 = tpu.memref_squeeze %dma_start3A_299 : memref<1x64xf32, #tpu.memory_space<hbm>> -> memref<64xf32, #tpu.memory_space<hbm>>
      tpu.enqueue_dma source(%dma_start3A_300 : memref<64xf32, #tpu.memory_space<hbm>>) target(%dma_start3A_297 : memref<64xf32, #tpu.memory_space<vmem>>) target_semaphore(%arg12 : memref<!tpu.dma_semaphore, #tpu.memory_space<semaphore_mem>>)
      %slice3A_301 = vector.extract_strided_slice %get3A_31 {offsets = [8], sizes = [1], strides = [1]} : vector<16xi32> to vector<1xi32>
      %squeeze3A_302 = vector.extract %slice3A_301[0] : i32 from vector<1xi32>
      %add3A_303 = arith.constant 8 : i32
      %add3A_304 = arith.addi %mul3A_22, %add3A_303 : i32
      %dma_start3A_305 = arith.constant 0 : i32
      %dma_start3A_306 = tpu.memref_slice %arg11[%add3A_304, %dma_start3A_305] : memref<256x64xf32, #tpu.memory_space<vmem>> -> memref<1x64xf32, #tpu.memory_space<vmem>>
      %dma_start3A_307 = tpu.memref_squeeze %dma_start3A_306 : memref<1x64xf32, #tpu.memory_space<vmem>> -> memref<64xf32, #tpu.memory_space<vmem>>
      %dma_start3A_308 = arith.constant 0 : i32
      %dma_start3A_309 = tpu.memref_slice %arg5[%squeeze3A_302, %dma_start3A_308] : memref<1000000x64xf32, #tpu.memory_space<hbm>> -> memref<1x64xf32, #tpu.memory_space<hbm>>
      %dma_start3A_310 = tpu.memref_squeeze %dma_start3A_309 : memref<1x64xf32, #tpu.memory_space<hbm>> -> memref<64xf32, #tpu.memory_space<hbm>>
      %dma_start3A_311 = arith.constant 0 : i32
      %dma_start3A_312 = tpu.memref_slice %arg11[%add3A_304, %dma_start3A_311] : memref<256x64xf32, #tpu.memory_space<vmem>> -> memref<1x64xf32, #tpu.memory_space<vmem>>
      %dma_start3A_313 = tpu.memref_squeeze %dma_start3A_312 : memref<1x64xf32, #tpu.memory_space<vmem>> -> memref<64xf32, #tpu.memory_space<vmem>>
      %dma_start3A_314 = arith.constant 0 : i32
      %dma_start3A_315 = tpu.memref_slice %arg5[%squeeze3A_302, %dma_start3A_314] : memref<1000000x64xf32, #tpu.memory_space<hbm>> -> memref<1x64xf32, #tpu.memory_space<hbm>>
      %dma_start3A_316 = tpu.memref_squeeze %dma_start3A_315 : memref<1x64xf32, #tpu.memory_space<hbm>> -> memref<64xf32, #tpu.memory_space<hbm>>
      tpu.enqueue_dma source(%dma_start3A_316 : memref<64xf32, #tpu.memory_space<hbm>>) target(%dma_start3A_313 : memref<64xf32, #tpu.memory_space<vmem>>) target_semaphore(%arg12 : memref<!tpu.dma_semaphore, #tpu.memory_space<semaphore_mem>>)
      %slice3A_317 = vector.extract_strided_slice %get3A_26 {offsets = [9], sizes = [1], strides = [1]} : vector<16xi32> to vector<1xi32>
      %squeeze3A_318 = vector.extract %slice3A_317[0] : i32 from vector<1xi32>
      %add3A_319 = arith.constant 9 : i32
      %add3A_320 = arith.addi %mul3A_22, %add3A_319 : i32
      %dma_start3A_321 = arith.constant 0 : i32
      %dma_start3A_322 = tpu.memref_slice %arg10[%add3A_320, %dma_start3A_321] : memref<256x64xf32, #tpu.memory_space<vmem>> -> memref<1x64xf32, #tpu.memory_space<vmem>>
      %dma_start3A_323 = tpu.memref_squeeze %dma_start3A_322 : memref<1x64xf32, #tpu.memory_space<vmem>> -> memref<64xf32, #tpu.memory_space<vmem>>
      %dma_start3A_324 = arith.constant 0 : i32
      %dma_start3A_325 = tpu.memref_slice %arg4[%squeeze3A_318, %dma_start3A_324] : memref<1000000x64xf32, #tpu.memory_space<hbm>> -> memref<1x64xf32, #tpu.memory_space<hbm>>
      %dma_start3A_326 = tpu.memref_squeeze %dma_start3A_325 : memref<1x64xf32, #tpu.memory_space<hbm>> -> memref<64xf32, #tpu.memory_space<hbm>>
      %dma_start3A_327 = arith.constant 0 : i32
      %dma_start3A_328 = tpu.memref_slice %arg10[%add3A_320, %dma_start3A_327] : memref<256x64xf32, #tpu.memory_space<vmem>> -> memref<1x64xf32, #tpu.memory_space<vmem>>
      %dma_start3A_329 = tpu.memref_squeeze %dma_start3A_328 : memref<1x64xf32, #tpu.memory_space<vmem>> -> memref<64xf32, #tpu.memory_space<vmem>>
      %dma_start3A_330 = arith.constant 0 : i32
      %dma_start3A_331 = tpu.memref_slice %arg4[%squeeze3A_318, %dma_start3A_330] : memref<1000000x64xf32, #tpu.memory_space<hbm>> -> memref<1x64xf32, #tpu.memory_space<hbm>>
      %dma_start3A_332 = tpu.memref_squeeze %dma_start3A_331 : memref<1x64xf32, #tpu.memory_space<hbm>> -> memref<64xf32, #tpu.memory_space<hbm>>
      tpu.enqueue_dma source(%dma_start3A_332 : memref<64xf32, #tpu.memory_space<hbm>>) target(%dma_start3A_329 : memref<64xf32, #tpu.memory_space<vmem>>) target_semaphore(%arg12 : memref<!tpu.dma_semaphore, #tpu.memory_space<semaphore_mem>>)
      %slice3A_333 = vector.extract_strided_slice %get3A_31 {offsets = [9], sizes = [1], strides = [1]} : vector<16xi32> to vector<1xi32>
      %squeeze3A_334 = vector.extract %slice3A_333[0] : i32 from vector<1xi32>
      %add3A_335 = arith.constant 9 : i32
      %add3A_336 = arith.addi %mul3A_22, %add3A_335 : i32
      %dma_start3A_337 = arith.constant 0 : i32
      %dma_start3A_338 = tpu.memref_slice %arg11[%add3A_336, %dma_start3A_337] : memref<256x64xf32, #tpu.memory_space<vmem>> -> memref<1x64xf32, #tpu.memory_space<vmem>>
      %dma_start3A_339 = tpu.memref_squeeze %dma_start3A_338 : memref<1x64xf32, #tpu.memory_space<vmem>> -> memref<64xf32, #tpu.memory_space<vmem>>
      %dma_start3A_340 = arith.constant 0 : i32
      %dma_start3A_341 = tpu.memref_slice %arg5[%squeeze3A_334, %dma_start3A_340] : memref<1000000x64xf32, #tpu.memory_space<hbm>> -> memref<1x64xf32, #tpu.memory_space<hbm>>
      %dma_start3A_342 = tpu.memref_squeeze %dma_start3A_341 : memref<1x64xf32, #tpu.memory_space<hbm>> -> memref<64xf32, #tpu.memory_space<hbm>>
      %dma_start3A_343 = arith.constant 0 : i32
      %dma_start3A_344 = tpu.memref_slice %arg11[%add3A_336, %dma_start3A_343] : memref<256x64xf32, #tpu.memory_space<vmem>> -> memref<1x64xf32, #tpu.memory_space<vmem>>
      %dma_start3A_345 = tpu.memref_squeeze %dma_start3A_344 : memref<1x64xf32, #tpu.memory_space<vmem>> -> memref<64xf32, #tpu.memory_space<vmem>>
      %dma_start3A_346 = arith.constant 0 : i32
      %dma_start3A_347 = tpu.memref_slice %arg5[%squeeze3A_334, %dma_start3A_346] : memref<1000000x64xf32, #tpu.memory_space<hbm>> -> memref<1x64xf32, #tpu.memory_space<hbm>>
      %dma_start3A_348 = tpu.memref_squeeze %dma_start3A_347 : memref<1x64xf32, #tpu.memory_space<hbm>> -> memref<64xf32, #tpu.memory_space<hbm>>
      tpu.enqueue_dma source(%dma_start3A_348 : memref<64xf32, #tpu.memory_space<hbm>>) target(%dma_start3A_345 : memref<64xf32, #tpu.memory_space<vmem>>) target_semaphore(%arg12 : memref<!tpu.dma_semaphore, #tpu.memory_space<semaphore_mem>>)
      %slice3A_349 = vector.extract_strided_slice %get3A_26 {offsets = [10], sizes = [1], strides = [1]} : vector<16xi32> to vector<1xi32>
      %squeeze3A_350 = vector.extract %slice3A_349[0] : i32 from vector<1xi32>
      %add3A_351 = arith.constant 10 : i32
      %add3A_352 = arith.addi %mul3A_22, %add3A_351 : i32
      %dma_start3A_353 = arith.constant 0 : i32
      %dma_start3A_354 = tpu.memref_slice %arg10[%add3A_352, %dma_start3A_353] : memref<256x64xf32, #tpu.memory_space<vmem>> -> memref<1x64xf32, #tpu.memory_space<vmem>>
      %dma_start3A_355 = tpu.memref_squeeze %dma_start3A_354 : memref<1x64xf32, #tpu.memory_space<vmem>> -> memref<64xf32, #tpu.memory_space<vmem>>
      %dma_start3A_356 = arith.constant 0 : i32
      %dma_start3A_357 = tpu.memref_slice %arg4[%squeeze3A_350, %dma_start3A_356] : memref<1000000x64xf32, #tpu.memory_space<hbm>> -> memref<1x64xf32, #tpu.memory_space<hbm>>
      %dma_start3A_358 = tpu.memref_squeeze %dma_start3A_357 : memref<1x64xf32, #tpu.memory_space<hbm>> -> memref<64xf32, #tpu.memory_space<hbm>>
      %dma_start3A_359 = arith.constant 0 : i32
      %dma_start3A_360 = tpu.memref_slice %arg10[%add3A_352, %dma_start3A_359] : memref<256x64xf32, #tpu.memory_space<vmem>> -> memref<1x64xf32, #tpu.memory_space<vmem>>
      %dma_start3A_361 = tpu.memref_squeeze %dma_start3A_360 : memref<1x64xf32, #tpu.memory_space<vmem>> -> memref<64xf32, #tpu.memory_space<vmem>>
      %dma_start3A_362 = arith.constant 0 : i32
      %dma_start3A_363 = tpu.memref_slice %arg4[%squeeze3A_350, %dma_start3A_362] : memref<1000000x64xf32, #tpu.memory_space<hbm>> -> memref<1x64xf32, #tpu.memory_space<hbm>>
      %dma_start3A_364 = tpu.memref_squeeze %dma_start3A_363 : memref<1x64xf32, #tpu.memory_space<hbm>> -> memref<64xf32, #tpu.memory_space<hbm>>
      tpu.enqueue_dma source(%dma_start3A_364 : memref<64xf32, #tpu.memory_space<hbm>>) target(%dma_start3A_361 : memref<64xf32, #tpu.memory_space<vmem>>) target_semaphore(%arg12 : memref<!tpu.dma_semaphore, #tpu.memory_space<semaphore_mem>>)
      %slice3A_365 = vector.extract_strided_slice %get3A_31 {offsets = [10], sizes = [1], strides = [1]} : vector<16xi32> to vector<1xi32>
      %squeeze3A_366 = vector.extract %slice3A_365[0] : i32 from vector<1xi32>
      %add3A_367 = arith.constant 10 : i32
      %add3A_368 = arith.addi %mul3A_22, %add3A_367 : i32
      %dma_start3A_369 = arith.constant 0 : i32
      %dma_start3A_370 = tpu.memref_slice %arg11[%add3A_368, %dma_start3A_369] : memref<256x64xf32, #tpu.memory_space<vmem>> -> memref<1x64xf32, #tpu.memory_space<vmem>>
      %dma_start3A_371 = tpu.memref_squeeze %dma_start3A_370 : memref<1x64xf32, #tpu.memory_space<vmem>> -> memref<64xf32, #tpu.memory_space<vmem>>
      %dma_start3A_372 = arith.constant 0 : i32
      %dma_start3A_373 = tpu.memref_slice %arg5[%squeeze3A_366, %dma_start3A_372] : memref<1000000x64xf32, #tpu.memory_space<hbm>> -> memref<1x64xf32, #tpu.memory_space<hbm>>
      %dma_start3A_374 = tpu.memref_squeeze %dma_start3A_373 : memref<1x64xf32, #tpu.memory_space<hbm>> -> memref<64xf32, #tpu.memory_space<hbm>>
      %dma_start3A_375 = arith.constant 0 : i32
      %dma_start3A_376 = tpu.memref_slice %arg11[%add3A_368, %dma_start3A_375] : memref<256x64xf32, #tpu.memory_space<vmem>> -> memref<1x64xf32, #tpu.memory_space<vmem>>
      %dma_start3A_377 = tpu.memref_squeeze %dma_start3A_376 : memref<1x64xf32, #tpu.memory_space<vmem>> -> memref<64xf32, #tpu.memory_space<vmem>>
      %dma_start3A_378 = arith.constant 0 : i32
      %dma_start3A_379 = tpu.memref_slice %arg5[%squeeze3A_366, %dma_start3A_378] : memref<1000000x64xf32, #tpu.memory_space<hbm>> -> memref<1x64xf32, #tpu.memory_space<hbm>>
      %dma_start3A_380 = tpu.memref_squeeze %dma_start3A_379 : memref<1x64xf32, #tpu.memory_space<hbm>> -> memref<64xf32, #tpu.memory_space<hbm>>
      tpu.enqueue_dma source(%dma_start3A_380 : memref<64xf32, #tpu.memory_space<hbm>>) target(%dma_start3A_377 : memref<64xf32, #tpu.memory_space<vmem>>) target_semaphore(%arg12 : memref<!tpu.dma_semaphore, #tpu.memory_space<semaphore_mem>>)
      %slice3A_381 = vector.extract_strided_slice %get3A_26 {offsets = [11], sizes = [1], strides = [1]} : vector<16xi32> to vector<1xi32>
      %squeeze3A_382 = vector.extract %slice3A_381[0] : i32 from vector<1xi32>
      %add3A_383 = arith.constant 11 : i32
      %add3A_384 = arith.addi %mul3A_22, %add3A_383 : i32
      %dma_start3A_385 = arith.constant 0 : i32
      %dma_start3A_386 = tpu.memref_slice %arg10[%add3A_384, %dma_start3A_385] : memref<256x64xf32, #tpu.memory_space<vmem>> -> memref<1x64xf32, #tpu.memory_space<vmem>>
      %dma_start3A_387 = tpu.memref_squeeze %dma_start3A_386 : memref<1x64xf32, #tpu.memory_space<vmem>> -> memref<64xf32, #tpu.memory_space<vmem>>
      %dma_start3A_388 = arith.constant 0 : i32
      %dma_start3A_389 = tpu.memref_slice %arg4[%squeeze3A_382, %dma_start3A_388] : memref<1000000x64xf32, #tpu.memory_space<hbm>> -> memref<1x64xf32, #tpu.memory_space<hbm>>
      %dma_start3A_390 = tpu.memref_squeeze %dma_start3A_389 : memref<1x64xf32, #tpu.memory_space<hbm>> -> memref<64xf32, #tpu.memory_space<hbm>>
      %dma_start3A_391 = arith.constant 0 : i32
      %dma_start3A_392 = tpu.memref_slice %arg10[%add3A_384, %dma_start3A_391] : memref<256x64xf32, #tpu.memory_space<vmem>> -> memref<1x64xf32, #tpu.memory_space<vmem>>
      %dma_start3A_393 = tpu.memref_squeeze %dma_start3A_392 : memref<1x64xf32, #tpu.memory_space<vmem>> -> memref<64xf32, #tpu.memory_space<vmem>>
      %dma_start3A_394 = arith.constant 0 : i32
      %dma_start3A_395 = tpu.memref_slice %arg4[%squeeze3A_382, %dma_start3A_394] : memref<1000000x64xf32, #tpu.memory_space<hbm>> -> memref<1x64xf32, #tpu.memory_space<hbm>>
      %dma_start3A_396 = tpu.memref_squeeze %dma_start3A_395 : memref<1x64xf32, #tpu.memory_space<hbm>> -> memref<64xf32, #tpu.memory_space<hbm>>
      tpu.enqueue_dma source(%dma_start3A_396 : memref<64xf32, #tpu.memory_space<hbm>>) target(%dma_start3A_393 : memref<64xf32, #tpu.memory_space<vmem>>) target_semaphore(%arg12 : memref<!tpu.dma_semaphore, #tpu.memory_space<semaphore_mem>>)
      %slice3A_397 = vector.extract_strided_slice %get3A_31 {offsets = [11], sizes = [1], strides = [1]} : vector<16xi32> to vector<1xi32>
      %squeeze3A_398 = vector.extract %slice3A_397[0] : i32 from vector<1xi32>
      %add3A_399 = arith.constant 11 : i32
      %add3A_400 = arith.addi %mul3A_22, %add3A_399 : i32
      %dma_start3A_401 = arith.constant 0 : i32
      %dma_start3A_402 = tpu.memref_slice %arg11[%add3A_400, %dma_start3A_401] : memref<256x64xf32, #tpu.memory_space<vmem>> -> memref<1x64xf32, #tpu.memory_space<vmem>>
      %dma_start3A_403 = tpu.memref_squeeze %dma_start3A_402 : memref<1x64xf32, #tpu.memory_space<vmem>> -> memref<64xf32, #tpu.memory_space<vmem>>
      %dma_start3A_404 = arith.constant 0 : i32
      %dma_start3A_405 = tpu.memref_slice %arg5[%squeeze3A_398, %dma_start3A_404] : memref<1000000x64xf32, #tpu.memory_space<hbm>> -> memref<1x64xf32, #tpu.memory_space<hbm>>
      %dma_start3A_406 = tpu.memref_squeeze %dma_start3A_405 : memref<1x64xf32, #tpu.memory_space<hbm>> -> memref<64xf32, #tpu.memory_space<hbm>>
      %dma_start3A_407 = arith.constant 0 : i32
      %dma_start3A_408 = tpu.memref_slice %arg11[%add3A_400, %dma_start3A_407] : memref<256x64xf32, #tpu.memory_space<vmem>> -> memref<1x64xf32, #tpu.memory_space<vmem>>
      %dma_start3A_409 = tpu.memref_squeeze %dma_start3A_408 : memref<1x64xf32, #tpu.memory_space<vmem>> -> memref<64xf32, #tpu.memory_space<vmem>>
      %dma_start3A_410 = arith.constant 0 : i32
      %dma_start3A_411 = tpu.memref_slice %arg5[%squeeze3A_398, %dma_start3A_410] : memref<1000000x64xf32, #tpu.memory_space<hbm>> -> memref<1x64xf32, #tpu.memory_space<hbm>>
      %dma_start3A_412 = tpu.memref_squeeze %dma_start3A_411 : memref<1x64xf32, #tpu.memory_space<hbm>> -> memref<64xf32, #tpu.memory_space<hbm>>
      tpu.enqueue_dma source(%dma_start3A_412 : memref<64xf32, #tpu.memory_space<hbm>>) target(%dma_start3A_409 : memref<64xf32, #tpu.memory_space<vmem>>) target_semaphore(%arg12 : memref<!tpu.dma_semaphore, #tpu.memory_space<semaphore_mem>>)
      %slice3A_413 = vector.extract_strided_slice %get3A_26 {offsets = [12], sizes = [1], strides = [1]} : vector<16xi32> to vector<1xi32>
      %squeeze3A_414 = vector.extract %slice3A_413[0] : i32 from vector<1xi32>
      %add3A_415 = arith.constant 12 : i32
      %add3A_416 = arith.addi %mul3A_22, %add3A_415 : i32
      %dma_start3A_417 = arith.constant 0 : i32
      %dma_start3A_418 = tpu.memref_slice %arg10[%add3A_416, %dma_start3A_417] : memref<256x64xf32, #tpu.memory_space<vmem>> -> memref<1x64xf32, #tpu.memory_space<vmem>>
      %dma_start3A_419 = tpu.memref_squeeze %dma_start3A_418 : memref<1x64xf32, #tpu.memory_space<vmem>> -> memref<64xf32, #tpu.memory_space<vmem>>
      %dma_start3A_420 = arith.constant 0 : i32
      %dma_start3A_421 = tpu.memref_slice %arg4[%squeeze3A_414, %dma_start3A_420] : memref<1000000x64xf32, #tpu.memory_space<hbm>> -> memref<1x64xf32, #tpu.memory_space<hbm>>
      %dma_start3A_422 = tpu.memref_squeeze %dma_start3A_421 : memref<1x64xf32, #tpu.memory_space<hbm>> -> memref<64xf32, #tpu.memory_space<hbm>>
      %dma_start3A_423 = arith.constant 0 : i32
      %dma_start3A_424 = tpu.memref_slice %arg10[%add3A_416, %dma_start3A_423] : memref<256x64xf32, #tpu.memory_space<vmem>> -> memref<1x64xf32, #tpu.memory_space<vmem>>
      %dma_start3A_425 = tpu.memref_squeeze %dma_start3A_424 : memref<1x64xf32, #tpu.memory_space<vmem>> -> memref<64xf32, #tpu.memory_space<vmem>>
      %dma_start3A_426 = arith.constant 0 : i32
      %dma_start3A_427 = tpu.memref_slice %arg4[%squeeze3A_414, %dma_start3A_426] : memref<1000000x64xf32, #tpu.memory_space<hbm>> -> memref<1x64xf32, #tpu.memory_space<hbm>>
      %dma_start3A_428 = tpu.memref_squeeze %dma_start3A_427 : memref<1x64xf32, #tpu.memory_space<hbm>> -> memref<64xf32, #tpu.memory_space<hbm>>
      tpu.enqueue_dma source(%dma_start3A_428 : memref<64xf32, #tpu.memory_space<hbm>>) target(%dma_start3A_425 : memref<64xf32, #tpu.memory_space<vmem>>) target_semaphore(%arg12 : memref<!tpu.dma_semaphore, #tpu.memory_space<semaphore_mem>>)
      %slice3A_429 = vector.extract_strided_slice %get3A_31 {offsets = [12], sizes = [1], strides = [1]} : vector<16xi32> to vector<1xi32>
      %squeeze3A_430 = vector.extract %slice3A_429[0] : i32 from vector<1xi32>
      %add3A_431 = arith.constant 12 : i32
      %add3A_432 = arith.addi %mul3A_22, %add3A_431 : i32
      %dma_start3A_433 = arith.constant 0 : i32
      %dma_start3A_434 = tpu.memref_slice %arg11[%add3A_432, %dma_start3A_433] : memref<256x64xf32, #tpu.memory_space<vmem>> -> memref<1x64xf32, #tpu.memory_space<vmem>>
      %dma_start3A_435 = tpu.memref_squeeze %dma_start3A_434 : memref<1x64xf32, #tpu.memory_space<vmem>> -> memref<64xf32, #tpu.memory_space<vmem>>
      %dma_start3A_436 = arith.constant 0 : i32
      %dma_start3A_437 = tpu.memref_slice %arg5[%squeeze3A_430, %dma_start3A_436] : memref<1000000x64xf32, #tpu.memory_space<hbm>> -> memref<1x64xf32, #tpu.memory_space<hbm>>
      %dma_start3A_438 = tpu.memref_squeeze %dma_start3A_437 : memref<1x64xf32, #tpu.memory_space<hbm>> -> memref<64xf32, #tpu.memory_space<hbm>>
      %dma_start3A_439 = arith.constant 0 : i32
      %dma_start3A_440 = tpu.memref_slice %arg11[%add3A_432, %dma_start3A_439] : memref<256x64xf32, #tpu.memory_space<vmem>> -> memref<1x64xf32, #tpu.memory_space<vmem>>
      %dma_start3A_441 = tpu.memref_squeeze %dma_start3A_440 : memref<1x64xf32, #tpu.memory_space<vmem>> -> memref<64xf32, #tpu.memory_space<vmem>>
      %dma_start3A_442 = arith.constant 0 : i32
      %dma_start3A_443 = tpu.memref_slice %arg5[%squeeze3A_430, %dma_start3A_442] : memref<1000000x64xf32, #tpu.memory_space<hbm>> -> memref<1x64xf32, #tpu.memory_space<hbm>>
      %dma_start3A_444 = tpu.memref_squeeze %dma_start3A_443 : memref<1x64xf32, #tpu.memory_space<hbm>> -> memref<64xf32, #tpu.memory_space<hbm>>
      tpu.enqueue_dma source(%dma_start3A_444 : memref<64xf32, #tpu.memory_space<hbm>>) target(%dma_start3A_441 : memref<64xf32, #tpu.memory_space<vmem>>) target_semaphore(%arg12 : memref<!tpu.dma_semaphore, #tpu.memory_space<semaphore_mem>>)
      %slice3A_445 = vector.extract_strided_slice %get3A_26 {offsets = [13], sizes = [1], strides = [1]} : vector<16xi32> to vector<1xi32>
      %squeeze3A_446 = vector.extract %slice3A_445[0] : i32 from vector<1xi32>
      %add3A_447 = arith.constant 13 : i32
      %add3A_448 = arith.addi %mul3A_22, %add3A_447 : i32
      %dma_start3A_449 = arith.constant 0 : i32
      %dma_start3A_450 = tpu.memref_slice %arg10[%add3A_448, %dma_start3A_449] : memref<256x64xf32, #tpu.memory_space<vmem>> -> memref<1x64xf32, #tpu.memory_space<vmem>>
      %dma_start3A_451 = tpu.memref_squeeze %dma_start3A_450 : memref<1x64xf32, #tpu.memory_space<vmem>> -> memref<64xf32, #tpu.memory_space<vmem>>
      %dma_start3A_452 = arith.constant 0 : i32
      %dma_start3A_453 = tpu.memref_slice %arg4[%squeeze3A_446, %dma_start3A_452] : memref<1000000x64xf32, #tpu.memory_space<hbm>> -> memref<1x64xf32, #tpu.memory_space<hbm>>
      %dma_start3A_454 = tpu.memref_squeeze %dma_start3A_453 : memref<1x64xf32, #tpu.memory_space<hbm>> -> memref<64xf32, #tpu.memory_space<hbm>>
      %dma_start3A_455 = arith.constant 0 : i32
      %dma_start3A_456 = tpu.memref_slice %arg10[%add3A_448, %dma_start3A_455] : memref<256x64xf32, #tpu.memory_space<vmem>> -> memref<1x64xf32, #tpu.memory_space<vmem>>
      %dma_start3A_457 = tpu.memref_squeeze %dma_start3A_456 : memref<1x64xf32, #tpu.memory_space<vmem>> -> memref<64xf32, #tpu.memory_space<vmem>>
      %dma_start3A_458 = arith.constant 0 : i32
      %dma_start3A_459 = tpu.memref_slice %arg4[%squeeze3A_446, %dma_start3A_458] : memref<1000000x64xf32, #tpu.memory_space<hbm>> -> memref<1x64xf32, #tpu.memory_space<hbm>>
      %dma_start3A_460 = tpu.memref_squeeze %dma_start3A_459 : memref<1x64xf32, #tpu.memory_space<hbm>> -> memref<64xf32, #tpu.memory_space<hbm>>
      tpu.enqueue_dma source(%dma_start3A_460 : memref<64xf32, #tpu.memory_space<hbm>>) target(%dma_start3A_457 : memref<64xf32, #tpu.memory_space<vmem>>) target_semaphore(%arg12 : memref<!tpu.dma_semaphore, #tpu.memory_space<semaphore_mem>>)
      %slice3A_461 = vector.extract_strided_slice %get3A_31 {offsets = [13], sizes = [1], strides = [1]} : vector<16xi32> to vector<1xi32>
      %squeeze3A_462 = vector.extract %slice3A_461[0] : i32 from vector<1xi32>
      %add3A_463 = arith.constant 13 : i32
      %add3A_464 = arith.addi %mul3A_22, %add3A_463 : i32
      %dma_start3A_465 = arith.constant 0 : i32
      %dma_start3A_466 = tpu.memref_slice %arg11[%add3A_464, %dma_start3A_465] : memref<256x64xf32, #tpu.memory_space<vmem>> -> memref<1x64xf32, #tpu.memory_space<vmem>>
      %dma_start3A_467 = tpu.memref_squeeze %dma_start3A_466 : memref<1x64xf32, #tpu.memory_space<vmem>> -> memref<64xf32, #tpu.memory_space<vmem>>
      %dma_start3A_468 = arith.constant 0 : i32
      %dma_start3A_469 = tpu.memref_slice %arg5[%squeeze3A_462, %dma_start3A_468] : memref<1000000x64xf32, #tpu.memory_space<hbm>> -> memref<1x64xf32, #tpu.memory_space<hbm>>
      %dma_start3A_470 = tpu.memref_squeeze %dma_start3A_469 : memref<1x64xf32, #tpu.memory_space<hbm>> -> memref<64xf32, #tpu.memory_space<hbm>>
      %dma_start3A_471 = arith.constant 0 : i32
      %dma_start3A_472 = tpu.memref_slice %arg11[%add3A_464, %dma_start3A_471] : memref<256x64xf32, #tpu.memory_space<vmem>> -> memref<1x64xf32, #tpu.memory_space<vmem>>
      %dma_start3A_473 = tpu.memref_squeeze %dma_start3A_472 : memref<1x64xf32, #tpu.memory_space<vmem>> -> memref<64xf32, #tpu.memory_space<vmem>>
      %dma_start3A_474 = arith.constant 0 : i32
      %dma_start3A_475 = tpu.memref_slice %arg5[%squeeze3A_462, %dma_start3A_474] : memref<1000000x64xf32, #tpu.memory_space<hbm>> -> memref<1x64xf32, #tpu.memory_space<hbm>>
      %dma_start3A_476 = tpu.memref_squeeze %dma_start3A_475 : memref<1x64xf32, #tpu.memory_space<hbm>> -> memref<64xf32, #tpu.memory_space<hbm>>
      tpu.enqueue_dma source(%dma_start3A_476 : memref<64xf32, #tpu.memory_space<hbm>>) target(%dma_start3A_473 : memref<64xf32, #tpu.memory_space<vmem>>) target_semaphore(%arg12 : memref<!tpu.dma_semaphore, #tpu.memory_space<semaphore_mem>>)
      %slice3A_477 = vector.extract_strided_slice %get3A_26 {offsets = [14], sizes = [1], strides = [1]} : vector<16xi32> to vector<1xi32>
      %squeeze3A_478 = vector.extract %slice3A_477[0] : i32 from vector<1xi32>
      %add3A_479 = arith.constant 14 : i32
      %add3A_480 = arith.addi %mul3A_22, %add3A_479 : i32
      %dma_start3A_481 = arith.constant 0 : i32
      %dma_start3A_482 = tpu.memref_slice %arg10[%add3A_480, %dma_start3A_481] : memref<256x64xf32, #tpu.memory_space<vmem>> -> memref<1x64xf32, #tpu.memory_space<vmem>>
      %dma_start3A_483 = tpu.memref_squeeze %dma_start3A_482 : memref<1x64xf32, #tpu.memory_space<vmem>> -> memref<64xf32, #tpu.memory_space<vmem>>
      %dma_start3A_484 = arith.constant 0 : i32
      %dma_start3A_485 = tpu.memref_slice %arg4[%squeeze3A_478, %dma_start3A_484] : memref<1000000x64xf32, #tpu.memory_space<hbm>> -> memref<1x64xf32, #tpu.memory_space<hbm>>
      %dma_start3A_486 = tpu.memref_squeeze %dma_start3A_485 : memref<1x64xf32, #tpu.memory_space<hbm>> -> memref<64xf32, #tpu.memory_space<hbm>>
      %dma_start3A_487 = arith.constant 0 : i32
      %dma_start3A_488 = tpu.memref_slice %arg10[%add3A_480, %dma_start3A_487] : memref<256x64xf32, #tpu.memory_space<vmem>> -> memref<1x64xf32, #tpu.memory_space<vmem>>
      %dma_start3A_489 = tpu.memref_squeeze %dma_start3A_488 : memref<1x64xf32, #tpu.memory_space<vmem>> -> memref<64xf32, #tpu.memory_space<vmem>>
      %dma_start3A_490 = arith.constant 0 : i32
      %dma_start3A_491 = tpu.memref_slice %arg4[%squeeze3A_478, %dma_start3A_490] : memref<1000000x64xf32, #tpu.memory_space<hbm>> -> memref<1x64xf32, #tpu.memory_space<hbm>>
      %dma_start3A_492 = tpu.memref_squeeze %dma_start3A_491 : memref<1x64xf32, #tpu.memory_space<hbm>> -> memref<64xf32, #tpu.memory_space<hbm>>
      tpu.enqueue_dma source(%dma_start3A_492 : memref<64xf32, #tpu.memory_space<hbm>>) target(%dma_start3A_489 : memref<64xf32, #tpu.memory_space<vmem>>) target_semaphore(%arg12 : memref<!tpu.dma_semaphore, #tpu.memory_space<semaphore_mem>>)
      %slice3A_493 = vector.extract_strided_slice %get3A_31 {offsets = [14], sizes = [1], strides = [1]} : vector<16xi32> to vector<1xi32>
      %squeeze3A_494 = vector.extract %slice3A_493[0] : i32 from vector<1xi32>
      %add3A_495 = arith.constant 14 : i32
      %add3A_496 = arith.addi %mul3A_22, %add3A_495 : i32
      %dma_start3A_497 = arith.constant 0 : i32
      %dma_start3A_498 = tpu.memref_slice %arg11[%add3A_496, %dma_start3A_497] : memref<256x64xf32, #tpu.memory_space<vmem>> -> memref<1x64xf32, #tpu.memory_space<vmem>>
      %dma_start3A_499 = tpu.memref_squeeze %dma_start3A_498 : memref<1x64xf32, #tpu.memory_space<vmem>> -> memref<64xf32, #tpu.memory_space<vmem>>
      %dma_start3A_500 = arith.constant 0 : i32
      %dma_start3A_501 = tpu.memref_slice %arg5[%squeeze3A_494, %dma_start3A_500] : memref<1000000x64xf32, #tpu.memory_space<hbm>> -> memref<1x64xf32, #tpu.memory_space<hbm>>
      %dma_start3A_502 = tpu.memref_squeeze %dma_start3A_501 : memref<1x64xf32, #tpu.memory_space<hbm>> -> memref<64xf32, #tpu.memory_space<hbm>>
      %dma_start3A_503 = arith.constant 0 : i32
      %dma_start3A_504 = tpu.memref_slice %arg11[%add3A_496, %dma_start3A_503] : memref<256x64xf32, #tpu.memory_space<vmem>> -> memref<1x64xf32, #tpu.memory_space<vmem>>
      %dma_start3A_505 = tpu.memref_squeeze %dma_start3A_504 : memref<1x64xf32, #tpu.memory_space<vmem>> -> memref<64xf32, #tpu.memory_space<vmem>>
      %dma_start3A_506 = arith.constant 0 : i32
      %dma_start3A_507 = tpu.memref_slice %arg5[%squeeze3A_494, %dma_start3A_506] : memref<1000000x64xf32, #tpu.memory_space<hbm>> -> memref<1x64xf32, #tpu.memory_space<hbm>>
      %dma_start3A_508 = tpu.memref_squeeze %dma_start3A_507 : memref<1x64xf32, #tpu.memory_space<hbm>> -> memref<64xf32, #tpu.memory_space<hbm>>
      tpu.enqueue_dma source(%dma_start3A_508 : memref<64xf32, #tpu.memory_space<hbm>>) target(%dma_start3A_505 : memref<64xf32, #tpu.memory_space<vmem>>) target_semaphore(%arg12 : memref<!tpu.dma_semaphore, #tpu.memory_space<semaphore_mem>>)
      %slice3A_509 = vector.extract_strided_slice %get3A_26 {offsets = [15], sizes = [1], strides = [1]} : vector<16xi32> to vector<1xi32>
      %squeeze3A_510 = vector.extract %slice3A_509[0] : i32 from vector<1xi32>
      %add3A_511 = arith.constant 15 : i32
      %add3A_512 = arith.addi %mul3A_22, %add3A_511 : i32
      %dma_start3A_513 = arith.constant 0 : i32
      %dma_start3A_514 = tpu.memref_slice %arg10[%add3A_512, %dma_start3A_513] : memref<256x64xf32, #tpu.memory_space<vmem>> -> memref<1x64xf32, #tpu.memory_space<vmem>>
      %dma_start3A_515 = tpu.memref_squeeze %dma_start3A_514 : memref<1x64xf32, #tpu.memory_space<vmem>> -> memref<64xf32, #tpu.memory_space<vmem>>
      %dma_start3A_516 = arith.constant 0 : i32
      %dma_start3A_517 = tpu.memref_slice %arg4[%squeeze3A_510, %dma_start3A_516] : memref<1000000x64xf32, #tpu.memory_space<hbm>> -> memref<1x64xf32, #tpu.memory_space<hbm>>
      %dma_start3A_518 = tpu.memref_squeeze %dma_start3A_517 : memref<1x64xf32, #tpu.memory_space<hbm>> -> memref<64xf32, #tpu.memory_space<hbm>>
      %dma_start3A_519 = arith.constant 0 : i32
      %dma_start3A_520 = tpu.memref_slice %arg10[%add3A_512, %dma_start3A_519] : memref<256x64xf32, #tpu.memory_space<vmem>> -> memref<1x64xf32, #tpu.memory_space<vmem>>
      %dma_start3A_521 = tpu.memref_squeeze %dma_start3A_520 : memref<1x64xf32, #tpu.memory_space<vmem>> -> memref<64xf32, #tpu.memory_space<vmem>>
      %dma_start3A_522 = arith.constant 0 : i32
      %dma_start3A_523 = tpu.memref_slice %arg4[%squeeze3A_510, %dma_start3A_522] : memref<1000000x64xf32, #tpu.memory_space<hbm>> -> memref<1x64xf32, #tpu.memory_space<hbm>>
      %dma_start3A_524 = tpu.memref_squeeze %dma_start3A_523 : memref<1x64xf32, #tpu.memory_space<hbm>> -> memref<64xf32, #tpu.memory_space<hbm>>
      tpu.enqueue_dma source(%dma_start3A_524 : memref<64xf32, #tpu.memory_space<hbm>>) target(%dma_start3A_521 : memref<64xf32, #tpu.memory_space<vmem>>) target_semaphore(%arg12 : memref<!tpu.dma_semaphore, #tpu.memory_space<semaphore_mem>>)
      %slice3A_525 = vector.extract_strided_slice %get3A_31 {offsets = [15], sizes = [1], strides = [1]} : vector<16xi32> to vector<1xi32>
      %squeeze3A_526 = vector.extract %slice3A_525[0] : i32 from vector<1xi32>
      %add3A_527 = arith.constant 15 : i32
      %add3A_528 = arith.addi %mul3A_22, %add3A_527 : i32
      %dma_start3A_529 = arith.constant 0 : i32
      %dma_start3A_530 = tpu.memref_slice %arg11[%add3A_528, %dma_start3A_529] : memref<256x64xf32, #tpu.memory_space<vmem>> -> memref<1x64xf32, #tpu.memory_space<vmem>>
      %dma_start3A_531 = tpu.memref_squeeze %dma_start3A_530 : memref<1x64xf32, #tpu.memory_space<vmem>> -> memref<64xf32, #tpu.memory_space<vmem>>
      %dma_start3A_532 = arith.constant 0 : i32
      %dma_start3A_533 = tpu.memref_slice %arg5[%squeeze3A_526, %dma_start3A_532] : memref<1000000x64xf32, #tpu.memory_space<hbm>> -> memref<1x64xf32, #tpu.memory_space<hbm>>
      %dma_start3A_534 = tpu.memref_squeeze %dma_start3A_533 : memref<1x64xf32, #tpu.memory_space<hbm>> -> memref<64xf32, #tpu.memory_space<hbm>>
      %dma_start3A_535 = arith.constant 0 : i32
      %dma_start3A_536 = tpu.memref_slice %arg11[%add3A_528, %dma_start3A_535] : memref<256x64xf32, #tpu.memory_space<vmem>> -> memref<1x64xf32, #tpu.memory_space<vmem>>
      %dma_start3A_537 = tpu.memref_squeeze %dma_start3A_536 : memref<1x64xf32, #tpu.memory_space<vmem>> -> memref<64xf32, #tpu.memory_space<vmem>>
      %dma_start3A_538 = arith.constant 0 : i32
      %dma_start3A_539 = tpu.memref_slice %arg5[%squeeze3A_526, %dma_start3A_538] : memref<1000000x64xf32, #tpu.memory_space<hbm>> -> memref<1x64xf32, #tpu.memory_space<hbm>>
      %dma_start3A_540 = tpu.memref_squeeze %dma_start3A_539 : memref<1x64xf32, #tpu.memory_space<hbm>> -> memref<64xf32, #tpu.memory_space<hbm>>
      tpu.enqueue_dma source(%dma_start3A_540 : memref<64xf32, #tpu.memory_space<hbm>>) target(%dma_start3A_537 : memref<64xf32, #tpu.memory_space<vmem>>) target_semaphore(%arg12 : memref<!tpu.dma_semaphore, #tpu.memory_space<semaphore_mem>>)
      %dma_wait3A = arith.constant 0 : i32
      %dma_wait3A_541 = tpu.memref_slice %arg10[%add3A_33, %dma_wait3A] : memref<256x64xf32, #tpu.memory_space<vmem>> -> memref<1x64xf32, #tpu.memory_space<vmem>>
      %dma_wait3A_542 = tpu.memref_squeeze %dma_wait3A_541 : memref<1x64xf32, #tpu.memory_space<vmem>> -> memref<64xf32, #tpu.memory_space<vmem>>
      %dma_wait3A_543 = arith.constant 0 : i32
      %dma_wait3A_544 = tpu.memref_slice %arg4[%squeeze3A, %dma_wait3A_543] : memref<1000000x64xf32, #tpu.memory_space<hbm>> -> memref<1x64xf32, #tpu.memory_space<hbm>>
      %dma_wait3A_545 = tpu.memref_squeeze %dma_wait3A_544 : memref<1x64xf32, #tpu.memory_space<hbm>> -> memref<64xf32, #tpu.memory_space<hbm>>
      %dma_wait3A_546 = arith.constant 0 : i32
      %dma_wait3A_547 = tpu.memref_slice %arg10[%add3A_33, %dma_wait3A_546] : memref<256x64xf32, #tpu.memory_space<vmem>> -> memref<1x64xf32, #tpu.memory_space<vmem>>
      %dma_wait3A_548 = tpu.memref_squeeze %dma_wait3A_547 : memref<1x64xf32, #tpu.memory_space<vmem>> -> memref<64xf32, #tpu.memory_space<vmem>>
      %dma_wait3A_549 = arith.constant 0 : i32
      %dma_wait3A_550 = tpu.memref_slice %arg4[%squeeze3A, %dma_wait3A_549] : memref<1000000x64xf32, #tpu.memory_space<hbm>> -> memref<1x64xf32, #tpu.memory_space<hbm>>
      %dma_wait3A_551 = tpu.memref_squeeze %dma_wait3A_550 : memref<1x64xf32, #tpu.memory_space<hbm>> -> memref<64xf32, #tpu.memory_space<hbm>>
      tpu.wait_dma2 semaphore(%arg12 : memref<!tpu.dma_semaphore, #tpu.memory_space<semaphore_mem>>) src(%dma_wait3A_551 : memref<64xf32, #tpu.memory_space<hbm>>) dst(%dma_wait3A_548 : memref<64xf32, #tpu.memory_space<vmem>>)
      %dma_wait3A_552 = arith.constant 0 : i32
      %dma_wait3A_553 = tpu.memref_slice %arg11[%add3A_48, %dma_wait3A_552] : memref<256x64xf32, #tpu.memory_space<vmem>> -> memref<1x64xf32, #tpu.memory_space<vmem>>
      %dma_wait3A_554 = tpu.memref_squeeze %dma_wait3A_553 : memref<1x64xf32, #tpu.memory_space<vmem>> -> memref<64xf32, #tpu.memory_space<vmem>>
      %dma_wait3A_555 = arith.constant 0 : i32
      %dma_wait3A_556 = tpu.memref_slice %arg5[%squeeze3A_46, %dma_wait3A_555] : memref<1000000x64xf32, #tpu.memory_space<hbm>> -> memref<1x64xf32, #tpu.memory_space<hbm>>
      %dma_wait3A_557 = tpu.memref_squeeze %dma_wait3A_556 : memref<1x64xf32, #tpu.memory_space<hbm>> -> memref<64xf32, #tpu.memory_space<hbm>>
      %dma_wait3A_558 = arith.constant 0 : i32
      %dma_wait3A_559 = tpu.memref_slice %arg11[%add3A_48, %dma_wait3A_558] : memref<256x64xf32, #tpu.memory_space<vmem>> -> memref<1x64xf32, #tpu.memory_space<vmem>>
      %dma_wait3A_560 = tpu.memref_squeeze %dma_wait3A_559 : memref<1x64xf32, #tpu.memory_space<vmem>> -> memref<64xf32, #tpu.memory_space<vmem>>
      %dma_wait3A_561 = arith.constant 0 : i32
      %dma_wait3A_562 = tpu.memref_slice %arg5[%squeeze3A_46, %dma_wait3A_561] : memref<1000000x64xf32, #tpu.memory_space<hbm>> -> memref<1x64xf32, #tpu.memory_space<hbm>>
      %dma_wait3A_563 = tpu.memref_squeeze %dma_wait3A_562 : memref<1x64xf32, #tpu.memory_space<hbm>> -> memref<64xf32, #tpu.memory_space<hbm>>
      tpu.wait_dma2 semaphore(%arg12 : memref<!tpu.dma_semaphore, #tpu.memory_space<semaphore_mem>>) src(%dma_wait3A_563 : memref<64xf32, #tpu.memory_space<hbm>>) dst(%dma_wait3A_560 : memref<64xf32, #tpu.memory_space<vmem>>)
      %dma_wait3A_564 = arith.constant 0 : i32
      %dma_wait3A_565 = tpu.memref_slice %arg10[%add3A_64, %dma_wait3A_564] : memref<256x64xf32, #tpu.memory_space<vmem>> -> memref<1x64xf32, #tpu.memory_space<vmem>>
      %dma_wait3A_566 = tpu.memref_squeeze %dma_wait3A_565 : memref<1x64xf32, #tpu.memory_space<vmem>> -> memref<64xf32, #tpu.memory_space<vmem>>
      %dma_wait3A_567 = arith.constant 0 : i32
      %dma_wait3A_568 = tpu.memref_slice %arg4[%squeeze3A_62, %dma_wait3A_567] : memref<1000000x64xf32, #tpu.memory_space<hbm>> -> memref<1x64xf32, #tpu.memory_space<hbm>>
      %dma_wait3A_569 = tpu.memref_squeeze %dma_wait3A_568 : memref<1x64xf32, #tpu.memory_space<hbm>> -> memref<64xf32, #tpu.memory_space<hbm>>
      %dma_wait3A_570 = arith.constant 0 : i32
      %dma_wait3A_571 = tpu.memref_slice %arg10[%add3A_64, %dma_wait3A_570] : memref<256x64xf32, #tpu.memory_space<vmem>> -> memref<1x64xf32, #tpu.memory_space<vmem>>
      %dma_wait3A_572 = tpu.memref_squeeze %dma_wait3A_571 : memref<1x64xf32, #tpu.memory_space<vmem>> -> memref<64xf32, #tpu.memory_space<vmem>>
      %dma_wait3A_573 = arith.constant 0 : i32
      %dma_wait3A_574 = tpu.memref_slice %arg4[%squeeze3A_62, %dma_wait3A_573] : memref<1000000x64xf32, #tpu.memory_space<hbm>> -> memref<1x64xf32, #tpu.memory_space<hbm>>
      %dma_wait3A_575 = tpu.memref_squeeze %dma_wait3A_574 : memref<1x64xf32, #tpu.memory_space<hbm>> -> memref<64xf32, #tpu.memory_space<hbm>>
      tpu.wait_dma2 semaphore(%arg12 : memref<!tpu.dma_semaphore, #tpu.memory_space<semaphore_mem>>) src(%dma_wait3A_575 : memref<64xf32, #tpu.memory_space<hbm>>) dst(%dma_wait3A_572 : memref<64xf32, #tpu.memory_space<vmem>>)
      %dma_wait3A_576 = arith.constant 0 : i32
      %dma_wait3A_577 = tpu.memref_slice %arg11[%add3A_80, %dma_wait3A_576] : memref<256x64xf32, #tpu.memory_space<vmem>> -> memref<1x64xf32, #tpu.memory_space<vmem>>
      %dma_wait3A_578 = tpu.memref_squeeze %dma_wait3A_577 : memref<1x64xf32, #tpu.memory_space<vmem>> -> memref<64xf32, #tpu.memory_space<vmem>>
      %dma_wait3A_579 = arith.constant 0 : i32
      %dma_wait3A_580 = tpu.memref_slice %arg5[%squeeze3A_78, %dma_wait3A_579] : memref<1000000x64xf32, #tpu.memory_space<hbm>> -> memref<1x64xf32, #tpu.memory_space<hbm>>
      %dma_wait3A_581 = tpu.memref_squeeze %dma_wait3A_580 : memref<1x64xf32, #tpu.memory_space<hbm>> -> memref<64xf32, #tpu.memory_space<hbm>>
      %dma_wait3A_582 = arith.constant 0 : i32
      %dma_wait3A_583 = tpu.memref_slice %arg11[%add3A_80, %dma_wait3A_582] : memref<256x64xf32, #tpu.memory_space<vmem>> -> memref<1x64xf32, #tpu.memory_space<vmem>>
      %dma_wait3A_584 = tpu.memref_squeeze %dma_wait3A_583 : memref<1x64xf32, #tpu.memory_space<vmem>> -> memref<64xf32, #tpu.memory_space<vmem>>
      %dma_wait3A_585 = arith.constant 0 : i32
      %dma_wait3A_586 = tpu.memref_slice %arg5[%squeeze3A_78, %dma_wait3A_585] : memref<1000000x64xf32, #tpu.memory_space<hbm>> -> memref<1x64xf32, #tpu.memory_space<hbm>>
      %dma_wait3A_587 = tpu.memref_squeeze %dma_wait3A_586 : memref<1x64xf32, #tpu.memory_space<hbm>> -> memref<64xf32, #tpu.memory_space<hbm>>
      tpu.wait_dma2 semaphore(%arg12 : memref<!tpu.dma_semaphore, #tpu.memory_space<semaphore_mem>>) src(%dma_wait3A_587 : memref<64xf32, #tpu.memory_space<hbm>>) dst(%dma_wait3A_584 : memref<64xf32, #tpu.memory_space<vmem>>)
      %dma_wait3A_588 = arith.constant 0 : i32
      %dma_wait3A_589 = tpu.memref_slice %arg10[%add3A_96, %dma_wait3A_588] : memref<256x64xf32, #tpu.memory_space<vmem>> -> memref<1x64xf32, #tpu.memory_space<vmem>>
      %dma_wait3A_590 = tpu.memref_squeeze %dma_wait3A_589 : memref<1x64xf32, #tpu.memory_space<vmem>> -> memref<64xf32, #tpu.memory_space<vmem>>
      %dma_wait3A_591 = arith.constant 0 : i32
      %dma_wait3A_592 = tpu.memref_slice %arg4[%squeeze3A_94, %dma_wait3A_591] : memref<1000000x64xf32, #tpu.memory_space<hbm>> -> memref<1x64xf32, #tpu.memory_space<hbm>>
      %dma_wait3A_593 = tpu.memref_squeeze %dma_wait3A_592 : memref<1x64xf32, #tpu.memory_space<hbm>> -> memref<64xf32, #tpu.memory_space<hbm>>
      %dma_wait3A_594 = arith.constant 0 : i32
      %dma_wait3A_595 = tpu.memref_slice %arg10[%add3A_96, %dma_wait3A_594] : memref<256x64xf32, #tpu.memory_space<vmem>> -> memref<1x64xf32, #tpu.memory_space<vmem>>
      %dma_wait3A_596 = tpu.memref_squeeze %dma_wait3A_595 : memref<1x64xf32, #tpu.memory_space<vmem>> -> memref<64xf32, #tpu.memory_space<vmem>>
      %dma_wait3A_597 = arith.constant 0 : i32
      %dma_wait3A_598 = tpu.memref_slice %arg4[%squeeze3A_94, %dma_wait3A_597] : memref<1000000x64xf32, #tpu.memory_space<hbm>> -> memref<1x64xf32, #tpu.memory_space<hbm>>
      %dma_wait3A_599 = tpu.memref_squeeze %dma_wait3A_598 : memref<1x64xf32, #tpu.memory_space<hbm>> -> memref<64xf32, #tpu.memory_space<hbm>>
      tpu.wait_dma2 semaphore(%arg12 : memref<!tpu.dma_semaphore, #tpu.memory_space<semaphore_mem>>) src(%dma_wait3A_599 : memref<64xf32, #tpu.memory_space<hbm>>) dst(%dma_wait3A_596 : memref<64xf32, #tpu.memory_space<vmem>>)
      %dma_wait3A_600 = arith.constant 0 : i32
      %dma_wait3A_601 = tpu.memref_slice %arg11[%add3A_112, %dma_wait3A_600] : memref<256x64xf32, #tpu.memory_space<vmem>> -> memref<1x64xf32, #tpu.memory_space<vmem>>
      %dma_wait3A_602 = tpu.memref_squeeze %dma_wait3A_601 : memref<1x64xf32, #tpu.memory_space<vmem>> -> memref<64xf32, #tpu.memory_space<vmem>>
      %dma_wait3A_603 = arith.constant 0 : i32
      %dma_wait3A_604 = tpu.memref_slice %arg5[%squeeze3A_110, %dma_wait3A_603] : memref<1000000x64xf32, #tpu.memory_space<hbm>> -> memref<1x64xf32, #tpu.memory_space<hbm>>
      %dma_wait3A_605 = tpu.memref_squeeze %dma_wait3A_604 : memref<1x64xf32, #tpu.memory_space<hbm>> -> memref<64xf32, #tpu.memory_space<hbm>>
      %dma_wait3A_606 = arith.constant 0 : i32
      %dma_wait3A_607 = tpu.memref_slice %arg11[%add3A_112, %dma_wait3A_606] : memref<256x64xf32, #tpu.memory_space<vmem>> -> memref<1x64xf32, #tpu.memory_space<vmem>>
      %dma_wait3A_608 = tpu.memref_squeeze %dma_wait3A_607 : memref<1x64xf32, #tpu.memory_space<vmem>> -> memref<64xf32, #tpu.memory_space<vmem>>
      %dma_wait3A_609 = arith.constant 0 : i32
      %dma_wait3A_610 = tpu.memref_slice %arg5[%squeeze3A_110, %dma_wait3A_609] : memref<1000000x64xf32, #tpu.memory_space<hbm>> -> memref<1x64xf32, #tpu.memory_space<hbm>>
      %dma_wait3A_611 = tpu.memref_squeeze %dma_wait3A_610 : memref<1x64xf32, #tpu.memory_space<hbm>> -> memref<64xf32, #tpu.memory_space<hbm>>
      tpu.wait_dma2 semaphore(%arg12 : memref<!tpu.dma_semaphore, #tpu.memory_space<semaphore_mem>>) src(%dma_wait3A_611 : memref<64xf32, #tpu.memory_space<hbm>>) dst(%dma_wait3A_608 : memref<64xf32, #tpu.memory_space<vmem>>)
      %dma_wait3A_612 = arith.constant 0 : i32
      %dma_wait3A_613 = tpu.memref_slice %arg10[%add3A_128, %dma_wait3A_612] : memref<256x64xf32, #tpu.memory_space<vmem>> -> memref<1x64xf32, #tpu.memory_space<vmem>>
      %dma_wait3A_614 = tpu.memref_squeeze %dma_wait3A_613 : memref<1x64xf32, #tpu.memory_space<vmem>> -> memref<64xf32, #tpu.memory_space<vmem>>
      %dma_wait3A_615 = arith.constant 0 : i32
      %dma_wait3A_616 = tpu.memref_slice %arg4[%squeeze3A_126, %dma_wait3A_615] : memref<1000000x64xf32, #tpu.memory_space<hbm>> -> memref<1x64xf32, #tpu.memory_space<hbm>>
      %dma_wait3A_617 = tpu.memref_squeeze %dma_wait3A_616 : memref<1x64xf32, #tpu.memory_space<hbm>> -> memref<64xf32, #tpu.memory_space<hbm>>
      %dma_wait3A_618 = arith.constant 0 : i32
      %dma_wait3A_619 = tpu.memref_slice %arg10[%add3A_128, %dma_wait3A_618] : memref<256x64xf32, #tpu.memory_space<vmem>> -> memref<1x64xf32, #tpu.memory_space<vmem>>
      %dma_wait3A_620 = tpu.memref_squeeze %dma_wait3A_619 : memref<1x64xf32, #tpu.memory_space<vmem>> -> memref<64xf32, #tpu.memory_space<vmem>>
      %dma_wait3A_621 = arith.constant 0 : i32
      %dma_wait3A_622 = tpu.memref_slice %arg4[%squeeze3A_126, %dma_wait3A_621] : memref<1000000x64xf32, #tpu.memory_space<hbm>> -> memref<1x64xf32, #tpu.memory_space<hbm>>
      %dma_wait3A_623 = tpu.memref_squeeze %dma_wait3A_622 : memref<1x64xf32, #tpu.memory_space<hbm>> -> memref<64xf32, #tpu.memory_space<hbm>>
      tpu.wait_dma2 semaphore(%arg12 : memref<!tpu.dma_semaphore, #tpu.memory_space<semaphore_mem>>) src(%dma_wait3A_623 : memref<64xf32, #tpu.memory_space<hbm>>) dst(%dma_wait3A_620 : memref<64xf32, #tpu.memory_space<vmem>>)
      %dma_wait3A_624 = arith.constant 0 : i32
      %dma_wait3A_625 = tpu.memref_slice %arg11[%add3A_144, %dma_wait3A_624] : memref<256x64xf32, #tpu.memory_space<vmem>> -> memref<1x64xf32, #tpu.memory_space<vmem>>
      %dma_wait3A_626 = tpu.memref_squeeze %dma_wait3A_625 : memref<1x64xf32, #tpu.memory_space<vmem>> -> memref<64xf32, #tpu.memory_space<vmem>>
      %dma_wait3A_627 = arith.constant 0 : i32
      %dma_wait3A_628 = tpu.memref_slice %arg5[%squeeze3A_142, %dma_wait3A_627] : memref<1000000x64xf32, #tpu.memory_space<hbm>> -> memref<1x64xf32, #tpu.memory_space<hbm>>
      %dma_wait3A_629 = tpu.memref_squeeze %dma_wait3A_628 : memref<1x64xf32, #tpu.memory_space<hbm>> -> memref<64xf32, #tpu.memory_space<hbm>>
      %dma_wait3A_630 = arith.constant 0 : i32
      %dma_wait3A_631 = tpu.memref_slice %arg11[%add3A_144, %dma_wait3A_630] : memref<256x64xf32, #tpu.memory_space<vmem>> -> memref<1x64xf32, #tpu.memory_space<vmem>>
      %dma_wait3A_632 = tpu.memref_squeeze %dma_wait3A_631 : memref<1x64xf32, #tpu.memory_space<vmem>> -> memref<64xf32, #tpu.memory_space<vmem>>
      %dma_wait3A_633 = arith.constant 0 : i32
      %dma_wait3A_634 = tpu.memref_slice %arg5[%squeeze3A_142, %dma_wait3A_633] : memref<1000000x64xf32, #tpu.memory_space<hbm>> -> memref<1x64xf32, #tpu.memory_space<hbm>>
      %dma_wait3A_635 = tpu.memref_squeeze %dma_wait3A_634 : memref<1x64xf32, #tpu.memory_space<hbm>> -> memref<64xf32, #tpu.memory_space<hbm>>
      tpu.wait_dma2 semaphore(%arg12 : memref<!tpu.dma_semaphore, #tpu.memory_space<semaphore_mem>>) src(%dma_wait3A_635 : memref<64xf32, #tpu.memory_space<hbm>>) dst(%dma_wait3A_632 : memref<64xf32, #tpu.memory_space<vmem>>)
      %dma_wait3A_636 = arith.constant 0 : i32
      %dma_wait3A_637 = tpu.memref_slice %arg10[%add3A_160, %dma_wait3A_636] : memref<256x64xf32, #tpu.memory_space<vmem>> -> memref<1x64xf32, #tpu.memory_space<vmem>>
      %dma_wait3A_638 = tpu.memref_squeeze %dma_wait3A_637 : memref<1x64xf32, #tpu.memory_space<vmem>> -> memref<64xf32, #tpu.memory_space<vmem>>
      %dma_wait3A_639 = arith.constant 0 : i32
      %dma_wait3A_640 = tpu.memref_slice %arg4[%squeeze3A_158, %dma_wait3A_639] : memref<1000000x64xf32, #tpu.memory_space<hbm>> -> memref<1x64xf32, #tpu.memory_space<hbm>>
      %dma_wait3A_641 = tpu.memref_squeeze %dma_wait3A_640 : memref<1x64xf32, #tpu.memory_space<hbm>> -> memref<64xf32, #tpu.memory_space<hbm>>
      %dma_wait3A_642 = arith.constant 0 : i32
      %dma_wait3A_643 = tpu.memref_slice %arg10[%add3A_160, %dma_wait3A_642] : memref<256x64xf32, #tpu.memory_space<vmem>> -> memref<1x64xf32, #tpu.memory_space<vmem>>
      %dma_wait3A_644 = tpu.memref_squeeze %dma_wait3A_643 : memref<1x64xf32, #tpu.memory_space<vmem>> -> memref<64xf32, #tpu.memory_space<vmem>>
      %dma_wait3A_645 = arith.constant 0 : i32
      %dma_wait3A_646 = tpu.memref_slice %arg4[%squeeze3A_158, %dma_wait3A_645] : memref<1000000x64xf32, #tpu.memory_space<hbm>> -> memref<1x64xf32, #tpu.memory_space<hbm>>
      %dma_wait3A_647 = tpu.memref_squeeze %dma_wait3A_646 : memref<1x64xf32, #tpu.memory_space<hbm>> -> memref<64xf32, #tpu.memory_space<hbm>>
      tpu.wait_dma2 semaphore(%arg12 : memref<!tpu.dma_semaphore, #tpu.memory_space<semaphore_mem>>) src(%dma_wait3A_647 : memref<64xf32, #tpu.memory_space<hbm>>) dst(%dma_wait3A_644 : memref<64xf32, #tpu.memory_space<vmem>>)
      %dma_wait3A_648 = arith.constant 0 : i32
      %dma_wait3A_649 = tpu.memref_slice %arg11[%add3A_176, %dma_wait3A_648] : memref<256x64xf32, #tpu.memory_space<vmem>> -> memref<1x64xf32, #tpu.memory_space<vmem>>
      %dma_wait3A_650 = tpu.memref_squeeze %dma_wait3A_649 : memref<1x64xf32, #tpu.memory_space<vmem>> -> memref<64xf32, #tpu.memory_space<vmem>>
      %dma_wait3A_651 = arith.constant 0 : i32
      %dma_wait3A_652 = tpu.memref_slice %arg5[%squeeze3A_174, %dma_wait3A_651] : memref<1000000x64xf32, #tpu.memory_space<hbm>> -> memref<1x64xf32, #tpu.memory_space<hbm>>
      %dma_wait3A_653 = tpu.memref_squeeze %dma_wait3A_652 : memref<1x64xf32, #tpu.memory_space<hbm>> -> memref<64xf32, #tpu.memory_space<hbm>>
      %dma_wait3A_654 = arith.constant 0 : i32
      %dma_wait3A_655 = tpu.memref_slice %arg11[%add3A_176, %dma_wait3A_654] : memref<256x64xf32, #tpu.memory_space<vmem>> -> memref<1x64xf32, #tpu.memory_space<vmem>>
      %dma_wait3A_656 = tpu.memref_squeeze %dma_wait3A_655 : memref<1x64xf32, #tpu.memory_space<vmem>> -> memref<64xf32, #tpu.memory_space<vmem>>
      %dma_wait3A_657 = arith.constant 0 : i32
      %dma_wait3A_658 = tpu.memref_slice %arg5[%squeeze3A_174, %dma_wait3A_657] : memref<1000000x64xf32, #tpu.memory_space<hbm>> -> memref<1x64xf32, #tpu.memory_space<hbm>>
      %dma_wait3A_659 = tpu.memref_squeeze %dma_wait3A_658 : memref<1x64xf32, #tpu.memory_space<hbm>> -> memref<64xf32, #tpu.memory_space<hbm>>
      tpu.wait_dma2 semaphore(%arg12 : memref<!tpu.dma_semaphore, #tpu.memory_space<semaphore_mem>>) src(%dma_wait3A_659 : memref<64xf32, #tpu.memory_space<hbm>>) dst(%dma_wait3A_656 : memref<64xf32, #tpu.memory_space<vmem>>)
      %dma_wait3A_660 = arith.constant 0 : i32
      %dma_wait3A_661 = tpu.memref_slice %arg10[%add3A_192, %dma_wait3A_660] : memref<256x64xf32, #tpu.memory_space<vmem>> -> memref<1x64xf32, #tpu.memory_space<vmem>>
      %dma_wait3A_662 = tpu.memref_squeeze %dma_wait3A_661 : memref<1x64xf32, #tpu.memory_space<vmem>> -> memref<64xf32, #tpu.memory_space<vmem>>
      %dma_wait3A_663 = arith.constant 0 : i32
      %dma_wait3A_664 = tpu.memref_slice %arg4[%squeeze3A_190, %dma_wait3A_663] : memref<1000000x64xf32, #tpu.memory_space<hbm>> -> memref<1x64xf32, #tpu.memory_space<hbm>>
      %dma_wait3A_665 = tpu.memref_squeeze %dma_wait3A_664 : memref<1x64xf32, #tpu.memory_space<hbm>> -> memref<64xf32, #tpu.memory_space<hbm>>
      %dma_wait3A_666 = arith.constant 0 : i32
      %dma_wait3A_667 = tpu.memref_slice %arg10[%add3A_192, %dma_wait3A_666] : memref<256x64xf32, #tpu.memory_space<vmem>> -> memref<1x64xf32, #tpu.memory_space<vmem>>
      %dma_wait3A_668 = tpu.memref_squeeze %dma_wait3A_667 : memref<1x64xf32, #tpu.memory_space<vmem>> -> memref<64xf32, #tpu.memory_space<vmem>>
      %dma_wait3A_669 = arith.constant 0 : i32
      %dma_wait3A_670 = tpu.memref_slice %arg4[%squeeze3A_190, %dma_wait3A_669] : memref<1000000x64xf32, #tpu.memory_space<hbm>> -> memref<1x64xf32, #tpu.memory_space<hbm>>
      %dma_wait3A_671 = tpu.memref_squeeze %dma_wait3A_670 : memref<1x64xf32, #tpu.memory_space<hbm>> -> memref<64xf32, #tpu.memory_space<hbm>>
      tpu.wait_dma2 semaphore(%arg12 : memref<!tpu.dma_semaphore, #tpu.memory_space<semaphore_mem>>) src(%dma_wait3A_671 : memref<64xf32, #tpu.memory_space<hbm>>) dst(%dma_wait3A_668 : memref<64xf32, #tpu.memory_space<vmem>>)
      %dma_wait3A_672 = arith.constant 0 : i32
      %dma_wait3A_673 = tpu.memref_slice %arg11[%add3A_208, %dma_wait3A_672] : memref<256x64xf32, #tpu.memory_space<vmem>> -> memref<1x64xf32, #tpu.memory_space<vmem>>
      %dma_wait3A_674 = tpu.memref_squeeze %dma_wait3A_673 : memref<1x64xf32, #tpu.memory_space<vmem>> -> memref<64xf32, #tpu.memory_space<vmem>>
      %dma_wait3A_675 = arith.constant 0 : i32
      %dma_wait3A_676 = tpu.memref_slice %arg5[%squeeze3A_206, %dma_wait3A_675] : memref<1000000x64xf32, #tpu.memory_space<hbm>> -> memref<1x64xf32, #tpu.memory_space<hbm>>
      %dma_wait3A_677 = tpu.memref_squeeze %dma_wait3A_676 : memref<1x64xf32, #tpu.memory_space<hbm>> -> memref<64xf32, #tpu.memory_space<hbm>>
      %dma_wait3A_678 = arith.constant 0 : i32
      %dma_wait3A_679 = tpu.memref_slice %arg11[%add3A_208, %dma_wait3A_678] : memref<256x64xf32, #tpu.memory_space<vmem>> -> memref<1x64xf32, #tpu.memory_space<vmem>>
      %dma_wait3A_680 = tpu.memref_squeeze %dma_wait3A_679 : memref<1x64xf32, #tpu.memory_space<vmem>> -> memref<64xf32, #tpu.memory_space<vmem>>
      %dma_wait3A_681 = arith.constant 0 : i32
      %dma_wait3A_682 = tpu.memref_slice %arg5[%squeeze3A_206, %dma_wait3A_681] : memref<1000000x64xf32, #tpu.memory_space<hbm>> -> memref<1x64xf32, #tpu.memory_space<hbm>>
      %dma_wait3A_683 = tpu.memref_squeeze %dma_wait3A_682 : memref<1x64xf32, #tpu.memory_space<hbm>> -> memref<64xf32, #tpu.memory_space<hbm>>
      tpu.wait_dma2 semaphore(%arg12 : memref<!tpu.dma_semaphore, #tpu.memory_space<semaphore_mem>>) src(%dma_wait3A_683 : memref<64xf32, #tpu.memory_space<hbm>>) dst(%dma_wait3A_680 : memref<64xf32, #tpu.memory_space<vmem>>)
      %dma_wait3A_684 = arith.constant 0 : i32
      %dma_wait3A_685 = tpu.memref_slice %arg10[%add3A_224, %dma_wait3A_684] : memref<256x64xf32, #tpu.memory_space<vmem>> -> memref<1x64xf32, #tpu.memory_space<vmem>>
      %dma_wait3A_686 = tpu.memref_squeeze %dma_wait3A_685 : memref<1x64xf32, #tpu.memory_space<vmem>> -> memref<64xf32, #tpu.memory_space<vmem>>
      %dma_wait3A_687 = arith.constant 0 : i32
      %dma_wait3A_688 = tpu.memref_slice %arg4[%squeeze3A_222, %dma_wait3A_687] : memref<1000000x64xf32, #tpu.memory_space<hbm>> -> memref<1x64xf32, #tpu.memory_space<hbm>>
      %dma_wait3A_689 = tpu.memref_squeeze %dma_wait3A_688 : memref<1x64xf32, #tpu.memory_space<hbm>> -> memref<64xf32, #tpu.memory_space<hbm>>
      %dma_wait3A_690 = arith.constant 0 : i32
      %dma_wait3A_691 = tpu.memref_slice %arg10[%add3A_224, %dma_wait3A_690] : memref<256x64xf32, #tpu.memory_space<vmem>> -> memref<1x64xf32, #tpu.memory_space<vmem>>
      %dma_wait3A_692 = tpu.memref_squeeze %dma_wait3A_691 : memref<1x64xf32, #tpu.memory_space<vmem>> -> memref<64xf32, #tpu.memory_space<vmem>>
      %dma_wait3A_693 = arith.constant 0 : i32
      %dma_wait3A_694 = tpu.memref_slice %arg4[%squeeze3A_222, %dma_wait3A_693] : memref<1000000x64xf32, #tpu.memory_space<hbm>> -> memref<1x64xf32, #tpu.memory_space<hbm>>
      %dma_wait3A_695 = tpu.memref_squeeze %dma_wait3A_694 : memref<1x64xf32, #tpu.memory_space<hbm>> -> memref<64xf32, #tpu.memory_space<hbm>>
      tpu.wait_dma2 semaphore(%arg12 : memref<!tpu.dma_semaphore, #tpu.memory_space<semaphore_mem>>) src(%dma_wait3A_695 : memref<64xf32, #tpu.memory_space<hbm>>) dst(%dma_wait3A_692 : memref<64xf32, #tpu.memory_space<vmem>>)
      %dma_wait3A_696 = arith.constant 0 : i32
      %dma_wait3A_697 = tpu.memref_slice %arg11[%add3A_240, %dma_wait3A_696] : memref<256x64xf32, #tpu.memory_space<vmem>> -> memref<1x64xf32, #tpu.memory_space<vmem>>
      %dma_wait3A_698 = tpu.memref_squeeze %dma_wait3A_697 : memref<1x64xf32, #tpu.memory_space<vmem>> -> memref<64xf32, #tpu.memory_space<vmem>>
      %dma_wait3A_699 = arith.constant 0 : i32
      %dma_wait3A_700 = tpu.memref_slice %arg5[%squeeze3A_238, %dma_wait3A_699] : memref<1000000x64xf32, #tpu.memory_space<hbm>> -> memref<1x64xf32, #tpu.memory_space<hbm>>
      %dma_wait3A_701 = tpu.memref_squeeze %dma_wait3A_700 : memref<1x64xf32, #tpu.memory_space<hbm>> -> memref<64xf32, #tpu.memory_space<hbm>>
      %dma_wait3A_702 = arith.constant 0 : i32
      %dma_wait3A_703 = tpu.memref_slice %arg11[%add3A_240, %dma_wait3A_702] : memref<256x64xf32, #tpu.memory_space<vmem>> -> memref<1x64xf32, #tpu.memory_space<vmem>>
      %dma_wait3A_704 = tpu.memref_squeeze %dma_wait3A_703 : memref<1x64xf32, #tpu.memory_space<vmem>> -> memref<64xf32, #tpu.memory_space<vmem>>
      %dma_wait3A_705 = arith.constant 0 : i32
      %dma_wait3A_706 = tpu.memref_slice %arg5[%squeeze3A_238, %dma_wait3A_705] : memref<1000000x64xf32, #tpu.memory_space<hbm>> -> memref<1x64xf32, #tpu.memory_space<hbm>>
      %dma_wait3A_707 = tpu.memref_squeeze %dma_wait3A_706 : memref<1x64xf32, #tpu.memory_space<hbm>> -> memref<64xf32, #tpu.memory_space<hbm>>
      tpu.wait_dma2 semaphore(%arg12 : memref<!tpu.dma_semaphore, #tpu.memory_space<semaphore_mem>>) src(%dma_wait3A_707 : memref<64xf32, #tpu.memory_space<hbm>>) dst(%dma_wait3A_704 : memref<64xf32, #tpu.memory_space<vmem>>)
      %dma_wait3A_708 = arith.constant 0 : i32
      %dma_wait3A_709 = tpu.memref_slice %arg10[%add3A_256, %dma_wait3A_708] : memref<256x64xf32, #tpu.memory_space<vmem>> -> memref<1x64xf32, #tpu.memory_space<vmem>>
      %dma_wait3A_710 = tpu.memref_squeeze %dma_wait3A_709 : memref<1x64xf32, #tpu.memory_space<vmem>> -> memref<64xf32, #tpu.memory_space<vmem>>
      %dma_wait3A_711 = arith.constant 0 : i32
      %dma_wait3A_712 = tpu.memref_slice %arg4[%squeeze3A_254, %dma_wait3A_711] : memref<1000000x64xf32, #tpu.memory_space<hbm>> -> memref<1x64xf32, #tpu.memory_space<hbm>>
      %dma_wait3A_713 = tpu.memref_squeeze %dma_wait3A_712 : memref<1x64xf32, #tpu.memory_space<hbm>> -> memref<64xf32, #tpu.memory_space<hbm>>
      %dma_wait3A_714 = arith.constant 0 : i32
      %dma_wait3A_715 = tpu.memref_slice %arg10[%add3A_256, %dma_wait3A_714] : memref<256x64xf32, #tpu.memory_space<vmem>> -> memref<1x64xf32, #tpu.memory_space<vmem>>
      %dma_wait3A_716 = tpu.memref_squeeze %dma_wait3A_715 : memref<1x64xf32, #tpu.memory_space<vmem>> -> memref<64xf32, #tpu.memory_space<vmem>>
      %dma_wait3A_717 = arith.constant 0 : i32
      %dma_wait3A_718 = tpu.memref_slice %arg4[%squeeze3A_254, %dma_wait3A_717] : memref<1000000x64xf32, #tpu.memory_space<hbm>> -> memref<1x64xf32, #tpu.memory_space<hbm>>
      %dma_wait3A_719 = tpu.memref_squeeze %dma_wait3A_718 : memref<1x64xf32, #tpu.memory_space<hbm>> -> memref<64xf32, #tpu.memory_space<hbm>>
      tpu.wait_dma2 semaphore(%arg12 : memref<!tpu.dma_semaphore, #tpu.memory_space<semaphore_mem>>) src(%dma_wait3A_719 : memref<64xf32, #tpu.memory_space<hbm>>) dst(%dma_wait3A_716 : memref<64xf32, #tpu.memory_space<vmem>>)
      %dma_wait3A_720 = arith.constant 0 : i32
      %dma_wait3A_721 = tpu.memref_slice %arg11[%add3A_272, %dma_wait3A_720] : memref<256x64xf32, #tpu.memory_space<vmem>> -> memref<1x64xf32, #tpu.memory_space<vmem>>
      %dma_wait3A_722 = tpu.memref_squeeze %dma_wait3A_721 : memref<1x64xf32, #tpu.memory_space<vmem>> -> memref<64xf32, #tpu.memory_space<vmem>>
      %dma_wait3A_723 = arith.constant 0 : i32
      %dma_wait3A_724 = tpu.memref_slice %arg5[%squeeze3A_270, %dma_wait3A_723] : memref<1000000x64xf32, #tpu.memory_space<hbm>> -> memref<1x64xf32, #tpu.memory_space<hbm>>
      %dma_wait3A_725 = tpu.memref_squeeze %dma_wait3A_724 : memref<1x64xf32, #tpu.memory_space<hbm>> -> memref<64xf32, #tpu.memory_space<hbm>>
      %dma_wait3A_726 = arith.constant 0 : i32
      %dma_wait3A_727 = tpu.memref_slice %arg11[%add3A_272, %dma_wait3A_726] : memref<256x64xf32, #tpu.memory_space<vmem>> -> memref<1x64xf32, #tpu.memory_space<vmem>>
      %dma_wait3A_728 = tpu.memref_squeeze %dma_wait3A_727 : memref<1x64xf32, #tpu.memory_space<vmem>> -> memref<64xf32, #tpu.memory_space<vmem>>
      %dma_wait3A_729 = arith.constant 0 : i32
      %dma_wait3A_730 = tpu.memref_slice %arg5[%squeeze3A_270, %dma_wait3A_729] : memref<1000000x64xf32, #tpu.memory_space<hbm>> -> memref<1x64xf32, #tpu.memory_space<hbm>>
      %dma_wait3A_731 = tpu.memref_squeeze %dma_wait3A_730 : memref<1x64xf32, #tpu.memory_space<hbm>> -> memref<64xf32, #tpu.memory_space<hbm>>
      tpu.wait_dma2 semaphore(%arg12 : memref<!tpu.dma_semaphore, #tpu.memory_space<semaphore_mem>>) src(%dma_wait3A_731 : memref<64xf32, #tpu.memory_space<hbm>>) dst(%dma_wait3A_728 : memref<64xf32, #tpu.memory_space<vmem>>)
      %dma_wait3A_732 = arith.constant 0 : i32
      %dma_wait3A_733 = tpu.memref_slice %arg10[%add3A_288, %dma_wait3A_732] : memref<256x64xf32, #tpu.memory_space<vmem>> -> memref<1x64xf32, #tpu.memory_space<vmem>>
      %dma_wait3A_734 = tpu.memref_squeeze %dma_wait3A_733 : memref<1x64xf32, #tpu.memory_space<vmem>> -> memref<64xf32, #tpu.memory_space<vmem>>
      %dma_wait3A_735 = arith.constant 0 : i32
      %dma_wait3A_736 = tpu.memref_slice %arg4[%squeeze3A_286, %dma_wait3A_735] : memref<1000000x64xf32, #tpu.memory_space<hbm>> -> memref<1x64xf32, #tpu.memory_space<hbm>>
      %dma_wait3A_737 = tpu.memref_squeeze %dma_wait3A_736 : memref<1x64xf32, #tpu.memory_space<hbm>> -> memref<64xf32, #tpu.memory_space<hbm>>
      %dma_wait3A_738 = arith.constant 0 : i32
      %dma_wait3A_739 = tpu.memref_slice %arg10[%add3A_288, %dma_wait3A_738] : memref<256x64xf32, #tpu.memory_space<vmem>> -> memref<1x64xf32, #tpu.memory_space<vmem>>
      %dma_wait3A_740 = tpu.memref_squeeze %dma_wait3A_739 : memref<1x64xf32, #tpu.memory_space<vmem>> -> memref<64xf32, #tpu.memory_space<vmem>>
      %dma_wait3A_741 = arith.constant 0 : i32
      %dma_wait3A_742 = tpu.memref_slice %arg4[%squeeze3A_286, %dma_wait3A_741] : memref<1000000x64xf32, #tpu.memory_space<hbm>> -> memref<1x64xf32, #tpu.memory_space<hbm>>
      %dma_wait3A_743 = tpu.memref_squeeze %dma_wait3A_742 : memref<1x64xf32, #tpu.memory_space<hbm>> -> memref<64xf32, #tpu.memory_space<hbm>>
      tpu.wait_dma2 semaphore(%arg12 : memref<!tpu.dma_semaphore, #tpu.memory_space<semaphore_mem>>) src(%dma_wait3A_743 : memref<64xf32, #tpu.memory_space<hbm>>) dst(%dma_wait3A_740 : memref<64xf32, #tpu.memory_space<vmem>>)
      %dma_wait3A_744 = arith.constant 0 : i32
      %dma_wait3A_745 = tpu.memref_slice %arg11[%add3A_304, %dma_wait3A_744] : memref<256x64xf32, #tpu.memory_space<vmem>> -> memref<1x64xf32, #tpu.memory_space<vmem>>
      %dma_wait3A_746 = tpu.memref_squeeze %dma_wait3A_745 : memref<1x64xf32, #tpu.memory_space<vmem>> -> memref<64xf32, #tpu.memory_space<vmem>>
      %dma_wait3A_747 = arith.constant 0 : i32
      %dma_wait3A_748 = tpu.memref_slice %arg5[%squeeze3A_302, %dma_wait3A_747] : memref<1000000x64xf32, #tpu.memory_space<hbm>> -> memref<1x64xf32, #tpu.memory_space<hbm>>
      %dma_wait3A_749 = tpu.memref_squeeze %dma_wait3A_748 : memref<1x64xf32, #tpu.memory_space<hbm>> -> memref<64xf32, #tpu.memory_space<hbm>>
      %dma_wait3A_750 = arith.constant 0 : i32
      %dma_wait3A_751 = tpu.memref_slice %arg11[%add3A_304, %dma_wait3A_750] : memref<256x64xf32, #tpu.memory_space<vmem>> -> memref<1x64xf32, #tpu.memory_space<vmem>>
      %dma_wait3A_752 = tpu.memref_squeeze %dma_wait3A_751 : memref<1x64xf32, #tpu.memory_space<vmem>> -> memref<64xf32, #tpu.memory_space<vmem>>
      %dma_wait3A_753 = arith.constant 0 : i32
      %dma_wait3A_754 = tpu.memref_slice %arg5[%squeeze3A_302, %dma_wait3A_753] : memref<1000000x64xf32, #tpu.memory_space<hbm>> -> memref<1x64xf32, #tpu.memory_space<hbm>>
      %dma_wait3A_755 = tpu.memref_squeeze %dma_wait3A_754 : memref<1x64xf32, #tpu.memory_space<hbm>> -> memref<64xf32, #tpu.memory_space<hbm>>
      tpu.wait_dma2 semaphore(%arg12 : memref<!tpu.dma_semaphore, #tpu.memory_space<semaphore_mem>>) src(%dma_wait3A_755 : memref<64xf32, #tpu.memory_space<hbm>>) dst(%dma_wait3A_752 : memref<64xf32, #tpu.memory_space<vmem>>)
      %dma_wait3A_756 = arith.constant 0 : i32
      %dma_wait3A_757 = tpu.memref_slice %arg10[%add3A_320, %dma_wait3A_756] : memref<256x64xf32, #tpu.memory_space<vmem>> -> memref<1x64xf32, #tpu.memory_space<vmem>>
      %dma_wait3A_758 = tpu.memref_squeeze %dma_wait3A_757 : memref<1x64xf32, #tpu.memory_space<vmem>> -> memref<64xf32, #tpu.memory_space<vmem>>
      %dma_wait3A_759 = arith.constant 0 : i32
      %dma_wait3A_760 = tpu.memref_slice %arg4[%squeeze3A_318, %dma_wait3A_759] : memref<1000000x64xf32, #tpu.memory_space<hbm>> -> memref<1x64xf32, #tpu.memory_space<hbm>>
      %dma_wait3A_761 = tpu.memref_squeeze %dma_wait3A_760 : memref<1x64xf32, #tpu.memory_space<hbm>> -> memref<64xf32, #tpu.memory_space<hbm>>
      %dma_wait3A_762 = arith.constant 0 : i32
      %dma_wait3A_763 = tpu.memref_slice %arg10[%add3A_320, %dma_wait3A_762] : memref<256x64xf32, #tpu.memory_space<vmem>> -> memref<1x64xf32, #tpu.memory_space<vmem>>
      %dma_wait3A_764 = tpu.memref_squeeze %dma_wait3A_763 : memref<1x64xf32, #tpu.memory_space<vmem>> -> memref<64xf32, #tpu.memory_space<vmem>>
      %dma_wait3A_765 = arith.constant 0 : i32
      %dma_wait3A_766 = tpu.memref_slice %arg4[%squeeze3A_318, %dma_wait3A_765] : memref<1000000x64xf32, #tpu.memory_space<hbm>> -> memref<1x64xf32, #tpu.memory_space<hbm>>
      %dma_wait3A_767 = tpu.memref_squeeze %dma_wait3A_766 : memref<1x64xf32, #tpu.memory_space<hbm>> -> memref<64xf32, #tpu.memory_space<hbm>>
      tpu.wait_dma2 semaphore(%arg12 : memref<!tpu.dma_semaphore, #tpu.memory_space<semaphore_mem>>) src(%dma_wait3A_767 : memref<64xf32, #tpu.memory_space<hbm>>) dst(%dma_wait3A_764 : memref<64xf32, #tpu.memory_space<vmem>>)
      %dma_wait3A_768 = arith.constant 0 : i32
      %dma_wait3A_769 = tpu.memref_slice %arg11[%add3A_336, %dma_wait3A_768] : memref<256x64xf32, #tpu.memory_space<vmem>> -> memref<1x64xf32, #tpu.memory_space<vmem>>
      %dma_wait3A_770 = tpu.memref_squeeze %dma_wait3A_769 : memref<1x64xf32, #tpu.memory_space<vmem>> -> memref<64xf32, #tpu.memory_space<vmem>>
      %dma_wait3A_771 = arith.constant 0 : i32
      %dma_wait3A_772 = tpu.memref_slice %arg5[%squeeze3A_334, %dma_wait3A_771] : memref<1000000x64xf32, #tpu.memory_space<hbm>> -> memref<1x64xf32, #tpu.memory_space<hbm>>
      %dma_wait3A_773 = tpu.memref_squeeze %dma_wait3A_772 : memref<1x64xf32, #tpu.memory_space<hbm>> -> memref<64xf32, #tpu.memory_space<hbm>>
      %dma_wait3A_774 = arith.constant 0 : i32
      %dma_wait3A_775 = tpu.memref_slice %arg11[%add3A_336, %dma_wait3A_774] : memref<256x64xf32, #tpu.memory_space<vmem>> -> memref<1x64xf32, #tpu.memory_space<vmem>>
      %dma_wait3A_776 = tpu.memref_squeeze %dma_wait3A_775 : memref<1x64xf32, #tpu.memory_space<vmem>> -> memref<64xf32, #tpu.memory_space<vmem>>
      %dma_wait3A_777 = arith.constant 0 : i32
      %dma_wait3A_778 = tpu.memref_slice %arg5[%squeeze3A_334, %dma_wait3A_777] : memref<1000000x64xf32, #tpu.memory_space<hbm>> -> memref<1x64xf32, #tpu.memory_space<hbm>>
      %dma_wait3A_779 = tpu.memref_squeeze %dma_wait3A_778 : memref<1x64xf32, #tpu.memory_space<hbm>> -> memref<64xf32, #tpu.memory_space<hbm>>
      tpu.wait_dma2 semaphore(%arg12 : memref<!tpu.dma_semaphore, #tpu.memory_space<semaphore_mem>>) src(%dma_wait3A_779 : memref<64xf32, #tpu.memory_space<hbm>>) dst(%dma_wait3A_776 : memref<64xf32, #tpu.memory_space<vmem>>)
      %dma_wait3A_780 = arith.constant 0 : i32
      %dma_wait3A_781 = tpu.memref_slice %arg10[%add3A_352, %dma_wait3A_780] : memref<256x64xf32, #tpu.memory_space<vmem>> -> memref<1x64xf32, #tpu.memory_space<vmem>>
      %dma_wait3A_782 = tpu.memref_squeeze %dma_wait3A_781 : memref<1x64xf32, #tpu.memory_space<vmem>> -> memref<64xf32, #tpu.memory_space<vmem>>
      %dma_wait3A_783 = arith.constant 0 : i32
      %dma_wait3A_784 = tpu.memref_slice %arg4[%squeeze3A_350, %dma_wait3A_783] : memref<1000000x64xf32, #tpu.memory_space<hbm>> -> memref<1x64xf32, #tpu.memory_space<hbm>>
      %dma_wait3A_785 = tpu.memref_squeeze %dma_wait3A_784 : memref<1x64xf32, #tpu.memory_space<hbm>> -> memref<64xf32, #tpu.memory_space<hbm>>
      %dma_wait3A_786 = arith.constant 0 : i32
      %dma_wait3A_787 = tpu.memref_slice %arg10[%add3A_352, %dma_wait3A_786] : memref<256x64xf32, #tpu.memory_space<vmem>> -> memref<1x64xf32, #tpu.memory_space<vmem>>
      %dma_wait3A_788 = tpu.memref_squeeze %dma_wait3A_787 : memref<1x64xf32, #tpu.memory_space<vmem>> -> memref<64xf32, #tpu.memory_space<vmem>>
      %dma_wait3A_789 = arith.constant 0 : i32
      %dma_wait3A_790 = tpu.memref_slice %arg4[%squeeze3A_350, %dma_wait3A_789] : memref<1000000x64xf32, #tpu.memory_space<hbm>> -> memref<1x64xf32, #tpu.memory_space<hbm>>
      %dma_wait3A_791 = tpu.memref_squeeze %dma_wait3A_790 : memref<1x64xf32, #tpu.memory_space<hbm>> -> memref<64xf32, #tpu.memory_space<hbm>>
      tpu.wait_dma2 semaphore(%arg12 : memref<!tpu.dma_semaphore, #tpu.memory_space<semaphore_mem>>) src(%dma_wait3A_791 : memref<64xf32, #tpu.memory_space<hbm>>) dst(%dma_wait3A_788 : memref<64xf32, #tpu.memory_space<vmem>>)
      %dma_wait3A_792 = arith.constant 0 : i32
      %dma_wait3A_793 = tpu.memref_slice %arg11[%add3A_368, %dma_wait3A_792] : memref<256x64xf32, #tpu.memory_space<vmem>> -> memref<1x64xf32, #tpu.memory_space<vmem>>
      %dma_wait3A_794 = tpu.memref_squeeze %dma_wait3A_793 : memref<1x64xf32, #tpu.memory_space<vmem>> -> memref<64xf32, #tpu.memory_space<vmem>>
      %dma_wait3A_795 = arith.constant 0 : i32
      %dma_wait3A_796 = tpu.memref_slice %arg5[%squeeze3A_366, %dma_wait3A_795] : memref<1000000x64xf32, #tpu.memory_space<hbm>> -> memref<1x64xf32, #tpu.memory_space<hbm>>
      %dma_wait3A_797 = tpu.memref_squeeze %dma_wait3A_796 : memref<1x64xf32, #tpu.memory_space<hbm>> -> memref<64xf32, #tpu.memory_space<hbm>>
      %dma_wait3A_798 = arith.constant 0 : i32
      %dma_wait3A_799 = tpu.memref_slice %arg11[%add3A_368, %dma_wait3A_798] : memref<256x64xf32, #tpu.memory_space<vmem>> -> memref<1x64xf32, #tpu.memory_space<vmem>>
      %dma_wait3A_800 = tpu.memref_squeeze %dma_wait3A_799 : memref<1x64xf32, #tpu.memory_space<vmem>> -> memref<64xf32, #tpu.memory_space<vmem>>
      %dma_wait3A_801 = arith.constant 0 : i32
      %dma_wait3A_802 = tpu.memref_slice %arg5[%squeeze3A_366, %dma_wait3A_801] : memref<1000000x64xf32, #tpu.memory_space<hbm>> -> memref<1x64xf32, #tpu.memory_space<hbm>>
      %dma_wait3A_803 = tpu.memref_squeeze %dma_wait3A_802 : memref<1x64xf32, #tpu.memory_space<hbm>> -> memref<64xf32, #tpu.memory_space<hbm>>
      tpu.wait_dma2 semaphore(%arg12 : memref<!tpu.dma_semaphore, #tpu.memory_space<semaphore_mem>>) src(%dma_wait3A_803 : memref<64xf32, #tpu.memory_space<hbm>>) dst(%dma_wait3A_800 : memref<64xf32, #tpu.memory_space<vmem>>)
      %dma_wait3A_804 = arith.constant 0 : i32
      %dma_wait3A_805 = tpu.memref_slice %arg10[%add3A_384, %dma_wait3A_804] : memref<256x64xf32, #tpu.memory_space<vmem>> -> memref<1x64xf32, #tpu.memory_space<vmem>>
      %dma_wait3A_806 = tpu.memref_squeeze %dma_wait3A_805 : memref<1x64xf32, #tpu.memory_space<vmem>> -> memref<64xf32, #tpu.memory_space<vmem>>
      %dma_wait3A_807 = arith.constant 0 : i32
      %dma_wait3A_808 = tpu.memref_slice %arg4[%squeeze3A_382, %dma_wait3A_807] : memref<1000000x64xf32, #tpu.memory_space<hbm>> -> memref<1x64xf32, #tpu.memory_space<hbm>>
      %dma_wait3A_809 = tpu.memref_squeeze %dma_wait3A_808 : memref<1x64xf32, #tpu.memory_space<hbm>> -> memref<64xf32, #tpu.memory_space<hbm>>
      %dma_wait3A_810 = arith.constant 0 : i32
      %dma_wait3A_811 = tpu.memref_slice %arg10[%add3A_384, %dma_wait3A_810] : memref<256x64xf32, #tpu.memory_space<vmem>> -> memref<1x64xf32, #tpu.memory_space<vmem>>
      %dma_wait3A_812 = tpu.memref_squeeze %dma_wait3A_811 : memref<1x64xf32, #tpu.memory_space<vmem>> -> memref<64xf32, #tpu.memory_space<vmem>>
      %dma_wait3A_813 = arith.constant 0 : i32
      %dma_wait3A_814 = tpu.memref_slice %arg4[%squeeze3A_382, %dma_wait3A_813] : memref<1000000x64xf32, #tpu.memory_space<hbm>> -> memref<1x64xf32, #tpu.memory_space<hbm>>
      %dma_wait3A_815 = tpu.memref_squeeze %dma_wait3A_814 : memref<1x64xf32, #tpu.memory_space<hbm>> -> memref<64xf32, #tpu.memory_space<hbm>>
      tpu.wait_dma2 semaphore(%arg12 : memref<!tpu.dma_semaphore, #tpu.memory_space<semaphore_mem>>) src(%dma_wait3A_815 : memref<64xf32, #tpu.memory_space<hbm>>) dst(%dma_wait3A_812 : memref<64xf32, #tpu.memory_space<vmem>>)
      %dma_wait3A_816 = arith.constant 0 : i32
      %dma_wait3A_817 = tpu.memref_slice %arg11[%add3A_400, %dma_wait3A_816] : memref<256x64xf32, #tpu.memory_space<vmem>> -> memref<1x64xf32, #tpu.memory_space<vmem>>
      %dma_wait3A_818 = tpu.memref_squeeze %dma_wait3A_817 : memref<1x64xf32, #tpu.memory_space<vmem>> -> memref<64xf32, #tpu.memory_space<vmem>>
      %dma_wait3A_819 = arith.constant 0 : i32
      %dma_wait3A_820 = tpu.memref_slice %arg5[%squeeze3A_398, %dma_wait3A_819] : memref<1000000x64xf32, #tpu.memory_space<hbm>> -> memref<1x64xf32, #tpu.memory_space<hbm>>
      %dma_wait3A_821 = tpu.memref_squeeze %dma_wait3A_820 : memref<1x64xf32, #tpu.memory_space<hbm>> -> memref<64xf32, #tpu.memory_space<hbm>>
      %dma_wait3A_822 = arith.constant 0 : i32
      %dma_wait3A_823 = tpu.memref_slice %arg11[%add3A_400, %dma_wait3A_822] : memref<256x64xf32, #tpu.memory_space<vmem>> -> memref<1x64xf32, #tpu.memory_space<vmem>>
      %dma_wait3A_824 = tpu.memref_squeeze %dma_wait3A_823 : memref<1x64xf32, #tpu.memory_space<vmem>> -> memref<64xf32, #tpu.memory_space<vmem>>
      %dma_wait3A_825 = arith.constant 0 : i32
      %dma_wait3A_826 = tpu.memref_slice %arg5[%squeeze3A_398, %dma_wait3A_825] : memref<1000000x64xf32, #tpu.memory_space<hbm>> -> memref<1x64xf32, #tpu.memory_space<hbm>>
      %dma_wait3A_827 = tpu.memref_squeeze %dma_wait3A_826 : memref<1x64xf32, #tpu.memory_space<hbm>> -> memref<64xf32, #tpu.memory_space<hbm>>
      tpu.wait_dma2 semaphore(%arg12 : memref<!tpu.dma_semaphore, #tpu.memory_space<semaphore_mem>>) src(%dma_wait3A_827 : memref<64xf32, #tpu.memory_space<hbm>>) dst(%dma_wait3A_824 : memref<64xf32, #tpu.memory_space<vmem>>)
      %dma_wait3A_828 = arith.constant 0 : i32
      %dma_wait3A_829 = tpu.memref_slice %arg10[%add3A_416, %dma_wait3A_828] : memref<256x64xf32, #tpu.memory_space<vmem>> -> memref<1x64xf32, #tpu.memory_space<vmem>>
      %dma_wait3A_830 = tpu.memref_squeeze %dma_wait3A_829 : memref<1x64xf32, #tpu.memory_space<vmem>> -> memref<64xf32, #tpu.memory_space<vmem>>
      %dma_wait3A_831 = arith.constant 0 : i32
      %dma_wait3A_832 = tpu.memref_slice %arg4[%squeeze3A_414, %dma_wait3A_831] : memref<1000000x64xf32, #tpu.memory_space<hbm>> -> memref<1x64xf32, #tpu.memory_space<hbm>>
      %dma_wait3A_833 = tpu.memref_squeeze %dma_wait3A_832 : memref<1x64xf32, #tpu.memory_space<hbm>> -> memref<64xf32, #tpu.memory_space<hbm>>
      %dma_wait3A_834 = arith.constant 0 : i32
      %dma_wait3A_835 = tpu.memref_slice %arg10[%add3A_416, %dma_wait3A_834] : memref<256x64xf32, #tpu.memory_space<vmem>> -> memref<1x64xf32, #tpu.memory_space<vmem>>
      %dma_wait3A_836 = tpu.memref_squeeze %dma_wait3A_835 : memref<1x64xf32, #tpu.memory_space<vmem>> -> memref<64xf32, #tpu.memory_space<vmem>>
      %dma_wait3A_837 = arith.constant 0 : i32
      %dma_wait3A_838 = tpu.memref_slice %arg4[%squeeze3A_414, %dma_wait3A_837] : memref<1000000x64xf32, #tpu.memory_space<hbm>> -> memref<1x64xf32, #tpu.memory_space<hbm>>
      %dma_wait3A_839 = tpu.memref_squeeze %dma_wait3A_838 : memref<1x64xf32, #tpu.memory_space<hbm>> -> memref<64xf32, #tpu.memory_space<hbm>>
      tpu.wait_dma2 semaphore(%arg12 : memref<!tpu.dma_semaphore, #tpu.memory_space<semaphore_mem>>) src(%dma_wait3A_839 : memref<64xf32, #tpu.memory_space<hbm>>) dst(%dma_wait3A_836 : memref<64xf32, #tpu.memory_space<vmem>>)
      %dma_wait3A_840 = arith.constant 0 : i32
      %dma_wait3A_841 = tpu.memref_slice %arg11[%add3A_432, %dma_wait3A_840] : memref<256x64xf32, #tpu.memory_space<vmem>> -> memref<1x64xf32, #tpu.memory_space<vmem>>
      %dma_wait3A_842 = tpu.memref_squeeze %dma_wait3A_841 : memref<1x64xf32, #tpu.memory_space<vmem>> -> memref<64xf32, #tpu.memory_space<vmem>>
      %dma_wait3A_843 = arith.constant 0 : i32
      %dma_wait3A_844 = tpu.memref_slice %arg5[%squeeze3A_430, %dma_wait3A_843] : memref<1000000x64xf32, #tpu.memory_space<hbm>> -> memref<1x64xf32, #tpu.memory_space<hbm>>
      %dma_wait3A_845 = tpu.memref_squeeze %dma_wait3A_844 : memref<1x64xf32, #tpu.memory_space<hbm>> -> memref<64xf32, #tpu.memory_space<hbm>>
      %dma_wait3A_846 = arith.constant 0 : i32
      %dma_wait3A_847 = tpu.memref_slice %arg11[%add3A_432, %dma_wait3A_846] : memref<256x64xf32, #tpu.memory_space<vmem>> -> memref<1x64xf32, #tpu.memory_space<vmem>>
      %dma_wait3A_848 = tpu.memref_squeeze %dma_wait3A_847 : memref<1x64xf32, #tpu.memory_space<vmem>> -> memref<64xf32, #tpu.memory_space<vmem>>
      %dma_wait3A_849 = arith.constant 0 : i32
      %dma_wait3A_850 = tpu.memref_slice %arg5[%squeeze3A_430, %dma_wait3A_849] : memref<1000000x64xf32, #tpu.memory_space<hbm>> -> memref<1x64xf32, #tpu.memory_space<hbm>>
      %dma_wait3A_851 = tpu.memref_squeeze %dma_wait3A_850 : memref<1x64xf32, #tpu.memory_space<hbm>> -> memref<64xf32, #tpu.memory_space<hbm>>
      tpu.wait_dma2 semaphore(%arg12 : memref<!tpu.dma_semaphore, #tpu.memory_space<semaphore_mem>>) src(%dma_wait3A_851 : memref<64xf32, #tpu.memory_space<hbm>>) dst(%dma_wait3A_848 : memref<64xf32, #tpu.memory_space<vmem>>)
      %dma_wait3A_852 = arith.constant 0 : i32
      %dma_wait3A_853 = tpu.memref_slice %arg10[%add3A_448, %dma_wait3A_852] : memref<256x64xf32, #tpu.memory_space<vmem>> -> memref<1x64xf32, #tpu.memory_space<vmem>>
      %dma_wait3A_854 = tpu.memref_squeeze %dma_wait3A_853 : memref<1x64xf32, #tpu.memory_space<vmem>> -> memref<64xf32, #tpu.memory_space<vmem>>
      %dma_wait3A_855 = arith.constant 0 : i32
      %dma_wait3A_856 = tpu.memref_slice %arg4[%squeeze3A_446, %dma_wait3A_855] : memref<1000000x64xf32, #tpu.memory_space<hbm>> -> memref<1x64xf32, #tpu.memory_space<hbm>>
      %dma_wait3A_857 = tpu.memref_squeeze %dma_wait3A_856 : memref<1x64xf32, #tpu.memory_space<hbm>> -> memref<64xf32, #tpu.memory_space<hbm>>
      %dma_wait3A_858 = arith.constant 0 : i32
      %dma_wait3A_859 = tpu.memref_slice %arg10[%add3A_448, %dma_wait3A_858] : memref<256x64xf32, #tpu.memory_space<vmem>> -> memref<1x64xf32, #tpu.memory_space<vmem>>
      %dma_wait3A_860 = tpu.memref_squeeze %dma_wait3A_859 : memref<1x64xf32, #tpu.memory_space<vmem>> -> memref<64xf32, #tpu.memory_space<vmem>>
      %dma_wait3A_861 = arith.constant 0 : i32
      %dma_wait3A_862 = tpu.memref_slice %arg4[%squeeze3A_446, %dma_wait3A_861] : memref<1000000x64xf32, #tpu.memory_space<hbm>> -> memref<1x64xf32, #tpu.memory_space<hbm>>
      %dma_wait3A_863 = tpu.memref_squeeze %dma_wait3A_862 : memref<1x64xf32, #tpu.memory_space<hbm>> -> memref<64xf32, #tpu.memory_space<hbm>>
      tpu.wait_dma2 semaphore(%arg12 : memref<!tpu.dma_semaphore, #tpu.memory_space<semaphore_mem>>) src(%dma_wait3A_863 : memref<64xf32, #tpu.memory_space<hbm>>) dst(%dma_wait3A_860 : memref<64xf32, #tpu.memory_space<vmem>>)
      %dma_wait3A_864 = arith.constant 0 : i32
      %dma_wait3A_865 = tpu.memref_slice %arg11[%add3A_464, %dma_wait3A_864] : memref<256x64xf32, #tpu.memory_space<vmem>> -> memref<1x64xf32, #tpu.memory_space<vmem>>
      %dma_wait3A_866 = tpu.memref_squeeze %dma_wait3A_865 : memref<1x64xf32, #tpu.memory_space<vmem>> -> memref<64xf32, #tpu.memory_space<vmem>>
      %dma_wait3A_867 = arith.constant 0 : i32
      %dma_wait3A_868 = tpu.memref_slice %arg5[%squeeze3A_462, %dma_wait3A_867] : memref<1000000x64xf32, #tpu.memory_space<hbm>> -> memref<1x64xf32, #tpu.memory_space<hbm>>
      %dma_wait3A_869 = tpu.memref_squeeze %dma_wait3A_868 : memref<1x64xf32, #tpu.memory_space<hbm>> -> memref<64xf32, #tpu.memory_space<hbm>>
      %dma_wait3A_870 = arith.constant 0 : i32
      %dma_wait3A_871 = tpu.memref_slice %arg11[%add3A_464, %dma_wait3A_870] : memref<256x64xf32, #tpu.memory_space<vmem>> -> memref<1x64xf32, #tpu.memory_space<vmem>>
      %dma_wait3A_872 = tpu.memref_squeeze %dma_wait3A_871 : memref<1x64xf32, #tpu.memory_space<vmem>> -> memref<64xf32, #tpu.memory_space<vmem>>
      %dma_wait3A_873 = arith.constant 0 : i32
      %dma_wait3A_874 = tpu.memref_slice %arg5[%squeeze3A_462, %dma_wait3A_873] : memref<1000000x64xf32, #tpu.memory_space<hbm>> -> memref<1x64xf32, #tpu.memory_space<hbm>>
      %dma_wait3A_875 = tpu.memref_squeeze %dma_wait3A_874 : memref<1x64xf32, #tpu.memory_space<hbm>> -> memref<64xf32, #tpu.memory_space<hbm>>
      tpu.wait_dma2 semaphore(%arg12 : memref<!tpu.dma_semaphore, #tpu.memory_space<semaphore_mem>>) src(%dma_wait3A_875 : memref<64xf32, #tpu.memory_space<hbm>>) dst(%dma_wait3A_872 : memref<64xf32, #tpu.memory_space<vmem>>)
      %dma_wait3A_876 = arith.constant 0 : i32
      %dma_wait3A_877 = tpu.memref_slice %arg10[%add3A_480, %dma_wait3A_876] : memref<256x64xf32, #tpu.memory_space<vmem>> -> memref<1x64xf32, #tpu.memory_space<vmem>>
      %dma_wait3A_878 = tpu.memref_squeeze %dma_wait3A_877 : memref<1x64xf32, #tpu.memory_space<vmem>> -> memref<64xf32, #tpu.memory_space<vmem>>
      %dma_wait3A_879 = arith.constant 0 : i32
      %dma_wait3A_880 = tpu.memref_slice %arg4[%squeeze3A_478, %dma_wait3A_879] : memref<1000000x64xf32, #tpu.memory_space<hbm>> -> memref<1x64xf32, #tpu.memory_space<hbm>>
      %dma_wait3A_881 = tpu.memref_squeeze %dma_wait3A_880 : memref<1x64xf32, #tpu.memory_space<hbm>> -> memref<64xf32, #tpu.memory_space<hbm>>
      %dma_wait3A_882 = arith.constant 0 : i32
      %dma_wait3A_883 = tpu.memref_slice %arg10[%add3A_480, %dma_wait3A_882] : memref<256x64xf32, #tpu.memory_space<vmem>> -> memref<1x64xf32, #tpu.memory_space<vmem>>
      %dma_wait3A_884 = tpu.memref_squeeze %dma_wait3A_883 : memref<1x64xf32, #tpu.memory_space<vmem>> -> memref<64xf32, #tpu.memory_space<vmem>>
      %dma_wait3A_885 = arith.constant 0 : i32
      %dma_wait3A_886 = tpu.memref_slice %arg4[%squeeze3A_478, %dma_wait3A_885] : memref<1000000x64xf32, #tpu.memory_space<hbm>> -> memref<1x64xf32, #tpu.memory_space<hbm>>
      %dma_wait3A_887 = tpu.memref_squeeze %dma_wait3A_886 : memref<1x64xf32, #tpu.memory_space<hbm>> -> memref<64xf32, #tpu.memory_space<hbm>>
      tpu.wait_dma2 semaphore(%arg12 : memref<!tpu.dma_semaphore, #tpu.memory_space<semaphore_mem>>) src(%dma_wait3A_887 : memref<64xf32, #tpu.memory_space<hbm>>) dst(%dma_wait3A_884 : memref<64xf32, #tpu.memory_space<vmem>>)
      %dma_wait3A_888 = arith.constant 0 : i32
      %dma_wait3A_889 = tpu.memref_slice %arg11[%add3A_496, %dma_wait3A_888] : memref<256x64xf32, #tpu.memory_space<vmem>> -> memref<1x64xf32, #tpu.memory_space<vmem>>
      %dma_wait3A_890 = tpu.memref_squeeze %dma_wait3A_889 : memref<1x64xf32, #tpu.memory_space<vmem>> -> memref<64xf32, #tpu.memory_space<vmem>>
      %dma_wait3A_891 = arith.constant 0 : i32
      %dma_wait3A_892 = tpu.memref_slice %arg5[%squeeze3A_494, %dma_wait3A_891] : memref<1000000x64xf32, #tpu.memory_space<hbm>> -> memref<1x64xf32, #tpu.memory_space<hbm>>
      %dma_wait3A_893 = tpu.memref_squeeze %dma_wait3A_892 : memref<1x64xf32, #tpu.memory_space<hbm>> -> memref<64xf32, #tpu.memory_space<hbm>>
      %dma_wait3A_894 = arith.constant 0 : i32
      %dma_wait3A_895 = tpu.memref_slice %arg11[%add3A_496, %dma_wait3A_894] : memref<256x64xf32, #tpu.memory_space<vmem>> -> memref<1x64xf32, #tpu.memory_space<vmem>>
      %dma_wait3A_896 = tpu.memref_squeeze %dma_wait3A_895 : memref<1x64xf32, #tpu.memory_space<vmem>> -> memref<64xf32, #tpu.memory_space<vmem>>
      %dma_wait3A_897 = arith.constant 0 : i32
      %dma_wait3A_898 = tpu.memref_slice %arg5[%squeeze3A_494, %dma_wait3A_897] : memref<1000000x64xf32, #tpu.memory_space<hbm>> -> memref<1x64xf32, #tpu.memory_space<hbm>>
      %dma_wait3A_899 = tpu.memref_squeeze %dma_wait3A_898 : memref<1x64xf32, #tpu.memory_space<hbm>> -> memref<64xf32, #tpu.memory_space<hbm>>
      tpu.wait_dma2 semaphore(%arg12 : memref<!tpu.dma_semaphore, #tpu.memory_space<semaphore_mem>>) src(%dma_wait3A_899 : memref<64xf32, #tpu.memory_space<hbm>>) dst(%dma_wait3A_896 : memref<64xf32, #tpu.memory_space<vmem>>)
      %dma_wait3A_900 = arith.constant 0 : i32
      %dma_wait3A_901 = tpu.memref_slice %arg10[%add3A_512, %dma_wait3A_900] : memref<256x64xf32, #tpu.memory_space<vmem>> -> memref<1x64xf32, #tpu.memory_space<vmem>>
      %dma_wait3A_902 = tpu.memref_squeeze %dma_wait3A_901 : memref<1x64xf32, #tpu.memory_space<vmem>> -> memref<64xf32, #tpu.memory_space<vmem>>
      %dma_wait3A_903 = arith.constant 0 : i32
      %dma_wait3A_904 = tpu.memref_slice %arg4[%squeeze3A_510, %dma_wait3A_903] : memref<1000000x64xf32, #tpu.memory_space<hbm>> -> memref<1x64xf32, #tpu.memory_space<hbm>>
      %dma_wait3A_905 = tpu.memref_squeeze %dma_wait3A_904 : memref<1x64xf32, #tpu.memory_space<hbm>> -> memref<64xf32, #tpu.memory_space<hbm>>
      %dma_wait3A_906 = arith.constant 0 : i32
      %dma_wait3A_907 = tpu.memref_slice %arg10[%add3A_512, %dma_wait3A_906] : memref<256x64xf32, #tpu.memory_space<vmem>> -> memref<1x64xf32, #tpu.memory_space<vmem>>
      %dma_wait3A_908 = tpu.memref_squeeze %dma_wait3A_907 : memref<1x64xf32, #tpu.memory_space<vmem>> -> memref<64xf32, #tpu.memory_space<vmem>>
      %dma_wait3A_909 = arith.constant 0 : i32
      %dma_wait3A_910 = tpu.memref_slice %arg4[%squeeze3A_510, %dma_wait3A_909] : memref<1000000x64xf32, #tpu.memory_space<hbm>> -> memref<1x64xf32, #tpu.memory_space<hbm>>
      %dma_wait3A_911 = tpu.memref_squeeze %dma_wait3A_910 : memref<1x64xf32, #tpu.memory_space<hbm>> -> memref<64xf32, #tpu.memory_space<hbm>>
      tpu.wait_dma2 semaphore(%arg12 : memref<!tpu.dma_semaphore, #tpu.memory_space<semaphore_mem>>) src(%dma_wait3A_911 : memref<64xf32, #tpu.memory_space<hbm>>) dst(%dma_wait3A_908 : memref<64xf32, #tpu.memory_space<vmem>>)
      %dma_wait3A_912 = arith.constant 0 : i32
      %dma_wait3A_913 = tpu.memref_slice %arg11[%add3A_528, %dma_wait3A_912] : memref<256x64xf32, #tpu.memory_space<vmem>> -> memref<1x64xf32, #tpu.memory_space<vmem>>
      %dma_wait3A_914 = tpu.memref_squeeze %dma_wait3A_913 : memref<1x64xf32, #tpu.memory_space<vmem>> -> memref<64xf32, #tpu.memory_space<vmem>>
      %dma_wait3A_915 = arith.constant 0 : i32
      %dma_wait3A_916 = tpu.memref_slice %arg5[%squeeze3A_526, %dma_wait3A_915] : memref<1000000x64xf32, #tpu.memory_space<hbm>> -> memref<1x64xf32, #tpu.memory_space<hbm>>
      %dma_wait3A_917 = tpu.memref_squeeze %dma_wait3A_916 : memref<1x64xf32, #tpu.memory_space<hbm>> -> memref<64xf32, #tpu.memory_space<hbm>>
      %dma_wait3A_918 = arith.constant 0 : i32
      %dma_wait3A_919 = tpu.memref_slice %arg11[%add3A_528, %dma_wait3A_918] : memref<256x64xf32, #tpu.memory_space<vmem>> -> memref<1x64xf32, #tpu.memory_space<vmem>>
      %dma_wait3A_920 = tpu.memref_squeeze %dma_wait3A_919 : memref<1x64xf32, #tpu.memory_space<vmem>> -> memref<64xf32, #tpu.memory_space<vmem>>
      %dma_wait3A_921 = arith.constant 0 : i32
      %dma_wait3A_922 = tpu.memref_slice %arg5[%squeeze3A_526, %dma_wait3A_921] : memref<1000000x64xf32, #tpu.memory_space<hbm>> -> memref<1x64xf32, #tpu.memory_space<hbm>>
      %dma_wait3A_923 = tpu.memref_squeeze %dma_wait3A_922 : memref<1x64xf32, #tpu.memory_space<hbm>> -> memref<64xf32, #tpu.memory_space<hbm>>
      tpu.wait_dma2 semaphore(%arg12 : memref<!tpu.dma_semaphore, #tpu.memory_space<semaphore_mem>>) src(%dma_wait3A_923 : memref<64xf32, #tpu.memory_space<hbm>>) dst(%dma_wait3A_920 : memref<64xf32, #tpu.memory_space<vmem>>)
    }
    %scan3A_6 = arith.constant 16 : i32
    %add3A_7 = arith.constant 0 : i32
    %add3A_8 = arith.addi %mul3A_2, %add3A_7 : i32
    "tpu.region"() ({
      %run_scoped3A = tpu.sem_alloc : memref<!tpu.dma_semaphore, #tpu.memory_space<semaphore_mem>>
      %dma_start3A = arith.constant 0 : i32
      %dma_start3A_20 = tpu.memref_slice %arg6[%add3A_8, %dma_start3A] : memref<16384x64xf32, #tpu.memory_space<hbm>> -> memref<256x64xf32, #tpu.memory_space<hbm>>
      %dma_start3A_21 = arith.constant 0 : i32
      %dma_start3A_22 = tpu.memref_slice %arg6[%add3A_8, %dma_start3A_21] : memref<16384x64xf32, #tpu.memory_space<hbm>> -> memref<256x64xf32, #tpu.memory_space<hbm>>
      tpu.enqueue_dma source(%arg10 : memref<256x64xf32, #tpu.memory_space<vmem>>) target(%dma_start3A_22 : memref<256x64xf32, #tpu.memory_space<hbm>>) target_semaphore(%run_scoped3A : memref<!tpu.dma_semaphore, #tpu.memory_space<semaphore_mem>>)
      %dma_wait3A = arith.constant 0 : i32
      %dma_wait3A_23 = tpu.memref_slice %arg6[%add3A_8, %dma_wait3A] : memref<16384x64xf32, #tpu.memory_space<hbm>> -> memref<256x64xf32, #tpu.memory_space<hbm>>
      %dma_wait3A_24 = arith.constant 0 : i32
      %dma_wait3A_25 = tpu.memref_slice %arg6[%add3A_8, %dma_wait3A_24] : memref<16384x64xf32, #tpu.memory_space<hbm>> -> memref<256x64xf32, #tpu.memory_space<hbm>>
      tpu.wait_dma2 semaphore(%run_scoped3A : memref<!tpu.dma_semaphore, #tpu.memory_space<semaphore_mem>>) src(%arg10 : memref<256x64xf32, #tpu.memory_space<vmem>>) dst(%dma_wait3A_25 : memref<256x64xf32, #tpu.memory_space<hbm>>)
      tpu.yield
    }) : () -> ()
    %add3A_9 = arith.constant 0 : i32
    %add3A_10 = arith.addi %mul3A_2, %add3A_9 : i32
    "tpu.region"() ({
      %run_scoped3A = tpu.sem_alloc : memref<!tpu.dma_semaphore, #tpu.memory_space<semaphore_mem>>
      %dma_start3A = arith.constant 0 : i32
      %dma_start3A_20 = tpu.memref_slice %arg7[%add3A_10, %dma_start3A] : memref<16384x64xf32, #tpu.memory_space<hbm>> -> memref<256x64xf32, #tpu.memory_space<hbm>>
      %dma_start3A_21 = arith.constant 0 : i32
      %dma_start3A_22 = tpu.memref_slice %arg7[%add3A_10, %dma_start3A_21] : memref<16384x64xf32, #tpu.memory_space<hbm>> -> memref<256x64xf32, #tpu.memory_space<hbm>>
      tpu.enqueue_dma source(%arg11 : memref<256x64xf32, #tpu.memory_space<vmem>>) target(%dma_start3A_22 : memref<256x64xf32, #tpu.memory_space<hbm>>) target_semaphore(%run_scoped3A : memref<!tpu.dma_semaphore, #tpu.memory_space<semaphore_mem>>)
      %dma_wait3A = arith.constant 0 : i32
      %dma_wait3A_23 = tpu.memref_slice %arg7[%add3A_10, %dma_wait3A] : memref<16384x64xf32, #tpu.memory_space<hbm>> -> memref<256x64xf32, #tpu.memory_space<hbm>>
      %dma_wait3A_24 = arith.constant 0 : i32
      %dma_wait3A_25 = tpu.memref_slice %arg7[%add3A_10, %dma_wait3A_24] : memref<16384x64xf32, #tpu.memory_space<hbm>> -> memref<256x64xf32, #tpu.memory_space<hbm>>
      tpu.wait_dma2 semaphore(%run_scoped3A : memref<!tpu.dma_semaphore, #tpu.memory_space<semaphore_mem>>) src(%arg11 : memref<256x64xf32, #tpu.memory_space<vmem>>) dst(%dma_wait3A_25 : memref<256x64xf32, #tpu.memory_space<hbm>>)
      tpu.yield
    }) : () -> ()
    %scan3A_11 = arith.constant 0 : i32
    %scan3A_12 = arith.constant 16 : i32
    %scan3A_13 = arith.addi %scan3A_11, %scan3A_12 : i32
    %scan3A_14 = arith.constant 1 : i32
    scf.for %scan3A_20 = %scan3A_11 to %scan3A_13 step %scan3A_14  : i32 {
      %mul3A_21 = arith.constant 16 : i32
      %mul3A_22 = arith.muli %scan3A_20, %mul3A_21 : i32
      %add3A_23 = arith.constant 256 : i32
      %add3A_24 = arith.addi %add3A_23, %mul3A_22 : i32
      %get3A = arith.index_cast %add3A_24 : i32 to index
      %get3A_25 = tpu.vector_load %arg8[%get3A] {strides = array<i32>} : memref<512xi32, #tpu.memory_space<vmem>>, vector<16xi32>,
      %get3A_26 = vector.shape_cast %get3A_25 : vector<16xi32> to vector<16xi32>
      %add3A_27 = arith.constant 256 : i32
      %add3A_28 = arith.addi %add3A_27, %mul3A_22 : i32
      %get3A_29 = arith.index_cast %add3A_28 : i32 to index
      %get3A_30 = tpu.vector_load %arg9[%get3A_29] {strides = array<i32>} : memref<512xi32, #tpu.memory_space<vmem>>, vector<16xi32>,
      %get3A_31 = vector.shape_cast %get3A_30 : vector<16xi32> to vector<16xi32>
      %slice3A = vector.extract_strided_slice %get3A_26 {offsets = [0], sizes = [1], strides = [1]} : vector<16xi32> to vector<1xi32>
      %squeeze3A = vector.extract %slice3A[0] : i32 from vector<1xi32>
      %add3A_32 = arith.constant 0 : i32
      %add3A_33 = arith.addi %mul3A_22, %add3A_32 : i32
      %dma_start3A = arith.constant 0 : i32
      %dma_start3A_34 = tpu.memref_slice %arg10[%add3A_33, %dma_start3A] : memref<256x64xf32, #tpu.memory_space<vmem>> -> memref<1x64xf32, #tpu.memory_space<vmem>>
      %dma_start3A_35 = tpu.memref_squeeze %dma_start3A_34 : memref<1x64xf32, #tpu.memory_space<vmem>> -> memref<64xf32, #tpu.memory_space<vmem>>
      %dma_start3A_36 = arith.constant 0 : i32
      %dma_start3A_37 = tpu.memref_slice %arg4[%squeeze3A, %dma_start3A_36] : memref<1000000x64xf32, #tpu.memory_space<hbm>> -> memref<1x64xf32, #tpu.memory_space<hbm>>
      %dma_start3A_38 = tpu.memref_squeeze %dma_start3A_37 : memref<1x64xf32, #tpu.memory_space<hbm>> -> memref<64xf32, #tpu.memory_space<hbm>>
      %dma_start3A_39 = arith.constant 0 : i32
      %dma_start3A_40 = tpu.memref_slice %arg10[%add3A_33, %dma_start3A_39] : memref<256x64xf32, #tpu.memory_space<vmem>> -> memref<1x64xf32, #tpu.memory_space<vmem>>
      %dma_start3A_41 = tpu.memref_squeeze %dma_start3A_40 : memref<1x64xf32, #tpu.memory_space<vmem>> -> memref<64xf32, #tpu.memory_space<vmem>>
      %dma_start3A_42 = arith.constant 0 : i32
      %dma_start3A_43 = tpu.memref_slice %arg4[%squeeze3A, %dma_start3A_42] : memref<1000000x64xf32, #tpu.memory_space<hbm>> -> memref<1x64xf32, #tpu.memory_space<hbm>>
      %dma_start3A_44 = tpu.memref_squeeze %dma_start3A_43 : memref<1x64xf32, #tpu.memory_space<hbm>> -> memref<64xf32, #tpu.memory_space<hbm>>
      tpu.enqueue_dma source(%dma_start3A_44 : memref<64xf32, #tpu.memory_space<hbm>>) target(%dma_start3A_41 : memref<64xf32, #tpu.memory_space<vmem>>) target_semaphore(%arg12 : memref<!tpu.dma_semaphore, #tpu.memory_space<semaphore_mem>>)
      %slice3A_45 = vector.extract_strided_slice %get3A_31 {offsets = [0], sizes = [1], strides = [1]} : vector<16xi32> to vector<1xi32>
      %squeeze3A_46 = vector.extract %slice3A_45[0] : i32 from vector<1xi32>
      %add3A_47 = arith.constant 0 : i32
      %add3A_48 = arith.addi %mul3A_22, %add3A_47 : i32
      %dma_start3A_49 = arith.constant 0 : i32
      %dma_start3A_50 = tpu.memref_slice %arg11[%add3A_48, %dma_start3A_49] : memref<256x64xf32, #tpu.memory_space<vmem>> -> memref<1x64xf32, #tpu.memory_space<vmem>>
      %dma_start3A_51 = tpu.memref_squeeze %dma_start3A_50 : memref<1x64xf32, #tpu.memory_space<vmem>> -> memref<64xf32, #tpu.memory_space<vmem>>
      %dma_start3A_52 = arith.constant 0 : i32
      %dma_start3A_53 = tpu.memref_slice %arg5[%squeeze3A_46, %dma_start3A_52] : memref<1000000x64xf32, #tpu.memory_space<hbm>> -> memref<1x64xf32, #tpu.memory_space<hbm>>
      %dma_start3A_54 = tpu.memref_squeeze %dma_start3A_53 : memref<1x64xf32, #tpu.memory_space<hbm>> -> memref<64xf32, #tpu.memory_space<hbm>>
      %dma_start3A_55 = arith.constant 0 : i32
      %dma_start3A_56 = tpu.memref_slice %arg11[%add3A_48, %dma_start3A_55] : memref<256x64xf32, #tpu.memory_space<vmem>> -> memref<1x64xf32, #tpu.memory_space<vmem>>
      %dma_start3A_57 = tpu.memref_squeeze %dma_start3A_56 : memref<1x64xf32, #tpu.memory_space<vmem>> -> memref<64xf32, #tpu.memory_space<vmem>>
      %dma_start3A_58 = arith.constant 0 : i32
      %dma_start3A_59 = tpu.memref_slice %arg5[%squeeze3A_46, %dma_start3A_58] : memref<1000000x64xf32, #tpu.memory_space<hbm>> -> memref<1x64xf32, #tpu.memory_space<hbm>>
      %dma_start3A_60 = tpu.memref_squeeze %dma_start3A_59 : memref<1x64xf32, #tpu.memory_space<hbm>> -> memref<64xf32, #tpu.memory_space<hbm>>
      tpu.enqueue_dma source(%dma_start3A_60 : memref<64xf32, #tpu.memory_space<hbm>>) target(%dma_start3A_57 : memref<64xf32, #tpu.memory_space<vmem>>) target_semaphore(%arg12 : memref<!tpu.dma_semaphore, #tpu.memory_space<semaphore_mem>>)
      %slice3A_61 = vector.extract_strided_slice %get3A_26 {offsets = [1], sizes = [1], strides = [1]} : vector<16xi32> to vector<1xi32>
      %squeeze3A_62 = vector.extract %slice3A_61[0] : i32 from vector<1xi32>
      %add3A_63 = arith.constant 1 : i32
      %add3A_64 = arith.addi %mul3A_22, %add3A_63 : i32
      %dma_start3A_65 = arith.constant 0 : i32
      %dma_start3A_66 = tpu.memref_slice %arg10[%add3A_64, %dma_start3A_65] : memref<256x64xf32, #tpu.memory_space<vmem>> -> memref<1x64xf32, #tpu.memory_space<vmem>>
      %dma_start3A_67 = tpu.memref_squeeze %dma_start3A_66 : memref<1x64xf32, #tpu.memory_space<vmem>> -> memref<64xf32, #tpu.memory_space<vmem>>
      %dma_start3A_68 = arith.constant 0 : i32
      %dma_start3A_69 = tpu.memref_slice %arg4[%squeeze3A_62, %dma_start3A_68] : memref<1000000x64xf32, #tpu.memory_space<hbm>> -> memref<1x64xf32, #tpu.memory_space<hbm>>
      %dma_start3A_70 = tpu.memref_squeeze %dma_start3A_69 : memref<1x64xf32, #tpu.memory_space<hbm>> -> memref<64xf32, #tpu.memory_space<hbm>>
      %dma_start3A_71 = arith.constant 0 : i32
      %dma_start3A_72 = tpu.memref_slice %arg10[%add3A_64, %dma_start3A_71] : memref<256x64xf32, #tpu.memory_space<vmem>> -> memref<1x64xf32, #tpu.memory_space<vmem>>
      %dma_start3A_73 = tpu.memref_squeeze %dma_start3A_72 : memref<1x64xf32, #tpu.memory_space<vmem>> -> memref<64xf32, #tpu.memory_space<vmem>>
      %dma_start3A_74 = arith.constant 0 : i32
      %dma_start3A_75 = tpu.memref_slice %arg4[%squeeze3A_62, %dma_start3A_74] : memref<1000000x64xf32, #tpu.memory_space<hbm>> -> memref<1x64xf32, #tpu.memory_space<hbm>>
      %dma_start3A_76 = tpu.memref_squeeze %dma_start3A_75 : memref<1x64xf32, #tpu.memory_space<hbm>> -> memref<64xf32, #tpu.memory_space<hbm>>
      tpu.enqueue_dma source(%dma_start3A_76 : memref<64xf32, #tpu.memory_space<hbm>>) target(%dma_start3A_73 : memref<64xf32, #tpu.memory_space<vmem>>) target_semaphore(%arg12 : memref<!tpu.dma_semaphore, #tpu.memory_space<semaphore_mem>>)
      %slice3A_77 = vector.extract_strided_slice %get3A_31 {offsets = [1], sizes = [1], strides = [1]} : vector<16xi32> to vector<1xi32>
      %squeeze3A_78 = vector.extract %slice3A_77[0] : i32 from vector<1xi32>
      %add3A_79 = arith.constant 1 : i32
      %add3A_80 = arith.addi %mul3A_22, %add3A_79 : i32
      %dma_start3A_81 = arith.constant 0 : i32
      %dma_start3A_82 = tpu.memref_slice %arg11[%add3A_80, %dma_start3A_81] : memref<256x64xf32, #tpu.memory_space<vmem>> -> memref<1x64xf32, #tpu.memory_space<vmem>>
      %dma_start3A_83 = tpu.memref_squeeze %dma_start3A_82 : memref<1x64xf32, #tpu.memory_space<vmem>> -> memref<64xf32, #tpu.memory_space<vmem>>
      %dma_start3A_84 = arith.constant 0 : i32
      %dma_start3A_85 = tpu.memref_slice %arg5[%squeeze3A_78, %dma_start3A_84] : memref<1000000x64xf32, #tpu.memory_space<hbm>> -> memref<1x64xf32, #tpu.memory_space<hbm>>
      %dma_start3A_86 = tpu.memref_squeeze %dma_start3A_85 : memref<1x64xf32, #tpu.memory_space<hbm>> -> memref<64xf32, #tpu.memory_space<hbm>>
      %dma_start3A_87 = arith.constant 0 : i32
      %dma_start3A_88 = tpu.memref_slice %arg11[%add3A_80, %dma_start3A_87] : memref<256x64xf32, #tpu.memory_space<vmem>> -> memref<1x64xf32, #tpu.memory_space<vmem>>
      %dma_start3A_89 = tpu.memref_squeeze %dma_start3A_88 : memref<1x64xf32, #tpu.memory_space<vmem>> -> memref<64xf32, #tpu.memory_space<vmem>>
      %dma_start3A_90 = arith.constant 0 : i32
      %dma_start3A_91 = tpu.memref_slice %arg5[%squeeze3A_78, %dma_start3A_90] : memref<1000000x64xf32, #tpu.memory_space<hbm>> -> memref<1x64xf32, #tpu.memory_space<hbm>>
      %dma_start3A_92 = tpu.memref_squeeze %dma_start3A_91 : memref<1x64xf32, #tpu.memory_space<hbm>> -> memref<64xf32, #tpu.memory_space<hbm>>
      tpu.enqueue_dma source(%dma_start3A_92 : memref<64xf32, #tpu.memory_space<hbm>>) target(%dma_start3A_89 : memref<64xf32, #tpu.memory_space<vmem>>) target_semaphore(%arg12 : memref<!tpu.dma_semaphore, #tpu.memory_space<semaphore_mem>>)
      %slice3A_93 = vector.extract_strided_slice %get3A_26 {offsets = [2], sizes = [1], strides = [1]} : vector<16xi32> to vector<1xi32>
      %squeeze3A_94 = vector.extract %slice3A_93[0] : i32 from vector<1xi32>
      %add3A_95 = arith.constant 2 : i32
      %add3A_96 = arith.addi %mul3A_22, %add3A_95 : i32
      %dma_start3A_97 = arith.constant 0 : i32
      %dma_start3A_98 = tpu.memref_slice %arg10[%add3A_96, %dma_start3A_97] : memref<256x64xf32, #tpu.memory_space<vmem>> -> memref<1x64xf32, #tpu.memory_space<vmem>>
      %dma_start3A_99 = tpu.memref_squeeze %dma_start3A_98 : memref<1x64xf32, #tpu.memory_space<vmem>> -> memref<64xf32, #tpu.memory_space<vmem>>
      %dma_start3A_100 = arith.constant 0 : i32
      %dma_start3A_101 = tpu.memref_slice %arg4[%squeeze3A_94, %dma_start3A_100] : memref<1000000x64xf32, #tpu.memory_space<hbm>> -> memref<1x64xf32, #tpu.memory_space<hbm>>
      %dma_start3A_102 = tpu.memref_squeeze %dma_start3A_101 : memref<1x64xf32, #tpu.memory_space<hbm>> -> memref<64xf32, #tpu.memory_space<hbm>>
      %dma_start3A_103 = arith.constant 0 : i32
      %dma_start3A_104 = tpu.memref_slice %arg10[%add3A_96, %dma_start3A_103] : memref<256x64xf32, #tpu.memory_space<vmem>> -> memref<1x64xf32, #tpu.memory_space<vmem>>
      %dma_start3A_105 = tpu.memref_squeeze %dma_start3A_104 : memref<1x64xf32, #tpu.memory_space<vmem>> -> memref<64xf32, #tpu.memory_space<vmem>>
      %dma_start3A_106 = arith.constant 0 : i32
      %dma_start3A_107 = tpu.memref_slice %arg4[%squeeze3A_94, %dma_start3A_106] : memref<1000000x64xf32, #tpu.memory_space<hbm>> -> memref<1x64xf32, #tpu.memory_space<hbm>>
      %dma_start3A_108 = tpu.memref_squeeze %dma_start3A_107 : memref<1x64xf32, #tpu.memory_space<hbm>> -> memref<64xf32, #tpu.memory_space<hbm>>
      tpu.enqueue_dma source(%dma_start3A_108 : memref<64xf32, #tpu.memory_space<hbm>>) target(%dma_start3A_105 : memref<64xf32, #tpu.memory_space<vmem>>) target_semaphore(%arg12 : memref<!tpu.dma_semaphore, #tpu.memory_space<semaphore_mem>>)
      %slice3A_109 = vector.extract_strided_slice %get3A_31 {offsets = [2], sizes = [1], strides = [1]} : vector<16xi32> to vector<1xi32>
      %squeeze3A_110 = vector.extract %slice3A_109[0] : i32 from vector<1xi32>
      %add3A_111 = arith.constant 2 : i32
      %add3A_112 = arith.addi %mul3A_22, %add3A_111 : i32
      %dma_start3A_113 = arith.constant 0 : i32
      %dma_start3A_114 = tpu.memref_slice %arg11[%add3A_112, %dma_start3A_113] : memref<256x64xf32, #tpu.memory_space<vmem>> -> memref<1x64xf32, #tpu.memory_space<vmem>>
      %dma_start3A_115 = tpu.memref_squeeze %dma_start3A_114 : memref<1x64xf32, #tpu.memory_space<vmem>> -> memref<64xf32, #tpu.memory_space<vmem>>
      %dma_start3A_116 = arith.constant 0 : i32
      %dma_start3A_117 = tpu.memref_slice %arg5[%squeeze3A_110, %dma_start3A_116] : memref<1000000x64xf32, #tpu.memory_space<hbm>> -> memref<1x64xf32, #tpu.memory_space<hbm>>
      %dma_start3A_118 = tpu.memref_squeeze %dma_start3A_117 : memref<1x64xf32, #tpu.memory_space<hbm>> -> memref<64xf32, #tpu.memory_space<hbm>>
      %dma_start3A_119 = arith.constant 0 : i32
      %dma_start3A_120 = tpu.memref_slice %arg11[%add3A_112, %dma_start3A_119] : memref<256x64xf32, #tpu.memory_space<vmem>> -> memref<1x64xf32, #tpu.memory_space<vmem>>
      %dma_start3A_121 = tpu.memref_squeeze %dma_start3A_120 : memref<1x64xf32, #tpu.memory_space<vmem>> -> memref<64xf32, #tpu.memory_space<vmem>>
      %dma_start3A_122 = arith.constant 0 : i32
      %dma_start3A_123 = tpu.memref_slice %arg5[%squeeze3A_110, %dma_start3A_122] : memref<1000000x64xf32, #tpu.memory_space<hbm>> -> memref<1x64xf32, #tpu.memory_space<hbm>>
      %dma_start3A_124 = tpu.memref_squeeze %dma_start3A_123 : memref<1x64xf32, #tpu.memory_space<hbm>> -> memref<64xf32, #tpu.memory_space<hbm>>
      tpu.enqueue_dma source(%dma_start3A_124 : memref<64xf32, #tpu.memory_space<hbm>>) target(%dma_start3A_121 : memref<64xf32, #tpu.memory_space<vmem>>) target_semaphore(%arg12 : memref<!tpu.dma_semaphore, #tpu.memory_space<semaphore_mem>>)
      %slice3A_125 = vector.extract_strided_slice %get3A_26 {offsets = [3], sizes = [1], strides = [1]} : vector<16xi32> to vector<1xi32>
      %squeeze3A_126 = vector.extract %slice3A_125[0] : i32 from vector<1xi32>
      %add3A_127 = arith.constant 3 : i32
      %add3A_128 = arith.addi %mul3A_22, %add3A_127 : i32
      %dma_start3A_129 = arith.constant 0 : i32
      %dma_start3A_130 = tpu.memref_slice %arg10[%add3A_128, %dma_start3A_129] : memref<256x64xf32, #tpu.memory_space<vmem>> -> memref<1x64xf32, #tpu.memory_space<vmem>>
      %dma_start3A_131 = tpu.memref_squeeze %dma_start3A_130 : memref<1x64xf32, #tpu.memory_space<vmem>> -> memref<64xf32, #tpu.memory_space<vmem>>
      %dma_start3A_132 = arith.constant 0 : i32
      %dma_start3A_133 = tpu.memref_slice %arg4[%squeeze3A_126, %dma_start3A_132] : memref<1000000x64xf32, #tpu.memory_space<hbm>> -> memref<1x64xf32, #tpu.memory_space<hbm>>
      %dma_start3A_134 = tpu.memref_squeeze %dma_start3A_133 : memref<1x64xf32, #tpu.memory_space<hbm>> -> memref<64xf32, #tpu.memory_space<hbm>>
      %dma_start3A_135 = arith.constant 0 : i32
      %dma_start3A_136 = tpu.memref_slice %arg10[%add3A_128, %dma_start3A_135] : memref<256x64xf32, #tpu.memory_space<vmem>> -> memref<1x64xf32, #tpu.memory_space<vmem>>
      %dma_start3A_137 = tpu.memref_squeeze %dma_start3A_136 : memref<1x64xf32, #tpu.memory_space<vmem>> -> memref<64xf32, #tpu.memory_space<vmem>>
      %dma_start3A_138 = arith.constant 0 : i32
      %dma_start3A_139 = tpu.memref_slice %arg4[%squeeze3A_126, %dma_start3A_138] : memref<1000000x64xf32, #tpu.memory_space<hbm>> -> memref<1x64xf32, #tpu.memory_space<hbm>>
      %dma_start3A_140 = tpu.memref_squeeze %dma_start3A_139 : memref<1x64xf32, #tpu.memory_space<hbm>> -> memref<64xf32, #tpu.memory_space<hbm>>
      tpu.enqueue_dma source(%dma_start3A_140 : memref<64xf32, #tpu.memory_space<hbm>>) target(%dma_start3A_137 : memref<64xf32, #tpu.memory_space<vmem>>) target_semaphore(%arg12 : memref<!tpu.dma_semaphore, #tpu.memory_space<semaphore_mem>>)
      %slice3A_141 = vector.extract_strided_slice %get3A_31 {offsets = [3], sizes = [1], strides = [1]} : vector<16xi32> to vector<1xi32>
      %squeeze3A_142 = vector.extract %slice3A_141[0] : i32 from vector<1xi32>
      %add3A_143 = arith.constant 3 : i32
      %add3A_144 = arith.addi %mul3A_22, %add3A_143 : i32
      %dma_start3A_145 = arith.constant 0 : i32
      %dma_start3A_146 = tpu.memref_slice %arg11[%add3A_144, %dma_start3A_145] : memref<256x64xf32, #tpu.memory_space<vmem>> -> memref<1x64xf32, #tpu.memory_space<vmem>>
      %dma_start3A_147 = tpu.memref_squeeze %dma_start3A_146 : memref<1x64xf32, #tpu.memory_space<vmem>> -> memref<64xf32, #tpu.memory_space<vmem>>
      %dma_start3A_148 = arith.constant 0 : i32
      %dma_start3A_149 = tpu.memref_slice %arg5[%squeeze3A_142, %dma_start3A_148] : memref<1000000x64xf32, #tpu.memory_space<hbm>> -> memref<1x64xf32, #tpu.memory_space<hbm>>
      %dma_start3A_150 = tpu.memref_squeeze %dma_start3A_149 : memref<1x64xf32, #tpu.memory_space<hbm>> -> memref<64xf32, #tpu.memory_space<hbm>>
      %dma_start3A_151 = arith.constant 0 : i32
      %dma_start3A_152 = tpu.memref_slice %arg11[%add3A_144, %dma_start3A_151] : memref<256x64xf32, #tpu.memory_space<vmem>> -> memref<1x64xf32, #tpu.memory_space<vmem>>
      %dma_start3A_153 = tpu.memref_squeeze %dma_start3A_152 : memref<1x64xf32, #tpu.memory_space<vmem>> -> memref<64xf32, #tpu.memory_space<vmem>>
      %dma_start3A_154 = arith.constant 0 : i32
      %dma_start3A_155 = tpu.memref_slice %arg5[%squeeze3A_142, %dma_start3A_154] : memref<1000000x64xf32, #tpu.memory_space<hbm>> -> memref<1x64xf32, #tpu.memory_space<hbm>>
      %dma_start3A_156 = tpu.memref_squeeze %dma_start3A_155 : memref<1x64xf32, #tpu.memory_space<hbm>> -> memref<64xf32, #tpu.memory_space<hbm>>
      tpu.enqueue_dma source(%dma_start3A_156 : memref<64xf32, #tpu.memory_space<hbm>>) target(%dma_start3A_153 : memref<64xf32, #tpu.memory_space<vmem>>) target_semaphore(%arg12 : memref<!tpu.dma_semaphore, #tpu.memory_space<semaphore_mem>>)
      %slice3A_157 = vector.extract_strided_slice %get3A_26 {offsets = [4], sizes = [1], strides = [1]} : vector<16xi32> to vector<1xi32>
      %squeeze3A_158 = vector.extract %slice3A_157[0] : i32 from vector<1xi32>
      %add3A_159 = arith.constant 4 : i32
      %add3A_160 = arith.addi %mul3A_22, %add3A_159 : i32
      %dma_start3A_161 = arith.constant 0 : i32
      %dma_start3A_162 = tpu.memref_slice %arg10[%add3A_160, %dma_start3A_161] : memref<256x64xf32, #tpu.memory_space<vmem>> -> memref<1x64xf32, #tpu.memory_space<vmem>>
      %dma_start3A_163 = tpu.memref_squeeze %dma_start3A_162 : memref<1x64xf32, #tpu.memory_space<vmem>> -> memref<64xf32, #tpu.memory_space<vmem>>
      %dma_start3A_164 = arith.constant 0 : i32
      %dma_start3A_165 = tpu.memref_slice %arg4[%squeeze3A_158, %dma_start3A_164] : memref<1000000x64xf32, #tpu.memory_space<hbm>> -> memref<1x64xf32, #tpu.memory_space<hbm>>
      %dma_start3A_166 = tpu.memref_squeeze %dma_start3A_165 : memref<1x64xf32, #tpu.memory_space<hbm>> -> memref<64xf32, #tpu.memory_space<hbm>>
      %dma_start3A_167 = arith.constant 0 : i32
      %dma_start3A_168 = tpu.memref_slice %arg10[%add3A_160, %dma_start3A_167] : memref<256x64xf32, #tpu.memory_space<vmem>> -> memref<1x64xf32, #tpu.memory_space<vmem>>
      %dma_start3A_169 = tpu.memref_squeeze %dma_start3A_168 : memref<1x64xf32, #tpu.memory_space<vmem>> -> memref<64xf32, #tpu.memory_space<vmem>>
      %dma_start3A_170 = arith.constant 0 : i32
      %dma_start3A_171 = tpu.memref_slice %arg4[%squeeze3A_158, %dma_start3A_170] : memref<1000000x64xf32, #tpu.memory_space<hbm>> -> memref<1x64xf32, #tpu.memory_space<hbm>>
      %dma_start3A_172 = tpu.memref_squeeze %dma_start3A_171 : memref<1x64xf32, #tpu.memory_space<hbm>> -> memref<64xf32, #tpu.memory_space<hbm>>
      tpu.enqueue_dma source(%dma_start3A_172 : memref<64xf32, #tpu.memory_space<hbm>>) target(%dma_start3A_169 : memref<64xf32, #tpu.memory_space<vmem>>) target_semaphore(%arg12 : memref<!tpu.dma_semaphore, #tpu.memory_space<semaphore_mem>>)
      %slice3A_173 = vector.extract_strided_slice %get3A_31 {offsets = [4], sizes = [1], strides = [1]} : vector<16xi32> to vector<1xi32>
      %squeeze3A_174 = vector.extract %slice3A_173[0] : i32 from vector<1xi32>
      %add3A_175 = arith.constant 4 : i32
      %add3A_176 = arith.addi %mul3A_22, %add3A_175 : i32
      %dma_start3A_177 = arith.constant 0 : i32
      %dma_start3A_178 = tpu.memref_slice %arg11[%add3A_176, %dma_start3A_177] : memref<256x64xf32, #tpu.memory_space<vmem>> -> memref<1x64xf32, #tpu.memory_space<vmem>>
      %dma_start3A_179 = tpu.memref_squeeze %dma_start3A_178 : memref<1x64xf32, #tpu.memory_space<vmem>> -> memref<64xf32, #tpu.memory_space<vmem>>
      %dma_start3A_180 = arith.constant 0 : i32
      %dma_start3A_181 = tpu.memref_slice %arg5[%squeeze3A_174, %dma_start3A_180] : memref<1000000x64xf32, #tpu.memory_space<hbm>> -> memref<1x64xf32, #tpu.memory_space<hbm>>
      %dma_start3A_182 = tpu.memref_squeeze %dma_start3A_181 : memref<1x64xf32, #tpu.memory_space<hbm>> -> memref<64xf32, #tpu.memory_space<hbm>>
      %dma_start3A_183 = arith.constant 0 : i32
      %dma_start3A_184 = tpu.memref_slice %arg11[%add3A_176, %dma_start3A_183] : memref<256x64xf32, #tpu.memory_space<vmem>> -> memref<1x64xf32, #tpu.memory_space<vmem>>
      %dma_start3A_185 = tpu.memref_squeeze %dma_start3A_184 : memref<1x64xf32, #tpu.memory_space<vmem>> -> memref<64xf32, #tpu.memory_space<vmem>>
      %dma_start3A_186 = arith.constant 0 : i32
      %dma_start3A_187 = tpu.memref_slice %arg5[%squeeze3A_174, %dma_start3A_186] : memref<1000000x64xf32, #tpu.memory_space<hbm>> -> memref<1x64xf32, #tpu.memory_space<hbm>>
      %dma_start3A_188 = tpu.memref_squeeze %dma_start3A_187 : memref<1x64xf32, #tpu.memory_space<hbm>> -> memref<64xf32, #tpu.memory_space<hbm>>
      tpu.enqueue_dma source(%dma_start3A_188 : memref<64xf32, #tpu.memory_space<hbm>>) target(%dma_start3A_185 : memref<64xf32, #tpu.memory_space<vmem>>) target_semaphore(%arg12 : memref<!tpu.dma_semaphore, #tpu.memory_space<semaphore_mem>>)
      %slice3A_189 = vector.extract_strided_slice %get3A_26 {offsets = [5], sizes = [1], strides = [1]} : vector<16xi32> to vector<1xi32>
      %squeeze3A_190 = vector.extract %slice3A_189[0] : i32 from vector<1xi32>
      %add3A_191 = arith.constant 5 : i32
      %add3A_192 = arith.addi %mul3A_22, %add3A_191 : i32
      %dma_start3A_193 = arith.constant 0 : i32
      %dma_start3A_194 = tpu.memref_slice %arg10[%add3A_192, %dma_start3A_193] : memref<256x64xf32, #tpu.memory_space<vmem>> -> memref<1x64xf32, #tpu.memory_space<vmem>>
      %dma_start3A_195 = tpu.memref_squeeze %dma_start3A_194 : memref<1x64xf32, #tpu.memory_space<vmem>> -> memref<64xf32, #tpu.memory_space<vmem>>
      %dma_start3A_196 = arith.constant 0 : i32
      %dma_start3A_197 = tpu.memref_slice %arg4[%squeeze3A_190, %dma_start3A_196] : memref<1000000x64xf32, #tpu.memory_space<hbm>> -> memref<1x64xf32, #tpu.memory_space<hbm>>
      %dma_start3A_198 = tpu.memref_squeeze %dma_start3A_197 : memref<1x64xf32, #tpu.memory_space<hbm>> -> memref<64xf32, #tpu.memory_space<hbm>>
      %dma_start3A_199 = arith.constant 0 : i32
      %dma_start3A_200 = tpu.memref_slice %arg10[%add3A_192, %dma_start3A_199] : memref<256x64xf32, #tpu.memory_space<vmem>> -> memref<1x64xf32, #tpu.memory_space<vmem>>
      %dma_start3A_201 = tpu.memref_squeeze %dma_start3A_200 : memref<1x64xf32, #tpu.memory_space<vmem>> -> memref<64xf32, #tpu.memory_space<vmem>>
      %dma_start3A_202 = arith.constant 0 : i32
      %dma_start3A_203 = tpu.memref_slice %arg4[%squeeze3A_190, %dma_start3A_202] : memref<1000000x64xf32, #tpu.memory_space<hbm>> -> memref<1x64xf32, #tpu.memory_space<hbm>>
      %dma_start3A_204 = tpu.memref_squeeze %dma_start3A_203 : memref<1x64xf32, #tpu.memory_space<hbm>> -> memref<64xf32, #tpu.memory_space<hbm>>
      tpu.enqueue_dma source(%dma_start3A_204 : memref<64xf32, #tpu.memory_space<hbm>>) target(%dma_start3A_201 : memref<64xf32, #tpu.memory_space<vmem>>) target_semaphore(%arg12 : memref<!tpu.dma_semaphore, #tpu.memory_space<semaphore_mem>>)
      %slice3A_205 = vector.extract_strided_slice %get3A_31 {offsets = [5], sizes = [1], strides = [1]} : vector<16xi32> to vector<1xi32>
      %squeeze3A_206 = vector.extract %slice3A_205[0] : i32 from vector<1xi32>
      %add3A_207 = arith.constant 5 : i32
      %add3A_208 = arith.addi %mul3A_22, %add3A_207 : i32
      %dma_start3A_209 = arith.constant 0 : i32
      %dma_start3A_210 = tpu.memref_slice %arg11[%add3A_208, %dma_start3A_209] : memref<256x64xf32, #tpu.memory_space<vmem>> -> memref<1x64xf32, #tpu.memory_space<vmem>>
      %dma_start3A_211 = tpu.memref_squeeze %dma_start3A_210 : memref<1x64xf32, #tpu.memory_space<vmem>> -> memref<64xf32, #tpu.memory_space<vmem>>
      %dma_start3A_212 = arith.constant 0 : i32
      %dma_start3A_213 = tpu.memref_slice %arg5[%squeeze3A_206, %dma_start3A_212] : memref<1000000x64xf32, #tpu.memory_space<hbm>> -> memref<1x64xf32, #tpu.memory_space<hbm>>
      %dma_start3A_214 = tpu.memref_squeeze %dma_start3A_213 : memref<1x64xf32, #tpu.memory_space<hbm>> -> memref<64xf32, #tpu.memory_space<hbm>>
      %dma_start3A_215 = arith.constant 0 : i32
      %dma_start3A_216 = tpu.memref_slice %arg11[%add3A_208, %dma_start3A_215] : memref<256x64xf32, #tpu.memory_space<vmem>> -> memref<1x64xf32, #tpu.memory_space<vmem>>
      %dma_start3A_217 = tpu.memref_squeeze %dma_start3A_216 : memref<1x64xf32, #tpu.memory_space<vmem>> -> memref<64xf32, #tpu.memory_space<vmem>>
      %dma_start3A_218 = arith.constant 0 : i32
      %dma_start3A_219 = tpu.memref_slice %arg5[%squeeze3A_206, %dma_start3A_218] : memref<1000000x64xf32, #tpu.memory_space<hbm>> -> memref<1x64xf32, #tpu.memory_space<hbm>>
      %dma_start3A_220 = tpu.memref_squeeze %dma_start3A_219 : memref<1x64xf32, #tpu.memory_space<hbm>> -> memref<64xf32, #tpu.memory_space<hbm>>
      tpu.enqueue_dma source(%dma_start3A_220 : memref<64xf32, #tpu.memory_space<hbm>>) target(%dma_start3A_217 : memref<64xf32, #tpu.memory_space<vmem>>) target_semaphore(%arg12 : memref<!tpu.dma_semaphore, #tpu.memory_space<semaphore_mem>>)
      %slice3A_221 = vector.extract_strided_slice %get3A_26 {offsets = [6], sizes = [1], strides = [1]} : vector<16xi32> to vector<1xi32>
      %squeeze3A_222 = vector.extract %slice3A_221[0] : i32 from vector<1xi32>
      %add3A_223 = arith.constant 6 : i32
      %add3A_224 = arith.addi %mul3A_22, %add3A_223 : i32
      %dma_start3A_225 = arith.constant 0 : i32
      %dma_start3A_226 = tpu.memref_slice %arg10[%add3A_224, %dma_start3A_225] : memref<256x64xf32, #tpu.memory_space<vmem>> -> memref<1x64xf32, #tpu.memory_space<vmem>>
      %dma_start3A_227 = tpu.memref_squeeze %dma_start3A_226 : memref<1x64xf32, #tpu.memory_space<vmem>> -> memref<64xf32, #tpu.memory_space<vmem>>
      %dma_start3A_228 = arith.constant 0 : i32
      %dma_start3A_229 = tpu.memref_slice %arg4[%squeeze3A_222, %dma_start3A_228] : memref<1000000x64xf32, #tpu.memory_space<hbm>> -> memref<1x64xf32, #tpu.memory_space<hbm>>
      %dma_start3A_230 = tpu.memref_squeeze %dma_start3A_229 : memref<1x64xf32, #tpu.memory_space<hbm>> -> memref<64xf32, #tpu.memory_space<hbm>>
      %dma_start3A_231 = arith.constant 0 : i32
      %dma_start3A_232 = tpu.memref_slice %arg10[%add3A_224, %dma_start3A_231] : memref<256x64xf32, #tpu.memory_space<vmem>> -> memref<1x64xf32, #tpu.memory_space<vmem>>
      %dma_start3A_233 = tpu.memref_squeeze %dma_start3A_232 : memref<1x64xf32, #tpu.memory_space<vmem>> -> memref<64xf32, #tpu.memory_space<vmem>>
      %dma_start3A_234 = arith.constant 0 : i32
      %dma_start3A_235 = tpu.memref_slice %arg4[%squeeze3A_222, %dma_start3A_234] : memref<1000000x64xf32, #tpu.memory_space<hbm>> -> memref<1x64xf32, #tpu.memory_space<hbm>>
      %dma_start3A_236 = tpu.memref_squeeze %dma_start3A_235 : memref<1x64xf32, #tpu.memory_space<hbm>> -> memref<64xf32, #tpu.memory_space<hbm>>
      tpu.enqueue_dma source(%dma_start3A_236 : memref<64xf32, #tpu.memory_space<hbm>>) target(%dma_start3A_233 : memref<64xf32, #tpu.memory_space<vmem>>) target_semaphore(%arg12 : memref<!tpu.dma_semaphore, #tpu.memory_space<semaphore_mem>>)
      %slice3A_237 = vector.extract_strided_slice %get3A_31 {offsets = [6], sizes = [1], strides = [1]} : vector<16xi32> to vector<1xi32>
      %squeeze3A_238 = vector.extract %slice3A_237[0] : i32 from vector<1xi32>
      %add3A_239 = arith.constant 6 : i32
      %add3A_240 = arith.addi %mul3A_22, %add3A_239 : i32
      %dma_start3A_241 = arith.constant 0 : i32
      %dma_start3A_242 = tpu.memref_slice %arg11[%add3A_240, %dma_start3A_241] : memref<256x64xf32, #tpu.memory_space<vmem>> -> memref<1x64xf32, #tpu.memory_space<vmem>>
      %dma_start3A_243 = tpu.memref_squeeze %dma_start3A_242 : memref<1x64xf32, #tpu.memory_space<vmem>> -> memref<64xf32, #tpu.memory_space<vmem>>
      %dma_start3A_244 = arith.constant 0 : i32
      %dma_start3A_245 = tpu.memref_slice %arg5[%squeeze3A_238, %dma_start3A_244] : memref<1000000x64xf32, #tpu.memory_space<hbm>> -> memref<1x64xf32, #tpu.memory_space<hbm>>
      %dma_start3A_246 = tpu.memref_squeeze %dma_start3A_245 : memref<1x64xf32, #tpu.memory_space<hbm>> -> memref<64xf32, #tpu.memory_space<hbm>>
      %dma_start3A_247 = arith.constant 0 : i32
      %dma_start3A_248 = tpu.memref_slice %arg11[%add3A_240, %dma_start3A_247] : memref<256x64xf32, #tpu.memory_space<vmem>> -> memref<1x64xf32, #tpu.memory_space<vmem>>
      %dma_start3A_249 = tpu.memref_squeeze %dma_start3A_248 : memref<1x64xf32, #tpu.memory_space<vmem>> -> memref<64xf32, #tpu.memory_space<vmem>>
      %dma_start3A_250 = arith.constant 0 : i32
      %dma_start3A_251 = tpu.memref_slice %arg5[%squeeze3A_238, %dma_start3A_250] : memref<1000000x64xf32, #tpu.memory_space<hbm>> -> memref<1x64xf32, #tpu.memory_space<hbm>>
      %dma_start3A_252 = tpu.memref_squeeze %dma_start3A_251 : memref<1x64xf32, #tpu.memory_space<hbm>> -> memref<64xf32, #tpu.memory_space<hbm>>
      tpu.enqueue_dma source(%dma_start3A_252 : memref<64xf32, #tpu.memory_space<hbm>>) target(%dma_start3A_249 : memref<64xf32, #tpu.memory_space<vmem>>) target_semaphore(%arg12 : memref<!tpu.dma_semaphore, #tpu.memory_space<semaphore_mem>>)
      %slice3A_253 = vector.extract_strided_slice %get3A_26 {offsets = [7], sizes = [1], strides = [1]} : vector<16xi32> to vector<1xi32>
      %squeeze3A_254 = vector.extract %slice3A_253[0] : i32 from vector<1xi32>
      %add3A_255 = arith.constant 7 : i32
      %add3A_256 = arith.addi %mul3A_22, %add3A_255 : i32
      %dma_start3A_257 = arith.constant 0 : i32
      %dma_start3A_258 = tpu.memref_slice %arg10[%add3A_256, %dma_start3A_257] : memref<256x64xf32, #tpu.memory_space<vmem>> -> memref<1x64xf32, #tpu.memory_space<vmem>>
      %dma_start3A_259 = tpu.memref_squeeze %dma_start3A_258 : memref<1x64xf32, #tpu.memory_space<vmem>> -> memref<64xf32, #tpu.memory_space<vmem>>
      %dma_start3A_260 = arith.constant 0 : i32
      %dma_start3A_261 = tpu.memref_slice %arg4[%squeeze3A_254, %dma_start3A_260] : memref<1000000x64xf32, #tpu.memory_space<hbm>> -> memref<1x64xf32, #tpu.memory_space<hbm>>
      %dma_start3A_262 = tpu.memref_squeeze %dma_start3A_261 : memref<1x64xf32, #tpu.memory_space<hbm>> -> memref<64xf32, #tpu.memory_space<hbm>>
      %dma_start3A_263 = arith.constant 0 : i32
      %dma_start3A_264 = tpu.memref_slice %arg10[%add3A_256, %dma_start3A_263] : memref<256x64xf32, #tpu.memory_space<vmem>> -> memref<1x64xf32, #tpu.memory_space<vmem>>
      %dma_start3A_265 = tpu.memref_squeeze %dma_start3A_264 : memref<1x64xf32, #tpu.memory_space<vmem>> -> memref<64xf32, #tpu.memory_space<vmem>>
      %dma_start3A_266 = arith.constant 0 : i32
      %dma_start3A_267 = tpu.memref_slice %arg4[%squeeze3A_254, %dma_start3A_266] : memref<1000000x64xf32, #tpu.memory_space<hbm>> -> memref<1x64xf32, #tpu.memory_space<hbm>>
      %dma_start3A_268 = tpu.memref_squeeze %dma_start3A_267 : memref<1x64xf32, #tpu.memory_space<hbm>> -> memref<64xf32, #tpu.memory_space<hbm>>
      tpu.enqueue_dma source(%dma_start3A_268 : memref<64xf32, #tpu.memory_space<hbm>>) target(%dma_start3A_265 : memref<64xf32, #tpu.memory_space<vmem>>) target_semaphore(%arg12 : memref<!tpu.dma_semaphore, #tpu.memory_space<semaphore_mem>>)
      %slice3A_269 = vector.extract_strided_slice %get3A_31 {offsets = [7], sizes = [1], strides = [1]} : vector<16xi32> to vector<1xi32>
      %squeeze3A_270 = vector.extract %slice3A_269[0] : i32 from vector<1xi32>
      %add3A_271 = arith.constant 7 : i32
      %add3A_272 = arith.addi %mul3A_22, %add3A_271 : i32
      %dma_start3A_273 = arith.constant 0 : i32
      %dma_start3A_274 = tpu.memref_slice %arg11[%add3A_272, %dma_start3A_273] : memref<256x64xf32, #tpu.memory_space<vmem>> -> memref<1x64xf32, #tpu.memory_space<vmem>>
      %dma_start3A_275 = tpu.memref_squeeze %dma_start3A_274 : memref<1x64xf32, #tpu.memory_space<vmem>> -> memref<64xf32, #tpu.memory_space<vmem>>
      %dma_start3A_276 = arith.constant 0 : i32
      %dma_start3A_277 = tpu.memref_slice %arg5[%squeeze3A_270, %dma_start3A_276] : memref<1000000x64xf32, #tpu.memory_space<hbm>> -> memref<1x64xf32, #tpu.memory_space<hbm>>
      %dma_start3A_278 = tpu.memref_squeeze %dma_start3A_277 : memref<1x64xf32, #tpu.memory_space<hbm>> -> memref<64xf32, #tpu.memory_space<hbm>>
      %dma_start3A_279 = arith.constant 0 : i32
      %dma_start3A_280 = tpu.memref_slice %arg11[%add3A_272, %dma_start3A_279] : memref<256x64xf32, #tpu.memory_space<vmem>> -> memref<1x64xf32, #tpu.memory_space<vmem>>
      %dma_start3A_281 = tpu.memref_squeeze %dma_start3A_280 : memref<1x64xf32, #tpu.memory_space<vmem>> -> memref<64xf32, #tpu.memory_space<vmem>>
      %dma_start3A_282 = arith.constant 0 : i32
      %dma_start3A_283 = tpu.memref_slice %arg5[%squeeze3A_270, %dma_start3A_282] : memref<1000000x64xf32, #tpu.memory_space<hbm>> -> memref<1x64xf32, #tpu.memory_space<hbm>>
      %dma_start3A_284 = tpu.memref_squeeze %dma_start3A_283 : memref<1x64xf32, #tpu.memory_space<hbm>> -> memref<64xf32, #tpu.memory_space<hbm>>
      tpu.enqueue_dma source(%dma_start3A_284 : memref<64xf32, #tpu.memory_space<hbm>>) target(%dma_start3A_281 : memref<64xf32, #tpu.memory_space<vmem>>) target_semaphore(%arg12 : memref<!tpu.dma_semaphore, #tpu.memory_space<semaphore_mem>>)
      %slice3A_285 = vector.extract_strided_slice %get3A_26 {offsets = [8], sizes = [1], strides = [1]} : vector<16xi32> to vector<1xi32>
      %squeeze3A_286 = vector.extract %slice3A_285[0] : i32 from vector<1xi32>
      %add3A_287 = arith.constant 8 : i32
      %add3A_288 = arith.addi %mul3A_22, %add3A_287 : i32
      %dma_start3A_289 = arith.constant 0 : i32
      %dma_start3A_290 = tpu.memref_slice %arg10[%add3A_288, %dma_start3A_289] : memref<256x64xf32, #tpu.memory_space<vmem>> -> memref<1x64xf32, #tpu.memory_space<vmem>>
      %dma_start3A_291 = tpu.memref_squeeze %dma_start3A_290 : memref<1x64xf32, #tpu.memory_space<vmem>> -> memref<64xf32, #tpu.memory_space<vmem>>
      %dma_start3A_292 = arith.constant 0 : i32
      %dma_start3A_293 = tpu.memref_slice %arg4[%squeeze3A_286, %dma_start3A_292] : memref<1000000x64xf32, #tpu.memory_space<hbm>> -> memref<1x64xf32, #tpu.memory_space<hbm>>
      %dma_start3A_294 = tpu.memref_squeeze %dma_start3A_293 : memref<1x64xf32, #tpu.memory_space<hbm>> -> memref<64xf32, #tpu.memory_space<hbm>>
      %dma_start3A_295 = arith.constant 0 : i32
      %dma_start3A_296 = tpu.memref_slice %arg10[%add3A_288, %dma_start3A_295] : memref<256x64xf32, #tpu.memory_space<vmem>> -> memref<1x64xf32, #tpu.memory_space<vmem>>
      %dma_start3A_297 = tpu.memref_squeeze %dma_start3A_296 : memref<1x64xf32, #tpu.memory_space<vmem>> -> memref<64xf32, #tpu.memory_space<vmem>>
      %dma_start3A_298 = arith.constant 0 : i32
      %dma_start3A_299 = tpu.memref_slice %arg4[%squeeze3A_286, %dma_start3A_298] : memref<1000000x64xf32, #tpu.memory_space<hbm>> -> memref<1x64xf32, #tpu.memory_space<hbm>>
      %dma_start3A_300 = tpu.memref_squeeze %dma_start3A_299 : memref<1x64xf32, #tpu.memory_space<hbm>> -> memref<64xf32, #tpu.memory_space<hbm>>
      tpu.enqueue_dma source(%dma_start3A_300 : memref<64xf32, #tpu.memory_space<hbm>>) target(%dma_start3A_297 : memref<64xf32, #tpu.memory_space<vmem>>) target_semaphore(%arg12 : memref<!tpu.dma_semaphore, #tpu.memory_space<semaphore_mem>>)
      %slice3A_301 = vector.extract_strided_slice %get3A_31 {offsets = [8], sizes = [1], strides = [1]} : vector<16xi32> to vector<1xi32>
      %squeeze3A_302 = vector.extract %slice3A_301[0] : i32 from vector<1xi32>
      %add3A_303 = arith.constant 8 : i32
      %add3A_304 = arith.addi %mul3A_22, %add3A_303 : i32
      %dma_start3A_305 = arith.constant 0 : i32
      %dma_start3A_306 = tpu.memref_slice %arg11[%add3A_304, %dma_start3A_305] : memref<256x64xf32, #tpu.memory_space<vmem>> -> memref<1x64xf32, #tpu.memory_space<vmem>>
      %dma_start3A_307 = tpu.memref_squeeze %dma_start3A_306 : memref<1x64xf32, #tpu.memory_space<vmem>> -> memref<64xf32, #tpu.memory_space<vmem>>
      %dma_start3A_308 = arith.constant 0 : i32
      %dma_start3A_309 = tpu.memref_slice %arg5[%squeeze3A_302, %dma_start3A_308] : memref<1000000x64xf32, #tpu.memory_space<hbm>> -> memref<1x64xf32, #tpu.memory_space<hbm>>
      %dma_start3A_310 = tpu.memref_squeeze %dma_start3A_309 : memref<1x64xf32, #tpu.memory_space<hbm>> -> memref<64xf32, #tpu.memory_space<hbm>>
      %dma_start3A_311 = arith.constant 0 : i32
      %dma_start3A_312 = tpu.memref_slice %arg11[%add3A_304, %dma_start3A_311] : memref<256x64xf32, #tpu.memory_space<vmem>> -> memref<1x64xf32, #tpu.memory_space<vmem>>
      %dma_start3A_313 = tpu.memref_squeeze %dma_start3A_312 : memref<1x64xf32, #tpu.memory_space<vmem>> -> memref<64xf32, #tpu.memory_space<vmem>>
      %dma_start3A_314 = arith.constant 0 : i32
      %dma_start3A_315 = tpu.memref_slice %arg5[%squeeze3A_302, %dma_start3A_314] : memref<1000000x64xf32, #tpu.memory_space<hbm>> -> memref<1x64xf32, #tpu.memory_space<hbm>>
      %dma_start3A_316 = tpu.memref_squeeze %dma_start3A_315 : memref<1x64xf32, #tpu.memory_space<hbm>> -> memref<64xf32, #tpu.memory_space<hbm>>
      tpu.enqueue_dma source(%dma_start3A_316 : memref<64xf32, #tpu.memory_space<hbm>>) target(%dma_start3A_313 : memref<64xf32, #tpu.memory_space<vmem>>) target_semaphore(%arg12 : memref<!tpu.dma_semaphore, #tpu.memory_space<semaphore_mem>>)
      %slice3A_317 = vector.extract_strided_slice %get3A_26 {offsets = [9], sizes = [1], strides = [1]} : vector<16xi32> to vector<1xi32>
      %squeeze3A_318 = vector.extract %slice3A_317[0] : i32 from vector<1xi32>
      %add3A_319 = arith.constant 9 : i32
      %add3A_320 = arith.addi %mul3A_22, %add3A_319 : i32
      %dma_start3A_321 = arith.constant 0 : i32
      %dma_start3A_322 = tpu.memref_slice %arg10[%add3A_320, %dma_start3A_321] : memref<256x64xf32, #tpu.memory_space<vmem>> -> memref<1x64xf32, #tpu.memory_space<vmem>>
      %dma_start3A_323 = tpu.memref_squeeze %dma_start3A_322 : memref<1x64xf32, #tpu.memory_space<vmem>> -> memref<64xf32, #tpu.memory_space<vmem>>
      %dma_start3A_324 = arith.constant 0 : i32
      %dma_start3A_325 = tpu.memref_slice %arg4[%squeeze3A_318, %dma_start3A_324] : memref<1000000x64xf32, #tpu.memory_space<hbm>> -> memref<1x64xf32, #tpu.memory_space<hbm>>
      %dma_start3A_326 = tpu.memref_squeeze %dma_start3A_325 : memref<1x64xf32, #tpu.memory_space<hbm>> -> memref<64xf32, #tpu.memory_space<hbm>>
      %dma_start3A_327 = arith.constant 0 : i32
      %dma_start3A_328 = tpu.memref_slice %arg10[%add3A_320, %dma_start3A_327] : memref<256x64xf32, #tpu.memory_space<vmem>> -> memref<1x64xf32, #tpu.memory_space<vmem>>
      %dma_start3A_329 = tpu.memref_squeeze %dma_start3A_328 : memref<1x64xf32, #tpu.memory_space<vmem>> -> memref<64xf32, #tpu.memory_space<vmem>>
      %dma_start3A_330 = arith.constant 0 : i32
      %dma_start3A_331 = tpu.memref_slice %arg4[%squeeze3A_318, %dma_start3A_330] : memref<1000000x64xf32, #tpu.memory_space<hbm>> -> memref<1x64xf32, #tpu.memory_space<hbm>>
      %dma_start3A_332 = tpu.memref_squeeze %dma_start3A_331 : memref<1x64xf32, #tpu.memory_space<hbm>> -> memref<64xf32, #tpu.memory_space<hbm>>
      tpu.enqueue_dma source(%dma_start3A_332 : memref<64xf32, #tpu.memory_space<hbm>>) target(%dma_start3A_329 : memref<64xf32, #tpu.memory_space<vmem>>) target_semaphore(%arg12 : memref<!tpu.dma_semaphore, #tpu.memory_space<semaphore_mem>>)
      %slice3A_333 = vector.extract_strided_slice %get3A_31 {offsets = [9], sizes = [1], strides = [1]} : vector<16xi32> to vector<1xi32>
      %squeeze3A_334 = vector.extract %slice3A_333[0] : i32 from vector<1xi32>
      %add3A_335 = arith.constant 9 : i32
      %add3A_336 = arith.addi %mul3A_22, %add3A_335 : i32
      %dma_start3A_337 = arith.constant 0 : i32
      %dma_start3A_338 = tpu.memref_slice %arg11[%add3A_336, %dma_start3A_337] : memref<256x64xf32, #tpu.memory_space<vmem>> -> memref<1x64xf32, #tpu.memory_space<vmem>>
      %dma_start3A_339 = tpu.memref_squeeze %dma_start3A_338 : memref<1x64xf32, #tpu.memory_space<vmem>> -> memref<64xf32, #tpu.memory_space<vmem>>
      %dma_start3A_340 = arith.constant 0 : i32
      %dma_start3A_341 = tpu.memref_slice %arg5[%squeeze3A_334, %dma_start3A_340] : memref<1000000x64xf32, #tpu.memory_space<hbm>> -> memref<1x64xf32, #tpu.memory_space<hbm>>
      %dma_start3A_342 = tpu.memref_squeeze %dma_start3A_341 : memref<1x64xf32, #tpu.memory_space<hbm>> -> memref<64xf32, #tpu.memory_space<hbm>>
      %dma_start3A_343 = arith.constant 0 : i32
      %dma_start3A_344 = tpu.memref_slice %arg11[%add3A_336, %dma_start3A_343] : memref<256x64xf32, #tpu.memory_space<vmem>> -> memref<1x64xf32, #tpu.memory_space<vmem>>
      %dma_start3A_345 = tpu.memref_squeeze %dma_start3A_344 : memref<1x64xf32, #tpu.memory_space<vmem>> -> memref<64xf32, #tpu.memory_space<vmem>>
      %dma_start3A_346 = arith.constant 0 : i32
      %dma_start3A_347 = tpu.memref_slice %arg5[%squeeze3A_334, %dma_start3A_346] : memref<1000000x64xf32, #tpu.memory_space<hbm>> -> memref<1x64xf32, #tpu.memory_space<hbm>>
      %dma_start3A_348 = tpu.memref_squeeze %dma_start3A_347 : memref<1x64xf32, #tpu.memory_space<hbm>> -> memref<64xf32, #tpu.memory_space<hbm>>
      tpu.enqueue_dma source(%dma_start3A_348 : memref<64xf32, #tpu.memory_space<hbm>>) target(%dma_start3A_345 : memref<64xf32, #tpu.memory_space<vmem>>) target_semaphore(%arg12 : memref<!tpu.dma_semaphore, #tpu.memory_space<semaphore_mem>>)
      %slice3A_349 = vector.extract_strided_slice %get3A_26 {offsets = [10], sizes = [1], strides = [1]} : vector<16xi32> to vector<1xi32>
      %squeeze3A_350 = vector.extract %slice3A_349[0] : i32 from vector<1xi32>
      %add3A_351 = arith.constant 10 : i32
      %add3A_352 = arith.addi %mul3A_22, %add3A_351 : i32
      %dma_start3A_353 = arith.constant 0 : i32
      %dma_start3A_354 = tpu.memref_slice %arg10[%add3A_352, %dma_start3A_353] : memref<256x64xf32, #tpu.memory_space<vmem>> -> memref<1x64xf32, #tpu.memory_space<vmem>>
      %dma_start3A_355 = tpu.memref_squeeze %dma_start3A_354 : memref<1x64xf32, #tpu.memory_space<vmem>> -> memref<64xf32, #tpu.memory_space<vmem>>
      %dma_start3A_356 = arith.constant 0 : i32
      %dma_start3A_357 = tpu.memref_slice %arg4[%squeeze3A_350, %dma_start3A_356] : memref<1000000x64xf32, #tpu.memory_space<hbm>> -> memref<1x64xf32, #tpu.memory_space<hbm>>
      %dma_start3A_358 = tpu.memref_squeeze %dma_start3A_357 : memref<1x64xf32, #tpu.memory_space<hbm>> -> memref<64xf32, #tpu.memory_space<hbm>>
      %dma_start3A_359 = arith.constant 0 : i32
      %dma_start3A_360 = tpu.memref_slice %arg10[%add3A_352, %dma_start3A_359] : memref<256x64xf32, #tpu.memory_space<vmem>> -> memref<1x64xf32, #tpu.memory_space<vmem>>
      %dma_start3A_361 = tpu.memref_squeeze %dma_start3A_360 : memref<1x64xf32, #tpu.memory_space<vmem>> -> memref<64xf32, #tpu.memory_space<vmem>>
      %dma_start3A_362 = arith.constant 0 : i32
      %dma_start3A_363 = tpu.memref_slice %arg4[%squeeze3A_350, %dma_start3A_362] : memref<1000000x64xf32, #tpu.memory_space<hbm>> -> memref<1x64xf32, #tpu.memory_space<hbm>>
      %dma_start3A_364 = tpu.memref_squeeze %dma_start3A_363 : memref<1x64xf32, #tpu.memory_space<hbm>> -> memref<64xf32, #tpu.memory_space<hbm>>
      tpu.enqueue_dma source(%dma_start3A_364 : memref<64xf32, #tpu.memory_space<hbm>>) target(%dma_start3A_361 : memref<64xf32, #tpu.memory_space<vmem>>) target_semaphore(%arg12 : memref<!tpu.dma_semaphore, #tpu.memory_space<semaphore_mem>>)
      %slice3A_365 = vector.extract_strided_slice %get3A_31 {offsets = [10], sizes = [1], strides = [1]} : vector<16xi32> to vector<1xi32>
      %squeeze3A_366 = vector.extract %slice3A_365[0] : i32 from vector<1xi32>
      %add3A_367 = arith.constant 10 : i32
      %add3A_368 = arith.addi %mul3A_22, %add3A_367 : i32
      %dma_start3A_369 = arith.constant 0 : i32
      %dma_start3A_370 = tpu.memref_slice %arg11[%add3A_368, %dma_start3A_369] : memref<256x64xf32, #tpu.memory_space<vmem>> -> memref<1x64xf32, #tpu.memory_space<vmem>>
      %dma_start3A_371 = tpu.memref_squeeze %dma_start3A_370 : memref<1x64xf32, #tpu.memory_space<vmem>> -> memref<64xf32, #tpu.memory_space<vmem>>
      %dma_start3A_372 = arith.constant 0 : i32
      %dma_start3A_373 = tpu.memref_slice %arg5[%squeeze3A_366, %dma_start3A_372] : memref<1000000x64xf32, #tpu.memory_space<hbm>> -> memref<1x64xf32, #tpu.memory_space<hbm>>
      %dma_start3A_374 = tpu.memref_squeeze %dma_start3A_373 : memref<1x64xf32, #tpu.memory_space<hbm>> -> memref<64xf32, #tpu.memory_space<hbm>>
      %dma_start3A_375 = arith.constant 0 : i32
      %dma_start3A_376 = tpu.memref_slice %arg11[%add3A_368, %dma_start3A_375] : memref<256x64xf32, #tpu.memory_space<vmem>> -> memref<1x64xf32, #tpu.memory_space<vmem>>
      %dma_start3A_377 = tpu.memref_squeeze %dma_start3A_376 : memref<1x64xf32, #tpu.memory_space<vmem>> -> memref<64xf32, #tpu.memory_space<vmem>>
      %dma_start3A_378 = arith.constant 0 : i32
      %dma_start3A_379 = tpu.memref_slice %arg5[%squeeze3A_366, %dma_start3A_378] : memref<1000000x64xf32, #tpu.memory_space<hbm>> -> memref<1x64xf32, #tpu.memory_space<hbm>>
      %dma_start3A_380 = tpu.memref_squeeze %dma_start3A_379 : memref<1x64xf32, #tpu.memory_space<hbm>> -> memref<64xf32, #tpu.memory_space<hbm>>
      tpu.enqueue_dma source(%dma_start3A_380 : memref<64xf32, #tpu.memory_space<hbm>>) target(%dma_start3A_377 : memref<64xf32, #tpu.memory_space<vmem>>) target_semaphore(%arg12 : memref<!tpu.dma_semaphore, #tpu.memory_space<semaphore_mem>>)
      %slice3A_381 = vector.extract_strided_slice %get3A_26 {offsets = [11], sizes = [1], strides = [1]} : vector<16xi32> to vector<1xi32>
      %squeeze3A_382 = vector.extract %slice3A_381[0] : i32 from vector<1xi32>
      %add3A_383 = arith.constant 11 : i32
      %add3A_384 = arith.addi %mul3A_22, %add3A_383 : i32
      %dma_start3A_385 = arith.constant 0 : i32
      %dma_start3A_386 = tpu.memref_slice %arg10[%add3A_384, %dma_start3A_385] : memref<256x64xf32, #tpu.memory_space<vmem>> -> memref<1x64xf32, #tpu.memory_space<vmem>>
      %dma_start3A_387 = tpu.memref_squeeze %dma_start3A_386 : memref<1x64xf32, #tpu.memory_space<vmem>> -> memref<64xf32, #tpu.memory_space<vmem>>
      %dma_start3A_388 = arith.constant 0 : i32
      %dma_start3A_389 = tpu.memref_slice %arg4[%squeeze3A_382, %dma_start3A_388] : memref<1000000x64xf32, #tpu.memory_space<hbm>> -> memref<1x64xf32, #tpu.memory_space<hbm>>
      %dma_start3A_390 = tpu.memref_squeeze %dma_start3A_389 : memref<1x64xf32, #tpu.memory_space<hbm>> -> memref<64xf32, #tpu.memory_space<hbm>>
      %dma_start3A_391 = arith.constant 0 : i32
      %dma_start3A_392 = tpu.memref_slice %arg10[%add3A_384, %dma_start3A_391] : memref<256x64xf32, #tpu.memory_space<vmem>> -> memref<1x64xf32, #tpu.memory_space<vmem>>
      %dma_start3A_393 = tpu.memref_squeeze %dma_start3A_392 : memref<1x64xf32, #tpu.memory_space<vmem>> -> memref<64xf32, #tpu.memory_space<vmem>>
      %dma_start3A_394 = arith.constant 0 : i32
      %dma_start3A_395 = tpu.memref_slice %arg4[%squeeze3A_382, %dma_start3A_394] : memref<1000000x64xf32, #tpu.memory_space<hbm>> -> memref<1x64xf32, #tpu.memory_space<hbm>>
      %dma_start3A_396 = tpu.memref_squeeze %dma_start3A_395 : memref<1x64xf32, #tpu.memory_space<hbm>> -> memref<64xf32, #tpu.memory_space<hbm>>
      tpu.enqueue_dma source(%dma_start3A_396 : memref<64xf32, #tpu.memory_space<hbm>>) target(%dma_start3A_393 : memref<64xf32, #tpu.memory_space<vmem>>) target_semaphore(%arg12 : memref<!tpu.dma_semaphore, #tpu.memory_space<semaphore_mem>>)
      %slice3A_397 = vector.extract_strided_slice %get3A_31 {offsets = [11], sizes = [1], strides = [1]} : vector<16xi32> to vector<1xi32>
      %squeeze3A_398 = vector.extract %slice3A_397[0] : i32 from vector<1xi32>
      %add3A_399 = arith.constant 11 : i32
      %add3A_400 = arith.addi %mul3A_22, %add3A_399 : i32
      %dma_start3A_401 = arith.constant 0 : i32
      %dma_start3A_402 = tpu.memref_slice %arg11[%add3A_400, %dma_start3A_401] : memref<256x64xf32, #tpu.memory_space<vmem>> -> memref<1x64xf32, #tpu.memory_space<vmem>>
      %dma_start3A_403 = tpu.memref_squeeze %dma_start3A_402 : memref<1x64xf32, #tpu.memory_space<vmem>> -> memref<64xf32, #tpu.memory_space<vmem>>
      %dma_start3A_404 = arith.constant 0 : i32
      %dma_start3A_405 = tpu.memref_slice %arg5[%squeeze3A_398, %dma_start3A_404] : memref<1000000x64xf32, #tpu.memory_space<hbm>> -> memref<1x64xf32, #tpu.memory_space<hbm>>
      %dma_start3A_406 = tpu.memref_squeeze %dma_start3A_405 : memref<1x64xf32, #tpu.memory_space<hbm>> -> memref<64xf32, #tpu.memory_space<hbm>>
      %dma_start3A_407 = arith.constant 0 : i32
      %dma_start3A_408 = tpu.memref_slice %arg11[%add3A_400, %dma_start3A_407] : memref<256x64xf32, #tpu.memory_space<vmem>> -> memref<1x64xf32, #tpu.memory_space<vmem>>
      %dma_start3A_409 = tpu.memref_squeeze %dma_start3A_408 : memref<1x64xf32, #tpu.memory_space<vmem>> -> memref<64xf32, #tpu.memory_space<vmem>>
      %dma_start3A_410 = arith.constant 0 : i32
      %dma_start3A_411 = tpu.memref_slice %arg5[%squeeze3A_398, %dma_start3A_410] : memref<1000000x64xf32, #tpu.memory_space<hbm>> -> memref<1x64xf32, #tpu.memory_space<hbm>>
      %dma_start3A_412 = tpu.memref_squeeze %dma_start3A_411 : memref<1x64xf32, #tpu.memory_space<hbm>> -> memref<64xf32, #tpu.memory_space<hbm>>
      tpu.enqueue_dma source(%dma_start3A_412 : memref<64xf32, #tpu.memory_space<hbm>>) target(%dma_start3A_409 : memref<64xf32, #tpu.memory_space<vmem>>) target_semaphore(%arg12 : memref<!tpu.dma_semaphore, #tpu.memory_space<semaphore_mem>>)
      %slice3A_413 = vector.extract_strided_slice %get3A_26 {offsets = [12], sizes = [1], strides = [1]} : vector<16xi32> to vector<1xi32>
      %squeeze3A_414 = vector.extract %slice3A_413[0] : i32 from vector<1xi32>
      %add3A_415 = arith.constant 12 : i32
      %add3A_416 = arith.addi %mul3A_22, %add3A_415 : i32
      %dma_start3A_417 = arith.constant 0 : i32
      %dma_start3A_418 = tpu.memref_slice %arg10[%add3A_416, %dma_start3A_417] : memref<256x64xf32, #tpu.memory_space<vmem>> -> memref<1x64xf32, #tpu.memory_space<vmem>>
      %dma_start3A_419 = tpu.memref_squeeze %dma_start3A_418 : memref<1x64xf32, #tpu.memory_space<vmem>> -> memref<64xf32, #tpu.memory_space<vmem>>
      %dma_start3A_420 = arith.constant 0 : i32
      %dma_start3A_421 = tpu.memref_slice %arg4[%squeeze3A_414, %dma_start3A_420] : memref<1000000x64xf32, #tpu.memory_space<hbm>> -> memref<1x64xf32, #tpu.memory_space<hbm>>
      %dma_start3A_422 = tpu.memref_squeeze %dma_start3A_421 : memref<1x64xf32, #tpu.memory_space<hbm>> -> memref<64xf32, #tpu.memory_space<hbm>>
      %dma_start3A_423 = arith.constant 0 : i32
      %dma_start3A_424 = tpu.memref_slice %arg10[%add3A_416, %dma_start3A_423] : memref<256x64xf32, #tpu.memory_space<vmem>> -> memref<1x64xf32, #tpu.memory_space<vmem>>
      %dma_start3A_425 = tpu.memref_squeeze %dma_start3A_424 : memref<1x64xf32, #tpu.memory_space<vmem>> -> memref<64xf32, #tpu.memory_space<vmem>>
      %dma_start3A_426 = arith.constant 0 : i32
      %dma_start3A_427 = tpu.memref_slice %arg4[%squeeze3A_414, %dma_start3A_426] : memref<1000000x64xf32, #tpu.memory_space<hbm>> -> memref<1x64xf32, #tpu.memory_space<hbm>>
      %dma_start3A_428 = tpu.memref_squeeze %dma_start3A_427 : memref<1x64xf32, #tpu.memory_space<hbm>> -> memref<64xf32, #tpu.memory_space<hbm>>
      tpu.enqueue_dma source(%dma_start3A_428 : memref<64xf32, #tpu.memory_space<hbm>>) target(%dma_start3A_425 : memref<64xf32, #tpu.memory_space<vmem>>) target_semaphore(%arg12 : memref<!tpu.dma_semaphore, #tpu.memory_space<semaphore_mem>>)
      %slice3A_429 = vector.extract_strided_slice %get3A_31 {offsets = [12], sizes = [1], strides = [1]} : vector<16xi32> to vector<1xi32>
      %squeeze3A_430 = vector.extract %slice3A_429[0] : i32 from vector<1xi32>
      %add3A_431 = arith.constant 12 : i32
      %add3A_432 = arith.addi %mul3A_22, %add3A_431 : i32
      %dma_start3A_433 = arith.constant 0 : i32
      %dma_start3A_434 = tpu.memref_slice %arg11[%add3A_432, %dma_start3A_433] : memref<256x64xf32, #tpu.memory_space<vmem>> -> memref<1x64xf32, #tpu.memory_space<vmem>>
      %dma_start3A_435 = tpu.memref_squeeze %dma_start3A_434 : memref<1x64xf32, #tpu.memory_space<vmem>> -> memref<64xf32, #tpu.memory_space<vmem>>
      %dma_start3A_436 = arith.constant 0 : i32
      %dma_start3A_437 = tpu.memref_slice %arg5[%squeeze3A_430, %dma_start3A_436] : memref<1000000x64xf32, #tpu.memory_space<hbm>> -> memref<1x64xf32, #tpu.memory_space<hbm>>
      %dma_start3A_438 = tpu.memref_squeeze %dma_start3A_437 : memref<1x64xf32, #tpu.memory_space<hbm>> -> memref<64xf32, #tpu.memory_space<hbm>>
      %dma_start3A_439 = arith.constant 0 : i32
      %dma_start3A_440 = tpu.memref_slice %arg11[%add3A_432, %dma_start3A_439] : memref<256x64xf32, #tpu.memory_space<vmem>> -> memref<1x64xf32, #tpu.memory_space<vmem>>
      %dma_start3A_441 = tpu.memref_squeeze %dma_start3A_440 : memref<1x64xf32, #tpu.memory_space<vmem>> -> memref<64xf32, #tpu.memory_space<vmem>>
      %dma_start3A_442 = arith.constant 0 : i32
      %dma_start3A_443 = tpu.memref_slice %arg5[%squeeze3A_430, %dma_start3A_442] : memref<1000000x64xf32, #tpu.memory_space<hbm>> -> memref<1x64xf32, #tpu.memory_space<hbm>>
      %dma_start3A_444 = tpu.memref_squeeze %dma_start3A_443 : memref<1x64xf32, #tpu.memory_space<hbm>> -> memref<64xf32, #tpu.memory_space<hbm>>
      tpu.enqueue_dma source(%dma_start3A_444 : memref<64xf32, #tpu.memory_space<hbm>>) target(%dma_start3A_441 : memref<64xf32, #tpu.memory_space<vmem>>) target_semaphore(%arg12 : memref<!tpu.dma_semaphore, #tpu.memory_space<semaphore_mem>>)
      %slice3A_445 = vector.extract_strided_slice %get3A_26 {offsets = [13], sizes = [1], strides = [1]} : vector<16xi32> to vector<1xi32>
      %squeeze3A_446 = vector.extract %slice3A_445[0] : i32 from vector<1xi32>
      %add3A_447 = arith.constant 13 : i32
      %add3A_448 = arith.addi %mul3A_22, %add3A_447 : i32
      %dma_start3A_449 = arith.constant 0 : i32
      %dma_start3A_450 = tpu.memref_slice %arg10[%add3A_448, %dma_start3A_449] : memref<256x64xf32, #tpu.memory_space<vmem>> -> memref<1x64xf32, #tpu.memory_space<vmem>>
      %dma_start3A_451 = tpu.memref_squeeze %dma_start3A_450 : memref<1x64xf32, #tpu.memory_space<vmem>> -> memref<64xf32, #tpu.memory_space<vmem>>
      %dma_start3A_452 = arith.constant 0 : i32
      %dma_start3A_453 = tpu.memref_slice %arg4[%squeeze3A_446, %dma_start3A_452] : memref<1000000x64xf32, #tpu.memory_space<hbm>> -> memref<1x64xf32, #tpu.memory_space<hbm>>
      %dma_start3A_454 = tpu.memref_squeeze %dma_start3A_453 : memref<1x64xf32, #tpu.memory_space<hbm>> -> memref<64xf32, #tpu.memory_space<hbm>>
      %dma_start3A_455 = arith.constant 0 : i32
      %dma_start3A_456 = tpu.memref_slice %arg10[%add3A_448, %dma_start3A_455] : memref<256x64xf32, #tpu.memory_space<vmem>> -> memref<1x64xf32, #tpu.memory_space<vmem>>
      %dma_start3A_457 = tpu.memref_squeeze %dma_start3A_456 : memref<1x64xf32, #tpu.memory_space<vmem>> -> memref<64xf32, #tpu.memory_space<vmem>>
      %dma_start3A_458 = arith.constant 0 : i32
      %dma_start3A_459 = tpu.memref_slice %arg4[%squeeze3A_446, %dma_start3A_458] : memref<1000000x64xf32, #tpu.memory_space<hbm>> -> memref<1x64xf32, #tpu.memory_space<hbm>>
      %dma_start3A_460 = tpu.memref_squeeze %dma_start3A_459 : memref<1x64xf32, #tpu.memory_space<hbm>> -> memref<64xf32, #tpu.memory_space<hbm>>
      tpu.enqueue_dma source(%dma_start3A_460 : memref<64xf32, #tpu.memory_space<hbm>>) target(%dma_start3A_457 : memref<64xf32, #tpu.memory_space<vmem>>) target_semaphore(%arg12 : memref<!tpu.dma_semaphore, #tpu.memory_space<semaphore_mem>>)
      %slice3A_461 = vector.extract_strided_slice %get3A_31 {offsets = [13], sizes = [1], strides = [1]} : vector<16xi32> to vector<1xi32>
      %squeeze3A_462 = vector.extract %slice3A_461[0] : i32 from vector<1xi32>
      %add3A_463 = arith.constant 13 : i32
      %add3A_464 = arith.addi %mul3A_22, %add3A_463 : i32
      %dma_start3A_465 = arith.constant 0 : i32
      %dma_start3A_466 = tpu.memref_slice %arg11[%add3A_464, %dma_start3A_465] : memref<256x64xf32, #tpu.memory_space<vmem>> -> memref<1x64xf32, #tpu.memory_space<vmem>>
      %dma_start3A_467 = tpu.memref_squeeze %dma_start3A_466 : memref<1x64xf32, #tpu.memory_space<vmem>> -> memref<64xf32, #tpu.memory_space<vmem>>
      %dma_start3A_468 = arith.constant 0 : i32
      %dma_start3A_469 = tpu.memref_slice %arg5[%squeeze3A_462, %dma_start3A_468] : memref<1000000x64xf32, #tpu.memory_space<hbm>> -> memref<1x64xf32, #tpu.memory_space<hbm>>
      %dma_start3A_470 = tpu.memref_squeeze %dma_start3A_469 : memref<1x64xf32, #tpu.memory_space<hbm>> -> memref<64xf32, #tpu.memory_space<hbm>>
      %dma_start3A_471 = arith.constant 0 : i32
      %dma_start3A_472 = tpu.memref_slice %arg11[%add3A_464, %dma_start3A_471] : memref<256x64xf32, #tpu.memory_space<vmem>> -> memref<1x64xf32, #tpu.memory_space<vmem>>
      %dma_start3A_473 = tpu.memref_squeeze %dma_start3A_472 : memref<1x64xf32, #tpu.memory_space<vmem>> -> memref<64xf32, #tpu.memory_space<vmem>>
      %dma_start3A_474 = arith.constant 0 : i32
      %dma_start3A_475 = tpu.memref_slice %arg5[%squeeze3A_462, %dma_start3A_474] : memref<1000000x64xf32, #tpu.memory_space<hbm>> -> memref<1x64xf32, #tpu.memory_space<hbm>>
      %dma_start3A_476 = tpu.memref_squeeze %dma_start3A_475 : memref<1x64xf32, #tpu.memory_space<hbm>> -> memref<64xf32, #tpu.memory_space<hbm>>
      tpu.enqueue_dma source(%dma_start3A_476 : memref<64xf32, #tpu.memory_space<hbm>>) target(%dma_start3A_473 : memref<64xf32, #tpu.memory_space<vmem>>) target_semaphore(%arg12 : memref<!tpu.dma_semaphore, #tpu.memory_space<semaphore_mem>>)
      %slice3A_477 = vector.extract_strided_slice %get3A_26 {offsets = [14], sizes = [1], strides = [1]} : vector<16xi32> to vector<1xi32>
      %squeeze3A_478 = vector.extract %slice3A_477[0] : i32 from vector<1xi32>
      %add3A_479 = arith.constant 14 : i32
      %add3A_480 = arith.addi %mul3A_22, %add3A_479 : i32
      %dma_start3A_481 = arith.constant 0 : i32
      %dma_start3A_482 = tpu.memref_slice %arg10[%add3A_480, %dma_start3A_481] : memref<256x64xf32, #tpu.memory_space<vmem>> -> memref<1x64xf32, #tpu.memory_space<vmem>>
      %dma_start3A_483 = tpu.memref_squeeze %dma_start3A_482 : memref<1x64xf32, #tpu.memory_space<vmem>> -> memref<64xf32, #tpu.memory_space<vmem>>
      %dma_start3A_484 = arith.constant 0 : i32
      %dma_start3A_485 = tpu.memref_slice %arg4[%squeeze3A_478, %dma_start3A_484] : memref<1000000x64xf32, #tpu.memory_space<hbm>> -> memref<1x64xf32, #tpu.memory_space<hbm>>
      %dma_start3A_486 = tpu.memref_squeeze %dma_start3A_485 : memref<1x64xf32, #tpu.memory_space<hbm>> -> memref<64xf32, #tpu.memory_space<hbm>>
      %dma_start3A_487 = arith.constant 0 : i32
      %dma_start3A_488 = tpu.memref_slice %arg10[%add3A_480, %dma_start3A_487] : memref<256x64xf32, #tpu.memory_space<vmem>> -> memref<1x64xf32, #tpu.memory_space<vmem>>
      %dma_start3A_489 = tpu.memref_squeeze %dma_start3A_488 : memref<1x64xf32, #tpu.memory_space<vmem>> -> memref<64xf32, #tpu.memory_space<vmem>>
      %dma_start3A_490 = arith.constant 0 : i32
      %dma_start3A_491 = tpu.memref_slice %arg4[%squeeze3A_478, %dma_start3A_490] : memref<1000000x64xf32, #tpu.memory_space<hbm>> -> memref<1x64xf32, #tpu.memory_space<hbm>>
      %dma_start3A_492 = tpu.memref_squeeze %dma_start3A_491 : memref<1x64xf32, #tpu.memory_space<hbm>> -> memref<64xf32, #tpu.memory_space<hbm>>
      tpu.enqueue_dma source(%dma_start3A_492 : memref<64xf32, #tpu.memory_space<hbm>>) target(%dma_start3A_489 : memref<64xf32, #tpu.memory_space<vmem>>) target_semaphore(%arg12 : memref<!tpu.dma_semaphore, #tpu.memory_space<semaphore_mem>>)
      %slice3A_493 = vector.extract_strided_slice %get3A_31 {offsets = [14], sizes = [1], strides = [1]} : vector<16xi32> to vector<1xi32>
      %squeeze3A_494 = vector.extract %slice3A_493[0] : i32 from vector<1xi32>
      %add3A_495 = arith.constant 14 : i32
      %add3A_496 = arith.addi %mul3A_22, %add3A_495 : i32
      %dma_start3A_497 = arith.constant 0 : i32
      %dma_start3A_498 = tpu.memref_slice %arg11[%add3A_496, %dma_start3A_497] : memref<256x64xf32, #tpu.memory_space<vmem>> -> memref<1x64xf32, #tpu.memory_space<vmem>>
      %dma_start3A_499 = tpu.memref_squeeze %dma_start3A_498 : memref<1x64xf32, #tpu.memory_space<vmem>> -> memref<64xf32, #tpu.memory_space<vmem>>
      %dma_start3A_500 = arith.constant 0 : i32
      %dma_start3A_501 = tpu.memref_slice %arg5[%squeeze3A_494, %dma_start3A_500] : memref<1000000x64xf32, #tpu.memory_space<hbm>> -> memref<1x64xf32, #tpu.memory_space<hbm>>
      %dma_start3A_502 = tpu.memref_squeeze %dma_start3A_501 : memref<1x64xf32, #tpu.memory_space<hbm>> -> memref<64xf32, #tpu.memory_space<hbm>>
      %dma_start3A_503 = arith.constant 0 : i32
      %dma_start3A_504 = tpu.memref_slice %arg11[%add3A_496, %dma_start3A_503] : memref<256x64xf32, #tpu.memory_space<vmem>> -> memref<1x64xf32, #tpu.memory_space<vmem>>
      %dma_start3A_505 = tpu.memref_squeeze %dma_start3A_504 : memref<1x64xf32, #tpu.memory_space<vmem>> -> memref<64xf32, #tpu.memory_space<vmem>>
      %dma_start3A_506 = arith.constant 0 : i32
      %dma_start3A_507 = tpu.memref_slice %arg5[%squeeze3A_494, %dma_start3A_506] : memref<1000000x64xf32, #tpu.memory_space<hbm>> -> memref<1x64xf32, #tpu.memory_space<hbm>>
      %dma_start3A_508 = tpu.memref_squeeze %dma_start3A_507 : memref<1x64xf32, #tpu.memory_space<hbm>> -> memref<64xf32, #tpu.memory_space<hbm>>
      tpu.enqueue_dma source(%dma_start3A_508 : memref<64xf32, #tpu.memory_space<hbm>>) target(%dma_start3A_505 : memref<64xf32, #tpu.memory_space<vmem>>) target_semaphore(%arg12 : memref<!tpu.dma_semaphore, #tpu.memory_space<semaphore_mem>>)
      %slice3A_509 = vector.extract_strided_slice %get3A_26 {offsets = [15], sizes = [1], strides = [1]} : vector<16xi32> to vector<1xi32>
      %squeeze3A_510 = vector.extract %slice3A_509[0] : i32 from vector<1xi32>
      %add3A_511 = arith.constant 15 : i32
      %add3A_512 = arith.addi %mul3A_22, %add3A_511 : i32
      %dma_start3A_513 = arith.constant 0 : i32
      %dma_start3A_514 = tpu.memref_slice %arg10[%add3A_512, %dma_start3A_513] : memref<256x64xf32, #tpu.memory_space<vmem>> -> memref<1x64xf32, #tpu.memory_space<vmem>>
      %dma_start3A_515 = tpu.memref_squeeze %dma_start3A_514 : memref<1x64xf32, #tpu.memory_space<vmem>> -> memref<64xf32, #tpu.memory_space<vmem>>
      %dma_start3A_516 = arith.constant 0 : i32
      %dma_start3A_517 = tpu.memref_slice %arg4[%squeeze3A_510, %dma_start3A_516] : memref<1000000x64xf32, #tpu.memory_space<hbm>> -> memref<1x64xf32, #tpu.memory_space<hbm>>
      %dma_start3A_518 = tpu.memref_squeeze %dma_start3A_517 : memref<1x64xf32, #tpu.memory_space<hbm>> -> memref<64xf32, #tpu.memory_space<hbm>>
      %dma_start3A_519 = arith.constant 0 : i32
      %dma_start3A_520 = tpu.memref_slice %arg10[%add3A_512, %dma_start3A_519] : memref<256x64xf32, #tpu.memory_space<vmem>> -> memref<1x64xf32, #tpu.memory_space<vmem>>
      %dma_start3A_521 = tpu.memref_squeeze %dma_start3A_520 : memref<1x64xf32, #tpu.memory_space<vmem>> -> memref<64xf32, #tpu.memory_space<vmem>>
      %dma_start3A_522 = arith.constant 0 : i32
      %dma_start3A_523 = tpu.memref_slice %arg4[%squeeze3A_510, %dma_start3A_522] : memref<1000000x64xf32, #tpu.memory_space<hbm>> -> memref<1x64xf32, #tpu.memory_space<hbm>>
      %dma_start3A_524 = tpu.memref_squeeze %dma_start3A_523 : memref<1x64xf32, #tpu.memory_space<hbm>> -> memref<64xf32, #tpu.memory_space<hbm>>
      tpu.enqueue_dma source(%dma_start3A_524 : memref<64xf32, #tpu.memory_space<hbm>>) target(%dma_start3A_521 : memref<64xf32, #tpu.memory_space<vmem>>) target_semaphore(%arg12 : memref<!tpu.dma_semaphore, #tpu.memory_space<semaphore_mem>>)
      %slice3A_525 = vector.extract_strided_slice %get3A_31 {offsets = [15], sizes = [1], strides = [1]} : vector<16xi32> to vector<1xi32>
      %squeeze3A_526 = vector.extract %slice3A_525[0] : i32 from vector<1xi32>
      %add3A_527 = arith.constant 15 : i32
      %add3A_528 = arith.addi %mul3A_22, %add3A_527 : i32
      %dma_start3A_529 = arith.constant 0 : i32
      %dma_start3A_530 = tpu.memref_slice %arg11[%add3A_528, %dma_start3A_529] : memref<256x64xf32, #tpu.memory_space<vmem>> -> memref<1x64xf32, #tpu.memory_space<vmem>>
      %dma_start3A_531 = tpu.memref_squeeze %dma_start3A_530 : memref<1x64xf32, #tpu.memory_space<vmem>> -> memref<64xf32, #tpu.memory_space<vmem>>
      %dma_start3A_532 = arith.constant 0 : i32
      %dma_start3A_533 = tpu.memref_slice %arg5[%squeeze3A_526, %dma_start3A_532] : memref<1000000x64xf32, #tpu.memory_space<hbm>> -> memref<1x64xf32, #tpu.memory_space<hbm>>
      %dma_start3A_534 = tpu.memref_squeeze %dma_start3A_533 : memref<1x64xf32, #tpu.memory_space<hbm>> -> memref<64xf32, #tpu.memory_space<hbm>>
      %dma_start3A_535 = arith.constant 0 : i32
      %dma_start3A_536 = tpu.memref_slice %arg11[%add3A_528, %dma_start3A_535] : memref<256x64xf32, #tpu.memory_space<vmem>> -> memref<1x64xf32, #tpu.memory_space<vmem>>
      %dma_start3A_537 = tpu.memref_squeeze %dma_start3A_536 : memref<1x64xf32, #tpu.memory_space<vmem>> -> memref<64xf32, #tpu.memory_space<vmem>>
      %dma_start3A_538 = arith.constant 0 : i32
      %dma_start3A_539 = tpu.memref_slice %arg5[%squeeze3A_526, %dma_start3A_538] : memref<1000000x64xf32, #tpu.memory_space<hbm>> -> memref<1x64xf32, #tpu.memory_space<hbm>>
      %dma_start3A_540 = tpu.memref_squeeze %dma_start3A_539 : memref<1x64xf32, #tpu.memory_space<hbm>> -> memref<64xf32, #tpu.memory_space<hbm>>
      tpu.enqueue_dma source(%dma_start3A_540 : memref<64xf32, #tpu.memory_space<hbm>>) target(%dma_start3A_537 : memref<64xf32, #tpu.memory_space<vmem>>) target_semaphore(%arg12 : memref<!tpu.dma_semaphore, #tpu.memory_space<semaphore_mem>>)
      %dma_wait3A = arith.constant 0 : i32
      %dma_wait3A_541 = tpu.memref_slice %arg10[%add3A_33, %dma_wait3A] : memref<256x64xf32, #tpu.memory_space<vmem>> -> memref<1x64xf32, #tpu.memory_space<vmem>>
      %dma_wait3A_542 = tpu.memref_squeeze %dma_wait3A_541 : memref<1x64xf32, #tpu.memory_space<vmem>> -> memref<64xf32, #tpu.memory_space<vmem>>
      %dma_wait3A_543 = arith.constant 0 : i32
      %dma_wait3A_544 = tpu.memref_slice %arg4[%squeeze3A, %dma_wait3A_543] : memref<1000000x64xf32, #tpu.memory_space<hbm>> -> memref<1x64xf32, #tpu.memory_space<hbm>>
      %dma_wait3A_545 = tpu.memref_squeeze %dma_wait3A_544 : memref<1x64xf32, #tpu.memory_space<hbm>> -> memref<64xf32, #tpu.memory_space<hbm>>
      %dma_wait3A_546 = arith.constant 0 : i32
      %dma_wait3A_547 = tpu.memref_slice %arg10[%add3A_33, %dma_wait3A_546] : memref<256x64xf32, #tpu.memory_space<vmem>> -> memref<1x64xf32, #tpu.memory_space<vmem>>
      %dma_wait3A_548 = tpu.memref_squeeze %dma_wait3A_547 : memref<1x64xf32, #tpu.memory_space<vmem>> -> memref<64xf32, #tpu.memory_space<vmem>>
      %dma_wait3A_549 = arith.constant 0 : i32
      %dma_wait3A_550 = tpu.memref_slice %arg4[%squeeze3A, %dma_wait3A_549] : memref<1000000x64xf32, #tpu.memory_space<hbm>> -> memref<1x64xf32, #tpu.memory_space<hbm>>
      %dma_wait3A_551 = tpu.memref_squeeze %dma_wait3A_550 : memref<1x64xf32, #tpu.memory_space<hbm>> -> memref<64xf32, #tpu.memory_space<hbm>>
      tpu.wait_dma2 semaphore(%arg12 : memref<!tpu.dma_semaphore, #tpu.memory_space<semaphore_mem>>) src(%dma_wait3A_551 : memref<64xf32, #tpu.memory_space<hbm>>) dst(%dma_wait3A_548 : memref<64xf32, #tpu.memory_space<vmem>>)
      %dma_wait3A_552 = arith.constant 0 : i32
      %dma_wait3A_553 = tpu.memref_slice %arg11[%add3A_48, %dma_wait3A_552] : memref<256x64xf32, #tpu.memory_space<vmem>> -> memref<1x64xf32, #tpu.memory_space<vmem>>
      %dma_wait3A_554 = tpu.memref_squeeze %dma_wait3A_553 : memref<1x64xf32, #tpu.memory_space<vmem>> -> memref<64xf32, #tpu.memory_space<vmem>>
      %dma_wait3A_555 = arith.constant 0 : i32
      %dma_wait3A_556 = tpu.memref_slice %arg5[%squeeze3A_46, %dma_wait3A_555] : memref<1000000x64xf32, #tpu.memory_space<hbm>> -> memref<1x64xf32, #tpu.memory_space<hbm>>
      %dma_wait3A_557 = tpu.memref_squeeze %dma_wait3A_556 : memref<1x64xf32, #tpu.memory_space<hbm>> -> memref<64xf32, #tpu.memory_space<hbm>>
      %dma_wait3A_558 = arith.constant 0 : i32
      %dma_wait3A_559 = tpu.memref_slice %arg11[%add3A_48, %dma_wait3A_558] : memref<256x64xf32, #tpu.memory_space<vmem>> -> memref<1x64xf32, #tpu.memory_space<vmem>>
      %dma_wait3A_560 = tpu.memref_squeeze %dma_wait3A_559 : memref<1x64xf32, #tpu.memory_space<vmem>> -> memref<64xf32, #tpu.memory_space<vmem>>
      %dma_wait3A_561 = arith.constant 0 : i32
      %dma_wait3A_562 = tpu.memref_slice %arg5[%squeeze3A_46, %dma_wait3A_561] : memref<1000000x64xf32, #tpu.memory_space<hbm>> -> memref<1x64xf32, #tpu.memory_space<hbm>>
      %dma_wait3A_563 = tpu.memref_squeeze %dma_wait3A_562 : memref<1x64xf32, #tpu.memory_space<hbm>> -> memref<64xf32, #tpu.memory_space<hbm>>
      tpu.wait_dma2 semaphore(%arg12 : memref<!tpu.dma_semaphore, #tpu.memory_space<semaphore_mem>>) src(%dma_wait3A_563 : memref<64xf32, #tpu.memory_space<hbm>>) dst(%dma_wait3A_560 : memref<64xf32, #tpu.memory_space<vmem>>)
      %dma_wait3A_564 = arith.constant 0 : i32
      %dma_wait3A_565 = tpu.memref_slice %arg10[%add3A_64, %dma_wait3A_564] : memref<256x64xf32, #tpu.memory_space<vmem>> -> memref<1x64xf32, #tpu.memory_space<vmem>>
      %dma_wait3A_566 = tpu.memref_squeeze %dma_wait3A_565 : memref<1x64xf32, #tpu.memory_space<vmem>> -> memref<64xf32, #tpu.memory_space<vmem>>
      %dma_wait3A_567 = arith.constant 0 : i32
      %dma_wait3A_568 = tpu.memref_slice %arg4[%squeeze3A_62, %dma_wait3A_567] : memref<1000000x64xf32, #tpu.memory_space<hbm>> -> memref<1x64xf32, #tpu.memory_space<hbm>>
      %dma_wait3A_569 = tpu.memref_squeeze %dma_wait3A_568 : memref<1x64xf32, #tpu.memory_space<hbm>> -> memref<64xf32, #tpu.memory_space<hbm>>
      %dma_wait3A_570 = arith.constant 0 : i32
      %dma_wait3A_571 = tpu.memref_slice %arg10[%add3A_64, %dma_wait3A_570] : memref<256x64xf32, #tpu.memory_space<vmem>> -> memref<1x64xf32, #tpu.memory_space<vmem>>
      %dma_wait3A_572 = tpu.memref_squeeze %dma_wait3A_571 : memref<1x64xf32, #tpu.memory_space<vmem>> -> memref<64xf32, #tpu.memory_space<vmem>>
      %dma_wait3A_573 = arith.constant 0 : i32
      %dma_wait3A_574 = tpu.memref_slice %arg4[%squeeze3A_62, %dma_wait3A_573] : memref<1000000x64xf32, #tpu.memory_space<hbm>> -> memref<1x64xf32, #tpu.memory_space<hbm>>
      %dma_wait3A_575 = tpu.memref_squeeze %dma_wait3A_574 : memref<1x64xf32, #tpu.memory_space<hbm>> -> memref<64xf32, #tpu.memory_space<hbm>>
      tpu.wait_dma2 semaphore(%arg12 : memref<!tpu.dma_semaphore, #tpu.memory_space<semaphore_mem>>) src(%dma_wait3A_575 : memref<64xf32, #tpu.memory_space<hbm>>) dst(%dma_wait3A_572 : memref<64xf32, #tpu.memory_space<vmem>>)
      %dma_wait3A_576 = arith.constant 0 : i32
      %dma_wait3A_577 = tpu.memref_slice %arg11[%add3A_80, %dma_wait3A_576] : memref<256x64xf32, #tpu.memory_space<vmem>> -> memref<1x64xf32, #tpu.memory_space<vmem>>
      %dma_wait3A_578 = tpu.memref_squeeze %dma_wait3A_577 : memref<1x64xf32, #tpu.memory_space<vmem>> -> memref<64xf32, #tpu.memory_space<vmem>>
      %dma_wait3A_579 = arith.constant 0 : i32
      %dma_wait3A_580 = tpu.memref_slice %arg5[%squeeze3A_78, %dma_wait3A_579] : memref<1000000x64xf32, #tpu.memory_space<hbm>> -> memref<1x64xf32, #tpu.memory_space<hbm>>
      %dma_wait3A_581 = tpu.memref_squeeze %dma_wait3A_580 : memref<1x64xf32, #tpu.memory_space<hbm>> -> memref<64xf32, #tpu.memory_space<hbm>>
      %dma_wait3A_582 = arith.constant 0 : i32
      %dma_wait3A_583 = tpu.memref_slice %arg11[%add3A_80, %dma_wait3A_582] : memref<256x64xf32, #tpu.memory_space<vmem>> -> memref<1x64xf32, #tpu.memory_space<vmem>>
      %dma_wait3A_584 = tpu.memref_squeeze %dma_wait3A_583 : memref<1x64xf32, #tpu.memory_space<vmem>> -> memref<64xf32, #tpu.memory_space<vmem>>
      %dma_wait3A_585 = arith.constant 0 : i32
      %dma_wait3A_586 = tpu.memref_slice %arg5[%squeeze3A_78, %dma_wait3A_585] : memref<1000000x64xf32, #tpu.memory_space<hbm>> -> memref<1x64xf32, #tpu.memory_space<hbm>>
      %dma_wait3A_587 = tpu.memref_squeeze %dma_wait3A_586 : memref<1x64xf32, #tpu.memory_space<hbm>> -> memref<64xf32, #tpu.memory_space<hbm>>
      tpu.wait_dma2 semaphore(%arg12 : memref<!tpu.dma_semaphore, #tpu.memory_space<semaphore_mem>>) src(%dma_wait3A_587 : memref<64xf32, #tpu.memory_space<hbm>>) dst(%dma_wait3A_584 : memref<64xf32, #tpu.memory_space<vmem>>)
      %dma_wait3A_588 = arith.constant 0 : i32
      %dma_wait3A_589 = tpu.memref_slice %arg10[%add3A_96, %dma_wait3A_588] : memref<256x64xf32, #tpu.memory_space<vmem>> -> memref<1x64xf32, #tpu.memory_space<vmem>>
      %dma_wait3A_590 = tpu.memref_squeeze %dma_wait3A_589 : memref<1x64xf32, #tpu.memory_space<vmem>> -> memref<64xf32, #tpu.memory_space<vmem>>
      %dma_wait3A_591 = arith.constant 0 : i32
      %dma_wait3A_592 = tpu.memref_slice %arg4[%squeeze3A_94, %dma_wait3A_591] : memref<1000000x64xf32, #tpu.memory_space<hbm>> -> memref<1x64xf32, #tpu.memory_space<hbm>>
      %dma_wait3A_593 = tpu.memref_squeeze %dma_wait3A_592 : memref<1x64xf32, #tpu.memory_space<hbm>> -> memref<64xf32, #tpu.memory_space<hbm>>
      %dma_wait3A_594 = arith.constant 0 : i32
      %dma_wait3A_595 = tpu.memref_slice %arg10[%add3A_96, %dma_wait3A_594] : memref<256x64xf32, #tpu.memory_space<vmem>> -> memref<1x64xf32, #tpu.memory_space<vmem>>
      %dma_wait3A_596 = tpu.memref_squeeze %dma_wait3A_595 : memref<1x64xf32, #tpu.memory_space<vmem>> -> memref<64xf32, #tpu.memory_space<vmem>>
      %dma_wait3A_597 = arith.constant 0 : i32
      %dma_wait3A_598 = tpu.memref_slice %arg4[%squeeze3A_94, %dma_wait3A_597] : memref<1000000x64xf32, #tpu.memory_space<hbm>> -> memref<1x64xf32, #tpu.memory_space<hbm>>
      %dma_wait3A_599 = tpu.memref_squeeze %dma_wait3A_598 : memref<1x64xf32, #tpu.memory_space<hbm>> -> memref<64xf32, #tpu.memory_space<hbm>>
      tpu.wait_dma2 semaphore(%arg12 : memref<!tpu.dma_semaphore, #tpu.memory_space<semaphore_mem>>) src(%dma_wait3A_599 : memref<64xf32, #tpu.memory_space<hbm>>) dst(%dma_wait3A_596 : memref<64xf32, #tpu.memory_space<vmem>>)
      %dma_wait3A_600 = arith.constant 0 : i32
      %dma_wait3A_601 = tpu.memref_slice %arg11[%add3A_112, %dma_wait3A_600] : memref<256x64xf32, #tpu.memory_space<vmem>> -> memref<1x64xf32, #tpu.memory_space<vmem>>
      %dma_wait3A_602 = tpu.memref_squeeze %dma_wait3A_601 : memref<1x64xf32, #tpu.memory_space<vmem>> -> memref<64xf32, #tpu.memory_space<vmem>>
      %dma_wait3A_603 = arith.constant 0 : i32
      %dma_wait3A_604 = tpu.memref_slice %arg5[%squeeze3A_110, %dma_wait3A_603] : memref<1000000x64xf32, #tpu.memory_space<hbm>> -> memref<1x64xf32, #tpu.memory_space<hbm>>
      %dma_wait3A_605 = tpu.memref_squeeze %dma_wait3A_604 : memref<1x64xf32, #tpu.memory_space<hbm>> -> memref<64xf32, #tpu.memory_space<hbm>>
      %dma_wait3A_606 = arith.constant 0 : i32
      %dma_wait3A_607 = tpu.memref_slice %arg11[%add3A_112, %dma_wait3A_606] : memref<256x64xf32, #tpu.memory_space<vmem>> -> memref<1x64xf32, #tpu.memory_space<vmem>>
      %dma_wait3A_608 = tpu.memref_squeeze %dma_wait3A_607 : memref<1x64xf32, #tpu.memory_space<vmem>> -> memref<64xf32, #tpu.memory_space<vmem>>
      %dma_wait3A_609 = arith.constant 0 : i32
      %dma_wait3A_610 = tpu.memref_slice %arg5[%squeeze3A_110, %dma_wait3A_609] : memref<1000000x64xf32, #tpu.memory_space<hbm>> -> memref<1x64xf32, #tpu.memory_space<hbm>>
      %dma_wait3A_611 = tpu.memref_squeeze %dma_wait3A_610 : memref<1x64xf32, #tpu.memory_space<hbm>> -> memref<64xf32, #tpu.memory_space<hbm>>
      tpu.wait_dma2 semaphore(%arg12 : memref<!tpu.dma_semaphore, #tpu.memory_space<semaphore_mem>>) src(%dma_wait3A_611 : memref<64xf32, #tpu.memory_space<hbm>>) dst(%dma_wait3A_608 : memref<64xf32, #tpu.memory_space<vmem>>)
      %dma_wait3A_612 = arith.constant 0 : i32
      %dma_wait3A_613 = tpu.memref_slice %arg10[%add3A_128, %dma_wait3A_612] : memref<256x64xf32, #tpu.memory_space<vmem>> -> memref<1x64xf32, #tpu.memory_space<vmem>>
      %dma_wait3A_614 = tpu.memref_squeeze %dma_wait3A_613 : memref<1x64xf32, #tpu.memory_space<vmem>> -> memref<64xf32, #tpu.memory_space<vmem>>
      %dma_wait3A_615 = arith.constant 0 : i32
      %dma_wait3A_616 = tpu.memref_slice %arg4[%squeeze3A_126, %dma_wait3A_615] : memref<1000000x64xf32, #tpu.memory_space<hbm>> -> memref<1x64xf32, #tpu.memory_space<hbm>>
      %dma_wait3A_617 = tpu.memref_squeeze %dma_wait3A_616 : memref<1x64xf32, #tpu.memory_space<hbm>> -> memref<64xf32, #tpu.memory_space<hbm>>
      %dma_wait3A_618 = arith.constant 0 : i32
      %dma_wait3A_619 = tpu.memref_slice %arg10[%add3A_128, %dma_wait3A_618] : memref<256x64xf32, #tpu.memory_space<vmem>> -> memref<1x64xf32, #tpu.memory_space<vmem>>
      %dma_wait3A_620 = tpu.memref_squeeze %dma_wait3A_619 : memref<1x64xf32, #tpu.memory_space<vmem>> -> memref<64xf32, #tpu.memory_space<vmem>>
      %dma_wait3A_621 = arith.constant 0 : i32
      %dma_wait3A_622 = tpu.memref_slice %arg4[%squeeze3A_126, %dma_wait3A_621] : memref<1000000x64xf32, #tpu.memory_space<hbm>> -> memref<1x64xf32, #tpu.memory_space<hbm>>
      %dma_wait3A_623 = tpu.memref_squeeze %dma_wait3A_622 : memref<1x64xf32, #tpu.memory_space<hbm>> -> memref<64xf32, #tpu.memory_space<hbm>>
      tpu.wait_dma2 semaphore(%arg12 : memref<!tpu.dma_semaphore, #tpu.memory_space<semaphore_mem>>) src(%dma_wait3A_623 : memref<64xf32, #tpu.memory_space<hbm>>) dst(%dma_wait3A_620 : memref<64xf32, #tpu.memory_space<vmem>>)
      %dma_wait3A_624 = arith.constant 0 : i32
      %dma_wait3A_625 = tpu.memref_slice %arg11[%add3A_144, %dma_wait3A_624] : memref<256x64xf32, #tpu.memory_space<vmem>> -> memref<1x64xf32, #tpu.memory_space<vmem>>
      %dma_wait3A_626 = tpu.memref_squeeze %dma_wait3A_625 : memref<1x64xf32, #tpu.memory_space<vmem>> -> memref<64xf32, #tpu.memory_space<vmem>>
      %dma_wait3A_627 = arith.constant 0 : i32
      %dma_wait3A_628 = tpu.memref_slice %arg5[%squeeze3A_142, %dma_wait3A_627] : memref<1000000x64xf32, #tpu.memory_space<hbm>> -> memref<1x64xf32, #tpu.memory_space<hbm>>
      %dma_wait3A_629 = tpu.memref_squeeze %dma_wait3A_628 : memref<1x64xf32, #tpu.memory_space<hbm>> -> memref<64xf32, #tpu.memory_space<hbm>>
      %dma_wait3A_630 = arith.constant 0 : i32
      %dma_wait3A_631 = tpu.memref_slice %arg11[%add3A_144, %dma_wait3A_630] : memref<256x64xf32, #tpu.memory_space<vmem>> -> memref<1x64xf32, #tpu.memory_space<vmem>>
      %dma_wait3A_632 = tpu.memref_squeeze %dma_wait3A_631 : memref<1x64xf32, #tpu.memory_space<vmem>> -> memref<64xf32, #tpu.memory_space<vmem>>
      %dma_wait3A_633 = arith.constant 0 : i32
      %dma_wait3A_634 = tpu.memref_slice %arg5[%squeeze3A_142, %dma_wait3A_633] : memref<1000000x64xf32, #tpu.memory_space<hbm>> -> memref<1x64xf32, #tpu.memory_space<hbm>>
      %dma_wait3A_635 = tpu.memref_squeeze %dma_wait3A_634 : memref<1x64xf32, #tpu.memory_space<hbm>> -> memref<64xf32, #tpu.memory_space<hbm>>
      tpu.wait_dma2 semaphore(%arg12 : memref<!tpu.dma_semaphore, #tpu.memory_space<semaphore_mem>>) src(%dma_wait3A_635 : memref<64xf32, #tpu.memory_space<hbm>>) dst(%dma_wait3A_632 : memref<64xf32, #tpu.memory_space<vmem>>)
      %dma_wait3A_636 = arith.constant 0 : i32
      %dma_wait3A_637 = tpu.memref_slice %arg10[%add3A_160, %dma_wait3A_636] : memref<256x64xf32, #tpu.memory_space<vmem>> -> memref<1x64xf32, #tpu.memory_space<vmem>>
      %dma_wait3A_638 = tpu.memref_squeeze %dma_wait3A_637 : memref<1x64xf32, #tpu.memory_space<vmem>> -> memref<64xf32, #tpu.memory_space<vmem>>
      %dma_wait3A_639 = arith.constant 0 : i32
      %dma_wait3A_640 = tpu.memref_slice %arg4[%squeeze3A_158, %dma_wait3A_639] : memref<1000000x64xf32, #tpu.memory_space<hbm>> -> memref<1x64xf32, #tpu.memory_space<hbm>>
      %dma_wait3A_641 = tpu.memref_squeeze %dma_wait3A_640 : memref<1x64xf32, #tpu.memory_space<hbm>> -> memref<64xf32, #tpu.memory_space<hbm>>
      %dma_wait3A_642 = arith.constant 0 : i32
      %dma_wait3A_643 = tpu.memref_slice %arg10[%add3A_160, %dma_wait3A_642] : memref<256x64xf32, #tpu.memory_space<vmem>> -> memref<1x64xf32, #tpu.memory_space<vmem>>
      %dma_wait3A_644 = tpu.memref_squeeze %dma_wait3A_643 : memref<1x64xf32, #tpu.memory_space<vmem>> -> memref<64xf32, #tpu.memory_space<vmem>>
      %dma_wait3A_645 = arith.constant 0 : i32
      %dma_wait3A_646 = tpu.memref_slice %arg4[%squeeze3A_158, %dma_wait3A_645] : memref<1000000x64xf32, #tpu.memory_space<hbm>> -> memref<1x64xf32, #tpu.memory_space<hbm>>
      %dma_wait3A_647 = tpu.memref_squeeze %dma_wait3A_646 : memref<1x64xf32, #tpu.memory_space<hbm>> -> memref<64xf32, #tpu.memory_space<hbm>>
      tpu.wait_dma2 semaphore(%arg12 : memref<!tpu.dma_semaphore, #tpu.memory_space<semaphore_mem>>) src(%dma_wait3A_647 : memref<64xf32, #tpu.memory_space<hbm>>) dst(%dma_wait3A_644 : memref<64xf32, #tpu.memory_space<vmem>>)
      %dma_wait3A_648 = arith.constant 0 : i32
      %dma_wait3A_649 = tpu.memref_slice %arg11[%add3A_176, %dma_wait3A_648] : memref<256x64xf32, #tpu.memory_space<vmem>> -> memref<1x64xf32, #tpu.memory_space<vmem>>
      %dma_wait3A_650 = tpu.memref_squeeze %dma_wait3A_649 : memref<1x64xf32, #tpu.memory_space<vmem>> -> memref<64xf32, #tpu.memory_space<vmem>>
      %dma_wait3A_651 = arith.constant 0 : i32
      %dma_wait3A_652 = tpu.memref_slice %arg5[%squeeze3A_174, %dma_wait3A_651] : memref<1000000x64xf32, #tpu.memory_space<hbm>> -> memref<1x64xf32, #tpu.memory_space<hbm>>
      %dma_wait3A_653 = tpu.memref_squeeze %dma_wait3A_652 : memref<1x64xf32, #tpu.memory_space<hbm>> -> memref<64xf32, #tpu.memory_space<hbm>>
      %dma_wait3A_654 = arith.constant 0 : i32
      %dma_wait3A_655 = tpu.memref_slice %arg11[%add3A_176, %dma_wait3A_654] : memref<256x64xf32, #tpu.memory_space<vmem>> -> memref<1x64xf32, #tpu.memory_space<vmem>>
      %dma_wait3A_656 = tpu.memref_squeeze %dma_wait3A_655 : memref<1x64xf32, #tpu.memory_space<vmem>> -> memref<64xf32, #tpu.memory_space<vmem>>
      %dma_wait3A_657 = arith.constant 0 : i32
      %dma_wait3A_658 = tpu.memref_slice %arg5[%squeeze3A_174, %dma_wait3A_657] : memref<1000000x64xf32, #tpu.memory_space<hbm>> -> memref<1x64xf32, #tpu.memory_space<hbm>>
      %dma_wait3A_659 = tpu.memref_squeeze %dma_wait3A_658 : memref<1x64xf32, #tpu.memory_space<hbm>> -> memref<64xf32, #tpu.memory_space<hbm>>
      tpu.wait_dma2 semaphore(%arg12 : memref<!tpu.dma_semaphore, #tpu.memory_space<semaphore_mem>>) src(%dma_wait3A_659 : memref<64xf32, #tpu.memory_space<hbm>>) dst(%dma_wait3A_656 : memref<64xf32, #tpu.memory_space<vmem>>)
      %dma_wait3A_660 = arith.constant 0 : i32
      %dma_wait3A_661 = tpu.memref_slice %arg10[%add3A_192, %dma_wait3A_660] : memref<256x64xf32, #tpu.memory_space<vmem>> -> memref<1x64xf32, #tpu.memory_space<vmem>>
      %dma_wait3A_662 = tpu.memref_squeeze %dma_wait3A_661 : memref<1x64xf32, #tpu.memory_space<vmem>> -> memref<64xf32, #tpu.memory_space<vmem>>
      %dma_wait3A_663 = arith.constant 0 : i32
      %dma_wait3A_664 = tpu.memref_slice %arg4[%squeeze3A_190, %dma_wait3A_663] : memref<1000000x64xf32, #tpu.memory_space<hbm>> -> memref<1x64xf32, #tpu.memory_space<hbm>>
      %dma_wait3A_665 = tpu.memref_squeeze %dma_wait3A_664 : memref<1x64xf32, #tpu.memory_space<hbm>> -> memref<64xf32, #tpu.memory_space<hbm>>
      %dma_wait3A_666 = arith.constant 0 : i32
      %dma_wait3A_667 = tpu.memref_slice %arg10[%add3A_192, %dma_wait3A_666] : memref<256x64xf32, #tpu.memory_space<vmem>> -> memref<1x64xf32, #tpu.memory_space<vmem>>
      %dma_wait3A_668 = tpu.memref_squeeze %dma_wait3A_667 : memref<1x64xf32, #tpu.memory_space<vmem>> -> memref<64xf32, #tpu.memory_space<vmem>>
      %dma_wait3A_669 = arith.constant 0 : i32
      %dma_wait3A_670 = tpu.memref_slice %arg4[%squeeze3A_190, %dma_wait3A_669] : memref<1000000x64xf32, #tpu.memory_space<hbm>> -> memref<1x64xf32, #tpu.memory_space<hbm>>
      %dma_wait3A_671 = tpu.memref_squeeze %dma_wait3A_670 : memref<1x64xf32, #tpu.memory_space<hbm>> -> memref<64xf32, #tpu.memory_space<hbm>>
      tpu.wait_dma2 semaphore(%arg12 : memref<!tpu.dma_semaphore, #tpu.memory_space<semaphore_mem>>) src(%dma_wait3A_671 : memref<64xf32, #tpu.memory_space<hbm>>) dst(%dma_wait3A_668 : memref<64xf32, #tpu.memory_space<vmem>>)
      %dma_wait3A_672 = arith.constant 0 : i32
      %dma_wait3A_673 = tpu.memref_slice %arg11[%add3A_208, %dma_wait3A_672] : memref<256x64xf32, #tpu.memory_space<vmem>> -> memref<1x64xf32, #tpu.memory_space<vmem>>
      %dma_wait3A_674 = tpu.memref_squeeze %dma_wait3A_673 : memref<1x64xf32, #tpu.memory_space<vmem>> -> memref<64xf32, #tpu.memory_space<vmem>>
      %dma_wait3A_675 = arith.constant 0 : i32
      %dma_wait3A_676 = tpu.memref_slice %arg5[%squeeze3A_206, %dma_wait3A_675] : memref<1000000x64xf32, #tpu.memory_space<hbm>> -> memref<1x64xf32, #tpu.memory_space<hbm>>
      %dma_wait3A_677 = tpu.memref_squeeze %dma_wait3A_676 : memref<1x64xf32, #tpu.memory_space<hbm>> -> memref<64xf32, #tpu.memory_space<hbm>>
      %dma_wait3A_678 = arith.constant 0 : i32
      %dma_wait3A_679 = tpu.memref_slice %arg11[%add3A_208, %dma_wait3A_678] : memref<256x64xf32, #tpu.memory_space<vmem>> -> memref<1x64xf32, #tpu.memory_space<vmem>>
      %dma_wait3A_680 = tpu.memref_squeeze %dma_wait3A_679 : memref<1x64xf32, #tpu.memory_space<vmem>> -> memref<64xf32, #tpu.memory_space<vmem>>
      %dma_wait3A_681 = arith.constant 0 : i32
      %dma_wait3A_682 = tpu.memref_slice %arg5[%squeeze3A_206, %dma_wait3A_681] : memref<1000000x64xf32, #tpu.memory_space<hbm>> -> memref<1x64xf32, #tpu.memory_space<hbm>>
      %dma_wait3A_683 = tpu.memref_squeeze %dma_wait3A_682 : memref<1x64xf32, #tpu.memory_space<hbm>> -> memref<64xf32, #tpu.memory_space<hbm>>
      tpu.wait_dma2 semaphore(%arg12 : memref<!tpu.dma_semaphore, #tpu.memory_space<semaphore_mem>>) src(%dma_wait3A_683 : memref<64xf32, #tpu.memory_space<hbm>>) dst(%dma_wait3A_680 : memref<64xf32, #tpu.memory_space<vmem>>)
      %dma_wait3A_684 = arith.constant 0 : i32
      %dma_wait3A_685 = tpu.memref_slice %arg10[%add3A_224, %dma_wait3A_684] : memref<256x64xf32, #tpu.memory_space<vmem>> -> memref<1x64xf32, #tpu.memory_space<vmem>>
      %dma_wait3A_686 = tpu.memref_squeeze %dma_wait3A_685 : memref<1x64xf32, #tpu.memory_space<vmem>> -> memref<64xf32, #tpu.memory_space<vmem>>
      %dma_wait3A_687 = arith.constant 0 : i32
      %dma_wait3A_688 = tpu.memref_slice %arg4[%squeeze3A_222, %dma_wait3A_687] : memref<1000000x64xf32, #tpu.memory_space<hbm>> -> memref<1x64xf32, #tpu.memory_space<hbm>>
      %dma_wait3A_689 = tpu.memref_squeeze %dma_wait3A_688 : memref<1x64xf32, #tpu.memory_space<hbm>> -> memref<64xf32, #tpu.memory_space<hbm>>
      %dma_wait3A_690 = arith.constant 0 : i32
      %dma_wait3A_691 = tpu.memref_slice %arg10[%add3A_224, %dma_wait3A_690] : memref<256x64xf32, #tpu.memory_space<vmem>> -> memref<1x64xf32, #tpu.memory_space<vmem>>
      %dma_wait3A_692 = tpu.memref_squeeze %dma_wait3A_691 : memref<1x64xf32, #tpu.memory_space<vmem>> -> memref<64xf32, #tpu.memory_space<vmem>>
      %dma_wait3A_693 = arith.constant 0 : i32
      %dma_wait3A_694 = tpu.memref_slice %arg4[%squeeze3A_222, %dma_wait3A_693] : memref<1000000x64xf32, #tpu.memory_space<hbm>> -> memref<1x64xf32, #tpu.memory_space<hbm>>
      %dma_wait3A_695 = tpu.memref_squeeze %dma_wait3A_694 : memref<1x64xf32, #tpu.memory_space<hbm>> -> memref<64xf32, #tpu.memory_space<hbm>>
      tpu.wait_dma2 semaphore(%arg12 : memref<!tpu.dma_semaphore, #tpu.memory_space<semaphore_mem>>) src(%dma_wait3A_695 : memref<64xf32, #tpu.memory_space<hbm>>) dst(%dma_wait3A_692 : memref<64xf32, #tpu.memory_space<vmem>>)
      %dma_wait3A_696 = arith.constant 0 : i32
      %dma_wait3A_697 = tpu.memref_slice %arg11[%add3A_240, %dma_wait3A_696] : memref<256x64xf32, #tpu.memory_space<vmem>> -> memref<1x64xf32, #tpu.memory_space<vmem>>
      %dma_wait3A_698 = tpu.memref_squeeze %dma_wait3A_697 : memref<1x64xf32, #tpu.memory_space<vmem>> -> memref<64xf32, #tpu.memory_space<vmem>>
      %dma_wait3A_699 = arith.constant 0 : i32
      %dma_wait3A_700 = tpu.memref_slice %arg5[%squeeze3A_238, %dma_wait3A_699] : memref<1000000x64xf32, #tpu.memory_space<hbm>> -> memref<1x64xf32, #tpu.memory_space<hbm>>
      %dma_wait3A_701 = tpu.memref_squeeze %dma_wait3A_700 : memref<1x64xf32, #tpu.memory_space<hbm>> -> memref<64xf32, #tpu.memory_space<hbm>>
      %dma_wait3A_702 = arith.constant 0 : i32
      %dma_wait3A_703 = tpu.memref_slice %arg11[%add3A_240, %dma_wait3A_702] : memref<256x64xf32, #tpu.memory_space<vmem>> -> memref<1x64xf32, #tpu.memory_space<vmem>>
      %dma_wait3A_704 = tpu.memref_squeeze %dma_wait3A_703 : memref<1x64xf32, #tpu.memory_space<vmem>> -> memref<64xf32, #tpu.memory_space<vmem>>
      %dma_wait3A_705 = arith.constant 0 : i32
      %dma_wait3A_706 = tpu.memref_slice %arg5[%squeeze3A_238, %dma_wait3A_705] : memref<1000000x64xf32, #tpu.memory_space<hbm>> -> memref<1x64xf32, #tpu.memory_space<hbm>>
      %dma_wait3A_707 = tpu.memref_squeeze %dma_wait3A_706 : memref<1x64xf32, #tpu.memory_space<hbm>> -> memref<64xf32, #tpu.memory_space<hbm>>
      tpu.wait_dma2 semaphore(%arg12 : memref<!tpu.dma_semaphore, #tpu.memory_space<semaphore_mem>>) src(%dma_wait3A_707 : memref<64xf32, #tpu.memory_space<hbm>>) dst(%dma_wait3A_704 : memref<64xf32, #tpu.memory_space<vmem>>)
      %dma_wait3A_708 = arith.constant 0 : i32
      %dma_wait3A_709 = tpu.memref_slice %arg10[%add3A_256, %dma_wait3A_708] : memref<256x64xf32, #tpu.memory_space<vmem>> -> memref<1x64xf32, #tpu.memory_space<vmem>>
      %dma_wait3A_710 = tpu.memref_squeeze %dma_wait3A_709 : memref<1x64xf32, #tpu.memory_space<vmem>> -> memref<64xf32, #tpu.memory_space<vmem>>
      %dma_wait3A_711 = arith.constant 0 : i32
      %dma_wait3A_712 = tpu.memref_slice %arg4[%squeeze3A_254, %dma_wait3A_711] : memref<1000000x64xf32, #tpu.memory_space<hbm>> -> memref<1x64xf32, #tpu.memory_space<hbm>>
      %dma_wait3A_713 = tpu.memref_squeeze %dma_wait3A_712 : memref<1x64xf32, #tpu.memory_space<hbm>> -> memref<64xf32, #tpu.memory_space<hbm>>
      %dma_wait3A_714 = arith.constant 0 : i32
      %dma_wait3A_715 = tpu.memref_slice %arg10[%add3A_256, %dma_wait3A_714] : memref<256x64xf32, #tpu.memory_space<vmem>> -> memref<1x64xf32, #tpu.memory_space<vmem>>
      %dma_wait3A_716 = tpu.memref_squeeze %dma_wait3A_715 : memref<1x64xf32, #tpu.memory_space<vmem>> -> memref<64xf32, #tpu.memory_space<vmem>>
      %dma_wait3A_717 = arith.constant 0 : i32
      %dma_wait3A_718 = tpu.memref_slice %arg4[%squeeze3A_254, %dma_wait3A_717] : memref<1000000x64xf32, #tpu.memory_space<hbm>> -> memref<1x64xf32, #tpu.memory_space<hbm>>
      %dma_wait3A_719 = tpu.memref_squeeze %dma_wait3A_718 : memref<1x64xf32, #tpu.memory_space<hbm>> -> memref<64xf32, #tpu.memory_space<hbm>>
      tpu.wait_dma2 semaphore(%arg12 : memref<!tpu.dma_semaphore, #tpu.memory_space<semaphore_mem>>) src(%dma_wait3A_719 : memref<64xf32, #tpu.memory_space<hbm>>) dst(%dma_wait3A_716 : memref<64xf32, #tpu.memory_space<vmem>>)
      %dma_wait3A_720 = arith.constant 0 : i32
      %dma_wait3A_721 = tpu.memref_slice %arg11[%add3A_272, %dma_wait3A_720] : memref<256x64xf32, #tpu.memory_space<vmem>> -> memref<1x64xf32, #tpu.memory_space<vmem>>
      %dma_wait3A_722 = tpu.memref_squeeze %dma_wait3A_721 : memref<1x64xf32, #tpu.memory_space<vmem>> -> memref<64xf32, #tpu.memory_space<vmem>>
      %dma_wait3A_723 = arith.constant 0 : i32
      %dma_wait3A_724 = tpu.memref_slice %arg5[%squeeze3A_270, %dma_wait3A_723] : memref<1000000x64xf32, #tpu.memory_space<hbm>> -> memref<1x64xf32, #tpu.memory_space<hbm>>
      %dma_wait3A_725 = tpu.memref_squeeze %dma_wait3A_724 : memref<1x64xf32, #tpu.memory_space<hbm>> -> memref<64xf32, #tpu.memory_space<hbm>>
      %dma_wait3A_726 = arith.constant 0 : i32
      %dma_wait3A_727 = tpu.memref_slice %arg11[%add3A_272, %dma_wait3A_726] : memref<256x64xf32, #tpu.memory_space<vmem>> -> memref<1x64xf32, #tpu.memory_space<vmem>>
      %dma_wait3A_728 = tpu.memref_squeeze %dma_wait3A_727 : memref<1x64xf32, #tpu.memory_space<vmem>> -> memref<64xf32, #tpu.memory_space<vmem>>
      %dma_wait3A_729 = arith.constant 0 : i32
      %dma_wait3A_730 = tpu.memref_slice %arg5[%squeeze3A_270, %dma_wait3A_729] : memref<1000000x64xf32, #tpu.memory_space<hbm>> -> memref<1x64xf32, #tpu.memory_space<hbm>>
      %dma_wait3A_731 = tpu.memref_squeeze %dma_wait3A_730 : memref<1x64xf32, #tpu.memory_space<hbm>> -> memref<64xf32, #tpu.memory_space<hbm>>
      tpu.wait_dma2 semaphore(%arg12 : memref<!tpu.dma_semaphore, #tpu.memory_space<semaphore_mem>>) src(%dma_wait3A_731 : memref<64xf32, #tpu.memory_space<hbm>>) dst(%dma_wait3A_728 : memref<64xf32, #tpu.memory_space<vmem>>)
      %dma_wait3A_732 = arith.constant 0 : i32
      %dma_wait3A_733 = tpu.memref_slice %arg10[%add3A_288, %dma_wait3A_732] : memref<256x64xf32, #tpu.memory_space<vmem>> -> memref<1x64xf32, #tpu.memory_space<vmem>>
      %dma_wait3A_734 = tpu.memref_squeeze %dma_wait3A_733 : memref<1x64xf32, #tpu.memory_space<vmem>> -> memref<64xf32, #tpu.memory_space<vmem>>
      %dma_wait3A_735 = arith.constant 0 : i32
      %dma_wait3A_736 = tpu.memref_slice %arg4[%squeeze3A_286, %dma_wait3A_735] : memref<1000000x64xf32, #tpu.memory_space<hbm>> -> memref<1x64xf32, #tpu.memory_space<hbm>>
      %dma_wait3A_737 = tpu.memref_squeeze %dma_wait3A_736 : memref<1x64xf32, #tpu.memory_space<hbm>> -> memref<64xf32, #tpu.memory_space<hbm>>
      %dma_wait3A_738 = arith.constant 0 : i32
      %dma_wait3A_739 = tpu.memref_slice %arg10[%add3A_288, %dma_wait3A_738] : memref<256x64xf32, #tpu.memory_space<vmem>> -> memref<1x64xf32, #tpu.memory_space<vmem>>
      %dma_wait3A_740 = tpu.memref_squeeze %dma_wait3A_739 : memref<1x64xf32, #tpu.memory_space<vmem>> -> memref<64xf32, #tpu.memory_space<vmem>>
      %dma_wait3A_741 = arith.constant 0 : i32
      %dma_wait3A_742 = tpu.memref_slice %arg4[%squeeze3A_286, %dma_wait3A_741] : memref<1000000x64xf32, #tpu.memory_space<hbm>> -> memref<1x64xf32, #tpu.memory_space<hbm>>
      %dma_wait3A_743 = tpu.memref_squeeze %dma_wait3A_742 : memref<1x64xf32, #tpu.memory_space<hbm>> -> memref<64xf32, #tpu.memory_space<hbm>>
      tpu.wait_dma2 semaphore(%arg12 : memref<!tpu.dma_semaphore, #tpu.memory_space<semaphore_mem>>) src(%dma_wait3A_743 : memref<64xf32, #tpu.memory_space<hbm>>) dst(%dma_wait3A_740 : memref<64xf32, #tpu.memory_space<vmem>>)
      %dma_wait3A_744 = arith.constant 0 : i32
      %dma_wait3A_745 = tpu.memref_slice %arg11[%add3A_304, %dma_wait3A_744] : memref<256x64xf32, #tpu.memory_space<vmem>> -> memref<1x64xf32, #tpu.memory_space<vmem>>
      %dma_wait3A_746 = tpu.memref_squeeze %dma_wait3A_745 : memref<1x64xf32, #tpu.memory_space<vmem>> -> memref<64xf32, #tpu.memory_space<vmem>>
      %dma_wait3A_747 = arith.constant 0 : i32
      %dma_wait3A_748 = tpu.memref_slice %arg5[%squeeze3A_302, %dma_wait3A_747] : memref<1000000x64xf32, #tpu.memory_space<hbm>> -> memref<1x64xf32, #tpu.memory_space<hbm>>
      %dma_wait3A_749 = tpu.memref_squeeze %dma_wait3A_748 : memref<1x64xf32, #tpu.memory_space<hbm>> -> memref<64xf32, #tpu.memory_space<hbm>>
      %dma_wait3A_750 = arith.constant 0 : i32
      %dma_wait3A_751 = tpu.memref_slice %arg11[%add3A_304, %dma_wait3A_750] : memref<256x64xf32, #tpu.memory_space<vmem>> -> memref<1x64xf32, #tpu.memory_space<vmem>>
      %dma_wait3A_752 = tpu.memref_squeeze %dma_wait3A_751 : memref<1x64xf32, #tpu.memory_space<vmem>> -> memref<64xf32, #tpu.memory_space<vmem>>
      %dma_wait3A_753 = arith.constant 0 : i32
      %dma_wait3A_754 = tpu.memref_slice %arg5[%squeeze3A_302, %dma_wait3A_753] : memref<1000000x64xf32, #tpu.memory_space<hbm>> -> memref<1x64xf32, #tpu.memory_space<hbm>>
      %dma_wait3A_755 = tpu.memref_squeeze %dma_wait3A_754 : memref<1x64xf32, #tpu.memory_space<hbm>> -> memref<64xf32, #tpu.memory_space<hbm>>
      tpu.wait_dma2 semaphore(%arg12 : memref<!tpu.dma_semaphore, #tpu.memory_space<semaphore_mem>>) src(%dma_wait3A_755 : memref<64xf32, #tpu.memory_space<hbm>>) dst(%dma_wait3A_752 : memref<64xf32, #tpu.memory_space<vmem>>)
      %dma_wait3A_756 = arith.constant 0 : i32
      %dma_wait3A_757 = tpu.memref_slice %arg10[%add3A_320, %dma_wait3A_756] : memref<256x64xf32, #tpu.memory_space<vmem>> -> memref<1x64xf32, #tpu.memory_space<vmem>>
      %dma_wait3A_758 = tpu.memref_squeeze %dma_wait3A_757 : memref<1x64xf32, #tpu.memory_space<vmem>> -> memref<64xf32, #tpu.memory_space<vmem>>
      %dma_wait3A_759 = arith.constant 0 : i32
      %dma_wait3A_760 = tpu.memref_slice %arg4[%squeeze3A_318, %dma_wait3A_759] : memref<1000000x64xf32, #tpu.memory_space<hbm>> -> memref<1x64xf32, #tpu.memory_space<hbm>>
      %dma_wait3A_761 = tpu.memref_squeeze %dma_wait3A_760 : memref<1x64xf32, #tpu.memory_space<hbm>> -> memref<64xf32, #tpu.memory_space<hbm>>
      %dma_wait3A_762 = arith.constant 0 : i32
      %dma_wait3A_763 = tpu.memref_slice %arg10[%add3A_320, %dma_wait3A_762] : memref<256x64xf32, #tpu.memory_space<vmem>> -> memref<1x64xf32, #tpu.memory_space<vmem>>
      %dma_wait3A_764 = tpu.memref_squeeze %dma_wait3A_763 : memref<1x64xf32, #tpu.memory_space<vmem>> -> memref<64xf32, #tpu.memory_space<vmem>>
      %dma_wait3A_765 = arith.constant 0 : i32
      %dma_wait3A_766 = tpu.memref_slice %arg4[%squeeze3A_318, %dma_wait3A_765] : memref<1000000x64xf32, #tpu.memory_space<hbm>> -> memref<1x64xf32, #tpu.memory_space<hbm>>
      %dma_wait3A_767 = tpu.memref_squeeze %dma_wait3A_766 : memref<1x64xf32, #tpu.memory_space<hbm>> -> memref<64xf32, #tpu.memory_space<hbm>>
      tpu.wait_dma2 semaphore(%arg12 : memref<!tpu.dma_semaphore, #tpu.memory_space<semaphore_mem>>) src(%dma_wait3A_767 : memref<64xf32, #tpu.memory_space<hbm>>) dst(%dma_wait3A_764 : memref<64xf32, #tpu.memory_space<vmem>>)
      %dma_wait3A_768 = arith.constant 0 : i32
      %dma_wait3A_769 = tpu.memref_slice %arg11[%add3A_336, %dma_wait3A_768] : memref<256x64xf32, #tpu.memory_space<vmem>> -> memref<1x64xf32, #tpu.memory_space<vmem>>
      %dma_wait3A_770 = tpu.memref_squeeze %dma_wait3A_769 : memref<1x64xf32, #tpu.memory_space<vmem>> -> memref<64xf32, #tpu.memory_space<vmem>>
      %dma_wait3A_771 = arith.constant 0 : i32
      %dma_wait3A_772 = tpu.memref_slice %arg5[%squeeze3A_334, %dma_wait3A_771] : memref<1000000x64xf32, #tpu.memory_space<hbm>> -> memref<1x64xf32, #tpu.memory_space<hbm>>
      %dma_wait3A_773 = tpu.memref_squeeze %dma_wait3A_772 : memref<1x64xf32, #tpu.memory_space<hbm>> -> memref<64xf32, #tpu.memory_space<hbm>>
      %dma_wait3A_774 = arith.constant 0 : i32
      %dma_wait3A_775 = tpu.memref_slice %arg11[%add3A_336, %dma_wait3A_774] : memref<256x64xf32, #tpu.memory_space<vmem>> -> memref<1x64xf32, #tpu.memory_space<vmem>>
      %dma_wait3A_776 = tpu.memref_squeeze %dma_wait3A_775 : memref<1x64xf32, #tpu.memory_space<vmem>> -> memref<64xf32, #tpu.memory_space<vmem>>
      %dma_wait3A_777 = arith.constant 0 : i32
      %dma_wait3A_778 = tpu.memref_slice %arg5[%squeeze3A_334, %dma_wait3A_777] : memref<1000000x64xf32, #tpu.memory_space<hbm>> -> memref<1x64xf32, #tpu.memory_space<hbm>>
      %dma_wait3A_779 = tpu.memref_squeeze %dma_wait3A_778 : memref<1x64xf32, #tpu.memory_space<hbm>> -> memref<64xf32, #tpu.memory_space<hbm>>
      tpu.wait_dma2 semaphore(%arg12 : memref<!tpu.dma_semaphore, #tpu.memory_space<semaphore_mem>>) src(%dma_wait3A_779 : memref<64xf32, #tpu.memory_space<hbm>>) dst(%dma_wait3A_776 : memref<64xf32, #tpu.memory_space<vmem>>)
      %dma_wait3A_780 = arith.constant 0 : i32
      %dma_wait3A_781 = tpu.memref_slice %arg10[%add3A_352, %dma_wait3A_780] : memref<256x64xf32, #tpu.memory_space<vmem>> -> memref<1x64xf32, #tpu.memory_space<vmem>>
      %dma_wait3A_782 = tpu.memref_squeeze %dma_wait3A_781 : memref<1x64xf32, #tpu.memory_space<vmem>> -> memref<64xf32, #tpu.memory_space<vmem>>
      %dma_wait3A_783 = arith.constant 0 : i32
      %dma_wait3A_784 = tpu.memref_slice %arg4[%squeeze3A_350, %dma_wait3A_783] : memref<1000000x64xf32, #tpu.memory_space<hbm>> -> memref<1x64xf32, #tpu.memory_space<hbm>>
      %dma_wait3A_785 = tpu.memref_squeeze %dma_wait3A_784 : memref<1x64xf32, #tpu.memory_space<hbm>> -> memref<64xf32, #tpu.memory_space<hbm>>
      %dma_wait3A_786 = arith.constant 0 : i32
      %dma_wait3A_787 = tpu.memref_slice %arg10[%add3A_352, %dma_wait3A_786] : memref<256x64xf32, #tpu.memory_space<vmem>> -> memref<1x64xf32, #tpu.memory_space<vmem>>
      %dma_wait3A_788 = tpu.memref_squeeze %dma_wait3A_787 : memref<1x64xf32, #tpu.memory_space<vmem>> -> memref<64xf32, #tpu.memory_space<vmem>>
      %dma_wait3A_789 = arith.constant 0 : i32
      %dma_wait3A_790 = tpu.memref_slice %arg4[%squeeze3A_350, %dma_wait3A_789] : memref<1000000x64xf32, #tpu.memory_space<hbm>> -> memref<1x64xf32, #tpu.memory_space<hbm>>
      %dma_wait3A_791 = tpu.memref_squeeze %dma_wait3A_790 : memref<1x64xf32, #tpu.memory_space<hbm>> -> memref<64xf32, #tpu.memory_space<hbm>>
      tpu.wait_dma2 semaphore(%arg12 : memref<!tpu.dma_semaphore, #tpu.memory_space<semaphore_mem>>) src(%dma_wait3A_791 : memref<64xf32, #tpu.memory_space<hbm>>) dst(%dma_wait3A_788 : memref<64xf32, #tpu.memory_space<vmem>>)
      %dma_wait3A_792 = arith.constant 0 : i32
      %dma_wait3A_793 = tpu.memref_slice %arg11[%add3A_368, %dma_wait3A_792] : memref<256x64xf32, #tpu.memory_space<vmem>> -> memref<1x64xf32, #tpu.memory_space<vmem>>
      %dma_wait3A_794 = tpu.memref_squeeze %dma_wait3A_793 : memref<1x64xf32, #tpu.memory_space<vmem>> -> memref<64xf32, #tpu.memory_space<vmem>>
      %dma_wait3A_795 = arith.constant 0 : i32
      %dma_wait3A_796 = tpu.memref_slice %arg5[%squeeze3A_366, %dma_wait3A_795] : memref<1000000x64xf32, #tpu.memory_space<hbm>> -> memref<1x64xf32, #tpu.memory_space<hbm>>
      %dma_wait3A_797 = tpu.memref_squeeze %dma_wait3A_796 : memref<1x64xf32, #tpu.memory_space<hbm>> -> memref<64xf32, #tpu.memory_space<hbm>>
      %dma_wait3A_798 = arith.constant 0 : i32
      %dma_wait3A_799 = tpu.memref_slice %arg11[%add3A_368, %dma_wait3A_798] : memref<256x64xf32, #tpu.memory_space<vmem>> -> memref<1x64xf32, #tpu.memory_space<vmem>>
      %dma_wait3A_800 = tpu.memref_squeeze %dma_wait3A_799 : memref<1x64xf32, #tpu.memory_space<vmem>> -> memref<64xf32, #tpu.memory_space<vmem>>
      %dma_wait3A_801 = arith.constant 0 : i32
      %dma_wait3A_802 = tpu.memref_slice %arg5[%squeeze3A_366, %dma_wait3A_801] : memref<1000000x64xf32, #tpu.memory_space<hbm>> -> memref<1x64xf32, #tpu.memory_space<hbm>>
      %dma_wait3A_803 = tpu.memref_squeeze %dma_wait3A_802 : memref<1x64xf32, #tpu.memory_space<hbm>> -> memref<64xf32, #tpu.memory_space<hbm>>
      tpu.wait_dma2 semaphore(%arg12 : memref<!tpu.dma_semaphore, #tpu.memory_space<semaphore_mem>>) src(%dma_wait3A_803 : memref<64xf32, #tpu.memory_space<hbm>>) dst(%dma_wait3A_800 : memref<64xf32, #tpu.memory_space<vmem>>)
      %dma_wait3A_804 = arith.constant 0 : i32
      %dma_wait3A_805 = tpu.memref_slice %arg10[%add3A_384, %dma_wait3A_804] : memref<256x64xf32, #tpu.memory_space<vmem>> -> memref<1x64xf32, #tpu.memory_space<vmem>>
      %dma_wait3A_806 = tpu.memref_squeeze %dma_wait3A_805 : memref<1x64xf32, #tpu.memory_space<vmem>> -> memref<64xf32, #tpu.memory_space<vmem>>
      %dma_wait3A_807 = arith.constant 0 : i32
      %dma_wait3A_808 = tpu.memref_slice %arg4[%squeeze3A_382, %dma_wait3A_807] : memref<1000000x64xf32, #tpu.memory_space<hbm>> -> memref<1x64xf32, #tpu.memory_space<hbm>>
      %dma_wait3A_809 = tpu.memref_squeeze %dma_wait3A_808 : memref<1x64xf32, #tpu.memory_space<hbm>> -> memref<64xf32, #tpu.memory_space<hbm>>
      %dma_wait3A_810 = arith.constant 0 : i32
      %dma_wait3A_811 = tpu.memref_slice %arg10[%add3A_384, %dma_wait3A_810] : memref<256x64xf32, #tpu.memory_space<vmem>> -> memref<1x64xf32, #tpu.memory_space<vmem>>
      %dma_wait3A_812 = tpu.memref_squeeze %dma_wait3A_811 : memref<1x64xf32, #tpu.memory_space<vmem>> -> memref<64xf32, #tpu.memory_space<vmem>>
      %dma_wait3A_813 = arith.constant 0 : i32
      %dma_wait3A_814 = tpu.memref_slice %arg4[%squeeze3A_382, %dma_wait3A_813] : memref<1000000x64xf32, #tpu.memory_space<hbm>> -> memref<1x64xf32, #tpu.memory_space<hbm>>
      %dma_wait3A_815 = tpu.memref_squeeze %dma_wait3A_814 : memref<1x64xf32, #tpu.memory_space<hbm>> -> memref<64xf32, #tpu.memory_space<hbm>>
      tpu.wait_dma2 semaphore(%arg12 : memref<!tpu.dma_semaphore, #tpu.memory_space<semaphore_mem>>) src(%dma_wait3A_815 : memref<64xf32, #tpu.memory_space<hbm>>) dst(%dma_wait3A_812 : memref<64xf32, #tpu.memory_space<vmem>>)
      %dma_wait3A_816 = arith.constant 0 : i32
      %dma_wait3A_817 = tpu.memref_slice %arg11[%add3A_400, %dma_wait3A_816] : memref<256x64xf32, #tpu.memory_space<vmem>> -> memref<1x64xf32, #tpu.memory_space<vmem>>
      %dma_wait3A_818 = tpu.memref_squeeze %dma_wait3A_817 : memref<1x64xf32, #tpu.memory_space<vmem>> -> memref<64xf32, #tpu.memory_space<vmem>>
      %dma_wait3A_819 = arith.constant 0 : i32
      %dma_wait3A_820 = tpu.memref_slice %arg5[%squeeze3A_398, %dma_wait3A_819] : memref<1000000x64xf32, #tpu.memory_space<hbm>> -> memref<1x64xf32, #tpu.memory_space<hbm>>
      %dma_wait3A_821 = tpu.memref_squeeze %dma_wait3A_820 : memref<1x64xf32, #tpu.memory_space<hbm>> -> memref<64xf32, #tpu.memory_space<hbm>>
      %dma_wait3A_822 = arith.constant 0 : i32
      %dma_wait3A_823 = tpu.memref_slice %arg11[%add3A_400, %dma_wait3A_822] : memref<256x64xf32, #tpu.memory_space<vmem>> -> memref<1x64xf32, #tpu.memory_space<vmem>>
      %dma_wait3A_824 = tpu.memref_squeeze %dma_wait3A_823 : memref<1x64xf32, #tpu.memory_space<vmem>> -> memref<64xf32, #tpu.memory_space<vmem>>
      %dma_wait3A_825 = arith.constant 0 : i32
      %dma_wait3A_826 = tpu.memref_slice %arg5[%squeeze3A_398, %dma_wait3A_825] : memref<1000000x64xf32, #tpu.memory_space<hbm>> -> memref<1x64xf32, #tpu.memory_space<hbm>>
      %dma_wait3A_827 = tpu.memref_squeeze %dma_wait3A_826 : memref<1x64xf32, #tpu.memory_space<hbm>> -> memref<64xf32, #tpu.memory_space<hbm>>
      tpu.wait_dma2 semaphore(%arg12 : memref<!tpu.dma_semaphore, #tpu.memory_space<semaphore_mem>>) src(%dma_wait3A_827 : memref<64xf32, #tpu.memory_space<hbm>>) dst(%dma_wait3A_824 : memref<64xf32, #tpu.memory_space<vmem>>)
      %dma_wait3A_828 = arith.constant 0 : i32
      %dma_wait3A_829 = tpu.memref_slice %arg10[%add3A_416, %dma_wait3A_828] : memref<256x64xf32, #tpu.memory_space<vmem>> -> memref<1x64xf32, #tpu.memory_space<vmem>>
      %dma_wait3A_830 = tpu.memref_squeeze %dma_wait3A_829 : memref<1x64xf32, #tpu.memory_space<vmem>> -> memref<64xf32, #tpu.memory_space<vmem>>
      %dma_wait3A_831 = arith.constant 0 : i32
      %dma_wait3A_832 = tpu.memref_slice %arg4[%squeeze3A_414, %dma_wait3A_831] : memref<1000000x64xf32, #tpu.memory_space<hbm>> -> memref<1x64xf32, #tpu.memory_space<hbm>>
      %dma_wait3A_833 = tpu.memref_squeeze %dma_wait3A_832 : memref<1x64xf32, #tpu.memory_space<hbm>> -> memref<64xf32, #tpu.memory_space<hbm>>
      %dma_wait3A_834 = arith.constant 0 : i32
      %dma_wait3A_835 = tpu.memref_slice %arg10[%add3A_416, %dma_wait3A_834] : memref<256x64xf32, #tpu.memory_space<vmem>> -> memref<1x64xf32, #tpu.memory_space<vmem>>
      %dma_wait3A_836 = tpu.memref_squeeze %dma_wait3A_835 : memref<1x64xf32, #tpu.memory_space<vmem>> -> memref<64xf32, #tpu.memory_space<vmem>>
      %dma_wait3A_837 = arith.constant 0 : i32
      %dma_wait3A_838 = tpu.memref_slice %arg4[%squeeze3A_414, %dma_wait3A_837] : memref<1000000x64xf32, #tpu.memory_space<hbm>> -> memref<1x64xf32, #tpu.memory_space<hbm>>
      %dma_wait3A_839 = tpu.memref_squeeze %dma_wait3A_838 : memref<1x64xf32, #tpu.memory_space<hbm>> -> memref<64xf32, #tpu.memory_space<hbm>>
      tpu.wait_dma2 semaphore(%arg12 : memref<!tpu.dma_semaphore, #tpu.memory_space<semaphore_mem>>) src(%dma_wait3A_839 : memref<64xf32, #tpu.memory_space<hbm>>) dst(%dma_wait3A_836 : memref<64xf32, #tpu.memory_space<vmem>>)
      %dma_wait3A_840 = arith.constant 0 : i32
      %dma_wait3A_841 = tpu.memref_slice %arg11[%add3A_432, %dma_wait3A_840] : memref<256x64xf32, #tpu.memory_space<vmem>> -> memref<1x64xf32, #tpu.memory_space<vmem>>
      %dma_wait3A_842 = tpu.memref_squeeze %dma_wait3A_841 : memref<1x64xf32, #tpu.memory_space<vmem>> -> memref<64xf32, #tpu.memory_space<vmem>>
      %dma_wait3A_843 = arith.constant 0 : i32
      %dma_wait3A_844 = tpu.memref_slice %arg5[%squeeze3A_430, %dma_wait3A_843] : memref<1000000x64xf32, #tpu.memory_space<hbm>> -> memref<1x64xf32, #tpu.memory_space<hbm>>
      %dma_wait3A_845 = tpu.memref_squeeze %dma_wait3A_844 : memref<1x64xf32, #tpu.memory_space<hbm>> -> memref<64xf32, #tpu.memory_space<hbm>>
      %dma_wait3A_846 = arith.constant 0 : i32
      %dma_wait3A_847 = tpu.memref_slice %arg11[%add3A_432, %dma_wait3A_846] : memref<256x64xf32, #tpu.memory_space<vmem>> -> memref<1x64xf32, #tpu.memory_space<vmem>>
      %dma_wait3A_848 = tpu.memref_squeeze %dma_wait3A_847 : memref<1x64xf32, #tpu.memory_space<vmem>> -> memref<64xf32, #tpu.memory_space<vmem>>
      %dma_wait3A_849 = arith.constant 0 : i32
      %dma_wait3A_850 = tpu.memref_slice %arg5[%squeeze3A_430, %dma_wait3A_849] : memref<1000000x64xf32, #tpu.memory_space<hbm>> -> memref<1x64xf32, #tpu.memory_space<hbm>>
      %dma_wait3A_851 = tpu.memref_squeeze %dma_wait3A_850 : memref<1x64xf32, #tpu.memory_space<hbm>> -> memref<64xf32, #tpu.memory_space<hbm>>
      tpu.wait_dma2 semaphore(%arg12 : memref<!tpu.dma_semaphore, #tpu.memory_space<semaphore_mem>>) src(%dma_wait3A_851 : memref<64xf32, #tpu.memory_space<hbm>>) dst(%dma_wait3A_848 : memref<64xf32, #tpu.memory_space<vmem>>)
      %dma_wait3A_852 = arith.constant 0 : i32
      %dma_wait3A_853 = tpu.memref_slice %arg10[%add3A_448, %dma_wait3A_852] : memref<256x64xf32, #tpu.memory_space<vmem>> -> memref<1x64xf32, #tpu.memory_space<vmem>>
      %dma_wait3A_854 = tpu.memref_squeeze %dma_wait3A_853 : memref<1x64xf32, #tpu.memory_space<vmem>> -> memref<64xf32, #tpu.memory_space<vmem>>
      %dma_wait3A_855 = arith.constant 0 : i32
      %dma_wait3A_856 = tpu.memref_slice %arg4[%squeeze3A_446, %dma_wait3A_855] : memref<1000000x64xf32, #tpu.memory_space<hbm>> -> memref<1x64xf32, #tpu.memory_space<hbm>>
      %dma_wait3A_857 = tpu.memref_squeeze %dma_wait3A_856 : memref<1x64xf32, #tpu.memory_space<hbm>> -> memref<64xf32, #tpu.memory_space<hbm>>
      %dma_wait3A_858 = arith.constant 0 : i32
      %dma_wait3A_859 = tpu.memref_slice %arg10[%add3A_448, %dma_wait3A_858] : memref<256x64xf32, #tpu.memory_space<vmem>> -> memref<1x64xf32, #tpu.memory_space<vmem>>
      %dma_wait3A_860 = tpu.memref_squeeze %dma_wait3A_859 : memref<1x64xf32, #tpu.memory_space<vmem>> -> memref<64xf32, #tpu.memory_space<vmem>>
      %dma_wait3A_861 = arith.constant 0 : i32
      %dma_wait3A_862 = tpu.memref_slice %arg4[%squeeze3A_446, %dma_wait3A_861] : memref<1000000x64xf32, #tpu.memory_space<hbm>> -> memref<1x64xf32, #tpu.memory_space<hbm>>
      %dma_wait3A_863 = tpu.memref_squeeze %dma_wait3A_862 : memref<1x64xf32, #tpu.memory_space<hbm>> -> memref<64xf32, #tpu.memory_space<hbm>>
      tpu.wait_dma2 semaphore(%arg12 : memref<!tpu.dma_semaphore, #tpu.memory_space<semaphore_mem>>) src(%dma_wait3A_863 : memref<64xf32, #tpu.memory_space<hbm>>) dst(%dma_wait3A_860 : memref<64xf32, #tpu.memory_space<vmem>>)
      %dma_wait3A_864 = arith.constant 0 : i32
      %dma_wait3A_865 = tpu.memref_slice %arg11[%add3A_464, %dma_wait3A_864] : memref<256x64xf32, #tpu.memory_space<vmem>> -> memref<1x64xf32, #tpu.memory_space<vmem>>
      %dma_wait3A_866 = tpu.memref_squeeze %dma_wait3A_865 : memref<1x64xf32, #tpu.memory_space<vmem>> -> memref<64xf32, #tpu.memory_space<vmem>>
      %dma_wait3A_867 = arith.constant 0 : i32
      %dma_wait3A_868 = tpu.memref_slice %arg5[%squeeze3A_462, %dma_wait3A_867] : memref<1000000x64xf32, #tpu.memory_space<hbm>> -> memref<1x64xf32, #tpu.memory_space<hbm>>
      %dma_wait3A_869 = tpu.memref_squeeze %dma_wait3A_868 : memref<1x64xf32, #tpu.memory_space<hbm>> -> memref<64xf32, #tpu.memory_space<hbm>>
      %dma_wait3A_870 = arith.constant 0 : i32
      %dma_wait3A_871 = tpu.memref_slice %arg11[%add3A_464, %dma_wait3A_870] : memref<256x64xf32, #tpu.memory_space<vmem>> -> memref<1x64xf32, #tpu.memory_space<vmem>>
      %dma_wait3A_872 = tpu.memref_squeeze %dma_wait3A_871 : memref<1x64xf32, #tpu.memory_space<vmem>> -> memref<64xf32, #tpu.memory_space<vmem>>
      %dma_wait3A_873 = arith.constant 0 : i32
      %dma_wait3A_874 = tpu.memref_slice %arg5[%squeeze3A_462, %dma_wait3A_873] : memref<1000000x64xf32, #tpu.memory_space<hbm>> -> memref<1x64xf32, #tpu.memory_space<hbm>>
      %dma_wait3A_875 = tpu.memref_squeeze %dma_wait3A_874 : memref<1x64xf32, #tpu.memory_space<hbm>> -> memref<64xf32, #tpu.memory_space<hbm>>
      tpu.wait_dma2 semaphore(%arg12 : memref<!tpu.dma_semaphore, #tpu.memory_space<semaphore_mem>>) src(%dma_wait3A_875 : memref<64xf32, #tpu.memory_space<hbm>>) dst(%dma_wait3A_872 : memref<64xf32, #tpu.memory_space<vmem>>)
      %dma_wait3A_876 = arith.constant 0 : i32
      %dma_wait3A_877 = tpu.memref_slice %arg10[%add3A_480, %dma_wait3A_876] : memref<256x64xf32, #tpu.memory_space<vmem>> -> memref<1x64xf32, #tpu.memory_space<vmem>>
      %dma_wait3A_878 = tpu.memref_squeeze %dma_wait3A_877 : memref<1x64xf32, #tpu.memory_space<vmem>> -> memref<64xf32, #tpu.memory_space<vmem>>
      %dma_wait3A_879 = arith.constant 0 : i32
      %dma_wait3A_880 = tpu.memref_slice %arg4[%squeeze3A_478, %dma_wait3A_879] : memref<1000000x64xf32, #tpu.memory_space<hbm>> -> memref<1x64xf32, #tpu.memory_space<hbm>>
      %dma_wait3A_881 = tpu.memref_squeeze %dma_wait3A_880 : memref<1x64xf32, #tpu.memory_space<hbm>> -> memref<64xf32, #tpu.memory_space<hbm>>
      %dma_wait3A_882 = arith.constant 0 : i32
      %dma_wait3A_883 = tpu.memref_slice %arg10[%add3A_480, %dma_wait3A_882] : memref<256x64xf32, #tpu.memory_space<vmem>> -> memref<1x64xf32, #tpu.memory_space<vmem>>
      %dma_wait3A_884 = tpu.memref_squeeze %dma_wait3A_883 : memref<1x64xf32, #tpu.memory_space<vmem>> -> memref<64xf32, #tpu.memory_space<vmem>>
      %dma_wait3A_885 = arith.constant 0 : i32
      %dma_wait3A_886 = tpu.memref_slice %arg4[%squeeze3A_478, %dma_wait3A_885] : memref<1000000x64xf32, #tpu.memory_space<hbm>> -> memref<1x64xf32, #tpu.memory_space<hbm>>
      %dma_wait3A_887 = tpu.memref_squeeze %dma_wait3A_886 : memref<1x64xf32, #tpu.memory_space<hbm>> -> memref<64xf32, #tpu.memory_space<hbm>>
      tpu.wait_dma2 semaphore(%arg12 : memref<!tpu.dma_semaphore, #tpu.memory_space<semaphore_mem>>) src(%dma_wait3A_887 : memref<64xf32, #tpu.memory_space<hbm>>) dst(%dma_wait3A_884 : memref<64xf32, #tpu.memory_space<vmem>>)
      %dma_wait3A_888 = arith.constant 0 : i32
      %dma_wait3A_889 = tpu.memref_slice %arg11[%add3A_496, %dma_wait3A_888] : memref<256x64xf32, #tpu.memory_space<vmem>> -> memref<1x64xf32, #tpu.memory_space<vmem>>
      %dma_wait3A_890 = tpu.memref_squeeze %dma_wait3A_889 : memref<1x64xf32, #tpu.memory_space<vmem>> -> memref<64xf32, #tpu.memory_space<vmem>>
      %dma_wait3A_891 = arith.constant 0 : i32
      %dma_wait3A_892 = tpu.memref_slice %arg5[%squeeze3A_494, %dma_wait3A_891] : memref<1000000x64xf32, #tpu.memory_space<hbm>> -> memref<1x64xf32, #tpu.memory_space<hbm>>
      %dma_wait3A_893 = tpu.memref_squeeze %dma_wait3A_892 : memref<1x64xf32, #tpu.memory_space<hbm>> -> memref<64xf32, #tpu.memory_space<hbm>>
      %dma_wait3A_894 = arith.constant 0 : i32
      %dma_wait3A_895 = tpu.memref_slice %arg11[%add3A_496, %dma_wait3A_894] : memref<256x64xf32, #tpu.memory_space<vmem>> -> memref<1x64xf32, #tpu.memory_space<vmem>>
      %dma_wait3A_896 = tpu.memref_squeeze %dma_wait3A_895 : memref<1x64xf32, #tpu.memory_space<vmem>> -> memref<64xf32, #tpu.memory_space<vmem>>
      %dma_wait3A_897 = arith.constant 0 : i32
      %dma_wait3A_898 = tpu.memref_slice %arg5[%squeeze3A_494, %dma_wait3A_897] : memref<1000000x64xf32, #tpu.memory_space<hbm>> -> memref<1x64xf32, #tpu.memory_space<hbm>>
      %dma_wait3A_899 = tpu.memref_squeeze %dma_wait3A_898 : memref<1x64xf32, #tpu.memory_space<hbm>> -> memref<64xf32, #tpu.memory_space<hbm>>
      tpu.wait_dma2 semaphore(%arg12 : memref<!tpu.dma_semaphore, #tpu.memory_space<semaphore_mem>>) src(%dma_wait3A_899 : memref<64xf32, #tpu.memory_space<hbm>>) dst(%dma_wait3A_896 : memref<64xf32, #tpu.memory_space<vmem>>)
      %dma_wait3A_900 = arith.constant 0 : i32
      %dma_wait3A_901 = tpu.memref_slice %arg10[%add3A_512, %dma_wait3A_900] : memref<256x64xf32, #tpu.memory_space<vmem>> -> memref<1x64xf32, #tpu.memory_space<vmem>>
      %dma_wait3A_902 = tpu.memref_squeeze %dma_wait3A_901 : memref<1x64xf32, #tpu.memory_space<vmem>> -> memref<64xf32, #tpu.memory_space<vmem>>
      %dma_wait3A_903 = arith.constant 0 : i32
      %dma_wait3A_904 = tpu.memref_slice %arg4[%squeeze3A_510, %dma_wait3A_903] : memref<1000000x64xf32, #tpu.memory_space<hbm>> -> memref<1x64xf32, #tpu.memory_space<hbm>>
      %dma_wait3A_905 = tpu.memref_squeeze %dma_wait3A_904 : memref<1x64xf32, #tpu.memory_space<hbm>> -> memref<64xf32, #tpu.memory_space<hbm>>
      %dma_wait3A_906 = arith.constant 0 : i32
      %dma_wait3A_907 = tpu.memref_slice %arg10[%add3A_512, %dma_wait3A_906] : memref<256x64xf32, #tpu.memory_space<vmem>> -> memref<1x64xf32, #tpu.memory_space<vmem>>
      %dma_wait3A_908 = tpu.memref_squeeze %dma_wait3A_907 : memref<1x64xf32, #tpu.memory_space<vmem>> -> memref<64xf32, #tpu.memory_space<vmem>>
      %dma_wait3A_909 = arith.constant 0 : i32
      %dma_wait3A_910 = tpu.memref_slice %arg4[%squeeze3A_510, %dma_wait3A_909] : memref<1000000x64xf32, #tpu.memory_space<hbm>> -> memref<1x64xf32, #tpu.memory_space<hbm>>
      %dma_wait3A_911 = tpu.memref_squeeze %dma_wait3A_910 : memref<1x64xf32, #tpu.memory_space<hbm>> -> memref<64xf32, #tpu.memory_space<hbm>>
      tpu.wait_dma2 semaphore(%arg12 : memref<!tpu.dma_semaphore, #tpu.memory_space<semaphore_mem>>) src(%dma_wait3A_911 : memref<64xf32, #tpu.memory_space<hbm>>) dst(%dma_wait3A_908 : memref<64xf32, #tpu.memory_space<vmem>>)
      %dma_wait3A_912 = arith.constant 0 : i32
      %dma_wait3A_913 = tpu.memref_slice %arg11[%add3A_528, %dma_wait3A_912] : memref<256x64xf32, #tpu.memory_space<vmem>> -> memref<1x64xf32, #tpu.memory_space<vmem>>
      %dma_wait3A_914 = tpu.memref_squeeze %dma_wait3A_913 : memref<1x64xf32, #tpu.memory_space<vmem>> -> memref<64xf32, #tpu.memory_space<vmem>>
      %dma_wait3A_915 = arith.constant 0 : i32
      %dma_wait3A_916 = tpu.memref_slice %arg5[%squeeze3A_526, %dma_wait3A_915] : memref<1000000x64xf32, #tpu.memory_space<hbm>> -> memref<1x64xf32, #tpu.memory_space<hbm>>
      %dma_wait3A_917 = tpu.memref_squeeze %dma_wait3A_916 : memref<1x64xf32, #tpu.memory_space<hbm>> -> memref<64xf32, #tpu.memory_space<hbm>>
      %dma_wait3A_918 = arith.constant 0 : i32
      %dma_wait3A_919 = tpu.memref_slice %arg11[%add3A_528, %dma_wait3A_918] : memref<256x64xf32, #tpu.memory_space<vmem>> -> memref<1x64xf32, #tpu.memory_space<vmem>>
      %dma_wait3A_920 = tpu.memref_squeeze %dma_wait3A_919 : memref<1x64xf32, #tpu.memory_space<vmem>> -> memref<64xf32, #tpu.memory_space<vmem>>
      %dma_wait3A_921 = arith.constant 0 : i32
      %dma_wait3A_922 = tpu.memref_slice %arg5[%squeeze3A_526, %dma_wait3A_921] : memref<1000000x64xf32, #tpu.memory_space<hbm>> -> memref<1x64xf32, #tpu.memory_space<hbm>>
      %dma_wait3A_923 = tpu.memref_squeeze %dma_wait3A_922 : memref<1x64xf32, #tpu.memory_space<hbm>> -> memref<64xf32, #tpu.memory_space<hbm>>
      tpu.wait_dma2 semaphore(%arg12 : memref<!tpu.dma_semaphore, #tpu.memory_space<semaphore_mem>>) src(%dma_wait3A_923 : memref<64xf32, #tpu.memory_space<hbm>>) dst(%dma_wait3A_920 : memref<64xf32, #tpu.memory_space<vmem>>)
    }
    %scan3A_15 = arith.constant 16 : i32
    %add3A_16 = arith.constant 256 : i32
    %add3A_17 = arith.addi %mul3A_2, %add3A_16 : i32
    "tpu.region"() ({
      %run_scoped3A = tpu.sem_alloc : memref<!tpu.dma_semaphore, #tpu.memory_space<semaphore_mem>>
      %dma_start3A = arith.constant 0 : i32
      %dma_start3A_20 = tpu.memref_slice %arg6[%add3A_17, %dma_start3A] : memref<16384x64xf32, #tpu.memory_space<hbm>> -> memref<256x64xf32, #tpu.memory_space<hbm>>
      %dma_start3A_21 = arith.constant 0 : i32
      %dma_start3A_22 = tpu.memref_slice %arg6[%add3A_17, %dma_start3A_21] : memref<16384x64xf32, #tpu.memory_space<hbm>> -> memref<256x64xf32, #tpu.memory_space<hbm>>
      tpu.enqueue_dma source(%arg10 : memref<256x64xf32, #tpu.memory_space<vmem>>) target(%dma_start3A_22 : memref<256x64xf32, #tpu.memory_space<hbm>>) target_semaphore(%run_scoped3A : memref<!tpu.dma_semaphore, #tpu.memory_space<semaphore_mem>>)
      %dma_wait3A = arith.constant 0 : i32
      %dma_wait3A_23 = tpu.memref_slice %arg6[%add3A_17, %dma_wait3A] : memref<16384x64xf32, #tpu.memory_space<hbm>> -> memref<256x64xf32, #tpu.memory_space<hbm>>
      %dma_wait3A_24 = arith.constant 0 : i32
      %dma_wait3A_25 = tpu.memref_slice %arg6[%add3A_17, %dma_wait3A_24] : memref<16384x64xf32, #tpu.memory_space<hbm>> -> memref<256x64xf32, #tpu.memory_space<hbm>>
      tpu.wait_dma2 semaphore(%run_scoped3A : memref<!tpu.dma_semaphore, #tpu.memory_space<semaphore_mem>>) src(%arg10 : memref<256x64xf32, #tpu.memory_space<vmem>>) dst(%dma_wait3A_25 : memref<256x64xf32, #tpu.memory_space<hbm>>)
      tpu.yield
    }) : () -> ()
    %add3A_18 = arith.constant 256 : i32
    %add3A_19 = arith.addi %mul3A_2, %add3A_18 : i32
    "tpu.region"() ({
      %run_scoped3A = tpu.sem_alloc : memref<!tpu.dma_semaphore, #tpu.memory_space<semaphore_mem>>
      %dma_start3A = arith.constant 0 : i32
      %dma_start3A_20 = tpu.memref_slice %arg7[%add3A_19, %dma_start3A] : memref<16384x64xf32, #tpu.memory_space<hbm>> -> memref<256x64xf32, #tpu.memory_space<hbm>>
      %dma_start3A_21 = arith.constant 0 : i32
      %dma_start3A_22 = tpu.memref_slice %arg7[%add3A_19, %dma_start3A_21] : memref<16384x64xf32, #tpu.memory_space<hbm>> -> memref<256x64xf32, #tpu.memory_space<hbm>>
      tpu.enqueue_dma source(%arg11 : memref<256x64xf32, #tpu.memory_space<vmem>>) target(%dma_start3A_22 : memref<256x64xf32, #tpu.memory_space<hbm>>) target_semaphore(%run_scoped3A : memref<!tpu.dma_semaphore, #tpu.memory_space<semaphore_mem>>)
      %dma_wait3A = arith.constant 0 : i32
      %dma_wait3A_23 = tpu.memref_slice %arg7[%add3A_19, %dma_wait3A] : memref<16384x64xf32, #tpu.memory_space<hbm>> -> memref<256x64xf32, #tpu.memory_space<hbm>>
      %dma_wait3A_24 = arith.constant 0 : i32
      %dma_wait3A_25 = tpu.memref_slice %arg7[%add3A_19, %dma_wait3A_24] : memref<16384x64xf32, #tpu.memory_space<hbm>> -> memref<256x64xf32, #tpu.memory_space<hbm>>
      tpu.wait_dma2 semaphore(%run_scoped3A : memref<!tpu.dma_semaphore, #tpu.memory_space<semaphore_mem>>) src(%arg11 : memref<256x64xf32, #tpu.memory_space<vmem>>) dst(%dma_wait3A_25 : memref<256x64xf32, #tpu.memory_space<hbm>>)
      tpu.yield
    }) : () -> ()
    return
  }
}

module attributes {stable_mosaic.version = 14 : i64} {
  func.func @_mlp_body(%arg0: i32, %arg1: memref<2048x64xf32, #tpu.memory_space<vmem>>, %arg2: memref<2048x64xf32, #tpu.memory_space<vmem>>, %arg3: memref<64x128xf32, #tpu.memory_space<vmem>>, %arg4: memref<64x128xf32, #tpu.memory_space<vmem>>, %arg5: memref<1x128xf32, #tpu.memory_space<vmem>>, %arg6: memref<128x64xf32, #tpu.memory_space<vmem>>, %arg7: memref<1x64xf32, #tpu.memory_space<vmem>>, %arg8: memref<64x32xf32, #tpu.memory_space<vmem>>, %arg9: memref<1x32xf32, #tpu.memory_space<vmem>>, %arg10: memref<32x1xf32, #tpu.memory_space<vmem>>, %arg11: memref<1x1xf32, #tpu.memory_space<vmem>>, %arg12: memref<2048x1xf32, #tpu.memory_space<vmem>>) attributes {dimension_semantics = [#tpu.dimension_semantics<arbitrary>], iteration_bounds = array<i64: 8>, scalar_prefetch = 0 : i64, scratch_operands = 0 : i64, tpu.core_type = #tpu.core_type<tc>, window_params = [{transform_indices = @transform_0, window_bounds = array<i64: 2048, 64>}, {transform_indices = @transform_1, window_bounds = array<i64: 2048, 64>}, {pipeline_mode = #tpu.pipeline_mode<synchronous>, transform_indices = @transform_2, window_bounds = array<i64: 64, 128>}, {pipeline_mode = #tpu.pipeline_mode<synchronous>, transform_indices = @transform_3, window_bounds = array<i64: 64, 128>}, {pipeline_mode = #tpu.pipeline_mode<synchronous>, transform_indices = @transform_4, window_bounds = array<i64: 1, 128>}, {pipeline_mode = #tpu.pipeline_mode<synchronous>, transform_indices = @transform_5, window_bounds = array<i64: 128, 64>}, {pipeline_mode = #tpu.pipeline_mode<synchronous>, transform_indices = @transform_6, window_bounds = array<i64: 1, 64>}, {pipeline_mode = #tpu.pipeline_mode<synchronous>, transform_indices = @transform_7, window_bounds = array<i64: 64, 32>}, {pipeline_mode = #tpu.pipeline_mode<synchronous>, transform_indices = @transform_8, window_bounds = array<i64: 1, 32>}, {pipeline_mode = #tpu.pipeline_mode<synchronous>, transform_indices = @transform_9, window_bounds = array<i64: 32, 1>}, {pipeline_mode = #tpu.pipeline_mode<synchronous>, transform_indices = @transform_10, window_bounds = array<i64: 1, 1>}, {transform_indices = @transform_11, window_bounds = array<i64: 2048, 1>}]} {
    %get3A = arith.constant 0 : index
    %get3A_0 = arith.constant 0 : index
    %get3A_1 = vector.load %arg1[%get3A, %get3A_0] : memref<2048x64xf32, #tpu.memory_space<vmem>>, vector<2048x64xf32>
    %get3A_2 = arith.constant 0 : index
    %get3A_3 = arith.constant 0 : index
    %get3A_4 = vector.load %arg3[%get3A_2, %get3A_3] : memref<64x128xf32, #tpu.memory_space<vmem>>, vector<64x128xf32>
    %dot_general3A = arith.constant dense<0.000000e+00> : vector<2048x128xf32>
    %dot_general3A_5 = tpu.matmul %get3A_1, %get3A_4, %dot_general3A {dimension_numbers = #tpu.dot_dimension_numbers<[1], [0], [0], [1], [0, 0, 1, 1], [], []>, transpose_lhs_hint = false} : vector<2048x64xf32>, vector<64x128xf32>, vector<2048x128xf32> -> vector<2048x128xf32>
    %get3A_6 = arith.constant 0 : index
    %get3A_7 = arith.constant 0 : index
    %get3A_8 = vector.load %arg2[%get3A_6, %get3A_7] : memref<2048x64xf32, #tpu.memory_space<vmem>>, vector<2048x64xf32>
    %get3A_9 = arith.constant 0 : index
    %get3A_10 = arith.constant 0 : index
    %get3A_11 = vector.load %arg4[%get3A_9, %get3A_10] : memref<64x128xf32, #tpu.memory_space<vmem>>, vector<64x128xf32>
    %dot_general3A_12 = arith.constant dense<0.000000e+00> : vector<2048x128xf32>
    %dot_general3A_13 = tpu.matmul %get3A_8, %get3A_11, %dot_general3A_12 {dimension_numbers = #tpu.dot_dimension_numbers<[1], [0], [0], [1], [0, 0, 1, 1], [], []>, transpose_lhs_hint = false} : vector<2048x64xf32>, vector<64x128xf32>, vector<2048x128xf32> -> vector<2048x128xf32>
    %add3A = arith.addf %dot_general3A_5, %dot_general3A_13 : vector<2048x128xf32>
    %get3A_14 = arith.constant 0 : index
    %get3A_15 = arith.constant 0 : index
    %get3A_16 = vector.load %arg5[%get3A_14, %get3A_15] : memref<1x128xf32, #tpu.memory_space<vmem>>, vector<1x128xf32>
    %add3A_17 = vector.broadcast %get3A_16 : vector<1x128xf32> to vector<2048x128xf32>
    %add3A_18 = arith.addf %add3A, %add3A_17 : vector<2048x128xf32>
    %max3A = arith.constant 0.000000e+00 : f32
    %max3A_19 = vector.broadcast %max3A : f32 to vector<2048x128xf32>
    %max3A_20 = arith.maximumf %add3A_18, %max3A_19 : vector<2048x128xf32>
    %get3A_21 = arith.constant 0 : index
    %get3A_22 = arith.constant 0 : index
    %get3A_23 = vector.load %arg6[%get3A_21, %get3A_22] : memref<128x64xf32, #tpu.memory_space<vmem>>, vector<128x64xf32>
    %dot_general3A_24 = arith.constant dense<0.000000e+00> : vector<2048x64xf32>
    %dot_general3A_25 = tpu.matmul %max3A_20, %get3A_23, %dot_general3A_24 {dimension_numbers = #tpu.dot_dimension_numbers<[1], [0], [0], [1], [0, 0, 1, 1], [], []>, transpose_lhs_hint = false} : vector<2048x128xf32>, vector<128x64xf32>, vector<2048x64xf32> -> vector<2048x64xf32>
    %get3A_26 = arith.constant 0 : index
    %get3A_27 = arith.constant 0 : index
    %get3A_28 = vector.load %arg7[%get3A_26, %get3A_27] : memref<1x64xf32, #tpu.memory_space<vmem>>, vector<1x64xf32>
    %add3A_29 = vector.broadcast %get3A_28 : vector<1x64xf32> to vector<2048x64xf32>
    %add3A_30 = arith.addf %dot_general3A_25, %add3A_29 : vector<2048x64xf32>
    %max3A_31 = arith.constant 0.000000e+00 : f32
    %max3A_32 = vector.broadcast %max3A_31 : f32 to vector<2048x64xf32>
    %max3A_33 = arith.maximumf %add3A_30, %max3A_32 : vector<2048x64xf32>
    %get3A_34 = arith.constant 0 : index
    %get3A_35 = arith.constant 0 : index
    %get3A_36 = vector.load %arg8[%get3A_34, %get3A_35] : memref<64x32xf32, #tpu.memory_space<vmem>>, vector<64x32xf32>
    %dot_general3A_37 = arith.constant dense<0.000000e+00> : vector<2048x32xf32>
    %dot_general3A_38 = tpu.matmul %max3A_33, %get3A_36, %dot_general3A_37 {dimension_numbers = #tpu.dot_dimension_numbers<[1], [0], [0], [1], [0, 0, 1, 1], [], []>, transpose_lhs_hint = false} : vector<2048x64xf32>, vector<64x32xf32>, vector<2048x32xf32> -> vector<2048x32xf32>
    %get3A_39 = arith.constant 0 : index
    %get3A_40 = arith.constant 0 : index
    %get3A_41 = vector.load %arg9[%get3A_39, %get3A_40] : memref<1x32xf32, #tpu.memory_space<vmem>>, vector<1x32xf32>
    %add3A_42 = vector.broadcast %get3A_41 : vector<1x32xf32> to vector<2048x32xf32>
    %add3A_43 = arith.addf %dot_general3A_38, %add3A_42 : vector<2048x32xf32>
    %max3A_44 = arith.constant 0.000000e+00 : f32
    %max3A_45 = vector.broadcast %max3A_44 : f32 to vector<2048x32xf32>
    %max3A_46 = arith.maximumf %add3A_43, %max3A_45 : vector<2048x32xf32>
    %get3A_47 = arith.constant 0 : index
    %get3A_48 = arith.constant 0 : index
    %get3A_49 = vector.load %arg10[%get3A_47, %get3A_48] : memref<32x1xf32, #tpu.memory_space<vmem>>, vector<32x1xf32>
    %dot_general3A_50 = arith.constant dense<0.000000e+00> : vector<2048x1xf32>
    %dot_general3A_51 = tpu.matmul %max3A_46, %get3A_49, %dot_general3A_50 {dimension_numbers = #tpu.dot_dimension_numbers<[1], [0], [0], [1], [0, 0, 1, 1], [], []>, transpose_lhs_hint = false} : vector<2048x32xf32>, vector<32x1xf32>, vector<2048x1xf32> -> vector<2048x1xf32>
    %get3A_52 = arith.constant 0 : index
    %get3A_53 = arith.constant 0 : index
    %get3A_54 = vector.load %arg11[%get3A_52, %get3A_53] : memref<1x1xf32, #tpu.memory_space<vmem>>, vector<1x1xf32>
    %add3A_55 = vector.broadcast %get3A_54 : vector<1x1xf32> to vector<2048x1xf32>
    %add3A_56 = arith.addf %dot_general3A_51, %add3A_55 : vector<2048x1xf32>
    %neg3A = arith.constant 0.000000e+00 : f32
    %neg3A_57 = vector.broadcast %neg3A : f32 to vector<2048x1xf32>
    %neg3A_58 = arith.subf %neg3A_57, %add3A_56 : vector<2048x1xf32>
    %exp3A = math.exp %neg3A_58 : vector<2048x1xf32>
    %add3A_59 = arith.constant 1.000000e+00 : f32
    %add3A_60 = vector.broadcast %add3A_59 : f32 to vector<2048x1xf32>
    %add3A_61 = arith.addf %add3A_60, %exp3A : vector<2048x1xf32>
    %div3A = arith.constant 1.000000e+00 : f32
    %div3A_62 = vector.broadcast %div3A : f32 to vector<2048x1xf32>
    %div3A_63 = arith.divf %div3A_62, %add3A_61 : vector<2048x1xf32>
    %swap3A = arith.constant 0 : index
    %swap3A_64 = arith.constant 0 : index
    %swap3A_65 = vector.load %arg12[%swap3A, %swap3A_64] : memref<2048x1xf32, #tpu.memory_space<vmem>>, vector<2048x1xf32>
    tpu.vector_store %arg12[%swap3A, %swap3A_64], %div3A_63 {strides = array<i32>} : memref<2048x1xf32, #tpu.memory_space<vmem>>, vector<2048x1xf32>,
    return
  }
  func.func @transform_0(%arg0: i32) -> (i32, i32) {
    %c0_i32 = arith.constant 0 : i32
    %c0_i32_0 = arith.constant 0 : i32
    return %arg0, %c0_i32 : i32, i32
  }
  func.func @transform_1(%arg0: i32) -> (i32, i32) {
    %c0_i32 = arith.constant 0 : i32
    %c0_i32_0 = arith.constant 0 : i32
    return %arg0, %c0_i32 : i32, i32
  }
  func.func @transform_2(%arg0: i32) -> (i32, i32) {
    %c0_i32 = arith.constant 0 : i32
    %c0_i32_0 = arith.constant 0 : i32
    %c0_i32_1 = arith.constant 0 : i32
    return %c0_i32, %c0_i32_0 : i32, i32
  }
  func.func @transform_3(%arg0: i32) -> (i32, i32) {
    %c0_i32 = arith.constant 0 : i32
    %c0_i32_0 = arith.constant 0 : i32
    %c0_i32_1 = arith.constant 0 : i32
    return %c0_i32, %c0_i32_0 : i32, i32
  }
  func.func @transform_4(%arg0: i32) -> (i32, i32) {
    %c0_i32 = arith.constant 0 : i32
    %c0_i32_0 = arith.constant 0 : i32
    %c0_i32_1 = arith.constant 0 : i32
    return %c0_i32, %c0_i32_0 : i32, i32
  }
  func.func @transform_5(%arg0: i32) -> (i32, i32) {
    %c0_i32 = arith.constant 0 : i32
    %c0_i32_0 = arith.constant 0 : i32
    %c0_i32_1 = arith.constant 0 : i32
    return %c0_i32, %c0_i32_0 : i32, i32
  }
  func.func @transform_6(%arg0: i32) -> (i32, i32) {
    %c0_i32 = arith.constant 0 : i32
    %c0_i32_0 = arith.constant 0 : i32
    %c0_i32_1 = arith.constant 0 : i32
    return %c0_i32, %c0_i32_0 : i32, i32
  }
  func.func @transform_7(%arg0: i32) -> (i32, i32) {
    %c0_i32 = arith.constant 0 : i32
    %c0_i32_0 = arith.constant 0 : i32
    %c0_i32_1 = arith.constant 0 : i32
    return %c0_i32, %c0_i32_0 : i32, i32
  }
  func.func @transform_8(%arg0: i32) -> (i32, i32) {
    %c0_i32 = arith.constant 0 : i32
    %c0_i32_0 = arith.constant 0 : i32
    %c0_i32_1 = arith.constant 0 : i32
    return %c0_i32, %c0_i32_0 : i32, i32
  }
  func.func @transform_9(%arg0: i32) -> (i32, i32) {
    %c0_i32 = arith.constant 0 : i32
    %c0_i32_0 = arith.constant 0 : i32
    %c0_i32_1 = arith.constant 0 : i32
    return %c0_i32, %c0_i32_0 : i32, i32
  }
  func.func @transform_10(%arg0: i32) -> (i32, i32) {
    %c0_i32 = arith.constant 0 : i32
    %c0_i32_0 = arith.constant 0 : i32
    %c0_i32_1 = arith.constant 0 : i32
    return %c0_i32, %c0_i32_0 : i32, i32
  }
  func.func @transform_11(%arg0: i32) -> (i32, i32) {
    %c0_i32 = arith.constant 0 : i32
    %c0_i32_0 = arith.constant 0 : i32
    return %arg0, %c0_i32 : i32, i32
  }
}

</mosaic_0001>

<sc_bundles>
// kernel: kernel.4.cloned.1.call-start
scs
__scs_entry_jumppad:
0x0: {  	(pc) =	sbr.rel $0x88, $3  }
0x1: {  	(tag) =	ssettag $0x0;
	lr =	simm.s32 $0x1  }
0x2: {  	[smem:$0x3F95] =	sst lr;
	_ =	strace $0xD0000000  }
0x3: {  	_ = 	snop  }
0x4: {  	_ = 	snop  }
0x5: {  	_ = 	snop  }
0x6: {  	_ = 	snop  }
0x7: {  	_ = 	snop  }
__scs_overlays_trampoline_lowered:
0x8: {  	[smem:$0x3FA4] =	sst s0  }
0x9: {  	[smem:$0x3FA5] =	sst s1  }
0xa: {  	[smem:$0x3FA6] =	sst s2  }
0xb: {  	[smem:$0x3FA7] =	sst s3  }
0xc: {  	[smem:$0x3FA8] =	sst s4  }
0xd: {  	[smem:$0x3FA9] =	sst s5  }
0xe: {  	[smem:$0x3FAA] =	sst s6  }
0xf: {  	[smem:$0x3FAB] =	sst s7  }
0x10: {  	[smem:$0x3FAC] =	sst s8  }
0x11: {  	[smem:$0x3FAD] =	sst s9;
	s0 =	simm.s32 @!p0 $0x0  }
0x12: {  	s1 =	sld [smem:$0x3F93];
	s0 =	simm.s32 @p0 $0x1  }
0x13: {  	[smem:$0x3FAE] =	sst s0;
	s0 =	simm.s32 @!p1 $0x0  }
0x14: {  	s2 =	sld [smem:$0x3F92];
	s0 =	simm.s32 @p1 $0x1  }
0x15: {  	[smem:$0x3FAF] =	sst s0;
	s0 =	simm.s32 @!p2 $0x0  }
0x16: {  	s3 =	sld [smem:$0x3FDB];
	s0 =	simm.s32 @p2 $0x1  }
0x17: {  	s4 =	simm.s32 $0x1BF5;
	[smem:$0x3FB1] =	sst s0  }
0x18: {  	s0 =	sld [smem:$0x3F94];
	_ =	swait.ge [sflag:s4], $0x0  }
0x19: {  	s7 =	sld [smem:$0x3F95]  }
0x1a: {  	s8 =	sadd.s32 $0xFFFFE003, lr  }
0x1b: {  	s9 =	sadd.s32 $0xFFFFFEF7, lr;
	s5 =	simm.s32 $0xFFFFFFFF;
	p2 =	slt.u32 s8, $0xFFFFF086  }
0x1c: {  	p1 =	slt.u32 s9, $0xF7A;
	s5 =	simm.s32 @!p2 $0x0  }
0x1d: {  	s5 =	simm.s32 @p1 $0x1;
	p0 =	seq.s32 s7, s2  }
0x1e: {  	s7 =	smul.u32 @!p0 $0xF7A, s2;
	p2 =	seq.s32 @!p0 s5, $0x0  }
0x1f: {  	s9 =	smul.u32 $0xF7A, s1;
	s8 =	simm.s32 @!p0 $0x1BF5;
	p2 =	por !p2, p0  }
0x20: {  	[sflag:s8] =	ssyncset.s32 @!p0 $0xFFFFF086;
	s6 =	sadd.s32 @!p0 s3, s7;
	s7 =	simm.s32 @!p0 $0x108  }
0x21: {  	s3 =	sadd.s32 s3, s9;
	s6 =	sadd.s32 @!p0 $0x88, s6;
	s7 =	simm.s32 @p2 $0x1082  }
0x22: {  	[simem:s7], [sflag:s8] =	dma.local @!p0 [hbm:s6], $0xF7A  }
0x23: {  	s9 =	sor.u32 $0xD0000000, s2;
	s6 =	simm.s32 $0x108;
	_ =	swait.ge @!p0 [sflag:s8], $0x0  }
0x24: {  	s3 =	sadd.s32 $0x88, s3;
	s6 =	simm.s32 @!p1 $0x1082;
	[sflag:s4] =	ssyncset.s32 $0xFFFFF086  }
0x25: {  	[simem:s6], [sflag:s4] =	dma.local [hbm:s3], $0xF7A  }
0x26: {  	[smem:$0x3F95] =	sst s1;
	(tag) =	ssettag s2;
	_ =	strace s9  }
0x27: {  	s1 =	sld [smem:$0x3FA5]  }
0x28: {  	s2 =	sld [smem:$0x3FA6]  }
0x29: {  	s4 =	sld [smem:$0x3FA8]  }
0x2a: {  	p0 =	seq.s32 s5, $0x0;
	s5 =	sld [smem:$0x3FA9]  }
0x2b: {  	s6 =	sld [smem:$0x3FAA]  }
0x2c: {  	s7 =	sld [smem:$0x3FAB]  }
0x2d: {  	s3 =	simm.s32 $0x108;
	s8 =	sld [smem:$0x3FAC]  }
0x2e: {  	s3 =	simm.s32 @!p0 $0x1082;
	s9 =	sld [smem:$0x3FAD]  }
0x2f: {  	lr =	sadd.s32 s0, s3;
	s0 =	sld [smem:$0x3FA4]  }
0x30: {  	s3 =	sld [smem:$0x3FA7]  }
0x31: {  	[smem:$0x3FB0] =	sst s10  }
0x32: {  	s10 =	sld [smem:$0x3FAE];
	_ =	sdelay $0x3  }
0x33: {  	p0 =	seq.s32 s10, $0x1;
	s10 =	sld [smem:$0x3FB0];
	_ =	sdelay $0x3  }
0x34: {  	[smem:$0x3FB0] =	sst s10  }
0x35: {  	s10 =	sld [smem:$0x3FAF];
	_ =	sdelay $0x3  }
0x36: {  	p1 =	seq.s32 s10, $0x1;
	s10 =	sld [smem:$0x3FB0];
	_ =	sdelay $0x3  }
0x37: {  	[smem:$0x3FB0] =	sst s10  }
0x38: {  	s10 =	sld [smem:$0x3FB1]  }
0x39: {  	_ = 	snop;
	(pc) =	sbr.ind lr, $3  }
0x3a: {  	_ = 	snop  }
0x3b: {  	_ = 	snop  }
0x3c: {  	p2 =	seq.s32 s10, $0x1;
	s10 =	sld [smem:$0x3FB0]  }
0x3d: {  	_ =	shalt  }
0x3e: {  	_ =	shalt  }
0x3f: {  	_ =	shalt  }
0x40: {  	_ =	shalt  }
0x41: {  	_ =	shalt  }
0x42: {  	_ =	shalt  }
0x43: {  	_ =	shalt  }
0x44: {  	_ =	shalt  }
0x45: {  	_ =	shalt  }
0x46: {  	_ =	shalt  }
0x47: {  	_ =	shalt  }
0x48: {  	_ =	shalt  }
0x49: {  	_ =	shalt  }
0x4a: {  	_ =	shalt  }
0x4b: {  	_ =	shalt  }
0x4c: {  	_ =	shalt  }
0x4d: {  	_ =	shalt  }
0x4e: {  	_ =	shalt  }
0x4f: {  	_ =	shalt  }
0x50: {  	_ =	shalt  }
0x51: {  	_ =	shalt  }
0x52: {  	_ =	shalt  }
0x53: {  	_ =	shalt  }
0x54: {  	_ =	shalt  }
0x55: {  	_ =	shalt  }
0x56: {  	_ =	shalt  }
0x57: {  	_ =	shalt  }
0x58: {  	_ =	shalt  }
0x59: {  	_ =	shalt  }
0x5a: {  	_ =	shalt  }
0x5b: {  	_ =	shalt  }
0x5c: {  	_ =	shalt  }
0x5d: {  	_ =	shalt  }
0x5e: {  	_ =	shalt  }
0x5f: {  	_ =	shalt  }
0x60: {  	_ =	shalt  }
0x61: {  	_ =	shalt  }
0x62: {  	_ =	shalt  }
0x63: {  	_ =	shalt  }
0x64: {  	_ =	shalt  }
0x65: {  	_ =	shalt  }
0x66: {  	_ =	shalt  }
0x67: {  	_ =	shalt  }
0x68: {  	_ =	shalt  }
0x69: {  	_ =	shalt  }
0x6a: {  	_ =	shalt  }
0x6b: {  	_ =	shalt  }
0x6c: {  	_ =	shalt  }
0x6d: {  	_ =	shalt  }
0x6e: {  	_ =	shalt  }
0x6f: {  	_ =	shalt  }
0x70: {  	_ =	shalt  }
0x71: {  	_ =	shalt  }
0x72: {  	_ =	shalt  }
0x73: {  	_ =	shalt  }
0x74: {  	_ =	shalt  }
0x75: {  	_ =	shalt  }
0x76: {  	_ =	shalt  }
0x77: {  	_ =	shalt  }
0x78: {  	_ =	shalt  }
0x79: {  	_ =	shalt  }
0x7a: {  	_ =	shalt  }
0x7b: {  	_ =	shalt  }
0x7c: {  	_ =	shalt  }
0x7d: {  	_ =	shalt  }
0x7e: {  	_ =	shalt  }
0x7f: {  	_ =	shalt  }
0x80: {  	_ =	shalt  }
0x81: {  	_ =	shalt  }
0x82: {  	_ =	shalt  }
0x83: {  	_ =	shalt  }
0x84: {  	_ =	shalt  }
0x85: {  	_ =	shalt  }
0x86: {  	_ =	shalt  }
0x87: {  	_ =	shalt  }
.Lfunc_end0:
.L_simem_size_0:
called_computation_lowered:
.L_overlay_start_0:
0x88: {  	s2 =	sld [smem:$0x3FD9]  }
0x89: {  	s3 =	sld [smem:$0x3FFE];
	_ =	sdelay $0x1  }
0x8a: {  	s1 =	srdreg.scid  }
0x8b: {  	s0 =	sand.u32 $0x1, s1  }
0x8c: {  	s17 =	sshll.u32 s0, $0xA;
	s2 =	sadd.s32 s3, s2  }
0x8d: {  	s2 =	sadd.s32 s2, s17  }
0x8e: {  	[smem:$0x3FBC] =	sst s2  }
0x8f: {  	_ = 	snop  }
0x90: {  	s2 =	sld [smem:$0x3FD0];
	(tm) =	ssettm $0x1  }
0x91: {  	s18 =	sld [smem:$0x3FFB];
	_ =	sdelay $0x3  }
0x92: {  	_ =	strace s18  }
0x93: {  	s3 =	sld [smem:$0x3FFC];
	_ =	sdelay $0x3  }
0x94: {  	_ =	strace s3  }
0x95: {  	s3 =	sld [smem:$0x3FFD];
	_ =	sdelay $0x3  }
0x96: {  	_ =	strace s3  }
0x97: {  	_ =	strace $0x8FFFFFFF  }
0x98: {  	s19 =	sld [smem:$0x3FDB];
	_ =	sdelay $0x1  }
0x99: {  	s4 =	simm.s32 $_scs_section_size  }
0x9a: {  	s5 =	simm.s32 $_size__tile_overlayer_lowered;
	s6 =	simm.s32 $_tile_overlayer_lowered  }
0x9b: {  	s22 =	simm.s32 $0x1BFF;
	s21 =	sshll.u32 s6, $0x1;
	s3 =	sadd.s32 s4, s19  }
0x9c: {  	s7 =	simm.s32 $0x0;
	s20 =	sshll.u32 s5, $0x1;
	s5 =	sadd.s32 s21, s3  }
0x9d: {  	[timem:s7], [sflag:s22] =	dma.local [hbm:s5], s20  }
0x9e: {  	_ =	swait.ge [sflag:s22], s20  }
0x9f: {  	s4 =	ssub.s32 $0x0, s20;
	[sflag:s22] =	ssyncset.done $0x0  }
0xa0: {  	[sflag:s22] =	ssyncadd.s32 s4;
	_ =	sdelay $0x1  }
0xa1: {  	s23 =	simm.s32 $0x1B8B  }
0xa2: {  	_ =	swait.ge [sflag:s23], $0x1  }
0xa3: {  	[sflag:s23] =	ssyncset.done $0x0  }
0xa4: {  	s25 =	simm.s32 $0x1B8E;
	s24 =	sld [smem:$0x3FFE];
	[sflag:s23] =	ssyncadd.s32 $0xFFFFFFFF  }
0xa5: {  	s26 =	simm.s32 $execute0_lowered;
	[smem:$0x3FD2] =	sst s25  }
0xa6: {  	s5 =	sshll.u32 s26, $0x1;
	_ =	strace $0x80000046;
	[dreg:$0x1] =	wrdreg $0xFFFFFFFF  }
0xa7: {  	s28 =	simm.s32 $_size_execute0_lowered;
	s3 =	sadd.s32 s3, s5;
	[dreg:$0x0] =	wrdreg $0x0  }
0xa8: {  	s5 =	sshll.u32 s28, $0x1;
	[dreg:$0x2] =	wrdreg s3  }
0xa9: {  	[dreg:$0x3] =	wrdreg s5  }
0xaa: {  	[dreg:$0x4] =	wrdreg $0xC0  }
0xab: {  	_ =	task [dreg:s7], $0x5FFFF  }
0xac: {  	[dreg:$0x1] =	wrdreg $0xFFFFFFFF  }
0xad: {  	[dreg:$0x0] =	wrdreg $0x60  }
0xae: {  	[dreg:$0x2] =	wrdreg s2  }
0xaf: {  	[dreg:$0x3] =	wrdreg s24  }
0xb0: {  	[dreg:$0x4] =	wrdreg $0x9  }
0xb1: {  	_ =	task.clear_ibuf [dreg:s7], $0x5FFFF;
	_ =	strace $0x90000046  }
0xb2: {  	s29 =	simm.s32 $0x9;
	_ =	strace $0x80000048  }
0xb3: {  	_ =	swait.ge [sflag:s29], $0x1  }
0xb4: {  	[sflag:s29] =	ssyncadd.s32 $0xFFFFFFFF  }
0xb5: {  	_ =	strace $0x90000048  }
0xb6: {  	_ =	sfence  }
0xb7: {  	s30 =	sld [smem:$0x0];
	_ =	sdelay $0x2  }
0xb8: {  	s31 =	sshll.u32 s1, $0xD;
	s1 =	sshrl.u32 s1, $0x2  }
0xb9: {  	s3 =	sand.u32 $0x4000, s31;
	s1 =	sadd.s32 s1, s30  }
0xba: {  	s0 =	sor.u32 s3, s0;
	s1 =	sshll.u32 s1, $0x11  }
0xbb: {  	s0 =	sor.u32 s1, s0  }
0xbc: {  	s0 =	sadd.s32 $0x8F2B, s0  }
0xbd: {  	[sflag:s0] =	ssyncadd.remote.s32 $0x1  }
0xbe: {  	_ =	sfence.sel $0xFFFF  }
0xbf: {  	[dreg:$0x0] =	wrdreg $0xFFFFFFFF;
	(pc) =	sbr.abs _section_cstart, $3  }
0xc0: {  	[dreg:$0x1] =	wrdreg $0xFFFFFFFF  }
0xc1: {  	_ =	task.clear_ibuf [dreg:s7], $0x2FFFF;
	_ =	strace $0x9FFFFFFF  }
0xc2: {  	(tm) =	ssettm $0x7FFFFFFF  }
0xc3: {  	_ =	shalt  }
tec
execute0_lowered:
.L_overlay_start_1:
0x0: {  	(tag) =	ssettag $0x1  }
0x1: {  	s0 =	srdreg.scid  }
0x2: {  	s2 =	stileid.u32;
	s5 =	rddreg [dreg:$0x0]  }
0x3: {  	s6 =	rddreg [dreg:$0x1];
	s0 =	sand.u32 $0x1, s0;
	s1 =	sshll.u32 s2, $0x1  }
0x4: {  	s3 =	sshll.u32 s2, $0x7;
	s2 =	simm.s32 $0x0;
	s10 =	sadd.s32 $0x1E86E00, s6  }
0x5: {  	s1 =	sor.u32 s0, s1;
	[smem:$0x7FF] =	sst s2;
	s0 =	ssub.s32 $0x2, s0  }
0x6: {  	s4 =	sshll.u32 s1, $0x4;
	_ =	strace $0x80000047;
	s9 =	sshrl.u32 s0, $0x1  }
0x7: {  	s1 =	sshll.u32 s1, $0xD;
	s3 =	sor.u32 s3, s4;
	s4 =	sadd.s32 $0xF44200, s6  }
0x8: {  	s0 =	ssub.s32 s0, s9;
	s29 =	sadd.s32 s10, s1;
	s7 =	sand.u32 $0x670, s3  }
0x9: {  	s3 =	sadd.s32 $0x1E00, s6;
	[dreg:$0x19] =	wrdreg s29;
	s0 =	smax.u32 s0, $0x1  }
0xa: {  	s8 =	sadd.s32 s7, s6;
	s5 =	sadd.s32 s5, s7;
	[dreg:$0x1d] =	wrdreg s0  }
0xb: {  	s6 =	sadd.s32 $0x1EC6E00, s6;
	[dreg:$0x17] =	wrdreg s5;
	s28 =	sadd.s32 $0x1E86600, s8  }
0xc: {  	s30 =	sadd.s32 s6, s1;
	s1 =	sor.u32 $0x1000, s1;
	[dreg:$0x18] =	wrdreg s28  }
0xd: {  	s15 =	simm.s32 $0x1;
	[dreg:$0x1a] =	wrdreg s30;
	s31 =	sadd.s32 s10, s1  }
0xe: {  	s5 =	simm.s32 $0x400;
	s1 =	sadd.s32 s6, s1;
	[dreg:$0x1b] =	wrdreg s31  }
0xf: {  	s6 =	simm.s32 $0x2;
	[dreg:$0x1c] =	wrdreg s1;
	s1 =	simm.s32 $0x0  }
.LBB2_1:
0x10: {  	[dreg:$0x1e] =	wrdreg s1  }
0x11: {  	s0 =	rddreg [dreg:$0x17];
	s11 =	simm.s32 $0x80  }
0x12: {  	[tilespmem:s2], [sflag:$0x2] =	stream.strided.gather [hbm4b:s0+s11], $0x200, s5, s11, $0x38;
	[tilespmem:$0x10400] =	vst v63  }
0x13: {  	_ =	swait.ge [sflag:s6], $0x200  }
0x14: {  	[sflag:s6] =	ssyncset.done $0x0  }
0x15: {  	s7 =	simm.s32 $0x200;
	s12 =	rddreg [dreg:$0x18];
	[sflag:s6] =	ssyncadd.s32 $0xFFFFFE00  }
0x16: {  	[tilespmem:s7], [sflag:$0x2] =	stream.strided.gather [hbm4b:s12+s11], $0x200, s5, s11, $0x38;
	[tilespmem:$0x10400] =	vst v63  }
0x17: {  	_ =	swait.ge [sflag:s6], $0x200  }
0x18: {  	[sflag:s6] =	ssyncset.done $0x0  }
0x19: {  	[sflag:s6] =	ssyncadd.s32 $0xFFFFFE00  }
0x1a: {  	v0 =	vld [tilespmem:s2+$0x0];
	_ =	sdelay $0x1  }
0x1b: {  	v2 =	vld [tilespmem:s7+$0x0];
	_ =	sdelay $0x2  }
0x1c: {  	v1 =	vshll.u32 v0, $0x4  }
0x1d: {  	(v2sf) =	vpush v1, $0x0  }
0x1e: {  	v63 =	vshll.u32 v2, $0x4  }
0x1f: {  	(v2sf) =	vpush v63, $0x0;
	_ =	sdelay $0x1  }
0x20: {  	(v2sf) =	vpush v1, $0x1;
	_ =	sdelay $0x2  }
0x21: {  	(v2sf) =	vpush v63, $0x1;
	_ =	sdelay $0x7  }
0x22: {  	s13 =	spop (v2sf);
	(v2sf) =	vpush v1, $0x2;
	_ =	sdelay $0x1  }
0x23: {  	s16 =	spop (v2sf);
	(v2sf) =	vpush v63, $0x2;
	_ =	sdelay $0x1  }
0x24: {  	s18 =	spop (v2sf);
	(v2sf) =	vpush v1, $0x3;
	_ =	sdelay $0x2  }
0x25: {  	s20 =	spop (v2sf);
	(v2sf) =	vpush v63, $0x3;
	_ =	sdelay $0x4  }
0x26: {  	s0 =	sand.u32 $0x1FFFFFF0, s13  }
0x27: {  	s14 =	simm.s32 $0x400;
	s0 =	sadd.s32 s3, s0  }
0x28: {  	[tilespmem:s14], [sflag:$0x1] =	stream.linear.gather [hbm4b:s0+s2], $0x80, $0x38;
	[tilespmem:$0x10400] =	vst v63  }
0x29: {  	s22 =	spop (v2sf);
	(v2sf) =	vpush v1, $0x4  }
0x2a: {  	s0 =	sand.u32 $0x1FFFFFF0, s16  }
0x2b: {  	s17 =	simm.s32 $0x8400;
	s0 =	sadd.s32 s4, s0;
	s24 =	spop (v2sf);
	(v2sf) =	vpush v63, $0x4  }
0x2c: {  	[tilespmem:s17], [sflag:$0x1] =	stream.linear.gather [hbm4b:s0+s2], $0x80, $0x38;
	[tilespmem:$0x10400] =	vst v63  }
0x2d: {  	s0 =	sand.u32 $0x1FFFFFF0, s18;
	s26 =	spop (v2sf);
	(v2sf) =	vpush v1, $0x5  }
0x2e: {  	s19 =	simm.s32 $0x480;
	s0 =	sadd.s32 s3, s0  }
0x2f: {  	[tilespmem:s19], [sflag:$0x1] =	stream.linear.gather [hbm4b:s0+s2], $0x80, $0x38;
	[tilespmem:$0x10400] =	vst v63  }
0x30: {  	s29 =	spop (v2sf);
	(v2sf) =	vpush v63, $0x5  }
0x31: {  	s0 =	sand.u32 $0x1FFFFFF0, s20  }
0x32: {  	s21 =	simm.s32 $0x8480;
	s0 =	sadd.s32 s4, s0  }
0x33: {  	[tilespmem:s21], [sflag:$0x1] =	stream.linear.gather [hbm4b:s0+s2], $0x80, $0x38;
	[tilespmem:$0x10400] =	vst v63  }
0x34: {  	s0 =	sand.u32 $0x1FFFFFF0, s22  }
0x35: {  	s23 =	simm.s32 $0x500;
	s0 =	sadd.s32 s3, s0  }
0x36: {  	[tilespmem:s23], [sflag:$0x1] =	stream.linear.gather [hbm4b:s0+s2], $0x80, $0x38;
	[tilespmem:$0x10400] =	vst v63  }
0x37: {  	s0 =	sand.u32 $0x1FFFFFF0, s24  }
0x38: {  	s25 =	simm.s32 $0x8500;
	s0 =	sadd.s32 s4, s0;
	s1 =	spop (v2sf);
	(v2sf) =	vpush v1, $0x6  }
0x39: {  	[tilespmem:s25], [sflag:$0x1] =	stream.linear.gather [hbm4b:s0+s2], $0x80, $0x38;
	[tilespmem:$0x10400] =	vst v63  }
0x3a: {  	s6 =	spop (v2sf);
	(v2sf) =	vpush v63, $0x6  }
0x3b: {  	s0 =	sand.u32 $0x1FFFFFF0, s26  }
0x3c: {  	s28 =	simm.s32 $0x580;
	s0 =	sadd.s32 s3, s0;
	s9 =	spop (v2sf);
	(v2sf) =	vpush v1, $0x7  }
0x3d: {  	[tilespmem:s28], [sflag:$0x1] =	stream.linear.gather [hbm4b:s0+s2], $0x80, $0x38;
	[tilespmem:$0x10400] =	vst v63  }
0x3e: {  	s0 =	sand.u32 $0x1FFFFFF0, s29  }
0x3f: {  	s30 =	simm.s32 $0x8580;
	s0 =	sadd.s32 s4, s0;
	s11 =	spop (v2sf);
	(v2sf) =	vpush v63, $0x7  }
0x40: {  	[tilespmem:s30], [sflag:$0x1] =	stream.linear.gather [hbm4b:s0+s2], $0x80, $0x38;
	[tilespmem:$0x10400] =	vst v63  }
0x41: {  	s0 =	sand.u32 $0x1FFFFFF0, s1  }
0x42: {  	s5 =	simm.s32 $0x600;
	s0 =	sadd.s32 s3, s0  }
0x43: {  	[tilespmem:s5], [sflag:$0x1] =	stream.linear.gather [hbm4b:s0+s2], $0x80, $0x38;
	[tilespmem:$0x10400] =	vst v63  }
0x44: {  	s0 =	sand.u32 $0x1FFFFFF0, s6  }
0x45: {  	s8 =	simm.s32 $0x8600;
	s0 =	sadd.s32 s4, s0  }
0x46: {  	[tilespmem:s8], [sflag:$0x1] =	stream.linear.gather [hbm4b:s0+s2], $0x80, $0x38;
	[tilespmem:$0x10400] =	vst v63  }
0x47: {  	s13 =	spop (v2sf);
	(v2sf) =	vpush v1, $0x8  }
0x48: {  	s0 =	sand.u32 $0x1FFFFFF0, s9  }
0x49: {  	s10 =	simm.s32 $0x680;
	s0 =	sadd.s32 s3, s0;
	s16 =	spop (v2sf);
	(v2sf) =	vpush v63, $0x8  }
0x4a: {  	[tilespmem:s10], [sflag:$0x1] =	stream.linear.gather [hbm4b:s0+s2], $0x80, $0x38;
	[tilespmem:$0x10400] =	vst v63  }
0x4b: {  	s0 =	sand.u32 $0x1FFFFFF0, s11;
	s18 =	spop (v2sf);
	(v2sf) =	vpush v1, $0x9  }
0x4c: {  	s12 =	simm.s32 $0x8680;
	s0 =	sadd.s32 s4, s0  }
0x4d: {  	[tilespmem:s12], [sflag:$0x1] =	stream.linear.gather [hbm4b:s0+s2], $0x80, $0x38;
	[tilespmem:$0x10400] =	vst v63  }
0x4e: {  	s20 =	spop (v2sf);
	(v2sf) =	vpush v63, $0x9  }
0x4f: {  	s0 =	sand.u32 $0x1FFFFFF0, s13  }
0x50: {  	s14 =	simm.s32 $0x700;
	s0 =	sadd.s32 s3, s0  }
0x51: {  	[tilespmem:s14], [sflag:$0x1] =	stream.linear.gather [hbm4b:s0+s2], $0x80, $0x38;
	[tilespmem:$0x10400] =	vst v63  }
0x52: {  	s0 =	sand.u32 $0x1FFFFFF0, s16  }
0x53: {  	s17 =	simm.s32 $0x8700;
	s0 =	sadd.s32 s4, s0  }
0x54: {  	[tilespmem:s17], [sflag:$0x1] =	stream.linear.gather [hbm4b:s0+s2], $0x80, $0x38;
	[tilespmem:$0x10400] =	vst v63  }
0x55: {  	s0 =	sand.u32 $0x1FFFFFF0, s18  }
0x56: {  	s19 =	simm.s32 $0x780;
	s0 =	sadd.s32 s3, s0;
	s22 =	spop (v2sf);
	(v2sf) =	vpush v1, $0xA  }
0x57: {  	[tilespmem:s19], [sflag:$0x1] =	stream.linear.gather [hbm4b:s0+s2], $0x80, $0x38;
	[tilespmem:$0x10400] =	vst v63  }
0x58: {  	s24 =	spop (v2sf);
	(v2sf) =	vpush v63, $0xA  }
0x59: {  	s0 =	sand.u32 $0x1FFFFFF0, s20  }
0x5a: {  	s21 =	simm.s32 $0x8780;
	s0 =	sadd.s32 s4, s0;
	s26 =	spop (v2sf);
	(v2sf) =	vpush v1, $0xB  }
0x5b: {  	[tilespmem:s21], [sflag:$0x1] =	stream.linear.gather [hbm4b:s0+s2], $0x80, $0x38;
	[tilespmem:$0x10400] =	vst v63  }
0x5c: {  	s0 =	sand.u32 $0x1FFFFFF0, s22  }
0x5d: {  	s23 =	simm.s32 $0x800;
	s0 =	sadd.s32 s3, s0;
	s29 =	spop (v2sf);
	(v2sf) =	vpush v63, $0xB  }
0x5e: {  	[tilespmem:s23], [sflag:$0x1] =	stream.linear.gather [hbm4b:s0+s2], $0x80, $0x38;
	[tilespmem:$0x10400] =	vst v63  }
0x5f: {  	s0 =	sand.u32 $0x1FFFFFF0, s24  }
0x60: {  	s25 =	simm.s32 $0x8800;
	s0 =	sadd.s32 s4, s0  }
0x61: {  	[tilespmem:s25], [sflag:$0x1] =	stream.linear.gather [hbm4b:s0+s2], $0x80, $0x38;
	[tilespmem:$0x10400] =	vst v63  }
0x62: {  	s0 =	sand.u32 $0x1FFFFFF0, s26  }
0x63: {  	s28 =	simm.s32 $0x880;
	s0 =	sadd.s32 s3, s0  }
0x64: {  	[tilespmem:s28], [sflag:$0x1] =	stream.linear.gather [hbm4b:s0+s2], $0x80, $0x38;
	[tilespmem:$0x10400] =	vst v63  }
0x65: {  	s1 =	spop (v2sf);
	(v2sf) =	vpush v1, $0xC  }
0x66: {  	s0 =	sand.u32 $0x1FFFFFF0, s29  }
0x67: {  	s30 =	simm.s32 $0x8880;
	s0 =	sadd.s32 s4, s0;
	s6 =	spop (v2sf);
	(v2sf) =	vpush v63, $0xC  }
0x68: {  	[tilespmem:s30], [sflag:$0x1] =	stream.linear.gather [hbm4b:s0+s2], $0x80, $0x38;
	[tilespmem:$0x10400] =	vst v63  }
0x69: {  	s0 =	sand.u32 $0x1FFFFFF0, s1;
	s9 =	spop (v2sf);
	(v2sf) =	vpush v1, $0xD  }
0x6a: {  	s5 =	simm.s32 $0x900;
	s0 =	sadd.s32 s3, s0  }
0x6b: {  	[tilespmem:s5], [sflag:$0x1] =	stream.linear.gather [hbm4b:s0+s2], $0x80, $0x38;
	[tilespmem:$0x10400] =	vst v63  }
0x6c: {  	s11 =	spop (v2sf);
	(v2sf) =	vpush v63, $0xD  }
0x6d: {  	s0 =	sand.u32 $0x1FFFFFF0, s6  }
0x6e: {  	s8 =	simm.s32 $0x8900;
	s0 =	sadd.s32 s4, s0  }
0x6f: {  	[tilespmem:s8], [sflag:$0x1] =	stream.linear.gather [hbm4b:s0+s2], $0x80, $0x38;
	[tilespmem:$0x10400] =	vst v63  }
0x70: {  	s0 =	sand.u32 $0x1FFFFFF0, s9  }
0x71: {  	s10 =	simm.s32 $0x980;
	s0 =	sadd.s32 s3, s0  }
0x72: {  	[tilespmem:s10], [sflag:$0x1] =	stream.linear.gather [hbm4b:s0+s2], $0x80, $0x38;
	[tilespmem:$0x10400] =	vst v63  }
0x73: {  	s0 =	sand.u32 $0x1FFFFFF0, s11  }
0x74: {  	s12 =	simm.s32 $0x8980;
	s0 =	sadd.s32 s4, s0;
	s13 =	spop (v2sf);
	(v2sf) =	vpush v1, $0xE  }
0x75: {  	[tilespmem:s12], [sflag:$0x1] =	stream.linear.gather [hbm4b:s0+s2], $0x80, $0x38;
	[tilespmem:$0x10400] =	vst v63  }
0x76: {  	s16 =	spop (v2sf);
	(v2sf) =	vpush v63, $0xE  }
0x77: {  	s0 =	sand.u32 $0x1FFFFFF0, s13  }
0x78: {  	s14 =	simm.s32 $0xA00;
	s0 =	sadd.s32 s3, s0;
	s18 =	spop (v2sf)  }
0x79: {  	(v2sf) =	vpush v1, $0xF;
	[tilespmem:s14], [sflag:$0x1] =	stream.linear.gather [hbm4b:s0+s2], $0x80, $0x38;
	[tilespmem:$0x10400] =	vst v63  }
0x7a: {  	s0 =	sand.u32 $0x1FFFFFF0, s16  }
0x7b: {  	s17 =	simm.s32 $0x8A00;
	s20 =	spop (v2sf);
	s0 =	sadd.s32 s4, s0  }
0x7c: {  	(v2sf) =	vpush v63, $0xF;
	[tilespmem:s17], [sflag:$0x1] =	stream.linear.gather [hbm4b:s0+s2], $0x80, $0x38;
	[tilespmem:$0x10400] =	vst v63  }
0x7d: {  	s0 =	sand.u32 $0x1FFFFFF0, s18  }
0x7e: {  	s19 =	simm.s32 $0xA80;
	s0 =	sadd.s32 s3, s0  }
0x7f: {  	[tilespmem:s19], [sflag:$0x1] =	stream.linear.gather [hbm4b:s0+s2], $0x80, $0x38;
	[tilespmem:$0x10400] =	vst v63  }
0x80: {  	s0 =	sand.u32 $0x1FFFFFF0, s20  }
0x81: {  	s21 =	simm.s32 $0x8A80;
	s0 =	sadd.s32 s4, s0  }
0x82: {  	[tilespmem:s21], [sflag:$0x1] =	stream.linear.gather [hbm4b:s0+s2], $0x80, $0x38;
	[tilespmem:$0x10400] =	vst v63  }
0x83: {  	s22 =	spop (v2sf)  }
0x84: {  	s0 =	sand.u32 $0x1FFFFFF0, s22  }
0x85: {  	s23 =	simm.s32 $0xB00;
	s24 =	spop (v2sf);
	s0 =	sadd.s32 s3, s0  }
0x86: {  	[tilespmem:s23], [sflag:$0x1] =	stream.linear.gather [hbm4b:s0+s2], $0x80, $0x38;
	[tilespmem:$0x10400] =	vst v63  }
0x87: {  	s0 =	sand.u32 $0x1FFFFFF0, s24  }
0x88: {  	s25 =	simm.s32 $0x8B00;
	s26 =	spop (v2sf);
	s0 =	sadd.s32 s4, s0  }
0x89: {  	[tilespmem:s25], [sflag:$0x1] =	stream.linear.gather [hbm4b:s0+s2], $0x80, $0x38;
	[tilespmem:$0x10400] =	vst v63  }
0x8a: {  	s0 =	sand.u32 $0x1FFFFFF0, s26  }
0x8b: {  	s28 =	simm.s32 $0xB80;
	s29 =	spop (v2sf);
	s0 =	sadd.s32 s3, s0  }
0x8c: {  	[tilespmem:s28], [sflag:$0x1] =	stream.linear.gather [hbm4b:s0+s2], $0x80, $0x38;
	[tilespmem:$0x10400] =	vst v63  }
0x8d: {  	s0 =	sand.u32 $0x1FFFFFF0, s29  }
0x8e: {  	s30 =	simm.s32 $0x8B80;
	s0 =	sadd.s32 s4, s0  }
0x8f: {  	[tilespmem:s30], [sflag:$0x1] =	stream.linear.gather [hbm4b:s0+s2], $0x80, $0x38;
	[tilespmem:$0x10400] =	vst v63  }
0x90: {  	_ =	swait.ge [sflag:s15], $0x80  }
0x91: {  	[sflag:s15] =	ssyncset.done $0x0  }
0x92: {  	[sflag:s15] =	ssyncadd.s32 $0xFFFFFF80  }
0x93: {  	_ =	swait.ge [sflag:s15], $0x80  }
0x94: {  	[sflag:s15] =	ssyncset.done $0x0  }
0x95: {  	[sflag:s15] =	ssyncadd.s32 $0xFFFFFF80  }
0x96: {  	_ =	swait.ge [sflag:s15], $0x80  }
0x97: {  	[sflag:s15] =	ssyncset.done $0x0  }
0x98: {  	[sflag:s15] =	ssyncadd.s32 $0xFFFFFF80  }
0x99: {  	_ =	swait.ge [sflag:s15], $0x80  }
0x9a: {  	[sflag:s15] =	ssyncset.done $0x0  }
0x9b: {  	[sflag:s15] =	ssyncadd.s32 $0xFFFFFF80  }
0x9c: {  	_ =	swait.ge [sflag:s15], $0x80  }
0x9d: {  	[sflag:s15] =	ssyncset.done $0x0  }
0x9e: {  	[sflag:s15] =	ssyncadd.s32 $0xFFFFFF80  }
0x9f: {  	_ =	swait.ge [sflag:s15], $0x80  }
0xa0: {  	[sflag:s15] =	ssyncset.done $0x0  }
0xa1: {  	[sflag:s15] =	ssyncadd.s32 $0xFFFFFF80  }
0xa2: {  	_ =	swait.ge [sflag:s15], $0x80  }
0xa3: {  	[sflag:s15] =	ssyncset.done $0x0  }
0xa4: {  	[sflag:s15] =	ssyncadd.s32 $0xFFFFFF80  }
0xa5: {  	_ =	swait.ge [sflag:s15], $0x80  }
0xa6: {  	[sflag:s15] =	ssyncset.done $0x0  }
0xa7: {  	[sflag:s15] =	ssyncadd.s32 $0xFFFFFF80  }
0xa8: {  	_ =	swait.ge [sflag:s15], $0x80  }
0xa9: {  	[sflag:s15] =	ssyncset.done $0x0  }
0xaa: {  	[sflag:s15] =	ssyncadd.s32 $0xFFFFFF80  }
0xab: {  	_ =	swait.ge [sflag:s15], $0x80  }
0xac: {  	[sflag:s15] =	ssyncset.done $0x0  }
0xad: {  	[sflag:s15] =	ssyncadd.s32 $0xFFFFFF80  }
0xae: {  	_ =	swait.ge [sflag:s15], $0x80  }
0xaf: {  	[sflag:s15] =	ssyncset.done $0x0  }
0xb0: {  	[sflag:s15] =	ssyncadd.s32 $0xFFFFFF80  }
0xb1: {  	_ =	swait.ge [sflag:s15], $0x80  }
0xb2: {  	[sflag:s15] =	ssyncset.done $0x0  }
0xb3: {  	[sflag:s15] =	ssyncadd.s32 $0xFFFFFF80  }
0xb4: {  	_ =	swait.ge [sflag:s15], $0x80  }
0xb5: {  	[sflag:s15] =	ssyncset.done $0x0  }
0xb6: {  	[sflag:s15] =	ssyncadd.s32 $0xFFFFFF80  }
0xb7: {  	_ =	swait.ge [sflag:s15], $0x80  }
0xb8: {  	[sflag:s15] =	ssyncset.done $0x0  }
0xb9: {  	[sflag:s15] =	ssyncadd.s32 $0xFFFFFF80  }
0xba: {  	_ =	swait.ge [sflag:s15], $0x80  }
0xbb: {  	[sflag:s15] =	ssyncset.done $0x0  }
0xbc: {  	[sflag:s15] =	ssyncadd.s32 $0xFFFFFF80  }
0xbd: {  	_ =	swait.ge [sflag:s15], $0x80  }
0xbe: {  	[sflag:s15] =	ssyncset.done $0x0  }
0xbf: {  	[sflag:s15] =	ssyncadd.s32 $0xFFFFFF80  }
0xc0: {  	_ =	swait.ge [sflag:s15], $0x80  }
0xc1: {  	[sflag:s15] =	ssyncset.done $0x0  }
0xc2: {  	[sflag:s15] =	ssyncadd.s32 $0xFFFFFF80  }
0xc3: {  	_ =	swait.ge [sflag:s15], $0x80  }
0xc4: {  	[sflag:s15] =	ssyncset.done $0x0  }
0xc5: {  	[sflag:s15] =	ssyncadd.s32 $0xFFFFFF80  }
0xc6: {  	_ =	swait.ge [sflag:s15], $0x80  }
0xc7: {  	[sflag:s15] =	ssyncset.done $0x0  }
0xc8: {  	[sflag:s15] =	ssyncadd.s32 $0xFFFFFF80  }
0xc9: {  	_ =	swait.ge [sflag:s15], $0x80  }
0xca: {  	[sflag:s15] =	ssyncset.done $0x0  }
0xcb: {  	[sflag:s15] =	ssyncadd.s32 $0xFFFFFF80  }
0xcc: {  	_ =	swait.ge [sflag:s15], $0x80  }
0xcd: {  	[sflag:s15] =	ssyncset.done $0x0  }
0xce: {  	[sflag:s15] =	ssyncadd.s32 $0xFFFFFF80  }
0xcf: {  	_ =	swait.ge [sflag:s15], $0x80  }
0xd0: {  	[sflag:s15] =	ssyncset.done $0x0  }
0xd1: {  	[sflag:s15] =	ssyncadd.s32 $0xFFFFFF80  }
0xd2: {  	_ =	swait.ge [sflag:s15], $0x80  }
0xd3: {  	[sflag:s15] =	ssyncset.done $0x0  }
0xd4: {  	[sflag:s15] =	ssyncadd.s32 $0xFFFFFF80  }
0xd5: {  	_ =	swait.ge [sflag:s15], $0x80  }
0xd6: {  	[sflag:s15] =	ssyncset.done $0x0  }
0xd7: {  	[sflag:s15] =	ssyncadd.s32 $0xFFFFFF80  }
0xd8: {  	_ =	swait.ge [sflag:s15], $0x80  }
0xd9: {  	[sflag:s15] =	ssyncset.done $0x0  }
0xda: {  	[sflag:s15] =	ssyncadd.s32 $0xFFFFFF80  }
0xdb: {  	_ =	swait.ge [sflag:s15], $0x80  }
0xdc: {  	[sflag:s15] =	ssyncset.done $0x0  }
0xdd: {  	[sflag:s15] =	ssyncadd.s32 $0xFFFFFF80  }
0xde: {  	_ =	swait.ge [sflag:s15], $0x80  }
0xdf: {  	s31 =	simm.s32 $0x0;
	s19 =	simm.s32 $0x2000;
	[sflag:s15] =	ssyncset.done $0x0  }
.LBB2_2:
0xe0: {  	[sflag:s15] =	ssyncadd.s32 $0xFFFFFF80  }
0xe1: {  	_ =	swait.ge [sflag:s15], $0x80  }
0xe2: {  	[sflag:s15] =	ssyncset.done $0x0  }
0xe3: {  	[sflag:s15] =	ssyncadd.s32 $0xFFFFFF80  }
0xe4: {  	_ =	swait.ge [sflag:s15], $0x80  }
0xe5: {  	[sflag:s15] =	ssyncset.done $0x0  }
0xe6: {  	[sflag:s15] =	ssyncadd.s32 $0xFFFFFF80  }
0xe7: {  	_ =	swait.ge [sflag:s15], $0x80  }
0xe8: {  	[sflag:s15] =	ssyncset.done $0x0  }
0xe9: {  	[sflag:s15] =	ssyncadd.s32 $0xFFFFFF80  }
0xea: {  	_ =	swait.ge [sflag:s15], $0x80  }
0xeb: {  	[sflag:s15] =	ssyncset.done $0x0  }
0xec: {  	[sflag:s15] =	ssyncadd.s32 $0xFFFFFF80  }
0xed: {  	_ =	swait.ge [sflag:s15], $0x80  }
0xee: {  	[sflag:s15] =	ssyncset.done $0x0  }
0xef: {  	s31 =	sadd.s32 $0x10, s31;
	[sflag:s15] =	ssyncadd.s32 $0xFFFFFF80  }
0xf0: {  	s1 =	sadd.s32 $0x10, s7;
	v0 =	vld [tilespmem:s31+$0x0]  }
0xf1: {  	v2 =	vld [tilespmem:s1+$0x0];
	_ =	sdelay $0x3  }
0xf2: {  	v1 =	vshll.u32 v0, $0x4  }
0xf3: {  	v63 =	vshll.u32 v2, $0x4;
	(v2sf) =	vpush v1, $0x0  }
0xf4: {  	s0 =	smov.u32 s19;
	(v2sf) =	vpush v63, $0x0  }
0xf5: {  	s21 =	sshra.s32 s0, $0x2;
	(v2sf) =	vpush v1, $0x1  }
0xf6: {  	s24 =	sadd.s32 $0x8400, s21;
	s6 =	sadd.s32 $0x680, s21;
	s0 =	sadd.s32 $0x880, s21  }
0xf7: {  	s26 =	sadd.s32 $0x400, s21;
	s13 =	sadd.s32 $0x600, s21;
	s9 =	sadd.s32 $0x8900, s21;
	(v2sf) =	vpush v63, $0x1  }
0xf8: {  	s18 =	sadd.s32 $0x580, s21;
	s14 =	sadd.s32 $0x8580, s21;
	s10 =	sadd.s32 $0x8980, s21  }
0xf9: {  	s23 =	sadd.s32 $0x500, s21;
	s17 =	sadd.s32 $0x8600, s21;
	s11 =	sadd.s32 $0x8A00, s21;
	(v2sf) =	vpush v1, $0x2  }
0xfa: {  	s25 =	sadd.s32 $0x8480, s21;
	s22 =	sadd.s32 $0x8500, s21;
	[dreg:$0x14] =	wrdreg s0  }
0xfb: {  	s12 =	sadd.s32 $0x980, s21;
	s16 =	sadd.s32 $0x8A80, s21;
	[dreg:$0xe] =	wrdreg s9;
	(v2sf) =	vpush v63, $0x2  }
0xfc: {  	s20 =	sadd.s32 $0x900, s21;
	s8 =	sadd.s32 $0x780, s21;
	[dreg:$0xa] =	wrdreg s10  }
0xfd: {  	s7 =	sadd.s32 $0x8780, s21;
	s5 =	sadd.s32 $0x800, s21;
	[dreg:$0x6] =	wrdreg s11;
	(v2sf) =	vpush v1, $0x3  }
0xfe: {  	s28 =	sadd.s32 $0xA80, s21;
	s29 =	sadd.s32 $0xB00, s21;
	[dreg:$0x12] =	wrdreg s12  }
0xff: {  	s11 =	sadd.s32 $0x8680, s21;
	s10 =	sadd.s32 $0x700, s21;
	[dreg:$0x4] =	wrdreg s16;
	(v2sf) =	vpush v63, $0x3  }
0x100: {  	s9 =	sadd.s32 $0x8700, s21;
	s12 =	sadd.s32 $0x8880, s21;
	[dreg:$0x16] =	wrdreg s20  }
0x101: {  	s16 =	sadd.s32 $0x8800, s21;
	s0 =	sadd.s32 $0x480, s21;
	[dreg:$0x10] =	wrdreg s28;
	(v2sf) =	vpush v1, $0x4  }
0x102: {  	s20 =	sadd.s32 $0x8B00, s21;
	[dreg:$0xc] =	wrdreg s29;
	s28 =	spop (v2sf)  }
0x103: {  	[dreg:$0x8] =	wrdreg s20;
	s30 =	sand.u32 $0x1FFFFFF0, s28;
	s29 =	spop (v2sf);
	(v2sf) =	vpush v63, $0x4  }
0x104: {  	s20 =	sadd.s32 s3, s30;
	s29 =	sand.u32 $0x1FFFFFF0, s29;
	s30 =	spop (v2sf)  }
0x105: {  	(v2sf) =	vpush v1, $0x5;
	[tilespmem:s26], [sflag:$0x1] =	stream.linear.gather [hbm4b:s20+s2], $0x80, $0x38;
	[tilespmem:$0x10400] =	vst v63  }
0x106: {  	s20 =	sadd.s32 s4, s29;
	s26 =	sand.u32 $0x1FFFFFF0, s30;
	s30 =	spop (v2sf)  }
0x107: {  	(v2sf) =	vpush v63, $0x5;
	[tilespmem:s24], [sflag:$0x1] =	stream.linear.gather [hbm4b:s20+s2], $0x80, $0x38;
	[tilespmem:$0x10400] =	vst v63  }
0x108: {  	s26 =	sadd.s32 s3, s26;
	s29 =	sand.u32 $0x1FFFFFF0, s30;
	s30 =	spop (v2sf)  }
0x109: {  	(v2sf) =	vpush v1, $0x6;
	[tilespmem:s0], [sflag:$0x1] =	stream.linear.gather [hbm4b:s26+s2], $0x80, $0x38;
	[tilespmem:$0x10400] =	vst v63  }
0x10a: {  	s24 =	sadd.s32 s4, s29;
	s29 =	sand.u32 $0x1FFFFFF0, s30;
	s30 =	spop (v2sf)  }
0x10b: {  	(v2sf) =	vpush v63, $0x6;
	[tilespmem:s25], [sflag:$0x1] =	stream.linear.gather [hbm4b:s24+s2], $0x80, $0x38;
	[tilespmem:$0x10400] =	vst v63  }
0x10c: {  	s26 =	sadd.s32 s3, s29;
	s29 =	sand.u32 $0x1FFFFFF0, s30;
	s30 =	spop (v2sf)  }
0x10d: {  	(v2sf) =	vpush v1, $0x7;
	[tilespmem:s23], [sflag:$0x1] =	stream.linear.gather [hbm4b:s26+s2], $0x80, $0x38;
	[tilespmem:$0x10400] =	vst v63  }
0x10e: {  	s24 =	sand.u32 $0x1FFFFFF0, s30;
	s25 =	spop (v2sf);
	s23 =	sadd.s32 s4, s29  }
0x10f: {  	(v2sf) =	vpush v63, $0x7;
	[tilespmem:s22], [sflag:$0x1] =	stream.linear.gather [hbm4b:s23+s2], $0x80, $0x38;
	[tilespmem:$0x10400] =	vst v63  }
0x110: {  	s30 =	spop (v2sf);
	s26 =	sadd.s32 s3, s24;
	s29 =	sand.u32 $0x1FFFFFF0, s25  }
0x111: {  	(v2sf) =	vpush v1, $0x8;
	[tilespmem:s18], [sflag:$0x1] =	stream.linear.gather [hbm4b:s26+s2], $0x80, $0x38;
	[tilespmem:$0x10400] =	vst v63  }
0x112: {  	s24 =	sand.u32 $0x1FFFFFF0, s30;
	s23 =	sadd.s32 s4, s29;
	s25 =	spop (v2sf)  }
0x113: {  	(v2sf) =	vpush v63, $0x8;
	[tilespmem:s14], [sflag:$0x1] =	stream.linear.gather [hbm4b:s23+s2], $0x80, $0x38;
	[tilespmem:$0x10400] =	vst v63  }
0x114: {  	s26 =	sadd.s32 s3, s24;
	s29 =	sand.u32 $0x1FFFFFF0, s25;
	s30 =	spop (v2sf)  }
0x115: {  	[tilespmem:s13], [sflag:$0x1] =	stream.linear.gather [hbm4b:s26+s2], $0x80, $0x38;
	[tilespmem:$0x10400] =	vst v63  }
0x116: {  	(v2sf) =	vpush v1, $0x9;
	s14 =	sadd.s32 s4, s29;
	s20 =	sand.u32 $0x1FFFFFF0, s30;
	s22 =	spop (v2sf)  }
0x117: {  	(v2sf) =	vpush v63, $0x9;
	[tilespmem:s17], [sflag:$0x1] =	stream.linear.gather [hbm4b:s14+s2], $0x80, $0x38;
	[tilespmem:$0x10400] =	vst v63  }
0x118: {  	s23 =	sadd.s32 s3, s20;
	s24 =	sand.u32 $0x1FFFFFF0, s22;
	s25 =	spop (v2sf)  }
0x119: {  	(v2sf) =	vpush v1, $0xA;
	[tilespmem:s6], [sflag:$0x1] =	stream.linear.gather [hbm4b:s23+s2], $0x80, $0x38;
	[tilespmem:$0x10400] =	vst v63  }
0x11a: {  	s26 =	sadd.s32 s4, s24;
	s29 =	sand.u32 $0x1FFFFFF0, s25;
	s30 =	spop (v2sf);
	(v2sf) =	vpush v63, $0xA  }
0x11b: {  	[tilespmem:s11], [sflag:$0x1] =	stream.linear.gather [hbm4b:s26+s2], $0x80, $0x38;
	[tilespmem:$0x10400] =	vst v63  }
0x11c: {  	s14 =	sand.u32 $0x1FFFFFF0, s30;
	s17 =	spop (v2sf);
	s11 =	sadd.s32 s3, s29  }
0x11d: {  	(v2sf) =	vpush v1, $0xB;
	[tilespmem:s10], [sflag:$0x1] =	stream.linear.gather [hbm4b:s11+s2], $0x80, $0x38;
	[tilespmem:$0x10400] =	vst v63  }
0x11e: {  	s18 =	sadd.s32 s4, s14;
	s20 =	sand.u32 $0x1FFFFFF0, s17;
	s22 =	spop (v2sf)  }
0x11f: {  	(v2sf) =	vpush v63, $0xB;
	[tilespmem:s9], [sflag:$0x1] =	stream.linear.gather [hbm4b:s18+s2], $0x80, $0x38;
	[tilespmem:$0x10400] =	vst v63  }
0x120: {  	s28 =	sadd.s32 $0xA00, s21;
	s23 =	sadd.s32 s3, s20;
	s25 =	spop (v2sf)  }
0x121: {  	(v2sf) =	vpush v1, $0xC;
	[tilespmem:s8], [sflag:$0x1] =	stream.linear.gather [hbm4b:s23+s2], $0x80, $0x38;
	[tilespmem:$0x10400] =	vst v63  }
0x122: {  	s20 =	rddreg [dreg:$0x14];
	s24 =	sand.u32 $0x1FFFFFF0, s22;
	s30 =	spop (v2sf)  }
0x123: {  	s26 =	sadd.s32 s4, s24;
	s29 =	sand.u32 $0x1FFFFFF0, s25;
	s9 =	sand.u32 $0x1FFFFFF0, s30  }
0x124: {  	[tilespmem:s7], [sflag:$0x1] =	stream.linear.gather [hbm4b:s26+s2], $0x80, $0x38;
	[tilespmem:$0x10400] =	vst v63  }
0x125: {  	(v2sf) =	vpush v63, $0xC;
	s10 =	spop (v2sf);
	s30 =	rddreg [dreg:$0x16];
	s7 =	sadd.s32 s3, s29  }
0x126: {  	s11 =	sadd.s32 s4, s9;
	s13 =	sand.u32 $0x1FFFFFF0, s10;
	s14 =	spop (v2sf)  }
0x127: {  	(v2sf) =	vpush v1, $0xD;
	[tilespmem:s5], [sflag:$0x1] =	stream.linear.gather [hbm4b:s7+s2], $0x80, $0x38;
	[tilespmem:$0x10400] =	vst v63  }
0x128: {  	s17 =	sand.u32 $0x1FFFFFF0, s14;
	s18 =	spop (v2sf);
	s7 =	smov.u32 s1  }
0x129: {  	(v2sf) =	vpush v63, $0xD;
	s22 =	sadd.s32 s4, s17;
	s23 =	sand.u32 $0x1FFFFFF0, s18;
	s24 =	spop (v2sf)  }
0x12a: {  	[tilespmem:s16], [sflag:$0x1] =	stream.linear.gather [hbm4b:s11+s2], $0x80, $0x38;
	[tilespmem:$0x10400] =	vst v63  }
0x12b: {  	(v2sf) =	vpush v1, $0xE;
	s25 =	sadd.s32 s3, s23;
	s26 =	sand.u32 $0x1FFFFFF0, s24;
	s16 =	sadd.s32 s3, s13  }
0x12c: {  	s29 =	spop (v2sf);
	s8 =	sadd.s32 s4, s26;
	s11 =	rddreg [dreg:$0xe]  }
0x12d: {  	(v2sf) =	vpush v63, $0xE;
	[tilespmem:s20], [sflag:$0x1] =	stream.linear.gather [hbm4b:s16+s2], $0x80, $0x38;
	[tilespmem:$0x10400] =	vst v63  }
0x12e: {  	s9 =	sand.u32 $0x1FFFFFF0, s29;
	s10 =	spop (v2sf);
	s16 =	rddreg [dreg:$0x12]  }
0x12f: {  	[tilespmem:s12], [sflag:$0x1] =	stream.linear.gather [hbm4b:s22+s2], $0x80, $0x38;
	[tilespmem:$0x10400] =	vst v63  }
0x130: {  	s13 =	sand.u32 $0x1FFFFFF0, s10;
	s14 =	spop (v2sf);
	s12 =	sadd.s32 s3, s9  }
0x131: {  	(v2sf) =	vpush v1, $0xF;
	[tilespmem:s30], [sflag:$0x1] =	stream.linear.gather [hbm4b:s25+s2], $0x80, $0x38;
	[tilespmem:$0x10400] =	vst v63  }
0x132: {  	s17 =	sadd.s32 s4, s13;
	s18 =	sand.u32 $0x1FFFFFF0, s14;
	s22 =	rddreg [dreg:$0xa]  }
0x133: {  	(v2sf) =	vpush v63, $0xF;
	[tilespmem:s11], [sflag:$0x1] =	stream.linear.gather [hbm4b:s8+s2], $0x80, $0x38;
	[tilespmem:$0x10400] =	vst v63  }
0x134: {  	s23 =	sadd.s32 s3, s18;
	s30 =	rddreg [dreg:$0x6];
	s20 =	spop (v2sf)  }
0x135: {  	[tilespmem:s16], [sflag:$0x1] =	stream.linear.gather [hbm4b:s12+s2], $0x80, $0x38;
	[tilespmem:$0x10400] =	vst v63  }
0x136: {  	s11 =	rddreg [dreg:$0x10];
	s24 =	sand.u32 $0x1FFFFFF0, s20;
	s25 =	spop (v2sf)  }
0x137: {  	[tilespmem:s22], [sflag:$0x1] =	stream.linear.gather [hbm4b:s17+s2], $0x80, $0x38;
	[tilespmem:$0x10400] =	vst v63  }
0x138: {  	s16 =	rddreg [dreg:$0x4];
	s26 =	sadd.s32 s4, s24;
	s29 =	spop (v2sf)  }
0x139: {  	[tilespmem:s28], [sflag:$0x1] =	stream.linear.gather [hbm4b:s23+s2], $0x80, $0x38;
	[tilespmem:$0x10400] =	vst v63  }
0x13a: {  	s9 =	sand.u32 $0x1FFFFFF0, s29;
	s10 =	spop (v2sf);
	s28 =	sand.u32 $0x1FFFFFF0, s25  }
0x13b: {  	[tilespmem:s30], [sflag:$0x1] =	stream.linear.gather [hbm4b:s26+s2], $0x80, $0x38;
	[tilespmem:$0x10400] =	vst v63  }
0x13c: {  	s22 =	rddreg [dreg:$0xc];
	s14 =	spop (v2sf);
	s8 =	sadd.s32 s3, s28  }
0x13d: {  	[tilespmem:s11], [sflag:$0x1] =	stream.linear.gather [hbm4b:s8+s2], $0x80, $0x38;
	[tilespmem:$0x10400] =	vst v63  }
0x13e: {  	s12 =	sadd.s32 s4, s9;
	s13 =	sand.u32 $0x1FFFFFF0, s10;
	s18 =	sand.u32 $0x1FFFFFF0, s14  }
0x13f: {  	[tilespmem:s16], [sflag:$0x1] =	stream.linear.gather [hbm4b:s12+s2], $0x80, $0x38;
	[tilespmem:$0x10400] =	vst v63  }
0x140: {  	s17 =	sadd.s32 s3, s13;
	s20 =	spop (v2sf);
	s23 =	sadd.s32 s4, s18  }
0x141: {  	[tilespmem:s22], [sflag:$0x1] =	stream.linear.gather [hbm4b:s17+s2], $0x80, $0x38;
	[tilespmem:$0x10400] =	vst v63  }
0x142: {  	s24 =	sand.u32 $0x1FFFFFF0, s20;
	s26 =	rddreg [dreg:$0x8];
	s25 =	spop (v2sf)  }
0x143: {  	[tilespmem:s26], [sflag:$0x1] =	stream.linear.gather [hbm4b:s23+s2], $0x80, $0x38;
	[tilespmem:$0x10400] =	vst v63  }
0x144: {  	s28 =	sadd.s32 $0xB80, s21;
	s1 =	sadd.s32 s3, s24;
	s5 =	sand.u32 $0x1FFFFFF0, s25  }
0x145: {  	[tilespmem:s28], [sflag:$0x1] =	stream.linear.gather [hbm4b:s1+s2], $0x80, $0x38;
	[tilespmem:$0x10400] =	vst v63  }
0x146: {  	s29 =	sadd.s32 $0x8B80, s21;
	s30 =	sadd.s32 s4, s5  }
0x147: {  	[tilespmem:s29], [sflag:$0x1] =	stream.linear.gather [hbm4b:s30+s2], $0x80, $0x38;
	[tilespmem:$0x10400] =	vst v63  }
0x148: {  	_ =	swait.ge [sflag:s15], $0x80  }
0x149: {  	[sflag:s15] =	ssyncset.done $0x0  }
0x14a: {  	[sflag:s15] =	ssyncadd.s32 $0xFFFFFF80  }
0x14b: {  	_ =	swait.ge [sflag:s15], $0x80  }
0x14c: {  	[sflag:s15] =	ssyncset.done $0x0  }
0x14d: {  	[sflag:s15] =	ssyncadd.s32 $0xFFFFFF80  }
0x14e: {  	_ =	swait.ge [sflag:s15], $0x80  }
0x14f: {  	[sflag:s15] =	ssyncset.done $0x0  }
0x150: {  	[sflag:s15] =	ssyncadd.s32 $0xFFFFFF80  }
0x151: {  	_ =	swait.ge [sflag:s15], $0x80  }
0x152: {  	[sflag:s15] =	ssyncset.done $0x0  }
0x153: {  	[sflag:s15] =	ssyncadd.s32 $0xFFFFFF80  }
0x154: {  	_ =	swait.ge [sflag:s15], $0x80  }
0x155: {  	[sflag:s15] =	ssyncset.done $0x0  }
0x156: {  	[sflag:s15] =	ssyncadd.s32 $0xFFFFFF80  }
0x157: {  	_ =	swait.ge [sflag:s15], $0x80  }
0x158: {  	[sflag:s15] =	ssyncset.done $0x0  }
0x159: {  	[sflag:s15] =	ssyncadd.s32 $0xFFFFFF80  }
0x15a: {  	_ =	swait.ge [sflag:s15], $0x80  }
0x15b: {  	[sflag:s15] =	ssyncset.done $0x0  }
0x15c: {  	[sflag:s15] =	ssyncadd.s32 $0xFFFFFF80  }
0x15d: {  	_ =	swait.ge [sflag:s15], $0x80  }
0x15e: {  	[sflag:s15] =	ssyncset.done $0x0  }
0x15f: {  	[sflag:s15] =	ssyncadd.s32 $0xFFFFFF80  }
0x160: {  	_ =	swait.ge [sflag:s15], $0x80  }
0x161: {  	[sflag:s15] =	ssyncset.done $0x0  }
0x162: {  	[sflag:s15] =	ssyncadd.s32 $0xFFFFFF80  }
0x163: {  	_ =	swait.ge [sflag:s15], $0x80  }
0x164: {  	[sflag:s15] =	ssyncset.done $0x0  }
0x165: {  	[sflag:s15] =	ssyncadd.s32 $0xFFFFFF80  }
0x166: {  	_ =	swait.ge [sflag:s15], $0x80  }
0x167: {  	[sflag:s15] =	ssyncset.done $0x0  }
0x168: {  	[sflag:s15] =	ssyncadd.s32 $0xFFFFFF80  }
0x169: {  	_ =	swait.ge [sflag:s15], $0x80  }
0x16a: {  	[sflag:s15] =	ssyncset.done $0x0  }
0x16b: {  	[sflag:s15] =	ssyncadd.s32 $0xFFFFFF80  }
0x16c: {  	_ =	swait.ge [sflag:s15], $0x80  }
0x16d: {  	[sflag:s15] =	ssyncset.done $0x0  }
0x16e: {  	[sflag:s15] =	ssyncadd.s32 $0xFFFFFF80  }
0x16f: {  	_ =	swait.ge [sflag:s15], $0x80  }
0x170: {  	[sflag:s15] =	ssyncset.done $0x0  }
0x171: {  	[sflag:s15] =	ssyncadd.s32 $0xFFFFFF80  }
0x172: {  	_ =	swait.ge [sflag:s15], $0x80  }
0x173: {  	[sflag:s15] =	ssyncset.done $0x0  }
0x174: {  	[sflag:s15] =	ssyncadd.s32 $0xFFFFFF80  }
0x175: {  	_ =	swait.ge [sflag:s15], $0x80  }
0x176: {  	[sflag:s15] =	ssyncset.done $0x0  }
0x177: {  	[sflag:s15] =	ssyncadd.s32 $0xFFFFFF80  }
0x178: {  	_ =	swait.ge [sflag:s15], $0x80  }
0x179: {  	[sflag:s15] =	ssyncset.done $0x0  }
0x17a: {  	[sflag:s15] =	ssyncadd.s32 $0xFFFFFF80  }
0x17b: {  	_ =	swait.ge [sflag:s15], $0x80  }
0x17c: {  	[sflag:s15] =	ssyncset.done $0x0  }
0x17d: {  	[sflag:s15] =	ssyncadd.s32 $0xFFFFFF80  }
0x17e: {  	_ =	swait.ge [sflag:s15], $0x80  }
0x17f: {  	[sflag:s15] =	ssyncset.done $0x0  }
0x180: {  	[sflag:s15] =	ssyncadd.s32 $0xFFFFFF80  }
0x181: {  	_ =	swait.ge [sflag:s15], $0x80  }
0x182: {  	[sflag:s15] =	ssyncset.done $0x0  }
0x183: {  	[sflag:s15] =	ssyncadd.s32 $0xFFFFFF80  }
0x184: {  	_ =	swait.ge [sflag:s15], $0x80  }
0x185: {  	[sflag:s15] =	ssyncset.done $0x0  }
0x186: {  	[sflag:s15] =	ssyncadd.s32 $0xFFFFFF80  }
0x187: {  	_ =	swait.ge [sflag:s15], $0x80  }
0x188: {  	[sflag:s15] =	ssyncset.done $0x0  }
0x189: {  	[sflag:s15] =	ssyncadd.s32 $0xFFFFFF80  }
0x18a: {  	_ =	swait.ge [sflag:s15], $0x80  }
0x18b: {  	[sflag:s15] =	ssyncset.done $0x0  }
0x18c: {  	[sflag:s15] =	ssyncadd.s32 $0xFFFFFF80  }
0x18d: {  	_ =	swait.ge [sflag:s15], $0x80  }
0x18e: {  	[sflag:s15] =	ssyncset.done $0x0  }
0x18f: {  	[sflag:s15] =	ssyncadd.s32 $0xFFFFFF80  }
0x190: {  	_ =	swait.ge [sflag:s15], $0x80  }
0x191: {  	[sflag:s15] =	ssyncset.done $0x0  }
0x192: {  	p0 =	sne.s32 s19, $0x1E000;
	[sflag:s15] =	ssyncadd.s32 $0xFFFFFF80  }
.Ltmp0:
0x193: {  	_ =	swait.ge [sflag:s15], $0x80;
	(pc) =	sbr.rel @p0 .LBB2_2-.Ltmp0, $4  }
0x194: {  	[sflag:s15] =	ssyncset.done $0x0  }
0x195: {  	[sflag:s15] =	ssyncadd.s32 $0xFFFFFF80  }
0x196: {  	_ =	swait.ge [sflag:s15], $0x80  }
0x197: {  	s19 =	sadd.s32 $0x2000, s19;
	[sflag:s15] =	ssyncset.done $0x0  }
0x198: {  	[sflag:s15] =	ssyncadd.s32 $0xFFFFFF80  }
0x199: {  	_ =	swait.ge [sflag:s15], $0x80  }
0x19a: {  	[sflag:s15] =	ssyncset.done $0x0  }
0x19b: {  	[sflag:s15] =	ssyncadd.s32 $0xFFFFFF80  }
0x19c: {  	_ =	swait.ge [sflag:s15], $0x80  }
0x19d: {  	[sflag:s15] =	ssyncset.done $0x0  }
0x19e: {  	[sflag:s15] =	ssyncadd.s32 $0xFFFFFF80  }
0x19f: {  	_ =	swait.ge [sflag:s15], $0x80  }
0x1a0: {  	[sflag:s15] =	ssyncset.done $0x0  }
0x1a1: {  	[sflag:s15] =	ssyncadd.s32 $0xFFFFFF80  }
0x1a2: {  	_ =	swait.ge [sflag:s15], $0x80  }
0x1a3: {  	[sflag:s15] =	ssyncset.done $0x0  }
0x1a4: {  	[sflag:s15] =	ssyncadd.s32 $0xFFFFFF80  }
0x1a5: {  	_ =	swait.ge [sflag:s15], $0x80  }
0x1a6: {  	s0 =	simm.s32 $0x0;
	s5 =	simm.s32 $0x400;
	[sflag:s15] =	ssyncset.done $0x0  }
0x1a7: {  	s11 =	simm.s32 $0x2;
	s1 =	rddreg [dreg:$0x19];
	[sflag:s15] =	ssyncadd.s32 $0xFFFFFF80  }
0x1a8: {  	[hbm4b:s1+s0] =	stream.linear.scatter [tilespmem:s5], [sflag:$0x2], $0x8000, $0x38;
	[tilespmem:$0x10400] =	vst v63  }
0x1a9: {  	_ =	swait.ge [sflag:s11], $0x8000  }
0x1aa: {  	[sflag:s11] =	ssyncset.done $0x0  }
0x1ab: {  	s6 =	simm.s32 $0x8400;
	s12 =	rddreg [dreg:$0x1a];
	[sflag:s11] =	ssyncadd.s32 $0xFFFF8000  }
0x1ac: {  	[hbm4b:s12+s0] =	stream.linear.scatter [tilespmem:s6], [sflag:$0x2], $0x8000, $0x38;
	[tilespmem:$0x10400] =	vst v63  }
0x1ad: {  	_ =	swait.ge [sflag:s11], $0x8000  }
0x1ae: {  	[sflag:s11] =	ssyncset.done $0x0  }
0x1af: {  	s5 =	simm.s32 $0x100;
	[sflag:s11] =	ssyncadd.s32 $0xFFFF8000  }
0x1b0: {  	v0 =	vld [tilespmem:s5+$0x0]  }
0x1b1: {  	s31 =	simm.s32 $0x300  }
0x1b2: {  	v2 =	vld [tilespmem:s31+$0x0];
	_ =	sdelay $0x2  }
0x1b3: {  	v1 =	vshll.u32 v0, $0x4  }
0x1b4: {  	(v2sf) =	vpush v1, $0x0  }
0x1b5: {  	v63 =	vshll.u32 v2, $0x4  }
0x1b6: {  	(v2sf) =	vpush v63, $0x0;
	_ =	sdelay $0x1  }
0x1b7: {  	(v2sf) =	vpush v1, $0x1;
	_ =	sdelay $0x2  }
0x1b8: {  	(v2sf) =	vpush v63, $0x1;
	_ =	sdelay $0x7  }
0x1b9: {  	s13 =	spop (v2sf);
	(v2sf) =	vpush v1, $0x2;
	_ =	sdelay $0x1  }
0x1ba: {  	s16 =	spop (v2sf);
	(v2sf) =	vpush v63, $0x2;
	_ =	sdelay $0x1  }
0x1bb: {  	s18 =	spop (v2sf);
	(v2sf) =	vpush v1, $0x3;
	_ =	sdelay $0x2  }
0x1bc: {  	s20 =	spop (v2sf);
	(v2sf) =	vpush v63, $0x3;
	_ =	sdelay $0x4  }
0x1bd: {  	s0 =	sand.u32 $0x1FFFFFF0, s13  }
0x1be: {  	s14 =	simm.s32 $0x400;
	s0 =	sadd.s32 s3, s0  }
0x1bf: {  	[tilespmem:s14], [sflag:$0x1] =	stream.linear.gather [hbm4b:s0+s2], $0x80, $0x38;
	[tilespmem:$0x10400] =	vst v63  }
0x1c0: {  	s22 =	spop (v2sf);
	(v2sf) =	vpush v1, $0x4  }
0x1c1: {  	s0 =	sand.u32 $0x1FFFFFF0, s16  }
0x1c2: {  	s17 =	simm.s32 $0x8400;
	s0 =	sadd.s32 s4, s0;
	s24 =	spop (v2sf);
	(v2sf) =	vpush v63, $0x4  }
0x1c3: {  	[tilespmem:s17], [sflag:$0x1] =	stream.linear.gather [hbm4b:s0+s2], $0x80, $0x38;
	[tilespmem:$0x10400] =	vst v63  }
0x1c4: {  	s0 =	sand.u32 $0x1FFFFFF0, s18;
	s26 =	spop (v2sf);
	(v2sf) =	vpush v1, $0x5  }
0x1c5: {  	s19 =	simm.s32 $0x480;
	s0 =	sadd.s32 s3, s0  }
0x1c6: {  	[tilespmem:s19], [sflag:$0x1] =	stream.linear.gather [hbm4b:s0+s2], $0x80, $0x38;
	[tilespmem:$0x10400] =	vst v63  }
0x1c7: {  	s29 =	spop (v2sf);
	(v2sf) =	vpush v63, $0x5  }
0x1c8: {  	s0 =	sand.u32 $0x1FFFFFF0, s20  }
0x1c9: {  	s21 =	simm.s32 $0x8480;
	s0 =	sadd.s32 s4, s0  }
0x1ca: {  	[tilespmem:s21], [sflag:$0x1] =	stream.linear.gather [hbm4b:s0+s2], $0x80, $0x38;
	[tilespmem:$0x10400] =	vst v63  }
0x1cb: {  	s0 =	sand.u32 $0x1FFFFFF0, s22  }
0x1cc: {  	s23 =	simm.s32 $0x500;
	s0 =	sadd.s32 s3, s0  }
0x1cd: {  	[tilespmem:s23], [sflag:$0x1] =	stream.linear.gather [hbm4b:s0+s2], $0x80, $0x38;
	[tilespmem:$0x10400] =	vst v63  }
0x1ce: {  	s0 =	sand.u32 $0x1FFFFFF0, s24  }
0x1cf: {  	s25 =	simm.s32 $0x8500;
	s0 =	sadd.s32 s4, s0;
	s1 =	spop (v2sf);
	(v2sf) =	vpush v1, $0x6  }
0x1d0: {  	[tilespmem:s25], [sflag:$0x1] =	stream.linear.gather [hbm4b:s0+s2], $0x80, $0x38;
	[tilespmem:$0x10400] =	vst v63  }
0x1d1: {  	s7 =	spop (v2sf);
	(v2sf) =	vpush v63, $0x6  }
0x1d2: {  	s0 =	sand.u32 $0x1FFFFFF0, s26  }
0x1d3: {  	s28 =	simm.s32 $0x580;
	s0 =	sadd.s32 s3, s0;
	s9 =	spop (v2sf);
	(v2sf) =	vpush v1, $0x7  }
0x1d4: {  	[tilespmem:s28], [sflag:$0x1] =	stream.linear.gather [hbm4b:s0+s2], $0x80, $0x38;
	[tilespmem:$0x10400] =	vst v63  }
0x1d5: {  	s0 =	sand.u32 $0x1FFFFFF0, s29  }
0x1d6: {  	s30 =	simm.s32 $0x8580;
	s0 =	sadd.s32 s4, s0;
	s11 =	spop (v2sf);
	(v2sf) =	vpush v63, $0x7  }
0x1d7: {  	[tilespmem:s30], [sflag:$0x1] =	stream.linear.gather [hbm4b:s0+s2], $0x80, $0x38;
	[tilespmem:$0x10400] =	vst v63  }
0x1d8: {  	s0 =	sand.u32 $0x1FFFFFF0, s1  }
0x1d9: {  	s6 =	simm.s32 $0x600;
	s0 =	sadd.s32 s3, s0  }
0x1da: {  	[tilespmem:s6], [sflag:$0x1] =	stream.linear.gather [hbm4b:s0+s2], $0x80, $0x38;
	[tilespmem:$0x10400] =	vst v63  }
0x1db: {  	s0 =	sand.u32 $0x1FFFFFF0, s7  }
0x1dc: {  	s8 =	simm.s32 $0x8600;
	s0 =	sadd.s32 s4, s0  }
0x1dd: {  	[tilespmem:s8], [sflag:$0x1] =	stream.linear.gather [hbm4b:s0+s2], $0x80, $0x38;
	[tilespmem:$0x10400] =	vst v63  }
0x1de: {  	s13 =	spop (v2sf);
	(v2sf) =	vpush v1, $0x8  }
0x1df: {  	s0 =	sand.u32 $0x1FFFFFF0, s9  }
0x1e0: {  	s10 =	simm.s32 $0x680;
	s0 =	sadd.s32 s3, s0;
	s16 =	spop (v2sf);
	(v2sf) =	vpush v63, $0x8  }
0x1e1: {  	[tilespmem:s10], [sflag:$0x1] =	stream.linear.gather [hbm4b:s0+s2], $0x80, $0x38;
	[tilespmem:$0x10400] =	vst v63  }
0x1e2: {  	s0 =	sand.u32 $0x1FFFFFF0, s11;
	s18 =	spop (v2sf);
	(v2sf) =	vpush v1, $0x9  }
0x1e3: {  	s12 =	simm.s32 $0x8680;
	s0 =	sadd.s32 s4, s0  }
0x1e4: {  	[tilespmem:s12], [sflag:$0x1] =	stream.linear.gather [hbm4b:s0+s2], $0x80, $0x38;
	[tilespmem:$0x10400] =	vst v63  }
0x1e5: {  	s20 =	spop (v2sf);
	(v2sf) =	vpush v63, $0x9  }
0x1e6: {  	s0 =	sand.u32 $0x1FFFFFF0, s13  }
0x1e7: {  	s14 =	simm.s32 $0x700;
	s0 =	sadd.s32 s3, s0  }
0x1e8: {  	[tilespmem:s14], [sflag:$0x1] =	stream.linear.gather [hbm4b:s0+s2], $0x80, $0x38;
	[tilespmem:$0x10400] =	vst v63  }
0x1e9: {  	s0 =	sand.u32 $0x1FFFFFF0, s16  }
0x1ea: {  	s17 =	simm.s32 $0x8700;
	s0 =	sadd.s32 s4, s0  }
0x1eb: {  	[tilespmem:s17], [sflag:$0x1] =	stream.linear.gather [hbm4b:s0+s2], $0x80, $0x38;
	[tilespmem:$0x10400] =	vst v63  }
0x1ec: {  	s0 =	sand.u32 $0x1FFFFFF0, s18  }
0x1ed: {  	s19 =	simm.s32 $0x780;
	s0 =	sadd.s32 s3, s0;
	s22 =	spop (v2sf);
	(v2sf) =	vpush v1, $0xA  }
0x1ee: {  	[tilespmem:s19], [sflag:$0x1] =	stream.linear.gather [hbm4b:s0+s2], $0x80, $0x38;
	[tilespmem:$0x10400] =	vst v63  }
0x1ef: {  	s24 =	spop (v2sf);
	(v2sf) =	vpush v63, $0xA  }
0x1f0: {  	s0 =	sand.u32 $0x1FFFFFF0, s20  }
0x1f1: {  	s21 =	simm.s32 $0x8780;
	s0 =	sadd.s32 s4, s0;
	s26 =	spop (v2sf);
	(v2sf) =	vpush v1, $0xB  }
0x1f2: {  	[tilespmem:s21], [sflag:$0x1] =	stream.linear.gather [hbm4b:s0+s2], $0x80, $0x38;
	[tilespmem:$0x10400] =	vst v63  }
0x1f3: {  	s0 =	sand.u32 $0x1FFFFFF0, s22  }
0x1f4: {  	s23 =	simm.s32 $0x800;
	s0 =	sadd.s32 s3, s0;
	s29 =	spop (v2sf);
	(v2sf) =	vpush v63, $0xB  }
0x1f5: {  	[tilespmem:s23], [sflag:$0x1] =	stream.linear.gather [hbm4b:s0+s2], $0x80, $0x38;
	[tilespmem:$0x10400] =	vst v63  }
0x1f6: {  	s0 =	sand.u32 $0x1FFFFFF0, s24  }
0x1f7: {  	s25 =	simm.s32 $0x8800;
	s0 =	sadd.s32 s4, s0  }
0x1f8: {  	[tilespmem:s25], [sflag:$0x1] =	stream.linear.gather [hbm4b:s0+s2], $0x80, $0x38;
	[tilespmem:$0x10400] =	vst v63  }
0x1f9: {  	s0 =	sand.u32 $0x1FFFFFF0, s26  }
0x1fa: {  	s28 =	simm.s32 $0x880;
	s0 =	sadd.s32 s3, s0  }
0x1fb: {  	[tilespmem:s28], [sflag:$0x1] =	stream.linear.gather [hbm4b:s0+s2], $0x80, $0x38;
	[tilespmem:$0x10400] =	vst v63  }
0x1fc: {  	s1 =	spop (v2sf);
	(v2sf) =	vpush v1, $0xC  }
0x1fd: {  	s0 =	sand.u32 $0x1FFFFFF0, s29  }
0x1fe: {  	s30 =	simm.s32 $0x8880;
	s0 =	sadd.s32 s4, s0;
	s7 =	spop (v2sf);
	(v2sf) =	vpush v63, $0xC  }
0x1ff: {  	[tilespmem:s30], [sflag:$0x1] =	stream.linear.gather [hbm4b:s0+s2], $0x80, $0x38;
	[tilespmem:$0x10400] =	vst v63  }
0x200: {  	s0 =	sand.u32 $0x1FFFFFF0, s1;
	s9 =	spop (v2sf);
	(v2sf) =	vpush v1, $0xD  }
0x201: {  	s6 =	simm.s32 $0x900;
	s0 =	sadd.s32 s3, s0  }
0x202: {  	[tilespmem:s6], [sflag:$0x1] =	stream.linear.gather [hbm4b:s0+s2], $0x80, $0x38;
	[tilespmem:$0x10400] =	vst v63  }
0x203: {  	s11 =	spop (v2sf);
	(v2sf) =	vpush v63, $0xD  }
0x204: {  	s0 =	sand.u32 $0x1FFFFFF0, s7  }
0x205: {  	s8 =	simm.s32 $0x8900;
	s0 =	sadd.s32 s4, s0  }
0x206: {  	[tilespmem:s8], [sflag:$0x1] =	stream.linear.gather [hbm4b:s0+s2], $0x80, $0x38;
	[tilespmem:$0x10400] =	vst v63  }
0x207: {  	s0 =	sand.u32 $0x1FFFFFF0, s9  }
0x208: {  	s10 =	simm.s32 $0x980;
	s0 =	sadd.s32 s3, s0  }
0x209: {  	[tilespmem:s10], [sflag:$0x1] =	stream.linear.gather [hbm4b:s0+s2], $0x80, $0x38;
	[tilespmem:$0x10400] =	vst v63  }
0x20a: {  	s0 =	sand.u32 $0x1FFFFFF0, s11  }
0x20b: {  	s12 =	simm.s32 $0x8980;
	s0 =	sadd.s32 s4, s0;
	s13 =	spop (v2sf);
	(v2sf) =	vpush v1, $0xE  }
0x20c: {  	[tilespmem:s12], [sflag:$0x1] =	stream.linear.gather [hbm4b:s0+s2], $0x80, $0x38;
	[tilespmem:$0x10400] =	vst v63  }
0x20d: {  	s16 =	spop (v2sf);
	(v2sf) =	vpush v63, $0xE  }
0x20e: {  	s0 =	sand.u32 $0x1FFFFFF0, s13  }
0x20f: {  	s14 =	simm.s32 $0xA00;
	s0 =	sadd.s32 s3, s0;
	s18 =	spop (v2sf)  }
0x210: {  	(v2sf) =	vpush v1, $0xF;
	[tilespmem:s14], [sflag:$0x1] =	stream.linear.gather [hbm4b:s0+s2], $0x80, $0x38;
	[tilespmem:$0x10400] =	vst v63  }
0x211: {  	s0 =	sand.u32 $0x1FFFFFF0, s16  }
0x212: {  	s17 =	simm.s32 $0x8A00;
	s20 =	spop (v2sf);
	s0 =	sadd.s32 s4, s0  }
0x213: {  	(v2sf) =	vpush v63, $0xF;
	[tilespmem:s17], [sflag:$0x1] =	stream.linear.gather [hbm4b:s0+s2], $0x80, $0x38;
	[tilespmem:$0x10400] =	vst v63  }
0x214: {  	s0 =	sand.u32 $0x1FFFFFF0, s18  }
0x215: {  	s19 =	simm.s32 $0xA80;
	s0 =	sadd.s32 s3, s0  }
0x216: {  	[tilespmem:s19], [sflag:$0x1] =	stream.linear.gather [hbm4b:s0+s2], $0x80, $0x38;
	[tilespmem:$0x10400] =	vst v63  }
0x217: {  	s0 =	sand.u32 $0x1FFFFFF0, s20  }
0x218: {  	s21 =	simm.s32 $0x8A80;
	s0 =	sadd.s32 s4, s0  }
0x219: {  	[tilespmem:s21], [sflag:$0x1] =	stream.linear.gather [hbm4b:s0+s2], $0x80, $0x38;
	[tilespmem:$0x10400] =	vst v63  }
0x21a: {  	s22 =	spop (v2sf)  }
0x21b: {  	s0 =	sand.u32 $0x1FFFFFF0, s22  }
0x21c: {  	s23 =	simm.s32 $0xB00;
	s24 =	spop (v2sf);
	s0 =	sadd.s32 s3, s0  }
0x21d: {  	[tilespmem:s23], [sflag:$0x1] =	stream.linear.gather [hbm4b:s0+s2], $0x80, $0x38;
	[tilespmem:$0x10400] =	vst v63  }
0x21e: {  	s0 =	sand.u32 $0x1FFFFFF0, s24  }
0x21f: {  	s25 =	simm.s32 $0x8B00;
	s26 =	spop (v2sf);
	s0 =	sadd.s32 s4, s0  }
0x220: {  	[tilespmem:s25], [sflag:$0x1] =	stream.linear.gather [hbm4b:s0+s2], $0x80, $0x38;
	[tilespmem:$0x10400] =	vst v63  }
0x221: {  	s0 =	sand.u32 $0x1FFFFFF0, s26  }
0x222: {  	s28 =	simm.s32 $0xB80;
	s29 =	spop (v2sf);
	s0 =	sadd.s32 s3, s0  }
0x223: {  	[tilespmem:s28], [sflag:$0x1] =	stream.linear.gather [hbm4b:s0+s2], $0x80, $0x38;
	[tilespmem:$0x10400] =	vst v63  }
0x224: {  	s0 =	sand.u32 $0x1FFFFFF0, s29  }
0x225: {  	s30 =	simm.s32 $0x8B80;
	s0 =	sadd.s32 s4, s0  }
0x226: {  	[tilespmem:s30], [sflag:$0x1] =	stream.linear.gather [hbm4b:s0+s2], $0x80, $0x38;
	[tilespmem:$0x10400] =	vst v63  }
0x227: {  	_ =	swait.ge [sflag:s15], $0x80  }
0x228: {  	[sflag:s15] =	ssyncset.done $0x0  }
0x229: {  	[sflag:s15] =	ssyncadd.s32 $0xFFFFFF80  }
0x22a: {  	_ =	swait.ge [sflag:s15], $0x80  }
0x22b: {  	[sflag:s15] =	ssyncset.done $0x0  }
0x22c: {  	[sflag:s15] =	ssyncadd.s32 $0xFFFFFF80  }
0x22d: {  	_ =	swait.ge [sflag:s15], $0x80  }
0x22e: {  	[sflag:s15] =	ssyncset.done $0x0  }
0x22f: {  	[sflag:s15] =	ssyncadd.s32 $0xFFFFFF80  }
0x230: {  	_ =	swait.ge [sflag:s15], $0x80  }
0x231: {  	[sflag:s15] =	ssyncset.done $0x0  }
0x232: {  	[sflag:s15] =	ssyncadd.s32 $0xFFFFFF80  }
0x233: {  	_ =	swait.ge [sflag:s15], $0x80  }
0x234: {  	[sflag:s15] =	ssyncset.done $0x0  }
0x235: {  	[sflag:s15] =	ssyncadd.s32 $0xFFFFFF80  }
0x236: {  	_ =	swait.ge [sflag:s15], $0x80  }
0x237: {  	[sflag:s15] =	ssyncset.done $0x0  }
0x238: {  	[sflag:s15] =	ssyncadd.s32 $0xFFFFFF80  }
0x239: {  	_ =	swait.ge [sflag:s15], $0x80  }
0x23a: {  	[sflag:s15] =	ssyncset.done $0x0  }
0x23b: {  	[sflag:s15] =	ssyncadd.s32 $0xFFFFFF80  }
0x23c: {  	_ =	swait.ge [sflag:s15], $0x80  }
0x23d: {  	[sflag:s15] =	ssyncset.done $0x0  }
0x23e: {  	[sflag:s15] =	ssyncadd.s32 $0xFFFFFF80  }
0x23f: {  	_ =	swait.ge [sflag:s15], $0x80  }
0x240: {  	[sflag:s15] =	ssyncset.done $0x0  }
0x241: {  	[sflag:s15] =	ssyncadd.s32 $0xFFFFFF80  }
0x242: {  	_ =	swait.ge [sflag:s15], $0x80  }
0x243: {  	[sflag:s15] =	ssyncset.done $0x0  }
0x244: {  	[sflag:s15] =	ssyncadd.s32 $0xFFFFFF80  }
0x245: {  	_ =	swait.ge [sflag:s15], $0x80  }
0x246: {  	[sflag:s15] =	ssyncset.done $0x0  }
0x247: {  	[sflag:s15] =	ssyncadd.s32 $0xFFFFFF80  }
0x248: {  	_ =	swait.ge [sflag:s15], $0x80  }
0x249: {  	[sflag:s15] =	ssyncset.done $0x0  }
0x24a: {  	[sflag:s15] =	ssyncadd.s32 $0xFFFFFF80  }
0x24b: {  	_ =	swait.ge [sflag:s15], $0x80  }
0x24c: {  	[sflag:s15] =	ssyncset.done $0x0  }
0x24d: {  	[sflag:s15] =	ssyncadd.s32 $0xFFFFFF80  }
0x24e: {  	_ =	swait.ge [sflag:s15], $0x80  }
0x24f: {  	[sflag:s15] =	ssyncset.done $0x0  }
0x250: {  	[sflag:s15] =	ssyncadd.s32 $0xFFFFFF80  }
0x251: {  	_ =	swait.ge [sflag:s15], $0x80  }
0x252: {  	[sflag:s15] =	ssyncset.done $0x0  }
0x253: {  	[sflag:s15] =	ssyncadd.s32 $0xFFFFFF80  }
0x254: {  	_ =	swait.ge [sflag:s15], $0x80  }
0x255: {  	[sflag:s15] =	ssyncset.done $0x0  }
0x256: {  	[sflag:s15] =	ssyncadd.s32 $0xFFFFFF80  }
0x257: {  	_ =	swait.ge [sflag:s15], $0x80  }
0x258: {  	[sflag:s15] =	ssyncset.done $0x0  }
0x259: {  	[sflag:s15] =	ssyncadd.s32 $0xFFFFFF80  }
0x25a: {  	_ =	swait.ge [sflag:s15], $0x80  }
0x25b: {  	[sflag:s15] =	ssyncset.done $0x0  }
0x25c: {  	[sflag:s15] =	ssyncadd.s32 $0xFFFFFF80  }
0x25d: {  	_ =	swait.ge [sflag:s15], $0x80  }
0x25e: {  	[sflag:s15] =	ssyncset.done $0x0  }
0x25f: {  	[sflag:s15] =	ssyncadd.s32 $0xFFFFFF80  }
0x260: {  	_ =	swait.ge [sflag:s15], $0x80  }
0x261: {  	[sflag:s15] =	ssyncset.done $0x0  }
0x262: {  	[sflag:s15] =	ssyncadd.s32 $0xFFFFFF80  }
0x263: {  	_ =	swait.ge [sflag:s15], $0x80  }
0x264: {  	[sflag:s15] =	ssyncset.done $0x0  }
0x265: {  	[sflag:s15] =	ssyncadd.s32 $0xFFFFFF80  }
0x266: {  	_ =	swait.ge [sflag:s15], $0x80  }
0x267: {  	[sflag:s15] =	ssyncset.done $0x0  }
0x268: {  	[sflag:s15] =	ssyncadd.s32 $0xFFFFFF80  }
0x269: {  	_ =	swait.ge [sflag:s15], $0x80  }
0x26a: {  	[sflag:s15] =	ssyncset.done $0x0  }
0x26b: {  	[sflag:s15] =	ssyncadd.s32 $0xFFFFFF80  }
0x26c: {  	_ =	swait.ge [sflag:s15], $0x80  }
0x26d: {  	[sflag:s15] =	ssyncset.done $0x0  }
0x26e: {  	[sflag:s15] =	ssyncadd.s32 $0xFFFFFF80  }
0x26f: {  	_ =	swait.ge [sflag:s15], $0x80  }
0x270: {  	[sflag:s15] =	ssyncset.done $0x0  }
0x271: {  	[sflag:s15] =	ssyncadd.s32 $0xFFFFFF80  }
0x272: {  	_ =	swait.ge [sflag:s15], $0x80  }
0x273: {  	[sflag:s15] =	ssyncset.done $0x0  }
0x274: {  	[sflag:s15] =	ssyncadd.s32 $0xFFFFFF80  }
0x275: {  	_ =	swait.ge [sflag:s15], $0x80  }
0x276: {  	s20 =	simm.s32 $0x2000;
	[sflag:s15] =	ssyncset.done $0x0  }
.LBB2_4:
0x277: {  	s5 =	sadd.s32 $0x10, s5  }
0x278: {  	[sflag:s15] =	ssyncadd.s32 $0xFFFFFF80;
	[dreg:$0x3] =	wrdreg s5  }
0x279: {  	_ =	swait.ge [sflag:s15], $0x80  }
0x27a: {  	[sflag:s15] =	ssyncset.done $0x0  }
0x27b: {  	[sflag:s15] =	ssyncadd.s32 $0xFFFFFF80  }
0x27c: {  	_ =	swait.ge [sflag:s15], $0x80  }
0x27d: {  	[sflag:s15] =	ssyncset.done $0x0  }
0x27e: {  	[sflag:s15] =	ssyncadd.s32 $0xFFFFFF80  }
0x27f: {  	_ =	swait.ge [sflag:s15], $0x80  }
0x280: {  	[sflag:s15] =	ssyncset.done $0x0  }
0x281: {  	[sflag:s15] =	ssyncadd.s32 $0xFFFFFF80  }
0x282: {  	_ =	swait.ge [sflag:s15], $0x80  }
0x283: {  	[sflag:s15] =	ssyncset.done $0x0  }
0x284: {  	[sflag:s15] =	ssyncadd.s32 $0xFFFFFF80  }
0x285: {  	_ =	swait.ge [sflag:s15], $0x80  }
0x286: {  	[sflag:s15] =	ssyncset.done $0x0  }
0x287: {  	[sflag:s15] =	ssyncadd.s32 $0xFFFFFF80  }
0x288: {  	s31 =	sadd.s32 $0x10, s31;
	v0 =	vld [tilespmem:s5+$0x0]  }
0x289: {  	v2 =	vld [tilespmem:s31+$0x0];
	_ =	sdelay $0x3  }
0x28a: {  	v1 =	vshll.u32 v0, $0x4  }
0x28b: {  	v63 =	vshll.u32 v2, $0x4;
	(v2sf) =	vpush v1, $0x0  }
0x28c: {  	s0 =	smov.u32 s20;
	(v2sf) =	vpush v63, $0x0  }
0x28d: {  	s21 =	sshra.s32 s0, $0x2;
	(v2sf) =	vpush v1, $0x1  }
0x28e: {  	s24 =	sadd.s32 $0x8400, s21;
	s6 =	sadd.s32 $0x680, s21;
	s0 =	sadd.s32 $0x880, s21  }
0x28f: {  	s26 =	sadd.s32 $0x400, s21;
	s13 =	sadd.s32 $0x600, s21;
	s23 =	sadd.s32 $0x8900, s21;
	(v2sf) =	vpush v63, $0x1  }
0x290: {  	s18 =	sadd.s32 $0x580, s21;
	s14 =	sadd.s32 $0x8580, s21;
	s25 =	sadd.s32 $0x8980, s21  }
0x291: {  	s17 =	sadd.s32 $0x8600, s21;
	s28 =	sadd.s32 $0x8A00, s21;
	s22 =	sadd.s32 $0x8500, s21;
	(v2sf) =	vpush v1, $0x2  }
0x292: {  	s11 =	sadd.s32 $0x8680, s21;
	s10 =	sadd.s32 $0x700, s21;
	[dreg:$0x15] =	wrdreg s0  }
0x293: {  	s29 =	sadd.s32 $0x980, s21;
	s30 =	sadd.s32 $0x8A80, s21;
	[dreg:$0xf] =	wrdreg s23;
	(v2sf) =	vpush v63, $0x2  }
0x294: {  	s9 =	sadd.s32 $0x8700, s21;
	s12 =	sadd.s32 $0x8880, s21;
	[dreg:$0xb] =	wrdreg s25  }
0x295: {  	s8 =	sadd.s32 $0x780, s21;
	s16 =	sadd.s32 $0x8800, s21;
	[dreg:$0x7] =	wrdreg s28;
	(v2sf) =	vpush v1, $0x3  }
0x296: {  	s19 =	sadd.s32 $0x480, s21;
	s7 =	sadd.s32 $0x8780, s21;
	[dreg:$0x13] =	wrdreg s29  }
0x297: {  	s1 =	sadd.s32 $0x8B00, s21;
	s23 =	sadd.s32 $0x500, s21;
	[dreg:$0x5] =	wrdreg s30;
	(v2sf) =	vpush v63, $0x3  }
0x298: {  	s25 =	sadd.s32 $0x8480, s21;
	[dreg:$0x9] =	wrdreg s1;
	s28 =	sadd.s32 $0xA80, s21  }
0x299: {  	s29 =	sadd.s32 $0x900, s21;
	s30 =	sadd.s32 $0xB00, s21;
	[dreg:$0x11] =	wrdreg s28;
	(v2sf) =	vpush v1, $0x4  }
0x29a: {  	[dreg:$0xd] =	wrdreg s30;
	s30 =	sadd.s32 $0xA00, s21;
	s1 =	spop (v2sf)  }
0x29b: {  	s5 =	sadd.s32 $0x800, s21;
	s28 =	sand.u32 $0x1FFFFFF0, s1;
	s1 =	spop (v2sf);
	(v2sf) =	vpush v63, $0x4  }
0x29c: {  	s28 =	sadd.s32 s3, s28;
	s0 =	sand.u32 $0x1FFFFFF0, s1;
	s1 =	spop (v2sf)  }
0x29d: {  	(v2sf) =	vpush v1, $0x5;
	[tilespmem:s26], [sflag:$0x1] =	stream.linear.gather [hbm4b:s28+s2], $0x80, $0x38;
	[tilespmem:$0x10400] =	vst v63  }
0x29e: {  	s0 =	sadd.s32 s4, s0;
	s1 =	sand.u32 $0x1FFFFFF0, s1;
	s28 =	spop (v2sf)  }
0x29f: {  	(v2sf) =	vpush v63, $0x5;
	[tilespmem:s24], [sflag:$0x1] =	stream.linear.gather [hbm4b:s0+s2], $0x80, $0x38;
	[tilespmem:$0x10400] =	vst v63  }
0x2a0: {  	s26 =	sand.u32 $0x1FFFFFF0, s28;
	s28 =	spop (v2sf);
	s24 =	sadd.s32 s3, s1  }
0x2a1: {  	(v2sf) =	vpush v1, $0x6;
	[tilespmem:s19], [sflag:$0x1] =	stream.linear.gather [hbm4b:s24+s2], $0x80, $0x38;
	[tilespmem:$0x10400] =	vst v63  }
0x2a2: {  	s19 =	sadd.s32 s4, s26;
	s26 =	sand.u32 $0x1FFFFFF0, s28;
	s28 =	spop (v2sf)  }
0x2a3: {  	(v2sf) =	vpush v63, $0x6;
	[tilespmem:s25], [sflag:$0x1] =	stream.linear.gather [hbm4b:s19+s2], $0x80, $0x38;
	[tilespmem:$0x10400] =	vst v63  }
0x2a4: {  	s1 =	sadd.s32 s3, s26;
	s24 =	spop (v2sf);
	s19 =	sand.u32 $0x1FFFFFF0, s28  }
0x2a5: {  	(v2sf) =	vpush v1, $0x7;
	[tilespmem:s23], [sflag:$0x1] =	stream.linear.gather [hbm4b:s1+s2], $0x80, $0x38;
	[tilespmem:$0x10400] =	vst v63  }
0x2a6: {  	s26 =	sand.u32 $0x1FFFFFF0, s24;
	s28 =	spop (v2sf);
	s25 =	sadd.s32 s4, s19  }
0x2a7: {  	(v2sf) =	vpush v63, $0x7;
	[tilespmem:s22], [sflag:$0x1] =	stream.linear.gather [hbm4b:s25+s2], $0x80, $0x38;
	[tilespmem:$0x10400] =	vst v63  }
0x2a8: {  	s24 =	spop (v2sf);
	s23 =	sand.u32 $0x1FFFFFF0, s28;
	s22 =	sadd.s32 s3, s26  }
0x2a9: {  	(v2sf) =	vpush v1, $0x8;
	[tilespmem:s18], [sflag:$0x1] =	stream.linear.gather [hbm4b:s22+s2], $0x80, $0x38;
	[tilespmem:$0x10400] =	vst v63  }
0x2aa: {  	s25 =	sadd.s32 s4, s23;
	s26 =	sand.u32 $0x1FFFFFF0, s24;
	s28 =	spop (v2sf)  }
0x2ab: {  	(v2sf) =	vpush v63, $0x8;
	[tilespmem:s14], [sflag:$0x1] =	stream.linear.gather [hbm4b:s25+s2], $0x80, $0x38;
	[tilespmem:$0x10400] =	vst v63  }
0x2ac: {  	s14 =	sadd.s32 s3, s26;
	s18 =	sand.u32 $0x1FFFFFF0, s28;
	s19 =	spop (v2sf);
	(v2sf) =	vpush v1, $0x9  }
0x2ad: {  	[tilespmem:s13], [sflag:$0x1] =	stream.linear.gather [hbm4b:s14+s2], $0x80, $0x38;
	[tilespmem:$0x10400] =	vst v63  }
0x2ae: {  	s22 =	sadd.s32 s4, s18;
	s23 =	sand.u32 $0x1FFFFFF0, s19;
	s24 =	spop (v2sf);
	(v2sf) =	vpush v63, $0x9  }
0x2af: {  	[tilespmem:s17], [sflag:$0x1] =	stream.linear.gather [hbm4b:s22+s2], $0x80, $0x38;
	[tilespmem:$0x10400] =	vst v63  }
0x2b0: {  	s25 =	sadd.s32 s3, s23;
	s26 =	sand.u32 $0x1FFFFFF0, s24;
	s28 =	spop (v2sf)  }
0x2b1: {  	(v2sf) =	vpush v1, $0xA;
	[tilespmem:s6], [sflag:$0x1] =	stream.linear.gather [hbm4b:s25+s2], $0x80, $0x38;
	[tilespmem:$0x10400] =	vst v63  }
0x2b2: {  	s13 =	sand.u32 $0x1FFFFFF0, s28;
	s14 =	spop (v2sf);
	s6 =	sadd.s32 s4, s26  }
0x2b3: {  	(v2sf) =	vpush v63, $0xA;
	[tilespmem:s11], [sflag:$0x1] =	stream.linear.gather [hbm4b:s6+s2], $0x80, $0x38;
	[tilespmem:$0x10400] =	vst v63  }
0x2b4: {  	s17 =	sadd.s32 s3, s13;
	s18 =	sand.u32 $0x1FFFFFF0, s14;
	s19 =	spop (v2sf);
	(v2sf) =	vpush v1, $0xB  }
0x2b5: {  	[tilespmem:s10], [sflag:$0x1] =	stream.linear.gather [hbm4b:s17+s2], $0x80, $0x38;
	[tilespmem:$0x10400] =	vst v63  }
0x2b6: {  	s22 =	sadd.s32 s4, s18;
	s23 =	sand.u32 $0x1FFFFFF0, s19;
	s24 =	spop (v2sf);
	(v2sf) =	vpush v63, $0xB  }
0x2b7: {  	[tilespmem:s9], [sflag:$0x1] =	stream.linear.gather [hbm4b:s22+s2], $0x80, $0x38;
	[tilespmem:$0x10400] =	vst v63  }
0x2b8: {  	s25 =	sadd.s32 s3, s23;
	s26 =	sand.u32 $0x1FFFFFF0, s24;
	s28 =	spop (v2sf)  }
0x2b9: {  	[tilespmem:s8], [sflag:$0x1] =	stream.linear.gather [hbm4b:s25+s2], $0x80, $0x38;
	[tilespmem:$0x10400] =	vst v63  }
0x2ba: {  	(v2sf) =	vpush v1, $0xC;
	s24 =	rddreg [dreg:$0x15];
	s8 =	sand.u32 $0x1FFFFFF0, s28;
	s9 =	spop (v2sf)  }
0x2bb: {  	s1 =	sadd.s32 s4, s26;
	s10 =	sadd.s32 s3, s8;
	s13 =	spop (v2sf)  }
0x2bc: {  	(v2sf) =	vpush v63, $0xC;
	[tilespmem:s7], [sflag:$0x1] =	stream.linear.gather [hbm4b:s1+s2], $0x80, $0x38;
	[tilespmem:$0x10400] =	vst v63  }
0x2bd: {  	s11 =	sand.u32 $0x1FFFFFF0, s9;
	s17 =	sand.u32 $0x1FFFFFF0, s13;
	s18 =	spop (v2sf)  }
0x2be: {  	s14 =	sadd.s32 s4, s11;
	s19 =	sadd.s32 s3, s17;
	s22 =	sand.u32 $0x1FFFFFF0, s18  }
0x2bf: {  	[tilespmem:s5], [sflag:$0x1] =	stream.linear.gather [hbm4b:s10+s2], $0x80, $0x38;
	[tilespmem:$0x10400] =	vst v63  }
0x2c0: {  	(v2sf) =	vpush v1, $0xD;
	s23 =	spop (v2sf);
	s17 =	rddreg [dreg:$0x13];
	s25 =	sadd.s32 s4, s22  }
0x2c1: {  	[tilespmem:s16], [sflag:$0x1] =	stream.linear.gather [hbm4b:s14+s2], $0x80, $0x38;
	[tilespmem:$0x10400] =	vst v63  }
0x2c2: {  	(v2sf) =	vpush v63, $0xD;
	s26 =	sand.u32 $0x1FFFFFF0, s23;
	s23 =	rddreg [dreg:$0xb];
	s28 =	spop (v2sf)  }
0x2c3: {  	s6 =	sadd.s32 s3, s26;
	s7 =	sand.u32 $0x1FFFFFF0, s28;
	s8 =	spop (v2sf)  }
0x2c4: {  	(v2sf) =	vpush v1, $0xE;
	[tilespmem:s24], [sflag:$0x1] =	stream.linear.gather [hbm4b:s19+s2], $0x80, $0x38;
	[tilespmem:$0x10400] =	vst v63  }
0x2c5: {  	s9 =	sadd.s32 s4, s7;
	s10 =	sand.u32 $0x1FFFFFF0, s8;
	s11 =	spop (v2sf)  }
0x2c6: {  	(v2sf) =	vpush v63, $0xE;
	[tilespmem:s12], [sflag:$0x1] =	stream.linear.gather [hbm4b:s25+s2], $0x80, $0x38;
	[tilespmem:$0x10400] =	vst v63  }
0x2c7: {  	s13 =	sadd.s32 s3, s10;
	s14 =	sand.u32 $0x1FFFFFF0, s11;
	s11 =	rddreg [dreg:$0x11]  }
0x2c8: {  	(v2sf) =	vpush v1, $0xF;
	[tilespmem:s29], [sflag:$0x1] =	stream.linear.gather [hbm4b:s6+s2], $0x80, $0x38;
	[tilespmem:$0x10400] =	vst v63  }
0x2c9: {  	s16 =	spop (v2sf);
	s12 =	rddreg [dreg:$0xf];
	s18 =	sadd.s32 s4, s14  }
0x2ca: {  	(v2sf) =	vpush v63, $0xF;
	[tilespmem:s12], [sflag:$0x1] =	stream.linear.gather [hbm4b:s9+s2], $0x80, $0x38;
	[tilespmem:$0x10400] =	vst v63  }
0x2cb: {  	s19 =	sand.u32 $0x1FFFFFF0, s16;
	s16 =	rddreg [dreg:$0x5];
	s22 =	spop (v2sf)  }
0x2cc: {  	[tilespmem:s17], [sflag:$0x1] =	stream.linear.gather [hbm4b:s13+s2], $0x80, $0x38;
	[tilespmem:$0x10400] =	vst v63  }
0x2cd: {  	s24 =	sadd.s32 s3, s19;
	s6 =	rddreg [dreg:$0x7];
	s25 =	sand.u32 $0x1FFFFFF0, s22  }
0x2ce: {  	[tilespmem:s23], [sflag:$0x1] =	stream.linear.gather [hbm4b:s18+s2], $0x80, $0x38;
	[tilespmem:$0x10400] =	vst v63  }
0x2cf: {  	s26 =	spop (v2sf);
	s22 =	rddreg [dreg:$0xd];
	s28 =	sadd.s32 s4, s25  }
0x2d0: {  	[tilespmem:s30], [sflag:$0x1] =	stream.linear.gather [hbm4b:s24+s2], $0x80, $0x38;
	[tilespmem:$0x10400] =	vst v63  }
0x2d1: {  	s29 =	sand.u32 $0x1FFFFFF0, s26;
	s26 =	rddreg [dreg:$0x9];
	s30 =	spop (v2sf)  }
0x2d2: {  	[tilespmem:s6], [sflag:$0x1] =	stream.linear.gather [hbm4b:s28+s2], $0x80, $0x38;
	[tilespmem:$0x10400] =	vst v63  }
0x2d3: {  	s8 =	sadd.s32 s3, s29;
	s9 =	sand.u32 $0x1FFFFFF0, s30;
	s10 =	spop (v2sf)  }
0x2d4: {  	[tilespmem:s11], [sflag:$0x1] =	stream.linear.gather [hbm4b:s8+s2], $0x80, $0x38;
	[tilespmem:$0x10400] =	vst v63  }
0x2d5: {  	s12 =	sadd.s32 s4, s9;
	s13 =	sand.u32 $0x1FFFFFF0, s10;
	s14 =	spop (v2sf)  }
0x2d6: {  	[tilespmem:s16], [sflag:$0x1] =	stream.linear.gather [hbm4b:s12+s2], $0x80, $0x38;
	[tilespmem:$0x10400] =	vst v63  }
0x2d7: {  	s17 =	sadd.s32 s3, s13;
	s18 =	sand.u32 $0x1FFFFFF0, s14;
	s19 =	spop (v2sf)  }
0x2d8: {  	[tilespmem:s22], [sflag:$0x1] =	stream.linear.gather [hbm4b:s17+s2], $0x80, $0x38;
	[tilespmem:$0x10400] =	vst v63  }
0x2d9: {  	s23 =	sadd.s32 s4, s18;
	s24 =	sand.u32 $0x1FFFFFF0, s19;
	s25 =	spop (v2sf)  }
0x2da: {  	[tilespmem:s26], [sflag:$0x1] =	stream.linear.gather [hbm4b:s23+s2], $0x80, $0x38;
	[tilespmem:$0x10400] =	vst v63  }
0x2db: {  	s28 =	sadd.s32 $0xB80, s21;
	s1 =	sadd.s32 s3, s24;
	s5 =	sand.u32 $0x1FFFFFF0, s25  }
0x2dc: {  	[tilespmem:s28], [sflag:$0x1] =	stream.linear.gather [hbm4b:s1+s2], $0x80, $0x38;
	[tilespmem:$0x10400] =	vst v63  }
0x2dd: {  	s29 =	sadd.s32 $0x8B80, s21;
	s30 =	sadd.s32 s4, s5  }
0x2de: {  	[tilespmem:s29], [sflag:$0x1] =	stream.linear.gather [hbm4b:s30+s2], $0x80, $0x38;
	[tilespmem:$0x10400] =	vst v63  }
0x2df: {  	s5 =	rddreg [dreg:$0x3];
	_ =	swait.ge [sflag:s15], $0x80  }
0x2e0: {  	[sflag:s15] =	ssyncset.done $0x0  }
0x2e1: {  	[sflag:s15] =	ssyncadd.s32 $0xFFFFFF80  }
0x2e2: {  	_ =	swait.ge [sflag:s15], $0x80  }
0x2e3: {  	[sflag:s15] =	ssyncset.done $0x0  }
0x2e4: {  	[sflag:s15] =	ssyncadd.s32 $0xFFFFFF80  }
0x2e5: {  	_ =	swait.ge [sflag:s15], $0x80  }
0x2e6: {  	[sflag:s15] =	ssyncset.done $0x0  }
0x2e7: {  	[sflag:s15] =	ssyncadd.s32 $0xFFFFFF80  }
0x2e8: {  	_ =	swait.ge [sflag:s15], $0x80  }
0x2e9: {  	[sflag:s15] =	ssyncset.done $0x0  }
0x2ea: {  	[sflag:s15] =	ssyncadd.s32 $0xFFFFFF80  }
0x2eb: {  	_ =	swait.ge [sflag:s15], $0x80  }
0x2ec: {  	[sflag:s15] =	ssyncset.done $0x0  }
0x2ed: {  	[sflag:s15] =	ssyncadd.s32 $0xFFFFFF80  }
0x2ee: {  	_ =	swait.ge [sflag:s15], $0x80  }
0x2ef: {  	[sflag:s15] =	ssyncset.done $0x0  }
0x2f0: {  	[sflag:s15] =	ssyncadd.s32 $0xFFFFFF80  }
0x2f1: {  	_ =	swait.ge [sflag:s15], $0x80  }
0x2f2: {  	[sflag:s15] =	ssyncset.done $0x0  }
0x2f3: {  	[sflag:s15] =	ssyncadd.s32 $0xFFFFFF80  }
0x2f4: {  	_ =	swait.ge [sflag:s15], $0x80  }
0x2f5: {  	[sflag:s15] =	ssyncset.done $0x0  }
0x2f6: {  	[sflag:s15] =	ssyncadd.s32 $0xFFFFFF80  }
0x2f7: {  	_ =	swait.ge [sflag:s15], $0x80  }
0x2f8: {  	[sflag:s15] =	ssyncset.done $0x0  }
0x2f9: {  	[sflag:s15] =	ssyncadd.s32 $0xFFFFFF80  }
0x2fa: {  	_ =	swait.ge [sflag:s15], $0x80  }
0x2fb: {  	[sflag:s15] =	ssyncset.done $0x0  }
0x2fc: {  	[sflag:s15] =	ssyncadd.s32 $0xFFFFFF80  }
0x2fd: {  	_ =	swait.ge [sflag:s15], $0x80  }
0x2fe: {  	[sflag:s15] =	ssyncset.done $0x0  }
0x2ff: {  	[sflag:s15] =	ssyncadd.s32 $0xFFFFFF80  }
0x300: {  	_ =	swait.ge [sflag:s15], $0x80  }
0x301: {  	[sflag:s15] =	ssyncset.done $0x0  }
0x302: {  	[sflag:s15] =	ssyncadd.s32 $0xFFFFFF80  }
0x303: {  	_ =	swait.ge [sflag:s15], $0x80  }
0x304: {  	[sflag:s15] =	ssyncset.done $0x0  }
0x305: {  	[sflag:s15] =	ssyncadd.s32 $0xFFFFFF80  }
0x306: {  	_ =	swait.ge [sflag:s15], $0x80  }
0x307: {  	[sflag:s15] =	ssyncset.done $0x0  }
0x308: {  	[sflag:s15] =	ssyncadd.s32 $0xFFFFFF80  }
0x309: {  	_ =	swait.ge [sflag:s15], $0x80  }
0x30a: {  	[sflag:s15] =	ssyncset.done $0x0  }
0x30b: {  	[sflag:s15] =	ssyncadd.s32 $0xFFFFFF80  }
0x30c: {  	_ =	swait.ge [sflag:s15], $0x80  }
0x30d: {  	[sflag:s15] =	ssyncset.done $0x0  }
0x30e: {  	[sflag:s15] =	ssyncadd.s32 $0xFFFFFF80  }
0x30f: {  	_ =	swait.ge [sflag:s15], $0x80  }
0x310: {  	[sflag:s15] =	ssyncset.done $0x0  }
0x311: {  	[sflag:s15] =	ssyncadd.s32 $0xFFFFFF80  }
0x312: {  	_ =	swait.ge [sflag:s15], $0x80  }
0x313: {  	[sflag:s15] =	ssyncset.done $0x0  }
0x314: {  	[sflag:s15] =	ssyncadd.s32 $0xFFFFFF80  }
0x315: {  	_ =	swait.ge [sflag:s15], $0x80  }
0x316: {  	[sflag:s15] =	ssyncset.done $0x0  }
0x317: {  	[sflag:s15] =	ssyncadd.s32 $0xFFFFFF80  }
0x318: {  	_ =	swait.ge [sflag:s15], $0x80  }
0x319: {  	[sflag:s15] =	ssyncset.done $0x0  }
0x31a: {  	[sflag:s15] =	ssyncadd.s32 $0xFFFFFF80  }
0x31b: {  	_ =	swait.ge [sflag:s15], $0x80  }
0x31c: {  	[sflag:s15] =	ssyncset.done $0x0  }
0x31d: {  	[sflag:s15] =	ssyncadd.s32 $0xFFFFFF80  }
0x31e: {  	_ =	swait.ge [sflag:s15], $0x80  }
0x31f: {  	[sflag:s15] =	ssyncset.done $0x0  }
0x320: {  	[sflag:s15] =	ssyncadd.s32 $0xFFFFFF80  }
0x321: {  	_ =	swait.ge [sflag:s15], $0x80  }
0x322: {  	[sflag:s15] =	ssyncset.done $0x0  }
0x323: {  	[sflag:s15] =	ssyncadd.s32 $0xFFFFFF80  }
0x324: {  	_ =	swait.ge [sflag:s15], $0x80  }
0x325: {  	[sflag:s15] =	ssyncset.done $0x0  }
0x326: {  	[sflag:s15] =	ssyncadd.s32 $0xFFFFFF80  }
0x327: {  	_ =	swait.ge [sflag:s15], $0x80  }
0x328: {  	[sflag:s15] =	ssyncset.done $0x0  }
0x329: {  	p0 =	sne.s32 s20, $0x1E000;
	[sflag:s15] =	ssyncadd.s32 $0xFFFFFF80  }
.Ltmp1:
0x32a: {  	_ =	swait.ge [sflag:s15], $0x80;
	(pc) =	sbr.rel @p0 .LBB2_4-.Ltmp1, $4  }
0x32b: {  	[sflag:s15] =	ssyncset.done $0x0  }
0x32c: {  	[sflag:s15] =	ssyncadd.s32 $0xFFFFFF80  }
0x32d: {  	_ =	swait.ge [sflag:s15], $0x80  }
0x32e: {  	s20 =	sadd.s32 $0x2000, s20;
	[sflag:s15] =	ssyncset.done $0x0  }
0x32f: {  	[sflag:s15] =	ssyncadd.s32 $0xFFFFFF80  }
0x330: {  	_ =	swait.ge [sflag:s15], $0x80  }
0x331: {  	[sflag:s15] =	ssyncset.done $0x0  }
0x332: {  	[sflag:s15] =	ssyncadd.s32 $0xFFFFFF80  }
0x333: {  	_ =	swait.ge [sflag:s15], $0x80  }
0x334: {  	[sflag:s15] =	ssyncset.done $0x0  }
0x335: {  	[sflag:s15] =	ssyncadd.s32 $0xFFFFFF80  }
0x336: {  	_ =	swait.ge [sflag:s15], $0x80  }
0x337: {  	[sflag:s15] =	ssyncset.done $0x0  }
0x338: {  	[sflag:s15] =	ssyncadd.s32 $0xFFFFFF80  }
0x339: {  	_ =	swait.ge [sflag:s15], $0x80  }
0x33a: {  	[sflag:s15] =	ssyncset.done $0x0  }
0x33b: {  	[sflag:s15] =	ssyncadd.s32 $0xFFFFFF80  }
0x33c: {  	_ =	swait.ge [sflag:s15], $0x80  }
0x33d: {  	s5 =	simm.s32 $0x400;
	[sflag:s15] =	ssyncset.done $0x0  }
0x33e: {  	s6 =	simm.s32 $0x2;
	s0 =	rddreg [dreg:$0x1b];
	[sflag:s15] =	ssyncadd.s32 $0xFFFFFF80  }
0x33f: {  	[hbm4b:s0+s2] =	stream.linear.scatter [tilespmem:s5], [sflag:$0x2], $0x8000, $0x38;
	[tilespmem:$0x10400] =	vst v63  }
0x340: {  	_ =	swait.ge [sflag:s6], $0x8000  }
0x341: {  	[sflag:s6] =	ssyncset.done $0x0  }
0x342: {  	s1 =	simm.s32 $0x8400;
	s29 =	rddreg [dreg:$0x1c];
	[sflag:s6] =	ssyncadd.s32 $0xFFFF8000  }
0x343: {  	[hbm4b:s29+s2] =	stream.linear.scatter [tilespmem:s1], [sflag:$0x2], $0x8000, $0x38;
	[tilespmem:$0x10400] =	vst v63  }
0x344: {  	_ =	swait.ge [sflag:s6], $0x8000  }
0x345: {  	s30 =	rddreg [dreg:$0x1e]  }
0x346: {  	s31 =	rddreg [dreg:$0x1d];
	s1 =	sadd.s32 $0x1, s30  }
0x347: {  	p0 =	sne.s32 s1, s31  }
.Ltmp2:
0x348: {  	_ = 	snop;
	(pc) =	sbr.rel @p0 .LBB2_1-.Ltmp2, $3  }
0x349: {  	_ =	sdelay $0x1  }
0x34a: {  	[sflag:s6] =	ssyncset.done $0x0  }
0x34b: {  	[sflag:s6] =	ssyncadd.s32 $0xFFFF8000  }
0x34c: {  	_ =	sfence.sel $0x180000  }
0x34d: {  	[bflag:$0x0] =	sbarrier.arrive $0xFFFF  }
0x34e: {  	_ =	strace $0x90000047  }
0x34f: {  	s0 =	stileid.u32;
	[bflag:$0x2] =	sbarrier.arrive $0xFFFF  }
0x350: {  	p0 =	sne.s32 s0, $0x0;
	s0 =	rddreg [dreg:$0x2]  }
0x351: {  	s0 =	sadd.s32 @!p0 $0x100000, s0  }
0x352: {  	[sflag:s0] =	ssyncadd.tile.s32 @!p0 $0x1;
	_ =	shalt  }
.Lfunc_end2:
_tile_overlayer_lowered:
.L_overlay_start_2:
0x353: {  	(tag) =	ssettag $0x2  }
0x354: {  	s0 =	rddreg [dreg:$0x0];
	s2 =	stileid.u32  }
0x355: {  	s1 =	rddreg [dreg:$0x1];
	p0 =	sne.s32 s2, $0x0  }
0x356: {  	s3 =	rddreg [dreg:$0x2];
	[bflag:$0x3] =	sbarrier.arrive $0xFFFF;
	s2 =	simm.s32 @!p0 $0x1C02  }
0x357: {  	[timem:s3], [sflag:s2] =	dma.local @!p0 [hbm:s0], s1  }
0x358: {  	s0 =	simm.s32 @!p0 $0x2  }
0x359: {  	_ =	swait.ge @!p0 [sflag:s0], s1  }
0x35a: {  	s1 =	ssub.s32 @!p0 $0x0, s1;
	[sflag:s0] =	ssyncset.done @!p0 $0x0  }
0x35b: {  	[sflag:s0] =	ssyncadd.s32 @!p0 s1  }
0x35c: {  	[bflag:$0x3] =	sbarrier.arrive $0xFFFF  }
0x35d: {  	_ =	shalt  }

</sc_bundles>
